<compile_context>
chip_gen: v7x
topology: tpu7x:2x2x1
jax: 0.10.2.dev20260603
libtpu: 0.0.44.dev20260713+nightly
codegen_flags: <defaults>
</compile_context>

<pallas_src>
import functools

import jax
import jax.numpy as jnp
from jax import lax
from jax.experimental import pallas as pl
from jax.experimental.pallas import tpu as pltpu
from jax.experimental.pallas import tpu_sc as plsc

N = 10000
NP = 10240
E = 320000
EP = 327680
NCHUNK = EP // 128
CPW_AGG = NCHUNK // 16
CPW_DEG = NCHUNK // 32
RPS = NP // 16
IN_DIM = 128
HID = 256
EPS = 1e-5

_MESH = plsc.VectorSubcoreMesh(core_axis_name="c", subcore_axis_name="s",
                               num_cores=2, num_subcores=16)



@functools.partial(
    pl.kernel,
    out_type=jax.ShapeDtypeStruct((2 * NP, 128), jnp.float32),
    mesh=_MESH,
    scratch_types=[
        pltpu.VMEM((CPW_DEG, 128), jnp.int32),
        pltpu.VMEM((128, 128), jnp.float32),
        pltpu.VMEM_SHARED((NP, 128), jnp.float32),
    ],
)
def _deg_kernel(idst_hbm, out_hbm, idx_v, ones_v, acc):
    c = lax.axis_index("c")
    s = lax.axis_index("s")

    @pl.loop(0, 128)
    def _(i):
        for j in range(8):
            ones_v[i, pl.ds(j * 16, 16)] = jnp.zeros((16,), jnp.float32)

    for k in range(RPS // 128):
        pltpu.sync_copy(ones_v, acc.at[pl.ds(s * RPS + k * 128, 128)])

    w = s * 2 + c
    pltpu.sync_copy(idst_hbm.at[pl.ds(w * CPW_DEG, CPW_DEG)], idx_v)
    plsc.subcore_barrier()

    @pl.loop(0, 128)
    def _(i):
        for j in range(8):
            ones_v[i, pl.ds(j * 16, 16)] = jnp.full((16,), 1.0, jnp.float32)

    @pl.loop(0, CPW_DEG)
    def _(j):
        pltpu.sync_copy(ones_v, acc.at[idx_v.at[j]], add=True)

    plsc.subcore_barrier()
    pltpu.sync_copy(acc.at[pl.ds(s * RPS, RPS)],
                    out_hbm.at[pl.ds(c * NP + s * RPS, RPS)])


IB = 16
NB = CPW_AGG // IB


@functools.partial(
    pl.kernel,
    out_type=jax.ShapeDtypeStruct((2 * NP, 128), jnp.float32),
    mesh=_MESH,
    scratch_types=[
        pltpu.VMEM((IB, 128), jnp.int32),
        pltpu.VMEM((IB, 128), jnp.int32),
        pltpu.VMEM((IB, 128), jnp.int32),
        pltpu.VMEM((IB, 128), jnp.int32),
        pltpu.VMEM((128, 128), jnp.float32),
        pltpu.VMEM((128, 128), jnp.float32),
        pltpu.VMEM_SHARED((NP, 128), jnp.float32),
        pltpu.SemaphoreType.DMA,
        pltpu.SemaphoreType.DMA,
        pltpu.SemaphoreType.DMA,
        pltpu.SemaphoreType.DMA,
    ],
)
def _agg_kernel(table_hbm, isrc_hbm, idst_hbm, out_hbm,
                isrc_v0, idst_v0, isrc_v1, idst_v1, rows_a, rows_b, acc,
                sem_a, sem_b, sem_ia, sem_ib):
    c = lax.axis_index("c")
    s = lax.axis_index("s")

    @pl.loop(0, 128)
    def _(i):
        for j in range(8):
            rows_a[i, pl.ds(j * 16, 16)] = jnp.zeros((16,), jnp.float32)

    for k in range(RPS // 128):
        pltpu.sync_copy(rows_a, acc.at[pl.ds(s * RPS + k * 128, 128)])

    plsc.subcore_barrier()

    base0 = s * CPW_AGG
    pltpu.async_copy(isrc_hbm.at[pl.ds(c * NCHUNK + base0, IB)], isrc_v0,
                     sem_ia)
    pltpu.async_copy(idst_hbm.at[pl.ds(base0, IB)], idst_v0, sem_ia)

    def _inner(isrc_v, idst_v):
        @pl.loop(0, IB, step=2)
        def _(j):
            cp_a = pltpu.async_copy(table_hbm.at[isrc_v.at[j]], rows_a, sem_a)
            cp_b = pltpu.async_copy(table_hbm.at[isrc_v.at[j + 1]], rows_b,
                                    sem_b)
            cp_a.wait()
            pltpu.sync_copy(rows_a, acc.at[idst_v.at[j]], add=True)
            cp_b.wait()
            pltpu.sync_copy(rows_b, acc.at[idst_v.at[j + 1]], add=True)

    @pl.loop(0, NB, step=2)
    def _(t):
        base_n = s * CPW_AGG + (t + 1) * IB
        pltpu.async_copy(isrc_hbm.at[pl.ds(c * NCHUNK + base_n, IB)],
                         isrc_v1, sem_ib)
        pltpu.async_copy(idst_hbm.at[pl.ds(base_n, IB)], idst_v1, sem_ib)
        pltpu.make_async_copy(idst_hbm.at[pl.ds(base_n, IB)], isrc_v0,
                              sem_ia).wait()
        pltpu.make_async_copy(idst_hbm.at[pl.ds(base_n, IB)], idst_v0,
                              sem_ia).wait()
        _inner(isrc_v0, idst_v0)

        @pl.when(t + 2 < NB)
        def _():
            base_2 = s * CPW_AGG + (t + 2) * IB
            pltpu.async_copy(isrc_hbm.at[pl.ds(c * NCHUNK + base_2, IB)],
                             isrc_v0, sem_ia)
            pltpu.async_copy(idst_hbm.at[pl.ds(base_2, IB)], idst_v0, sem_ia)

        pltpu.make_async_copy(idst_hbm.at[pl.ds(base_n, IB)], isrc_v1,
                              sem_ib).wait()
        pltpu.make_async_copy(idst_hbm.at[pl.ds(base_n, IB)], idst_v1,
                              sem_ib).wait()
        _inner(isrc_v1, idst_v1)

    plsc.subcore_barrier()
    pltpu.sync_copy(acc.at[pl.ds(s * RPS, RPS)],
                    out_hbm.at[pl.ds(c * NP + s * RPS, RPS)])



def _dinv_from_deg(deg_parts):
    deg = jnp.max(deg_parts[0:NP] + deg_parts[NP:2 * NP], axis=1) + 1.0
    return lax.rsqrt(deg)[:N]


def _write_table(table_ref, hp):
    table_ref[0:N, :] = hp[:, :128]
    table_ref[N:NP, :] = jnp.zeros((NP - N, 128), jnp.float32)
    table_ref[NP:NP + N, :] = hp[:, 128:]
    table_ref[NP + N:2 * NP, :] = jnp.zeros((NP - N, 128), jnp.float32)


def _mm_body(x_ref, w_ref, o_ref):
    o_ref[...] = jnp.dot(x_ref[...], w_ref[...],
                         preferred_element_type=jnp.float32)


def _prep_body(h_ref, deg_ref, table_ref):
    dinv = _dinv_from_deg(deg_ref[...])
    _write_table(table_ref, h_ref[...] * dinv[:, None])


def _conv_body(agg_ref, table_ref, deg_ref, b_ref, conv_ref):
    dinv = _dinv_from_deg(deg_ref[...])
    a = jnp.concatenate([agg_ref[0:N, :], agg_ref[NP:NP + N, :]], axis=1)
    t = jnp.concatenate([table_ref[0:N, :], table_ref[NP:NP + N, :]], axis=1)
    conv_ref[...] = dinv[:, None] * (a + t) + b_ref[...]


def _bn_relu(cv, g_ref, be_ref):
    m = jnp.mean(cv, axis=0)
    v = jnp.mean((cv - m[None, :]) ** 2, axis=0)
    hn = (cv - m[None, :]) * lax.rsqrt(v + EPS)[None, :] * g_ref[...] + be_ref[...]
    return jnp.maximum(hn, 0.0)


def _bn_mm_body(conv_ref, g_ref, be_ref, w_ref, deg_ref, table_ref):
    h = _bn_relu(conv_ref[...], g_ref, be_ref)
    h2 = jnp.dot(h, w_ref[...], preferred_element_type=jnp.float32)
    dinv = _dinv_from_deg(deg_ref[...])
    _write_table(table_ref, h2 * dinv[:, None])


def _bn_final_body(conv_ref, g_ref, be_ref, o_ref):
    o_ref[...] = _bn_relu(conv_ref[...], g_ref, be_ref)


def _tc(body, out_shape):
    return pl.pallas_call(body, out_shape=out_shape)



def kernel(x, edge_index, W1, b1, g1, be1, W2, b2, g2, be2):
    f32 = jnp.float32
    src = edge_index[0]
    dst = edge_index[1]
    pad = jnp.full((EP - E,), N, jnp.int32)
    srcp = jnp.concatenate([src, pad])
    dstp = jnp.concatenate([dst, pad])
    isrc = jnp.concatenate([srcp, srcp + NP]).reshape(2 * NCHUNK, 128)
    idst = dstp.reshape(NCHUNK, 128)
    b1r, g1r, be1r = b1.reshape(1, HID), g1.reshape(1, HID), be1.reshape(1, HID)
    b2r, g2r, be2r = b2.reshape(1, HID), g2.reshape(1, HID), be2.reshape(1, HID)

    deg_parts = _deg_kernel(idst)
    h1 = _tc(_mm_body, jax.ShapeDtypeStruct((N, HID), f32))(x, W1)
    table1 = _tc(_prep_body, jax.ShapeDtypeStruct((2 * NP, 128), f32))(
        h1, deg_parts)
    agg1 = _agg_kernel(table1, isrc, idst)
    conv1 = _tc(_conv_body, jax.ShapeDtypeStruct((N, HID), f32))(
        agg1, table1, deg_parts, b1r)
    table2 = _tc(_bn_mm_body, jax.ShapeDtypeStruct((2 * NP, 128), f32))(
        conv1, g1r, be1r, W2, deg_parts)
    agg2 = _agg_kernel(table2, isrc, idst)
    conv2 = _tc(_conv_body, jax.ShapeDtypeStruct((N, HID), f32))(
        agg2, table2, deg_parts, b2r)
    out = _tc(_bn_final_body, jax.ShapeDtypeStruct((N, HID), f32))(
        conv2, g2r, be2r)
    return out

# --- scband reference (transcript-rebuilt; emitter-appended) ---
"""Pipeline reference for scband-gnnencoder-30279519436917 (READ-ONLY COPY).

The authoritative reference and input builder live on the scoring server;
editing this copy changes nothing except your own understanding.
"""

import jax, jax.numpy as jnp
import numpy as np

N_NODES = 10000
N_EDGES = 320000
IN_DIM = 128
HID = 256
EPS = 1e-5


def setup_inputs(seed: int = 0) -> dict:
    key = jax.random.key(seed)
    ks = jax.random.split(key, 10)
    x = jax.random.normal(ks[0], (N_NODES, IN_DIM), dtype=jnp.float32)
    edge_index = jax.random.randint(ks[1], (2, N_EDGES), 0, N_NODES, dtype=jnp.int32)
    # GCNConv weights (glorot-style scale)
    W1 = jax.random.normal(ks[2], (IN_DIM, HID), dtype=jnp.float32) * (1.0 / np.sqrt(IN_DIM))
    b1 = jnp.zeros((HID,), dtype=jnp.float32)
    g1 = jnp.ones((HID,), dtype=jnp.float32)
    be1 = jnp.zeros((HID,), dtype=jnp.float32)
    W2 = jax.random.normal(ks[3], (HID, HID), dtype=jnp.float32) * (1.0 / np.sqrt(HID))
    b2 = jnp.zeros((HID,), dtype=jnp.float32)
    g2 = jnp.ones((HID,), dtype=jnp.float32)
    be2 = jnp.zeros((HID,), dtype=jnp.float32)
    return {"x": x, "edge_index": edge_index, "W1": W1, "b1": b1, "g1": g1, "be1": be1,
            "W2": W2, "b2": b2, "g2": g2, "be2": be2}


def _gcn_conv(x, src, dst, W, b, n_nodes):
    # PyG GCNConv: add self-loops, symmetric normalization, linear transform, scatter-add
    loop = jnp.arange(n_nodes, dtype=src.dtype)
    s = jnp.concatenate([src, loop])
    d = jnp.concatenate([dst, loop])
    deg = jnp.zeros((n_nodes,), dtype=jnp.float32).at[d].add(1.0)
    dinv = jnp.where(deg > 0, deg ** -0.5, 0.0)
    norm = dinv[s] * dinv[d]
    h = x @ W
    msg = h[s] * norm[:, None]
    out = jnp.zeros((n_nodes, h.shape[1]), dtype=h.dtype).at[d].add(msg)
    return out + b


def _bn(h, gamma, beta):
    # BatchNorm1d with batch statistics (training-mode stats, deterministic)
    m = jnp.mean(h, axis=0)
    v = jnp.var(h, axis=0)
    return (h - m) / jnp.sqrt(v + EPS) * gamma + beta


def reference(x, edge_index, W1, b1, g1, be1, W2, b2, g2, be2):
    src, dst = edge_index[0], edge_index[1]
    h = _gcn_conv(x, src, dst, W1, b1, N_NODES)
    h = _bn(h, g1, be1)
    h = jax.nn.relu(h)
    # dropout is identity in eval
    h = _gcn_conv(h, src, dst, W2, b2, N_NODES)
    h = _bn(h, g2, be2)
    h = jax.nn.relu(h)
    return h

if __name__ == "__main__":
    import jax
    _d = setup_inputs()
    print(jax.jit(kernel)(*tuple(_d.values())))

</pallas_src>

<mosaic_0001>
#map = affine_map<(d0, d1) -> (0, 0)>
module attributes {stable_mosaic.version = 14 : i64} {
  func.func @_deg_kernel(%arg0: i32, %arg1: i32, %arg2: memref<2560x128xi32, #tpu.memory_space<hbm>>, %arg3: memref<20480x128xf32, #tpu.memory_space<hbm>>, %arg4: memref<80x128xi32, #tpu.memory_space<vmem>>, %arg5: memref<128x128xf32, #tpu.memory_space<vmem>>, %arg6: memref<10240x128xf32, #tpu.memory_space<vmem_shared>>) attributes {dimension_semantics = [#tpu.dimension_semantics<core_parallel>, #tpu.dimension_semantics<subcore_parallel>], iteration_bounds = array<i64: 2, 16>, scalar_prefetch = 0 : i64, scratch_operands = 3 : i64, tpu.core_type = #tpu.core_type<sc_vector_subcore>, window_params = [{transform_indices = #map}, {transform_indices = #map}]} {
    %scan3A = arith.constant 0 : i32
    %scan3A_0 = arith.constant 128 : i32
    %scan3A_1 = arith.addi %scan3A, %scan3A_0 : i32
    %scan3A_2 = arith.constant 1 : i32
    scf.for %scan3A_45 = %scan3A to %scan3A_1 step %scan3A_2  : i32 {
      %mul3A_46 = arith.constant 1 : i32
      %mul3A_47 = arith.muli %scan3A_45, %mul3A_46 : i32
      %add3A_48 = arith.constant 0 : i32
      %add3A_49 = arith.addi %add3A_48, %mul3A_47 : i32
      %broadcast_in_dim3A = arith.constant 0.000000e+00 : f32
      %broadcast_in_dim3A_50 = vector.broadcast %broadcast_in_dim3A : f32 to vector<16xf32>
      %swap3A = arith.index_cast %add3A_49 : i32 to index
      %swap3A_51 = arith.constant 0 : index
      %swap3A_52 = tpu.vector_load %arg5[%swap3A, %swap3A_51] {strides = array<i32>} : memref<128x128xf32, #tpu.memory_space<vmem>>, vector<1x16xf32>,
      %swap3A_53 = vector.shape_cast %swap3A_52 : vector<1x16xf32> to vector<16xf32>
      %swap3A_54 = vector.shape_cast %broadcast_in_dim3A_50 : vector<16xf32> to vector<1x16xf32>
      tpu.vector_store %arg5[%swap3A, %swap3A_51], %swap3A_54 {strides = array<i32>} : memref<128x128xf32, #tpu.memory_space<vmem>>, vector<1x16xf32>,
      %broadcast_in_dim3A_55 = arith.constant 0.000000e+00 : f32
      %broadcast_in_dim3A_56 = vector.broadcast %broadcast_in_dim3A_55 : f32 to vector<16xf32>
      %swap3A_57 = arith.index_cast %add3A_49 : i32 to index
      %swap3A_58 = arith.constant 16 : index
      %swap3A_59 = tpu.vector_load %arg5[%swap3A_57, %swap3A_58] {strides = array<i32>} : memref<128x128xf32, #tpu.memory_space<vmem>>, vector<1x16xf32>,
      %swap3A_60 = vector.shape_cast %swap3A_59 : vector<1x16xf32> to vector<16xf32>
      %swap3A_61 = vector.shape_cast %broadcast_in_dim3A_56 : vector<16xf32> to vector<1x16xf32>
      tpu.vector_store %arg5[%swap3A_57, %swap3A_58], %swap3A_61 {strides = array<i32>} : memref<128x128xf32, #tpu.memory_space<vmem>>, vector<1x16xf32>,
      %broadcast_in_dim3A_62 = arith.constant 0.000000e+00 : f32
      %broadcast_in_dim3A_63 = vector.broadcast %broadcast_in_dim3A_62 : f32 to vector<16xf32>
      %swap3A_64 = arith.index_cast %add3A_49 : i32 to index
      %swap3A_65 = arith.constant 32 : index
      %swap3A_66 = tpu.vector_load %arg5[%swap3A_64, %swap3A_65] {strides = array<i32>} : memref<128x128xf32, #tpu.memory_space<vmem>>, vector<1x16xf32>,
      %swap3A_67 = vector.shape_cast %swap3A_66 : vector<1x16xf32> to vector<16xf32>
      %swap3A_68 = vector.shape_cast %broadcast_in_dim3A_63 : vector<16xf32> to vector<1x16xf32>
      tpu.vector_store %arg5[%swap3A_64, %swap3A_65], %swap3A_68 {strides = array<i32>} : memref<128x128xf32, #tpu.memory_space<vmem>>, vector<1x16xf32>,
      %broadcast_in_dim3A_69 = arith.constant 0.000000e+00 : f32
      %broadcast_in_dim3A_70 = vector.broadcast %broadcast_in_dim3A_69 : f32 to vector<16xf32>
      %swap3A_71 = arith.index_cast %add3A_49 : i32 to index
      %swap3A_72 = arith.constant 48 : index
      %swap3A_73 = tpu.vector_load %arg5[%swap3A_71, %swap3A_72] {strides = array<i32>} : memref<128x128xf32, #tpu.memory_space<vmem>>, vector<1x16xf32>,
      %swap3A_74 = vector.shape_cast %swap3A_73 : vector<1x16xf32> to vector<16xf32>
      %swap3A_75 = vector.shape_cast %broadcast_in_dim3A_70 : vector<16xf32> to vector<1x16xf32>
      tpu.vector_store %arg5[%swap3A_71, %swap3A_72], %swap3A_75 {strides = array<i32>} : memref<128x128xf32, #tpu.memory_space<vmem>>, vector<1x16xf32>,
      %broadcast_in_dim3A_76 = arith.constant 0.000000e+00 : f32
      %broadcast_in_dim3A_77 = vector.broadcast %broadcast_in_dim3A_76 : f32 to vector<16xf32>
      %swap3A_78 = arith.index_cast %add3A_49 : i32 to index
      %swap3A_79 = arith.constant 64 : index
      %swap3A_80 = tpu.vector_load %arg5[%swap3A_78, %swap3A_79] {strides = array<i32>} : memref<128x128xf32, #tpu.memory_space<vmem>>, vector<1x16xf32>,
      %swap3A_81 = vector.shape_cast %swap3A_80 : vector<1x16xf32> to vector<16xf32>
      %swap3A_82 = vector.shape_cast %broadcast_in_dim3A_77 : vector<16xf32> to vector<1x16xf32>
      tpu.vector_store %arg5[%swap3A_78, %swap3A_79], %swap3A_82 {strides = array<i32>} : memref<128x128xf32, #tpu.memory_space<vmem>>, vector<1x16xf32>,
      %broadcast_in_dim3A_83 = arith.constant 0.000000e+00 : f32
      %broadcast_in_dim3A_84 = vector.broadcast %broadcast_in_dim3A_83 : f32 to vector<16xf32>
      %swap3A_85 = arith.index_cast %add3A_49 : i32 to index
      %swap3A_86 = arith.constant 80 : index
      %swap3A_87 = tpu.vector_load %arg5[%swap3A_85, %swap3A_86] {strides = array<i32>} : memref<128x128xf32, #tpu.memory_space<vmem>>, vector<1x16xf32>,
      %swap3A_88 = vector.shape_cast %swap3A_87 : vector<1x16xf32> to vector<16xf32>
      %swap3A_89 = vector.shape_cast %broadcast_in_dim3A_84 : vector<16xf32> to vector<1x16xf32>
      tpu.vector_store %arg5[%swap3A_85, %swap3A_86], %swap3A_89 {strides = array<i32>} : memref<128x128xf32, #tpu.memory_space<vmem>>, vector<1x16xf32>,
      %broadcast_in_dim3A_90 = arith.constant 0.000000e+00 : f32
      %broadcast_in_dim3A_91 = vector.broadcast %broadcast_in_dim3A_90 : f32 to vector<16xf32>
      %swap3A_92 = arith.index_cast %add3A_49 : i32 to index
      %swap3A_93 = arith.constant 96 : index
      %swap3A_94 = tpu.vector_load %arg5[%swap3A_92, %swap3A_93] {strides = array<i32>} : memref<128x128xf32, #tpu.memory_space<vmem>>, vector<1x16xf32>,
      %swap3A_95 = vector.shape_cast %swap3A_94 : vector<1x16xf32> to vector<16xf32>
      %swap3A_96 = vector.shape_cast %broadcast_in_dim3A_91 : vector<16xf32> to vector<1x16xf32>
      tpu.vector_store %arg5[%swap3A_92, %swap3A_93], %swap3A_96 {strides = array<i32>} : memref<128x128xf32, #tpu.memory_space<vmem>>, vector<1x16xf32>,
      %broadcast_in_dim3A_97 = arith.constant 0.000000e+00 : f32
      %broadcast_in_dim3A_98 = vector.broadcast %broadcast_in_dim3A_97 : f32 to vector<16xf32>
      %swap3A_99 = arith.index_cast %add3A_49 : i32 to index
      %swap3A_100 = arith.constant 112 : index
      %swap3A_101 = tpu.vector_load %arg5[%swap3A_99, %swap3A_100] {strides = array<i32>} : memref<128x128xf32, #tpu.memory_space<vmem>>, vector<1x16xf32>,
      %swap3A_102 = vector.shape_cast %swap3A_101 : vector<1x16xf32> to vector<16xf32>
      %swap3A_103 = vector.shape_cast %broadcast_in_dim3A_98 : vector<16xf32> to vector<1x16xf32>
      tpu.vector_store %arg5[%swap3A_99, %swap3A_100], %swap3A_103 {strides = array<i32>} : memref<128x128xf32, #tpu.memory_space<vmem>>, vector<1x16xf32>,
    }
    %scan3A_3 = arith.constant 128 : i32
    %mul3A = arith.constant 640 : i32
    %mul3A_4 = arith.muli %arg1, %mul3A : i32
    %add3A = arith.constant 0 : i32
    %add3A_5 = arith.addi %mul3A_4, %add3A : i32
    "tpu.region"() ({
      %run_scoped3A = tpu.sem_alloc : memref<!tpu.dma_semaphore, #tpu.memory_space<semaphore_mem>>
      %dma_start3A = arith.constant 0 : i32
      %dma_start3A_45 = tpu.memref_slice %arg6[%add3A_5, %dma_start3A] : memref<10240x128xf32, #tpu.memory_space<vmem_shared>> -> memref<128x128xf32, #tpu.memory_space<vmem_shared>>
      %dma_start3A_46 = arith.constant 0 : i32
      %dma_start3A_47 = tpu.memref_slice %arg6[%add3A_5, %dma_start3A_46] : memref<10240x128xf32, #tpu.memory_space<vmem_shared>> -> memref<128x128xf32, #tpu.memory_space<vmem_shared>>
      tpu.enqueue_dma source(%arg5 : memref<128x128xf32, #tpu.memory_space<vmem>>) target(%dma_start3A_47 : memref<128x128xf32, #tpu.memory_space<vmem_shared>>) target_semaphore(%run_scoped3A : memref<!tpu.dma_semaphore, #tpu.memory_space<semaphore_mem>>)
      %dma_wait3A = arith.constant 0 : i32
      %dma_wait3A_48 = tpu.memref_slice %arg6[%add3A_5, %dma_wait3A] : memref<10240x128xf32, #tpu.memory_space<vmem_shared>> -> memref<128x128xf32, #tpu.memory_space<vmem_shared>>
      %dma_wait3A_49 = arith.constant 0 : i32
      %dma_wait3A_50 = tpu.memref_slice %arg6[%add3A_5, %dma_wait3A_49] : memref<10240x128xf32, #tpu.memory_space<vmem_shared>> -> memref<128x128xf32, #tpu.memory_space<vmem_shared>>
      tpu.wait_dma2 semaphore(%run_scoped3A : memref<!tpu.dma_semaphore, #tpu.memory_space<semaphore_mem>>) src(%arg5 : memref<128x128xf32, #tpu.memory_space<vmem>>) dst(%dma_wait3A_50 : memref<128x128xf32, #tpu.memory_space<vmem_shared>>)
      tpu.yield
    }) : () -> ()
    %mul3A_6 = arith.constant 640 : i32
    %mul3A_7 = arith.muli %arg1, %mul3A_6 : i32
    %add3A_8 = arith.constant 128 : i32
    %add3A_9 = arith.addi %mul3A_7, %add3A_8 : i32
    "tpu.region"() ({
      %run_scoped3A = tpu.sem_alloc : memref<!tpu.dma_semaphore, #tpu.memory_space<semaphore_mem>>
      %dma_start3A = arith.constant 0 : i32
      %dma_start3A_45 = tpu.memref_slice %arg6[%add3A_9, %dma_start3A] : memref<10240x128xf32, #tpu.memory_space<vmem_shared>> -> memref<128x128xf32, #tpu.memory_space<vmem_shared>>
      %dma_start3A_46 = arith.constant 0 : i32
      %dma_start3A_47 = tpu.memref_slice %arg6[%add3A_9, %dma_start3A_46] : memref<10240x128xf32, #tpu.memory_space<vmem_shared>> -> memref<128x128xf32, #tpu.memory_space<vmem_shared>>
      tpu.enqueue_dma source(%arg5 : memref<128x128xf32, #tpu.memory_space<vmem>>) target(%dma_start3A_47 : memref<128x128xf32, #tpu.memory_space<vmem_shared>>) target_semaphore(%run_scoped3A : memref<!tpu.dma_semaphore, #tpu.memory_space<semaphore_mem>>)
      %dma_wait3A = arith.constant 0 : i32
      %dma_wait3A_48 = tpu.memref_slice %arg6[%add3A_9, %dma_wait3A] : memref<10240x128xf32, #tpu.memory_space<vmem_shared>> -> memref<128x128xf32, #tpu.memory_space<vmem_shared>>
      %dma_wait3A_49 = arith.constant 0 : i32
      %dma_wait3A_50 = tpu.memref_slice %arg6[%add3A_9, %dma_wait3A_49] : memref<10240x128xf32, #tpu.memory_space<vmem_shared>> -> memref<128x128xf32, #tpu.memory_space<vmem_shared>>
      tpu.wait_dma2 semaphore(%run_scoped3A : memref<!tpu.dma_semaphore, #tpu.memory_space<semaphore_mem>>) src(%arg5 : memref<128x128xf32, #tpu.memory_space<vmem>>) dst(%dma_wait3A_50 : memref<128x128xf32, #tpu.memory_space<vmem_shared>>)
      tpu.yield
    }) : () -> ()
    %mul3A_10 = arith.constant 640 : i32
    %mul3A_11 = arith.muli %arg1, %mul3A_10 : i32
    %add3A_12 = arith.constant 256 : i32
    %add3A_13 = arith.addi %mul3A_11, %add3A_12 : i32
    "tpu.region"() ({
      %run_scoped3A = tpu.sem_alloc : memref<!tpu.dma_semaphore, #tpu.memory_space<semaphore_mem>>
      %dma_start3A = arith.constant 0 : i32
      %dma_start3A_45 = tpu.memref_slice %arg6[%add3A_13, %dma_start3A] : memref<10240x128xf32, #tpu.memory_space<vmem_shared>> -> memref<128x128xf32, #tpu.memory_space<vmem_shared>>
      %dma_start3A_46 = arith.constant 0 : i32
      %dma_start3A_47 = tpu.memref_slice %arg6[%add3A_13, %dma_start3A_46] : memref<10240x128xf32, #tpu.memory_space<vmem_shared>> -> memref<128x128xf32, #tpu.memory_space<vmem_shared>>
      tpu.enqueue_dma source(%arg5 : memref<128x128xf32, #tpu.memory_space<vmem>>) target(%dma_start3A_47 : memref<128x128xf32, #tpu.memory_space<vmem_shared>>) target_semaphore(%run_scoped3A : memref<!tpu.dma_semaphore, #tpu.memory_space<semaphore_mem>>)
      %dma_wait3A = arith.constant 0 : i32
      %dma_wait3A_48 = tpu.memref_slice %arg6[%add3A_13, %dma_wait3A] : memref<10240x128xf32, #tpu.memory_space<vmem_shared>> -> memref<128x128xf32, #tpu.memory_space<vmem_shared>>
      %dma_wait3A_49 = arith.constant 0 : i32
      %dma_wait3A_50 = tpu.memref_slice %arg6[%add3A_13, %dma_wait3A_49] : memref<10240x128xf32, #tpu.memory_space<vmem_shared>> -> memref<128x128xf32, #tpu.memory_space<vmem_shared>>
      tpu.wait_dma2 semaphore(%run_scoped3A : memref<!tpu.dma_semaphore, #tpu.memory_space<semaphore_mem>>) src(%arg5 : memref<128x128xf32, #tpu.memory_space<vmem>>) dst(%dma_wait3A_50 : memref<128x128xf32, #tpu.memory_space<vmem_shared>>)
      tpu.yield
    }) : () -> ()
    %mul3A_14 = arith.constant 640 : i32
    %mul3A_15 = arith.muli %arg1, %mul3A_14 : i32
    %add3A_16 = arith.constant 384 : i32
    %add3A_17 = arith.addi %mul3A_15, %add3A_16 : i32
    "tpu.region"() ({
      %run_scoped3A = tpu.sem_alloc : memref<!tpu.dma_semaphore, #tpu.memory_space<semaphore_mem>>
      %dma_start3A = arith.constant 0 : i32
      %dma_start3A_45 = tpu.memref_slice %arg6[%add3A_17, %dma_start3A] : memref<10240x128xf32, #tpu.memory_space<vmem_shared>> -> memref<128x128xf32, #tpu.memory_space<vmem_shared>>
      %dma_start3A_46 = arith.constant 0 : i32
      %dma_start3A_47 = tpu.memref_slice %arg6[%add3A_17, %dma_start3A_46] : memref<10240x128xf32, #tpu.memory_space<vmem_shared>> -> memref<128x128xf32, #tpu.memory_space<vmem_shared>>
      tpu.enqueue_dma source(%arg5 : memref<128x128xf32, #tpu.memory_space<vmem>>) target(%dma_start3A_47 : memref<128x128xf32, #tpu.memory_space<vmem_shared>>) target_semaphore(%run_scoped3A : memref<!tpu.dma_semaphore, #tpu.memory_space<semaphore_mem>>)
      %dma_wait3A = arith.constant 0 : i32
      %dma_wait3A_48 = tpu.memref_slice %arg6[%add3A_17, %dma_wait3A] : memref<10240x128xf32, #tpu.memory_space<vmem_shared>> -> memref<128x128xf32, #tpu.memory_space<vmem_shared>>
      %dma_wait3A_49 = arith.constant 0 : i32
      %dma_wait3A_50 = tpu.memref_slice %arg6[%add3A_17, %dma_wait3A_49] : memref<10240x128xf32, #tpu.memory_space<vmem_shared>> -> memref<128x128xf32, #tpu.memory_space<vmem_shared>>
      tpu.wait_dma2 semaphore(%run_scoped3A : memref<!tpu.dma_semaphore, #tpu.memory_space<semaphore_mem>>) src(%arg5 : memref<128x128xf32, #tpu.memory_space<vmem>>) dst(%dma_wait3A_50 : memref<128x128xf32, #tpu.memory_space<vmem_shared>>)
      tpu.yield
    }) : () -> ()
    %mul3A_18 = arith.constant 640 : i32
    %mul3A_19 = arith.muli %arg1, %mul3A_18 : i32
    %add3A_20 = arith.constant 512 : i32
    %add3A_21 = arith.addi %mul3A_19, %add3A_20 : i32
    "tpu.region"() ({
      %run_scoped3A = tpu.sem_alloc : memref<!tpu.dma_semaphore, #tpu.memory_space<semaphore_mem>>
      %dma_start3A = arith.constant 0 : i32
      %dma_start3A_45 = tpu.memref_slice %arg6[%add3A_21, %dma_start3A] : memref<10240x128xf32, #tpu.memory_space<vmem_shared>> -> memref<128x128xf32, #tpu.memory_space<vmem_shared>>
      %dma_start3A_46 = arith.constant 0 : i32
      %dma_start3A_47 = tpu.memref_slice %arg6[%add3A_21, %dma_start3A_46] : memref<10240x128xf32, #tpu.memory_space<vmem_shared>> -> memref<128x128xf32, #tpu.memory_space<vmem_shared>>
      tpu.enqueue_dma source(%arg5 : memref<128x128xf32, #tpu.memory_space<vmem>>) target(%dma_start3A_47 : memref<128x128xf32, #tpu.memory_space<vmem_shared>>) target_semaphore(%run_scoped3A : memref<!tpu.dma_semaphore, #tpu.memory_space<semaphore_mem>>)
      %dma_wait3A = arith.constant 0 : i32
      %dma_wait3A_48 = tpu.memref_slice %arg6[%add3A_21, %dma_wait3A] : memref<10240x128xf32, #tpu.memory_space<vmem_shared>> -> memref<128x128xf32, #tpu.memory_space<vmem_shared>>
      %dma_wait3A_49 = arith.constant 0 : i32
      %dma_wait3A_50 = tpu.memref_slice %arg6[%add3A_21, %dma_wait3A_49] : memref<10240x128xf32, #tpu.memory_space<vmem_shared>> -> memref<128x128xf32, #tpu.memory_space<vmem_shared>>
      tpu.wait_dma2 semaphore(%run_scoped3A : memref<!tpu.dma_semaphore, #tpu.memory_space<semaphore_mem>>) src(%arg5 : memref<128x128xf32, #tpu.memory_space<vmem>>) dst(%dma_wait3A_50 : memref<128x128xf32, #tpu.memory_space<vmem_shared>>)
      tpu.yield
    }) : () -> ()
    %mul3A_22 = arith.constant 2 : i32
    %mul3A_23 = arith.muli %arg1, %mul3A_22 : i32
    %add3A_24 = arith.addi %mul3A_23, %arg0 : i32
    %mul3A_25 = arith.constant 80 : i32
    %mul3A_26 = arith.muli %add3A_24, %mul3A_25 : i32
    "tpu.region"() ({
      %run_scoped3A = tpu.sem_alloc : memref<!tpu.dma_semaphore, #tpu.memory_space<semaphore_mem>>
      %dma_start3A = arith.constant 0 : i32
      %dma_start3A_45 = tpu.memref_slice %arg2[%mul3A_26, %dma_start3A] : memref<2560x128xi32, #tpu.memory_space<hbm>> -> memref<80x128xi32, #tpu.memory_space<hbm>>
      %dma_start3A_46 = arith.constant 0 : i32
      %dma_start3A_47 = tpu.memref_slice %arg2[%mul3A_26, %dma_start3A_46] : memref<2560x128xi32, #tpu.memory_space<hbm>> -> memref<80x128xi32, #tpu.memory_space<hbm>>
      tpu.enqueue_dma source(%dma_start3A_47 : memref<80x128xi32, #tpu.memory_space<hbm>>) target(%arg4 : memref<80x128xi32, #tpu.memory_space<vmem>>) target_semaphore(%run_scoped3A : memref<!tpu.dma_semaphore, #tpu.memory_space<semaphore_mem>>)
      %dma_wait3A = arith.constant 0 : i32
      %dma_wait3A_48 = tpu.memref_slice %arg2[%mul3A_26, %dma_wait3A] : memref<2560x128xi32, #tpu.memory_space<hbm>> -> memref<80x128xi32, #tpu.memory_space<hbm>>
      %dma_wait3A_49 = arith.constant 0 : i32
      %dma_wait3A_50 = tpu.memref_slice %arg2[%mul3A_26, %dma_wait3A_49] : memref<2560x128xi32, #tpu.memory_space<hbm>> -> memref<80x128xi32, #tpu.memory_space<hbm>>
      tpu.wait_dma2 semaphore(%run_scoped3A : memref<!tpu.dma_semaphore, #tpu.memory_space<semaphore_mem>>) src(%dma_wait3A_50 : memref<80x128xi32, #tpu.memory_space<hbm>>) dst(%arg4 : memref<80x128xi32, #tpu.memory_space<vmem>>)
      tpu.yield
    }) : () -> ()
    %barrier3A = arith.constant 0 : index
    tpu.barrier barrier_id(%barrier3A)
    %scan3A_27 = arith.constant 0 : i32
    %scan3A_28 = arith.constant 128 : i32
    %scan3A_29 = arith.addi %scan3A_27, %scan3A_28 : i32
    %scan3A_30 = arith.constant 1 : i32
    scf.for %scan3A_45 = %scan3A_27 to %scan3A_29 step %scan3A_30  : i32 {
      %mul3A_46 = arith.constant 1 : i32
      %mul3A_47 = arith.muli %scan3A_45, %mul3A_46 : i32
      %add3A_48 = arith.constant 0 : i32
      %add3A_49 = arith.addi %add3A_48, %mul3A_47 : i32
      %broadcast_in_dim3A = arith.constant 1.000000e+00 : f32
      %broadcast_in_dim3A_50 = vector.broadcast %broadcast_in_dim3A : f32 to vector<16xf32>
      %swap3A = arith.index_cast %add3A_49 : i32 to index
      %swap3A_51 = arith.constant 0 : index
      %swap3A_52 = tpu.vector_load %arg5[%swap3A, %swap3A_51] {strides = array<i32>} : memref<128x128xf32, #tpu.memory_space<vmem>>, vector<1x16xf32>,
      %swap3A_53 = vector.shape_cast %swap3A_52 : vector<1x16xf32> to vector<16xf32>
      %swap3A_54 = vector.shape_cast %broadcast_in_dim3A_50 : vector<16xf32> to vector<1x16xf32>
      tpu.vector_store %arg5[%swap3A, %swap3A_51], %swap3A_54 {strides = array<i32>} : memref<128x128xf32, #tpu.memory_space<vmem>>, vector<1x16xf32>,
      %broadcast_in_dim3A_55 = arith.constant 1.000000e+00 : f32
      %broadcast_in_dim3A_56 = vector.broadcast %broadcast_in_dim3A_55 : f32 to vector<16xf32>
      %swap3A_57 = arith.index_cast %add3A_49 : i32 to index
      %swap3A_58 = arith.constant 16 : index
      %swap3A_59 = tpu.vector_load %arg5[%swap3A_57, %swap3A_58] {strides = array<i32>} : memref<128x128xf32, #tpu.memory_space<vmem>>, vector<1x16xf32>,
      %swap3A_60 = vector.shape_cast %swap3A_59 : vector<1x16xf32> to vector<16xf32>
      %swap3A_61 = vector.shape_cast %broadcast_in_dim3A_56 : vector<16xf32> to vector<1x16xf32>
      tpu.vector_store %arg5[%swap3A_57, %swap3A_58], %swap3A_61 {strides = array<i32>} : memref<128x128xf32, #tpu.memory_space<vmem>>, vector<1x16xf32>,
      %broadcast_in_dim3A_62 = arith.constant 1.000000e+00 : f32
      %broadcast_in_dim3A_63 = vector.broadcast %broadcast_in_dim3A_62 : f32 to vector<16xf32>
      %swap3A_64 = arith.index_cast %add3A_49 : i32 to index
      %swap3A_65 = arith.constant 32 : index
      %swap3A_66 = tpu.vector_load %arg5[%swap3A_64, %swap3A_65] {strides = array<i32>} : memref<128x128xf32, #tpu.memory_space<vmem>>, vector<1x16xf32>,
      %swap3A_67 = vector.shape_cast %swap3A_66 : vector<1x16xf32> to vector<16xf32>
      %swap3A_68 = vector.shape_cast %broadcast_in_dim3A_63 : vector<16xf32> to vector<1x16xf32>
      tpu.vector_store %arg5[%swap3A_64, %swap3A_65], %swap3A_68 {strides = array<i32>} : memref<128x128xf32, #tpu.memory_space<vmem>>, vector<1x16xf32>,
      %broadcast_in_dim3A_69 = arith.constant 1.000000e+00 : f32
      %broadcast_in_dim3A_70 = vector.broadcast %broadcast_in_dim3A_69 : f32 to vector<16xf32>
      %swap3A_71 = arith.index_cast %add3A_49 : i32 to index
      %swap3A_72 = arith.constant 48 : index
      %swap3A_73 = tpu.vector_load %arg5[%swap3A_71, %swap3A_72] {strides = array<i32>} : memref<128x128xf32, #tpu.memory_space<vmem>>, vector<1x16xf32>,
      %swap3A_74 = vector.shape_cast %swap3A_73 : vector<1x16xf32> to vector<16xf32>
      %swap3A_75 = vector.shape_cast %broadcast_in_dim3A_70 : vector<16xf32> to vector<1x16xf32>
      tpu.vector_store %arg5[%swap3A_71, %swap3A_72], %swap3A_75 {strides = array<i32>} : memref<128x128xf32, #tpu.memory_space<vmem>>, vector<1x16xf32>,
      %broadcast_in_dim3A_76 = arith.constant 1.000000e+00 : f32
      %broadcast_in_dim3A_77 = vector.broadcast %broadcast_in_dim3A_76 : f32 to vector<16xf32>
      %swap3A_78 = arith.index_cast %add3A_49 : i32 to index
      %swap3A_79 = arith.constant 64 : index
      %swap3A_80 = tpu.vector_load %arg5[%swap3A_78, %swap3A_79] {strides = array<i32>} : memref<128x128xf32, #tpu.memory_space<vmem>>, vector<1x16xf32>,
      %swap3A_81 = vector.shape_cast %swap3A_80 : vector<1x16xf32> to vector<16xf32>
      %swap3A_82 = vector.shape_cast %broadcast_in_dim3A_77 : vector<16xf32> to vector<1x16xf32>
      tpu.vector_store %arg5[%swap3A_78, %swap3A_79], %swap3A_82 {strides = array<i32>} : memref<128x128xf32, #tpu.memory_space<vmem>>, vector<1x16xf32>,
      %broadcast_in_dim3A_83 = arith.constant 1.000000e+00 : f32
      %broadcast_in_dim3A_84 = vector.broadcast %broadcast_in_dim3A_83 : f32 to vector<16xf32>
      %swap3A_85 = arith.index_cast %add3A_49 : i32 to index
      %swap3A_86 = arith.constant 80 : index
      %swap3A_87 = tpu.vector_load %arg5[%swap3A_85, %swap3A_86] {strides = array<i32>} : memref<128x128xf32, #tpu.memory_space<vmem>>, vector<1x16xf32>,
      %swap3A_88 = vector.shape_cast %swap3A_87 : vector<1x16xf32> to vector<16xf32>
      %swap3A_89 = vector.shape_cast %broadcast_in_dim3A_84 : vector<16xf32> to vector<1x16xf32>
      tpu.vector_store %arg5[%swap3A_85, %swap3A_86], %swap3A_89 {strides = array<i32>} : memref<128x128xf32, #tpu.memory_space<vmem>>, vector<1x16xf32>,
      %broadcast_in_dim3A_90 = arith.constant 1.000000e+00 : f32
      %broadcast_in_dim3A_91 = vector.broadcast %broadcast_in_dim3A_90 : f32 to vector<16xf32>
      %swap3A_92 = arith.index_cast %add3A_49 : i32 to index
      %swap3A_93 = arith.constant 96 : index
      %swap3A_94 = tpu.vector_load %arg5[%swap3A_92, %swap3A_93] {strides = array<i32>} : memref<128x128xf32, #tpu.memory_space<vmem>>, vector<1x16xf32>,
      %swap3A_95 = vector.shape_cast %swap3A_94 : vector<1x16xf32> to vector<16xf32>
      %swap3A_96 = vector.shape_cast %broadcast_in_dim3A_91 : vector<16xf32> to vector<1x16xf32>
      tpu.vector_store %arg5[%swap3A_92, %swap3A_93], %swap3A_96 {strides = array<i32>} : memref<128x128xf32, #tpu.memory_space<vmem>>, vector<1x16xf32>,
      %broadcast_in_dim3A_97 = arith.constant 1.000000e+00 : f32
      %broadcast_in_dim3A_98 = vector.broadcast %broadcast_in_dim3A_97 : f32 to vector<16xf32>
      %swap3A_99 = arith.index_cast %add3A_49 : i32 to index
      %swap3A_100 = arith.constant 112 : index
      %swap3A_101 = tpu.vector_load %arg5[%swap3A_99, %swap3A_100] {strides = array<i32>} : memref<128x128xf32, #tpu.memory_space<vmem>>, vector<1x16xf32>,
      %swap3A_102 = vector.shape_cast %swap3A_101 : vector<1x16xf32> to vector<16xf32>
      %swap3A_103 = vector.shape_cast %broadcast_in_dim3A_98 : vector<16xf32> to vector<1x16xf32>
      tpu.vector_store %arg5[%swap3A_99, %swap3A_100], %swap3A_103 {strides = array<i32>} : memref<128x128xf32, #tpu.memory_space<vmem>>, vector<1x16xf32>,
    }
    %scan3A_31 = arith.constant 128 : i32
    %scan3A_32 = arith.constant 0 : i32
    %scan3A_33 = arith.constant 80 : i32
    %scan3A_34 = arith.addi %scan3A_32, %scan3A_33 : i32
    %scan3A_35 = arith.constant 1 : i32
    scf.for %scan3A_45 = %scan3A_32 to %scan3A_34 step %scan3A_35  : i32 {
      %mul3A_46 = arith.constant 1 : i32
      %mul3A_47 = arith.muli %scan3A_45, %mul3A_46 : i32
      %add3A_48 = arith.constant 0 : i32
      %add3A_49 = arith.addi %add3A_48, %mul3A_47 : i32
      "tpu.region"() ({
        %run_scoped3A = tpu.sem_alloc : memref<!tpu.dma_semaphore, #tpu.memory_space<semaphore_mem>>
        %dma_start3A = arith.constant 0 : i32
        %dma_start3A_50 = tpu.memref_slice %arg4[%add3A_49, %dma_start3A] : memref<80x128xi32, #tpu.memory_space<vmem>> -> memref<1x128xi32, #tpu.memory_space<vmem>>
        %dma_start3A_51 = tpu.memref_squeeze %dma_start3A_50 : memref<1x128xi32, #tpu.memory_space<vmem>> -> memref<128xi32, #tpu.memory_space<vmem>>
        %dma_start3A_52 = arith.constant 0 : i32
        %dma_start3A_53 = arith.constant 0 : i32
        %dma_start3A_54 = tpu.memref_slice %arg6[%dma_start3A_52, %dma_start3A_53] : memref<10240x128xf32, #tpu.memory_space<vmem_shared>> -> memref<10240x128xf32, #tpu.memory_space<vmem_shared>>
        tpu.enqueue_indirect_dma source(%arg5 : memref<128x128xf32, #tpu.memory_space<vmem>>) target(%dma_start3A_54 : memref<10240x128xf32, #tpu.memory_space<vmem_shared>>) offsets(%dma_start3A_51 : memref<128xi32, #tpu.memory_space<vmem>>) semaphore(%run_scoped3A : memref<!tpu.dma_semaphore, #tpu.memory_space<semaphore_mem>>) {add = true}
        %dma_wait3A = arith.constant 0 : i32
        %dma_wait3A_55 = tpu.memref_slice %arg4[%add3A_49, %dma_wait3A] : memref<80x128xi32, #tpu.memory_space<vmem>> -> memref<1x128xi32, #tpu.memory_space<vmem>>
        %dma_wait3A_56 = tpu.memref_squeeze %dma_wait3A_55 : memref<1x128xi32, #tpu.memory_space<vmem>> -> memref<128xi32, #tpu.memory_space<vmem>>
        %dma_wait3A_57 = arith.constant 0 : i32
        %dma_wait3A_58 = arith.constant 0 : i32
        %dma_wait3A_59 = tpu.memref_slice %arg6[%dma_wait3A_57, %dma_wait3A_58] : memref<10240x128xf32, #tpu.memory_space<vmem_shared>> -> memref<10240x128xf32, #tpu.memory_space<vmem_shared>>
        tpu.wait_indirect_dma semaphore(%run_scoped3A : memref<!tpu.dma_semaphore, #tpu.memory_space<semaphore_mem>>) src(%arg5 : memref<128x128xf32, #tpu.memory_space<vmem>>) dst(%dma_wait3A_59 : memref<10240x128xf32, #tpu.memory_space<vmem_shared>>)
        tpu.yield
      }) : () -> ()
    }
    %scan3A_36 = arith.constant 80 : i32
    %barrier3A_37 = arith.constant 0 : index
    tpu.barrier barrier_id(%barrier3A_37)
    %mul3A_38 = arith.constant 640 : i32
    %mul3A_39 = arith.muli %arg1, %mul3A_38 : i32
    %mul3A_40 = arith.constant 10240 : i32
    %mul3A_41 = arith.muli %arg0, %mul3A_40 : i32
    %mul3A_42 = arith.constant 640 : i32
    %mul3A_43 = arith.muli %arg1, %mul3A_42 : i32
    %add3A_44 = arith.addi %mul3A_41, %mul3A_43 : i32
    "tpu.region"() ({
      %run_scoped3A = tpu.sem_alloc : memref<!tpu.dma_semaphore, #tpu.memory_space<semaphore_mem>>
      %dma_start3A = arith.constant 0 : i32
      %dma_start3A_45 = tpu.memref_slice %arg3[%add3A_44, %dma_start3A] : memref<20480x128xf32, #tpu.memory_space<hbm>> -> memref<640x128xf32, #tpu.memory_space<hbm>>
      %dma_start3A_46 = arith.constant 0 : i32
      %dma_start3A_47 = tpu.memref_slice %arg6[%mul3A_39, %dma_start3A_46] : memref<10240x128xf32, #tpu.memory_space<vmem_shared>> -> memref<640x128xf32, #tpu.memory_space<vmem_shared>>
      tpu.enqueue_dma source(%dma_start3A_47 : memref<640x128xf32, #tpu.memory_space<vmem_shared>>) target(%dma_start3A_45 : memref<640x128xf32, #tpu.memory_space<hbm>>) target_semaphore(%run_scoped3A : memref<!tpu.dma_semaphore, #tpu.memory_space<semaphore_mem>>)
      %dma_wait3A = arith.constant 0 : i32
      %dma_wait3A_48 = tpu.memref_slice %arg3[%add3A_44, %dma_wait3A] : memref<20480x128xf32, #tpu.memory_space<hbm>> -> memref<640x128xf32, #tpu.memory_space<hbm>>
      %dma_wait3A_49 = arith.constant 0 : i32
      %dma_wait3A_50 = tpu.memref_slice %arg6[%mul3A_39, %dma_wait3A_49] : memref<10240x128xf32, #tpu.memory_space<vmem_shared>> -> memref<640x128xf32, #tpu.memory_space<vmem_shared>>
      tpu.wait_dma2 semaphore(%run_scoped3A : memref<!tpu.dma_semaphore, #tpu.memory_space<semaphore_mem>>) src(%dma_wait3A_50 : memref<640x128xf32, #tpu.memory_space<vmem_shared>>) dst(%dma_wait3A_48 : memref<640x128xf32, #tpu.memory_space<hbm>>)
      tpu.yield
    }) : () -> ()
    return
  }
}

#map = affine_map<(d0, d1) -> (0, 0)>
module attributes {stable_mosaic.version = 14 : i64} {
  func.func @_agg_kernel(%arg0: i32, %arg1: i32, %arg2: memref<20480x128xf32, #tpu.memory_space<hbm>>, %arg3: memref<5120x128xi32, #tpu.memory_space<hbm>>, %arg4: memref<2560x128xi32, #tpu.memory_space<hbm>>, %arg5: memref<20480x128xf32, #tpu.memory_space<hbm>>, %arg6: memref<16x128xi32, #tpu.memory_space<vmem>>, %arg7: memref<16x128xi32, #tpu.memory_space<vmem>>, %arg8: memref<16x128xi32, #tpu.memory_space<vmem>>, %arg9: memref<16x128xi32, #tpu.memory_space<vmem>>, %arg10: memref<128x128xf32, #tpu.memory_space<vmem>>, %arg11: memref<128x128xf32, #tpu.memory_space<vmem>>, %arg12: memref<10240x128xf32, #tpu.memory_space<vmem_shared>>, %arg13: memref<!tpu.dma_semaphore, #tpu.memory_space<semaphore_mem>>, %arg14: memref<!tpu.dma_semaphore, #tpu.memory_space<semaphore_mem>>, %arg15: memref<!tpu.dma_semaphore, #tpu.memory_space<semaphore_mem>>, %arg16: memref<!tpu.dma_semaphore, #tpu.memory_space<semaphore_mem>>) attributes {dimension_semantics = [#tpu.dimension_semantics<core_parallel>, #tpu.dimension_semantics<subcore_parallel>], iteration_bounds = array<i64: 2, 16>, scalar_prefetch = 0 : i64, scratch_operands = 11 : i64, tpu.core_type = #tpu.core_type<sc_vector_subcore>, window_params = [{transform_indices = #map}, {transform_indices = #map}, {transform_indices = #map}, {transform_indices = #map}]} {
    %scan3A = arith.constant 0 : i32
    %scan3A_0 = arith.constant 128 : i32
    %scan3A_1 = arith.addi %scan3A, %scan3A_0 : i32
    %scan3A_2 = arith.constant 1 : i32
    scf.for %scan3A_47 = %scan3A to %scan3A_1 step %scan3A_2  : i32 {
      %mul3A_48 = arith.constant 1 : i32
      %mul3A_49 = arith.muli %scan3A_47, %mul3A_48 : i32
      %add3A_50 = arith.constant 0 : i32
      %add3A_51 = arith.addi %add3A_50, %mul3A_49 : i32
      %broadcast_in_dim3A = arith.constant 0.000000e+00 : f32
      %broadcast_in_dim3A_52 = vector.broadcast %broadcast_in_dim3A : f32 to vector<16xf32>
      %swap3A = arith.index_cast %add3A_51 : i32 to index
      %swap3A_53 = arith.constant 0 : index
      %swap3A_54 = tpu.vector_load %arg10[%swap3A, %swap3A_53] {strides = array<i32>} : memref<128x128xf32, #tpu.memory_space<vmem>>, vector<1x16xf32>,
      %swap3A_55 = vector.shape_cast %swap3A_54 : vector<1x16xf32> to vector<16xf32>
      %swap3A_56 = vector.shape_cast %broadcast_in_dim3A_52 : vector<16xf32> to vector<1x16xf32>
      tpu.vector_store %arg10[%swap3A, %swap3A_53], %swap3A_56 {strides = array<i32>} : memref<128x128xf32, #tpu.memory_space<vmem>>, vector<1x16xf32>,
      %broadcast_in_dim3A_57 = arith.constant 0.000000e+00 : f32
      %broadcast_in_dim3A_58 = vector.broadcast %broadcast_in_dim3A_57 : f32 to vector<16xf32>
      %swap3A_59 = arith.index_cast %add3A_51 : i32 to index
      %swap3A_60 = arith.constant 16 : index
      %swap3A_61 = tpu.vector_load %arg10[%swap3A_59, %swap3A_60] {strides = array<i32>} : memref<128x128xf32, #tpu.memory_space<vmem>>, vector<1x16xf32>,
      %swap3A_62 = vector.shape_cast %swap3A_61 : vector<1x16xf32> to vector<16xf32>
      %swap3A_63 = vector.shape_cast %broadcast_in_dim3A_58 : vector<16xf32> to vector<1x16xf32>
      tpu.vector_store %arg10[%swap3A_59, %swap3A_60], %swap3A_63 {strides = array<i32>} : memref<128x128xf32, #tpu.memory_space<vmem>>, vector<1x16xf32>,
      %broadcast_in_dim3A_64 = arith.constant 0.000000e+00 : f32
      %broadcast_in_dim3A_65 = vector.broadcast %broadcast_in_dim3A_64 : f32 to vector<16xf32>
      %swap3A_66 = arith.index_cast %add3A_51 : i32 to index
      %swap3A_67 = arith.constant 32 : index
      %swap3A_68 = tpu.vector_load %arg10[%swap3A_66, %swap3A_67] {strides = array<i32>} : memref<128x128xf32, #tpu.memory_space<vmem>>, vector<1x16xf32>,
      %swap3A_69 = vector.shape_cast %swap3A_68 : vector<1x16xf32> to vector<16xf32>
      %swap3A_70 = vector.shape_cast %broadcast_in_dim3A_65 : vector<16xf32> to vector<1x16xf32>
      tpu.vector_store %arg10[%swap3A_66, %swap3A_67], %swap3A_70 {strides = array<i32>} : memref<128x128xf32, #tpu.memory_space<vmem>>, vector<1x16xf32>,
      %broadcast_in_dim3A_71 = arith.constant 0.000000e+00 : f32
      %broadcast_in_dim3A_72 = vector.broadcast %broadcast_in_dim3A_71 : f32 to vector<16xf32>
      %swap3A_73 = arith.index_cast %add3A_51 : i32 to index
      %swap3A_74 = arith.constant 48 : index
      %swap3A_75 = tpu.vector_load %arg10[%swap3A_73, %swap3A_74] {strides = array<i32>} : memref<128x128xf32, #tpu.memory_space<vmem>>, vector<1x16xf32>,
      %swap3A_76 = vector.shape_cast %swap3A_75 : vector<1x16xf32> to vector<16xf32>
      %swap3A_77 = vector.shape_cast %broadcast_in_dim3A_72 : vector<16xf32> to vector<1x16xf32>
      tpu.vector_store %arg10[%swap3A_73, %swap3A_74], %swap3A_77 {strides = array<i32>} : memref<128x128xf32, #tpu.memory_space<vmem>>, vector<1x16xf32>,
      %broadcast_in_dim3A_78 = arith.constant 0.000000e+00 : f32
      %broadcast_in_dim3A_79 = vector.broadcast %broadcast_in_dim3A_78 : f32 to vector<16xf32>
      %swap3A_80 = arith.index_cast %add3A_51 : i32 to index
      %swap3A_81 = arith.constant 64 : index
      %swap3A_82 = tpu.vector_load %arg10[%swap3A_80, %swap3A_81] {strides = array<i32>} : memref<128x128xf32, #tpu.memory_space<vmem>>, vector<1x16xf32>,
      %swap3A_83 = vector.shape_cast %swap3A_82 : vector<1x16xf32> to vector<16xf32>
      %swap3A_84 = vector.shape_cast %broadcast_in_dim3A_79 : vector<16xf32> to vector<1x16xf32>
      tpu.vector_store %arg10[%swap3A_80, %swap3A_81], %swap3A_84 {strides = array<i32>} : memref<128x128xf32, #tpu.memory_space<vmem>>, vector<1x16xf32>,
      %broadcast_in_dim3A_85 = arith.constant 0.000000e+00 : f32
      %broadcast_in_dim3A_86 = vector.broadcast %broadcast_in_dim3A_85 : f32 to vector<16xf32>
      %swap3A_87 = arith.index_cast %add3A_51 : i32 to index
      %swap3A_88 = arith.constant 80 : index
      %swap3A_89 = tpu.vector_load %arg10[%swap3A_87, %swap3A_88] {strides = array<i32>} : memref<128x128xf32, #tpu.memory_space<vmem>>, vector<1x16xf32>,
      %swap3A_90 = vector.shape_cast %swap3A_89 : vector<1x16xf32> to vector<16xf32>
      %swap3A_91 = vector.shape_cast %broadcast_in_dim3A_86 : vector<16xf32> to vector<1x16xf32>
      tpu.vector_store %arg10[%swap3A_87, %swap3A_88], %swap3A_91 {strides = array<i32>} : memref<128x128xf32, #tpu.memory_space<vmem>>, vector<1x16xf32>,
      %broadcast_in_dim3A_92 = arith.constant 0.000000e+00 : f32
      %broadcast_in_dim3A_93 = vector.broadcast %broadcast_in_dim3A_92 : f32 to vector<16xf32>
      %swap3A_94 = arith.index_cast %add3A_51 : i32 to index
      %swap3A_95 = arith.constant 96 : index
      %swap3A_96 = tpu.vector_load %arg10[%swap3A_94, %swap3A_95] {strides = array<i32>} : memref<128x128xf32, #tpu.memory_space<vmem>>, vector<1x16xf32>,
      %swap3A_97 = vector.shape_cast %swap3A_96 : vector<1x16xf32> to vector<16xf32>
      %swap3A_98 = vector.shape_cast %broadcast_in_dim3A_93 : vector<16xf32> to vector<1x16xf32>
      tpu.vector_store %arg10[%swap3A_94, %swap3A_95], %swap3A_98 {strides = array<i32>} : memref<128x128xf32, #tpu.memory_space<vmem>>, vector<1x16xf32>,
      %broadcast_in_dim3A_99 = arith.constant 0.000000e+00 : f32
      %broadcast_in_dim3A_100 = vector.broadcast %broadcast_in_dim3A_99 : f32 to vector<16xf32>
      %swap3A_101 = arith.index_cast %add3A_51 : i32 to index
      %swap3A_102 = arith.constant 112 : index
      %swap3A_103 = tpu.vector_load %arg10[%swap3A_101, %swap3A_102] {strides = array<i32>} : memref<128x128xf32, #tpu.memory_space<vmem>>, vector<1x16xf32>,
      %swap3A_104 = vector.shape_cast %swap3A_103 : vector<1x16xf32> to vector<16xf32>
      %swap3A_105 = vector.shape_cast %broadcast_in_dim3A_100 : vector<16xf32> to vector<1x16xf32>
      tpu.vector_store %arg10[%swap3A_101, %swap3A_102], %swap3A_105 {strides = array<i32>} : memref<128x128xf32, #tpu.memory_space<vmem>>, vector<1x16xf32>,
    }
    %scan3A_3 = arith.constant 128 : i32
    %mul3A = arith.constant 640 : i32
    %mul3A_4 = arith.muli %arg1, %mul3A : i32
    %add3A = arith.constant 0 : i32
    %add3A_5 = arith.addi %mul3A_4, %add3A : i32
    "tpu.region"() ({
      %run_scoped3A = tpu.sem_alloc : memref<!tpu.dma_semaphore, #tpu.memory_space<semaphore_mem>>
      %dma_start3A_47 = arith.constant 0 : i32
      %dma_start3A_48 = tpu.memref_slice %arg12[%add3A_5, %dma_start3A_47] : memref<10240x128xf32, #tpu.memory_space<vmem_shared>> -> memref<128x128xf32, #tpu.memory_space<vmem_shared>>
      %dma_start3A_49 = arith.constant 0 : i32
      %dma_start3A_50 = tpu.memref_slice %arg12[%add3A_5, %dma_start3A_49] : memref<10240x128xf32, #tpu.memory_space<vmem_shared>> -> memref<128x128xf32, #tpu.memory_space<vmem_shared>>
      tpu.enqueue_dma source(%arg10 : memref<128x128xf32, #tpu.memory_space<vmem>>) target(%dma_start3A_50 : memref<128x128xf32, #tpu.memory_space<vmem_shared>>) target_semaphore(%run_scoped3A : memref<!tpu.dma_semaphore, #tpu.memory_space<semaphore_mem>>)
      %dma_wait3A = arith.constant 0 : i32
      %dma_wait3A_51 = tpu.memref_slice %arg12[%add3A_5, %dma_wait3A] : memref<10240x128xf32, #tpu.memory_space<vmem_shared>> -> memref<128x128xf32, #tpu.memory_space<vmem_shared>>
      %dma_wait3A_52 = arith.constant 0 : i32
      %dma_wait3A_53 = tpu.memref_slice %arg12[%add3A_5, %dma_wait3A_52] : memref<10240x128xf32, #tpu.memory_space<vmem_shared>> -> memref<128x128xf32, #tpu.memory_space<vmem_shared>>
      tpu.wait_dma2 semaphore(%run_scoped3A : memref<!tpu.dma_semaphore, #tpu.memory_space<semaphore_mem>>) src(%arg10 : memref<128x128xf32, #tpu.memory_space<vmem>>) dst(%dma_wait3A_53 : memref<128x128xf32, #tpu.memory_space<vmem_shared>>)
      tpu.yield
    }) : () -> ()
    %mul3A_6 = arith.constant 640 : i32
    %mul3A_7 = arith.muli %arg1, %mul3A_6 : i32
    %add3A_8 = arith.constant 128 : i32
    %add3A_9 = arith.addi %mul3A_7, %add3A_8 : i32
    "tpu.region"() ({
      %run_scoped3A = tpu.sem_alloc : memref<!tpu.dma_semaphore, #tpu.memory_space<semaphore_mem>>
      %dma_start3A_47 = arith.constant 0 : i32
      %dma_start3A_48 = tpu.memref_slice %arg12[%add3A_9, %dma_start3A_47] : memref<10240x128xf32, #tpu.memory_space<vmem_shared>> -> memref<128x128xf32, #tpu.memory_space<vmem_shared>>
      %dma_start3A_49 = arith.constant 0 : i32
      %dma_start3A_50 = tpu.memref_slice %arg12[%add3A_9, %dma_start3A_49] : memref<10240x128xf32, #tpu.memory_space<vmem_shared>> -> memref<128x128xf32, #tpu.memory_space<vmem_shared>>
      tpu.enqueue_dma source(%arg10 : memref<128x128xf32, #tpu.memory_space<vmem>>) target(%dma_start3A_50 : memref<128x128xf32, #tpu.memory_space<vmem_shared>>) target_semaphore(%run_scoped3A : memref<!tpu.dma_semaphore, #tpu.memory_space<semaphore_mem>>)
      %dma_wait3A = arith.constant 0 : i32
      %dma_wait3A_51 = tpu.memref_slice %arg12[%add3A_9, %dma_wait3A] : memref<10240x128xf32, #tpu.memory_space<vmem_shared>> -> memref<128x128xf32, #tpu.memory_space<vmem_shared>>
      %dma_wait3A_52 = arith.constant 0 : i32
      %dma_wait3A_53 = tpu.memref_slice %arg12[%add3A_9, %dma_wait3A_52] : memref<10240x128xf32, #tpu.memory_space<vmem_shared>> -> memref<128x128xf32, #tpu.memory_space<vmem_shared>>
      tpu.wait_dma2 semaphore(%run_scoped3A : memref<!tpu.dma_semaphore, #tpu.memory_space<semaphore_mem>>) src(%arg10 : memref<128x128xf32, #tpu.memory_space<vmem>>) dst(%dma_wait3A_53 : memref<128x128xf32, #tpu.memory_space<vmem_shared>>)
      tpu.yield
    }) : () -> ()
    %mul3A_10 = arith.constant 640 : i32
    %mul3A_11 = arith.muli %arg1, %mul3A_10 : i32
    %add3A_12 = arith.constant 256 : i32
    %add3A_13 = arith.addi %mul3A_11, %add3A_12 : i32
    "tpu.region"() ({
      %run_scoped3A = tpu.sem_alloc : memref<!tpu.dma_semaphore, #tpu.memory_space<semaphore_mem>>
      %dma_start3A_47 = arith.constant 0 : i32
      %dma_start3A_48 = tpu.memref_slice %arg12[%add3A_13, %dma_start3A_47] : memref<10240x128xf32, #tpu.memory_space<vmem_shared>> -> memref<128x128xf32, #tpu.memory_space<vmem_shared>>
      %dma_start3A_49 = arith.constant 0 : i32
      %dma_start3A_50 = tpu.memref_slice %arg12[%add3A_13, %dma_start3A_49] : memref<10240x128xf32, #tpu.memory_space<vmem_shared>> -> memref<128x128xf32, #tpu.memory_space<vmem_shared>>
      tpu.enqueue_dma source(%arg10 : memref<128x128xf32, #tpu.memory_space<vmem>>) target(%dma_start3A_50 : memref<128x128xf32, #tpu.memory_space<vmem_shared>>) target_semaphore(%run_scoped3A : memref<!tpu.dma_semaphore, #tpu.memory_space<semaphore_mem>>)
      %dma_wait3A = arith.constant 0 : i32
      %dma_wait3A_51 = tpu.memref_slice %arg12[%add3A_13, %dma_wait3A] : memref<10240x128xf32, #tpu.memory_space<vmem_shared>> -> memref<128x128xf32, #tpu.memory_space<vmem_shared>>
      %dma_wait3A_52 = arith.constant 0 : i32
      %dma_wait3A_53 = tpu.memref_slice %arg12[%add3A_13, %dma_wait3A_52] : memref<10240x128xf32, #tpu.memory_space<vmem_shared>> -> memref<128x128xf32, #tpu.memory_space<vmem_shared>>
      tpu.wait_dma2 semaphore(%run_scoped3A : memref<!tpu.dma_semaphore, #tpu.memory_space<semaphore_mem>>) src(%arg10 : memref<128x128xf32, #tpu.memory_space<vmem>>) dst(%dma_wait3A_53 : memref<128x128xf32, #tpu.memory_space<vmem_shared>>)
      tpu.yield
    }) : () -> ()
    %mul3A_14 = arith.constant 640 : i32
    %mul3A_15 = arith.muli %arg1, %mul3A_14 : i32
    %add3A_16 = arith.constant 384 : i32
    %add3A_17 = arith.addi %mul3A_15, %add3A_16 : i32
    "tpu.region"() ({
      %run_scoped3A = tpu.sem_alloc : memref<!tpu.dma_semaphore, #tpu.memory_space<semaphore_mem>>
      %dma_start3A_47 = arith.constant 0 : i32
      %dma_start3A_48 = tpu.memref_slice %arg12[%add3A_17, %dma_start3A_47] : memref<10240x128xf32, #tpu.memory_space<vmem_shared>> -> memref<128x128xf32, #tpu.memory_space<vmem_shared>>
      %dma_start3A_49 = arith.constant 0 : i32
      %dma_start3A_50 = tpu.memref_slice %arg12[%add3A_17, %dma_start3A_49] : memref<10240x128xf32, #tpu.memory_space<vmem_shared>> -> memref<128x128xf32, #tpu.memory_space<vmem_shared>>
      tpu.enqueue_dma source(%arg10 : memref<128x128xf32, #tpu.memory_space<vmem>>) target(%dma_start3A_50 : memref<128x128xf32, #tpu.memory_space<vmem_shared>>) target_semaphore(%run_scoped3A : memref<!tpu.dma_semaphore, #tpu.memory_space<semaphore_mem>>)
      %dma_wait3A = arith.constant 0 : i32
      %dma_wait3A_51 = tpu.memref_slice %arg12[%add3A_17, %dma_wait3A] : memref<10240x128xf32, #tpu.memory_space<vmem_shared>> -> memref<128x128xf32, #tpu.memory_space<vmem_shared>>
      %dma_wait3A_52 = arith.constant 0 : i32
      %dma_wait3A_53 = tpu.memref_slice %arg12[%add3A_17, %dma_wait3A_52] : memref<10240x128xf32, #tpu.memory_space<vmem_shared>> -> memref<128x128xf32, #tpu.memory_space<vmem_shared>>
      tpu.wait_dma2 semaphore(%run_scoped3A : memref<!tpu.dma_semaphore, #tpu.memory_space<semaphore_mem>>) src(%arg10 : memref<128x128xf32, #tpu.memory_space<vmem>>) dst(%dma_wait3A_53 : memref<128x128xf32, #tpu.memory_space<vmem_shared>>)
      tpu.yield
    }) : () -> ()
    %mul3A_18 = arith.constant 640 : i32
    %mul3A_19 = arith.muli %arg1, %mul3A_18 : i32
    %add3A_20 = arith.constant 512 : i32
    %add3A_21 = arith.addi %mul3A_19, %add3A_20 : i32
    "tpu.region"() ({
      %run_scoped3A = tpu.sem_alloc : memref<!tpu.dma_semaphore, #tpu.memory_space<semaphore_mem>>
      %dma_start3A_47 = arith.constant 0 : i32
      %dma_start3A_48 = tpu.memref_slice %arg12[%add3A_21, %dma_start3A_47] : memref<10240x128xf32, #tpu.memory_space<vmem_shared>> -> memref<128x128xf32, #tpu.memory_space<vmem_shared>>
      %dma_start3A_49 = arith.constant 0 : i32
      %dma_start3A_50 = tpu.memref_slice %arg12[%add3A_21, %dma_start3A_49] : memref<10240x128xf32, #tpu.memory_space<vmem_shared>> -> memref<128x128xf32, #tpu.memory_space<vmem_shared>>
      tpu.enqueue_dma source(%arg10 : memref<128x128xf32, #tpu.memory_space<vmem>>) target(%dma_start3A_50 : memref<128x128xf32, #tpu.memory_space<vmem_shared>>) target_semaphore(%run_scoped3A : memref<!tpu.dma_semaphore, #tpu.memory_space<semaphore_mem>>)
      %dma_wait3A = arith.constant 0 : i32
      %dma_wait3A_51 = tpu.memref_slice %arg12[%add3A_21, %dma_wait3A] : memref<10240x128xf32, #tpu.memory_space<vmem_shared>> -> memref<128x128xf32, #tpu.memory_space<vmem_shared>>
      %dma_wait3A_52 = arith.constant 0 : i32
      %dma_wait3A_53 = tpu.memref_slice %arg12[%add3A_21, %dma_wait3A_52] : memref<10240x128xf32, #tpu.memory_space<vmem_shared>> -> memref<128x128xf32, #tpu.memory_space<vmem_shared>>
      tpu.wait_dma2 semaphore(%run_scoped3A : memref<!tpu.dma_semaphore, #tpu.memory_space<semaphore_mem>>) src(%arg10 : memref<128x128xf32, #tpu.memory_space<vmem>>) dst(%dma_wait3A_53 : memref<128x128xf32, #tpu.memory_space<vmem_shared>>)
      tpu.yield
    }) : () -> ()
    %barrier3A = arith.constant 0 : index
    tpu.barrier barrier_id(%barrier3A)
    %mul3A_22 = arith.constant 160 : i32
    %mul3A_23 = arith.muli %arg1, %mul3A_22 : i32
    %mul3A_24 = arith.constant 2560 : i32
    %mul3A_25 = arith.muli %arg0, %mul3A_24 : i32
    %add3A_26 = arith.addi %mul3A_25, %mul3A_23 : i32
    %dma_start3A = arith.constant 0 : i32
    %dma_start3A_27 = tpu.memref_slice %arg3[%add3A_26, %dma_start3A] : memref<5120x128xi32, #tpu.memory_space<hbm>> -> memref<16x128xi32, #tpu.memory_space<hbm>>
    %dma_start3A_28 = arith.constant 0 : i32
    %dma_start3A_29 = tpu.memref_slice %arg3[%add3A_26, %dma_start3A_28] : memref<5120x128xi32, #tpu.memory_space<hbm>> -> memref<16x128xi32, #tpu.memory_space<hbm>>
    tpu.enqueue_dma source(%dma_start3A_29 : memref<16x128xi32, #tpu.memory_space<hbm>>) target(%arg6 : memref<16x128xi32, #tpu.memory_space<vmem>>) target_semaphore(%arg15 : memref<!tpu.dma_semaphore, #tpu.memory_space<semaphore_mem>>)
    %dma_start3A_30 = arith.constant 0 : i32
    %dma_start3A_31 = tpu.memref_slice %arg4[%mul3A_23, %dma_start3A_30] : memref<2560x128xi32, #tpu.memory_space<hbm>> -> memref<16x128xi32, #tpu.memory_space<hbm>>
    %dma_start3A_32 = arith.constant 0 : i32
    %dma_start3A_33 = tpu.memref_slice %arg4[%mul3A_23, %dma_start3A_32] : memref<2560x128xi32, #tpu.memory_space<hbm>> -> memref<16x128xi32, #tpu.memory_space<hbm>>
    tpu.enqueue_dma source(%dma_start3A_33 : memref<16x128xi32, #tpu.memory_space<hbm>>) target(%arg7 : memref<16x128xi32, #tpu.memory_space<vmem>>) target_semaphore(%arg15 : memref<!tpu.dma_semaphore, #tpu.memory_space<semaphore_mem>>)
    %scan3A_34 = arith.constant 0 : i32
    %scan3A_35 = arith.constant 5 : i32
    %scan3A_36 = arith.addi %scan3A_34, %scan3A_35 : i32
    %scan3A_37 = arith.constant 1 : i32
    scf.for %scan3A_47 = %scan3A_34 to %scan3A_36 step %scan3A_37  : i32 {
      %mul3A_48 = arith.constant 2 : i32
      %mul3A_49 = arith.muli %scan3A_47, %mul3A_48 : i32
      %add3A_50 = arith.constant 0 : i32
      %add3A_51 = arith.addi %add3A_50, %mul3A_49 : i32
      %mul3A_52 = arith.constant 160 : i32
      %mul3A_53 = arith.muli %arg1, %mul3A_52 : i32
      %add3A_54 = arith.constant 1 : i32
      %add3A_55 = arith.addi %add3A_51, %add3A_54 : i32
      %mul3A_56 = arith.constant 16 : i32
      %mul3A_57 = arith.muli %add3A_55, %mul3A_56 : i32
      %add3A_58 = arith.addi %mul3A_53, %mul3A_57 : i32
      %mul3A_59 = arith.constant 2560 : i32
      %mul3A_60 = arith.muli %arg0, %mul3A_59 : i32
      %add3A_61 = arith.addi %mul3A_60, %add3A_58 : i32
      %dma_start3A_62 = arith.constant 0 : i32
      %dma_start3A_63 = tpu.memref_slice %arg3[%add3A_61, %dma_start3A_62] : memref<5120x128xi32, #tpu.memory_space<hbm>> -> memref<16x128xi32, #tpu.memory_space<hbm>>
      %dma_start3A_64 = arith.constant 0 : i32
      %dma_start3A_65 = tpu.memref_slice %arg3[%add3A_61, %dma_start3A_64] : memref<5120x128xi32, #tpu.memory_space<hbm>> -> memref<16x128xi32, #tpu.memory_space<hbm>>
      tpu.enqueue_dma source(%dma_start3A_65 : memref<16x128xi32, #tpu.memory_space<hbm>>) target(%arg8 : memref<16x128xi32, #tpu.memory_space<vmem>>) target_semaphore(%arg16 : memref<!tpu.dma_semaphore, #tpu.memory_space<semaphore_mem>>)
      %dma_start3A_66 = arith.constant 0 : i32
      %dma_start3A_67 = tpu.memref_slice %arg4[%add3A_58, %dma_start3A_66] : memref<2560x128xi32, #tpu.memory_space<hbm>> -> memref<16x128xi32, #tpu.memory_space<hbm>>
      %dma_start3A_68 = arith.constant 0 : i32
      %dma_start3A_69 = tpu.memref_slice %arg4[%add3A_58, %dma_start3A_68] : memref<2560x128xi32, #tpu.memory_space<hbm>> -> memref<16x128xi32, #tpu.memory_space<hbm>>
      tpu.enqueue_dma source(%dma_start3A_69 : memref<16x128xi32, #tpu.memory_space<hbm>>) target(%arg9 : memref<16x128xi32, #tpu.memory_space<vmem>>) target_semaphore(%arg16 : memref<!tpu.dma_semaphore, #tpu.memory_space<semaphore_mem>>)
      %dma_wait3A = arith.constant 0 : i32
      %dma_wait3A_70 = tpu.memref_slice %arg4[%add3A_58, %dma_wait3A] : memref<2560x128xi32, #tpu.memory_space<hbm>> -> memref<16x128xi32, #tpu.memory_space<hbm>>
      %dma_wait3A_71 = arith.constant 0 : i32
      %dma_wait3A_72 = tpu.memref_slice %arg4[%add3A_58, %dma_wait3A_71] : memref<2560x128xi32, #tpu.memory_space<hbm>> -> memref<16x128xi32, #tpu.memory_space<hbm>>
      tpu.wait_dma2 semaphore(%arg15 : memref<!tpu.dma_semaphore, #tpu.memory_space<semaphore_mem>>) src(%dma_wait3A_72 : memref<16x128xi32, #tpu.memory_space<hbm>>) dst(%arg6 : memref<16x128xi32, #tpu.memory_space<vmem>>)
      %dma_wait3A_73 = arith.constant 0 : i32
      %dma_wait3A_74 = tpu.memref_slice %arg4[%add3A_58, %dma_wait3A_73] : memref<2560x128xi32, #tpu.memory_space<hbm>> -> memref<16x128xi32, #tpu.memory_space<hbm>>
      %dma_wait3A_75 = arith.constant 0 : i32
      %dma_wait3A_76 = tpu.memref_slice %arg4[%add3A_58, %dma_wait3A_75] : memref<2560x128xi32, #tpu.memory_space<hbm>> -> memref<16x128xi32, #tpu.memory_space<hbm>>
      tpu.wait_dma2 semaphore(%arg15 : memref<!tpu.dma_semaphore, #tpu.memory_space<semaphore_mem>>) src(%dma_wait3A_76 : memref<16x128xi32, #tpu.memory_space<hbm>>) dst(%arg7 : memref<16x128xi32, #tpu.memory_space<vmem>>)
      %scan3A_77 = arith.constant 0 : i32
      %scan3A_78 = arith.constant 8 : i32
      %scan3A_79 = arith.addi %scan3A_77, %scan3A_78 : i32
      %scan3A_80 = arith.constant 1 : i32
      scf.for %scan3A_99 = %scan3A_77 to %scan3A_79 step %scan3A_80  : i32 {
        %mul3A_100 = arith.constant 2 : i32
        %mul3A_101 = arith.muli %scan3A_99, %mul3A_100 : i32
        %add3A_102 = arith.constant 0 : i32
        %add3A_103 = arith.addi %add3A_102, %mul3A_101 : i32
        %dma_start3A_104 = arith.constant 0 : i32
        %dma_start3A_105 = tpu.memref_slice %arg6[%add3A_103, %dma_start3A_104] : memref<16x128xi32, #tpu.memory_space<vmem>> -> memref<1x128xi32, #tpu.memory_space<vmem>>
        %dma_start3A_106 = tpu.memref_squeeze %dma_start3A_105 : memref<1x128xi32, #tpu.memory_space<vmem>> -> memref<128xi32, #tpu.memory_space<vmem>>
        %dma_start3A_107 = arith.constant 0 : i32
        %dma_start3A_108 = arith.constant 0 : i32
        %dma_start3A_109 = tpu.memref_slice %arg2[%dma_start3A_107, %dma_start3A_108] : memref<20480x128xf32, #tpu.memory_space<hbm>> -> memref<20480x128xf32, #tpu.memory_space<hbm>>
        tpu.enqueue_indirect_dma source(%dma_start3A_109 : memref<20480x128xf32, #tpu.memory_space<hbm>>) target(%arg10 : memref<128x128xf32, #tpu.memory_space<vmem>>) offsets(%dma_start3A_106 : memref<128xi32, #tpu.memory_space<vmem>>) semaphore(%arg13 : memref<!tpu.dma_semaphore, #tpu.memory_space<semaphore_mem>>)
        %add3A_110 = arith.constant 1 : i32
        %add3A_111 = arith.addi %add3A_103, %add3A_110 : i32
        %dma_start3A_112 = arith.constant 0 : i32
        %dma_start3A_113 = tpu.memref_slice %arg6[%add3A_111, %dma_start3A_112] : memref<16x128xi32, #tpu.memory_space<vmem>> -> memref<1x128xi32, #tpu.memory_space<vmem>>
        %dma_start3A_114 = tpu.memref_squeeze %dma_start3A_113 : memref<1x128xi32, #tpu.memory_space<vmem>> -> memref<128xi32, #tpu.memory_space<vmem>>
        %dma_start3A_115 = arith.constant 0 : i32
        %dma_start3A_116 = arith.constant 0 : i32
        %dma_start3A_117 = tpu.memref_slice %arg2[%dma_start3A_115, %dma_start3A_116] : memref<20480x128xf32, #tpu.memory_space<hbm>> -> memref<20480x128xf32, #tpu.memory_space<hbm>>
        tpu.enqueue_indirect_dma source(%dma_start3A_117 : memref<20480x128xf32, #tpu.memory_space<hbm>>) target(%arg11 : memref<128x128xf32, #tpu.memory_space<vmem>>) offsets(%dma_start3A_114 : memref<128xi32, #tpu.memory_space<vmem>>) semaphore(%arg14 : memref<!tpu.dma_semaphore, #tpu.memory_space<semaphore_mem>>)
        %dma_wait3A_118 = arith.constant 0 : i32
        %dma_wait3A_119 = tpu.memref_slice %arg6[%add3A_103, %dma_wait3A_118] : memref<16x128xi32, #tpu.memory_space<vmem>> -> memref<1x128xi32, #tpu.memory_space<vmem>>
        %dma_wait3A_120 = tpu.memref_squeeze %dma_wait3A_119 : memref<1x128xi32, #tpu.memory_space<vmem>> -> memref<128xi32, #tpu.memory_space<vmem>>
        %dma_wait3A_121 = arith.constant 0 : i32
        %dma_wait3A_122 = arith.constant 0 : i32
        %dma_wait3A_123 = tpu.memref_slice %arg2[%dma_wait3A_121, %dma_wait3A_122] : memref<20480x128xf32, #tpu.memory_space<hbm>> -> memref<20480x128xf32, #tpu.memory_space<hbm>>
        tpu.wait_indirect_dma semaphore(%arg13 : memref<!tpu.dma_semaphore, #tpu.memory_space<semaphore_mem>>) src(%dma_wait3A_123 : memref<20480x128xf32, #tpu.memory_space<hbm>>) dst(%arg10 : memref<128x128xf32, #tpu.memory_space<vmem>>)
        "tpu.region"() ({
          %run_scoped3A = tpu.sem_alloc : memref<!tpu.dma_semaphore, #tpu.memory_space<semaphore_mem>>
          %dma_start3A_132 = arith.constant 0 : i32
          %dma_start3A_133 = tpu.memref_slice %arg7[%add3A_103, %dma_start3A_132] : memref<16x128xi32, #tpu.memory_space<vmem>> -> memref<1x128xi32, #tpu.memory_space<vmem>>
          %dma_start3A_134 = tpu.memref_squeeze %dma_start3A_133 : memref<1x128xi32, #tpu.memory_space<vmem>> -> memref<128xi32, #tpu.memory_space<vmem>>
          %dma_start3A_135 = arith.constant 0 : i32
          %dma_start3A_136 = arith.constant 0 : i32
          %dma_start3A_137 = tpu.memref_slice %arg12[%dma_start3A_135, %dma_start3A_136] : memref<10240x128xf32, #tpu.memory_space<vmem_shared>> -> memref<10240x128xf32, #tpu.memory_space<vmem_shared>>
          tpu.enqueue_indirect_dma source(%arg10 : memref<128x128xf32, #tpu.memory_space<vmem>>) target(%dma_start3A_137 : memref<10240x128xf32, #tpu.memory_space<vmem_shared>>) offsets(%dma_start3A_134 : memref<128xi32, #tpu.memory_space<vmem>>) semaphore(%run_scoped3A : memref<!tpu.dma_semaphore, #tpu.memory_space<semaphore_mem>>) {add = true}
          %dma_wait3A_138 = arith.constant 0 : i32
          %dma_wait3A_139 = tpu.memref_slice %arg7[%add3A_103, %dma_wait3A_138] : memref<16x128xi32, #tpu.memory_space<vmem>> -> memref<1x128xi32, #tpu.memory_space<vmem>>
          %dma_wait3A_140 = tpu.memref_squeeze %dma_wait3A_139 : memref<1x128xi32, #tpu.memory_space<vmem>> -> memref<128xi32, #tpu.memory_space<vmem>>
          %dma_wait3A_141 = arith.constant 0 : i32
          %dma_wait3A_142 = arith.constant 0 : i32
          %dma_wait3A_143 = tpu.memref_slice %arg12[%dma_wait3A_141, %dma_wait3A_142] : memref<10240x128xf32, #tpu.memory_space<vmem_shared>> -> memref<10240x128xf32, #tpu.memory_space<vmem_shared>>
          tpu.wait_indirect_dma semaphore(%run_scoped3A : memref<!tpu.dma_semaphore, #tpu.memory_space<semaphore_mem>>) src(%arg10 : memref<128x128xf32, #tpu.memory_space<vmem>>) dst(%dma_wait3A_143 : memref<10240x128xf32, #tpu.memory_space<vmem_shared>>)
          tpu.yield
        }) : () -> ()
        %dma_wait3A_124 = arith.constant 0 : i32
        %dma_wait3A_125 = tpu.memref_slice %arg6[%add3A_111, %dma_wait3A_124] : memref<16x128xi32, #tpu.memory_space<vmem>> -> memref<1x128xi32, #tpu.memory_space<vmem>>
        %dma_wait3A_126 = tpu.memref_squeeze %dma_wait3A_125 : memref<1x128xi32, #tpu.memory_space<vmem>> -> memref<128xi32, #tpu.memory_space<vmem>>
        %dma_wait3A_127 = arith.constant 0 : i32
        %dma_wait3A_128 = arith.constant 0 : i32
        %dma_wait3A_129 = tpu.memref_slice %arg2[%dma_wait3A_127, %dma_wait3A_128] : memref<20480x128xf32, #tpu.memory_space<hbm>> -> memref<20480x128xf32, #tpu.memory_space<hbm>>
        tpu.wait_indirect_dma semaphore(%arg14 : memref<!tpu.dma_semaphore, #tpu.memory_space<semaphore_mem>>) src(%dma_wait3A_129 : memref<20480x128xf32, #tpu.memory_space<hbm>>) dst(%arg11 : memref<128x128xf32, #tpu.memory_space<vmem>>)
        %add3A_130 = arith.constant 1 : i32
        %add3A_131 = arith.addi %add3A_103, %add3A_130 : i32
        "tpu.region"() ({
          %run_scoped3A = tpu.sem_alloc : memref<!tpu.dma_semaphore, #tpu.memory_space<semaphore_mem>>
          %dma_start3A_132 = arith.constant 0 : i32
          %dma_start3A_133 = tpu.memref_slice %arg7[%add3A_131, %dma_start3A_132] : memref<16x128xi32, #tpu.memory_space<vmem>> -> memref<1x128xi32, #tpu.memory_space<vmem>>
          %dma_start3A_134 = tpu.memref_squeeze %dma_start3A_133 : memref<1x128xi32, #tpu.memory_space<vmem>> -> memref<128xi32, #tpu.memory_space<vmem>>
          %dma_start3A_135 = arith.constant 0 : i32
          %dma_start3A_136 = arith.constant 0 : i32
          %dma_start3A_137 = tpu.memref_slice %arg12[%dma_start3A_135, %dma_start3A_136] : memref<10240x128xf32, #tpu.memory_space<vmem_shared>> -> memref<10240x128xf32, #tpu.memory_space<vmem_shared>>
          tpu.enqueue_indirect_dma source(%arg11 : memref<128x128xf32, #tpu.memory_space<vmem>>) target(%dma_start3A_137 : memref<10240x128xf32, #tpu.memory_space<vmem_shared>>) offsets(%dma_start3A_134 : memref<128xi32, #tpu.memory_space<vmem>>) semaphore(%run_scoped3A : memref<!tpu.dma_semaphore, #tpu.memory_space<semaphore_mem>>) {add = true}
          %dma_wait3A_138 = arith.constant 0 : i32
          %dma_wait3A_139 = tpu.memref_slice %arg7[%add3A_131, %dma_wait3A_138] : memref<16x128xi32, #tpu.memory_space<vmem>> -> memref<1x128xi32, #tpu.memory_space<vmem>>
          %dma_wait3A_140 = tpu.memref_squeeze %dma_wait3A_139 : memref<1x128xi32, #tpu.memory_space<vmem>> -> memref<128xi32, #tpu.memory_space<vmem>>
          %dma_wait3A_141 = arith.constant 0 : i32
          %dma_wait3A_142 = arith.constant 0 : i32
          %dma_wait3A_143 = tpu.memref_slice %arg12[%dma_wait3A_141, %dma_wait3A_142] : memref<10240x128xf32, #tpu.memory_space<vmem_shared>> -> memref<10240x128xf32, #tpu.memory_space<vmem_shared>>
          tpu.wait_indirect_dma semaphore(%run_scoped3A : memref<!tpu.dma_semaphore, #tpu.memory_space<semaphore_mem>>) src(%arg11 : memref<128x128xf32, #tpu.memory_space<vmem>>) dst(%dma_wait3A_143 : memref<10240x128xf32, #tpu.memory_space<vmem_shared>>)
          tpu.yield
        }) : () -> ()
      }
      %scan3A_81 = arith.constant 8 : i32
      %add3A_82 = arith.constant 2 : i32
      %add3A_83 = arith.addi %add3A_51, %add3A_82 : i32
      %lt3A = arith.constant 10 : i32
      %lt3A_84 = arith.cmpi slt, %add3A_83, %lt3A : i32
      %convert_element_type3A = arith.extui %lt3A_84 : i1 to i32
      %cond3A = arith.constant 0 : i32
      %cond3A_85 = arith.cmpi ne, %convert_element_type3A, %cond3A : i32
      scf.if %cond3A_85 {
        %mul3A_99 = arith.constant 160 : i32
        %mul3A_100 = arith.muli %arg1, %mul3A_99 : i32
        %add3A_101 = arith.constant 2 : i32
        %add3A_102 = arith.addi %add3A_51, %add3A_101 : i32
        %mul3A_103 = arith.constant 16 : i32
        %mul3A_104 = arith.muli %add3A_102, %mul3A_103 : i32
        %add3A_105 = arith.addi %mul3A_100, %mul3A_104 : i32
        %mul3A_106 = arith.constant 2560 : i32
        %mul3A_107 = arith.muli %arg0, %mul3A_106 : i32
        %add3A_108 = arith.addi %mul3A_107, %add3A_105 : i32
        %dma_start3A_109 = arith.constant 0 : i32
        %dma_start3A_110 = tpu.memref_slice %arg3[%add3A_108, %dma_start3A_109] : memref<5120x128xi32, #tpu.memory_space<hbm>> -> memref<16x128xi32, #tpu.memory_space<hbm>>
        %dma_start3A_111 = arith.constant 0 : i32
        %dma_start3A_112 = tpu.memref_slice %arg3[%add3A_108, %dma_start3A_111] : memref<5120x128xi32, #tpu.memory_space<hbm>> -> memref<16x128xi32, #tpu.memory_space<hbm>>
        tpu.enqueue_dma source(%dma_start3A_112 : memref<16x128xi32, #tpu.memory_space<hbm>>) target(%arg6 : memref<16x128xi32, #tpu.memory_space<vmem>>) target_semaphore(%arg15 : memref<!tpu.dma_semaphore, #tpu.memory_space<semaphore_mem>>)
        %dma_start3A_113 = arith.constant 0 : i32
        %dma_start3A_114 = tpu.memref_slice %arg4[%add3A_105, %dma_start3A_113] : memref<2560x128xi32, #tpu.memory_space<hbm>> -> memref<16x128xi32, #tpu.memory_space<hbm>>
        %dma_start3A_115 = arith.constant 0 : i32
        %dma_start3A_116 = tpu.memref_slice %arg4[%add3A_105, %dma_start3A_115] : memref<2560x128xi32, #tpu.memory_space<hbm>> -> memref<16x128xi32, #tpu.memory_space<hbm>>
        tpu.enqueue_dma source(%dma_start3A_116 : memref<16x128xi32, #tpu.memory_space<hbm>>) target(%arg7 : memref<16x128xi32, #tpu.memory_space<vmem>>) target_semaphore(%arg15 : memref<!tpu.dma_semaphore, #tpu.memory_space<semaphore_mem>>)
      } else {
      }
      %dma_wait3A_86 = arith.constant 0 : i32
      %dma_wait3A_87 = tpu.memref_slice %arg4[%add3A_58, %dma_wait3A_86] : memref<2560x128xi32, #tpu.memory_space<hbm>> -> memref<16x128xi32, #tpu.memory_space<hbm>>
      %dma_wait3A_88 = arith.constant 0 : i32
      %dma_wait3A_89 = tpu.memref_slice %arg4[%add3A_58, %dma_wait3A_88] : memref<2560x128xi32, #tpu.memory_space<hbm>> -> memref<16x128xi32, #tpu.memory_space<hbm>>
      tpu.wait_dma2 semaphore(%arg16 : memref<!tpu.dma_semaphore, #tpu.memory_space<semaphore_mem>>) src(%dma_wait3A_89 : memref<16x128xi32, #tpu.memory_space<hbm>>) dst(%arg8 : memref<16x128xi32, #tpu.memory_space<vmem>>)
      %dma_wait3A_90 = arith.constant 0 : i32
      %dma_wait3A_91 = tpu.memref_slice %arg4[%add3A_58, %dma_wait3A_90] : memref<2560x128xi32, #tpu.memory_space<hbm>> -> memref<16x128xi32, #tpu.memory_space<hbm>>
      %dma_wait3A_92 = arith.constant 0 : i32
      %dma_wait3A_93 = tpu.memref_slice %arg4[%add3A_58, %dma_wait3A_92] : memref<2560x128xi32, #tpu.memory_space<hbm>> -> memref<16x128xi32, #tpu.memory_space<hbm>>
      tpu.wait_dma2 semaphore(%arg16 : memref<!tpu.dma_semaphore, #tpu.memory_space<semaphore_mem>>) src(%dma_wait3A_93 : memref<16x128xi32, #tpu.memory_space<hbm>>) dst(%arg9 : memref<16x128xi32, #tpu.memory_space<vmem>>)
      %scan3A_94 = arith.constant 0 : i32
      %scan3A_95 = arith.constant 8 : i32
      %scan3A_96 = arith.addi %scan3A_94, %scan3A_95 : i32
      %scan3A_97 = arith.constant 1 : i32
      scf.for %scan3A_99 = %scan3A_94 to %scan3A_96 step %scan3A_97  : i32 {
        %mul3A_100 = arith.constant 2 : i32
        %mul3A_101 = arith.muli %scan3A_99, %mul3A_100 : i32
        %add3A_102 = arith.constant 0 : i32
        %add3A_103 = arith.addi %add3A_102, %mul3A_101 : i32
        %dma_start3A_104 = arith.constant 0 : i32
        %dma_start3A_105 = tpu.memref_slice %arg8[%add3A_103, %dma_start3A_104] : memref<16x128xi32, #tpu.memory_space<vmem>> -> memref<1x128xi32, #tpu.memory_space<vmem>>
        %dma_start3A_106 = tpu.memref_squeeze %dma_start3A_105 : memref<1x128xi32, #tpu.memory_space<vmem>> -> memref<128xi32, #tpu.memory_space<vmem>>
        %dma_start3A_107 = arith.constant 0 : i32
        %dma_start3A_108 = arith.constant 0 : i32
        %dma_start3A_109 = tpu.memref_slice %arg2[%dma_start3A_107, %dma_start3A_108] : memref<20480x128xf32, #tpu.memory_space<hbm>> -> memref<20480x128xf32, #tpu.memory_space<hbm>>
        tpu.enqueue_indirect_dma source(%dma_start3A_109 : memref<20480x128xf32, #tpu.memory_space<hbm>>) target(%arg10 : memref<128x128xf32, #tpu.memory_space<vmem>>) offsets(%dma_start3A_106 : memref<128xi32, #tpu.memory_space<vmem>>) semaphore(%arg13 : memref<!tpu.dma_semaphore, #tpu.memory_space<semaphore_mem>>)
        %add3A_110 = arith.constant 1 : i32
        %add3A_111 = arith.addi %add3A_103, %add3A_110 : i32
        %dma_start3A_112 = arith.constant 0 : i32
        %dma_start3A_113 = tpu.memref_slice %arg8[%add3A_111, %dma_start3A_112] : memref<16x128xi32, #tpu.memory_space<vmem>> -> memref<1x128xi32, #tpu.memory_space<vmem>>
        %dma_start3A_114 = tpu.memref_squeeze %dma_start3A_113 : memref<1x128xi32, #tpu.memory_space<vmem>> -> memref<128xi32, #tpu.memory_space<vmem>>
        %dma_start3A_115 = arith.constant 0 : i32
        %dma_start3A_116 = arith.constant 0 : i32
        %dma_start3A_117 = tpu.memref_slice %arg2[%dma_start3A_115, %dma_start3A_116] : memref<20480x128xf32, #tpu.memory_space<hbm>> -> memref<20480x128xf32, #tpu.memory_space<hbm>>
        tpu.enqueue_indirect_dma source(%dma_start3A_117 : memref<20480x128xf32, #tpu.memory_space<hbm>>) target(%arg11 : memref<128x128xf32, #tpu.memory_space<vmem>>) offsets(%dma_start3A_114 : memref<128xi32, #tpu.memory_space<vmem>>) semaphore(%arg14 : memref<!tpu.dma_semaphore, #tpu.memory_space<semaphore_mem>>)
        %dma_wait3A_118 = arith.constant 0 : i32
        %dma_wait3A_119 = tpu.memref_slice %arg8[%add3A_103, %dma_wait3A_118] : memref<16x128xi32, #tpu.memory_space<vmem>> -> memref<1x128xi32, #tpu.memory_space<vmem>>
        %dma_wait3A_120 = tpu.memref_squeeze %dma_wait3A_119 : memref<1x128xi32, #tpu.memory_space<vmem>> -> memref<128xi32, #tpu.memory_space<vmem>>
        %dma_wait3A_121 = arith.constant 0 : i32
        %dma_wait3A_122 = arith.constant 0 : i32
        %dma_wait3A_123 = tpu.memref_slice %arg2[%dma_wait3A_121, %dma_wait3A_122] : memref<20480x128xf32, #tpu.memory_space<hbm>> -> memref<20480x128xf32, #tpu.memory_space<hbm>>
        tpu.wait_indirect_dma semaphore(%arg13 : memref<!tpu.dma_semaphore, #tpu.memory_space<semaphore_mem>>) src(%dma_wait3A_123 : memref<20480x128xf32, #tpu.memory_space<hbm>>) dst(%arg10 : memref<128x128xf32, #tpu.memory_space<vmem>>)
        "tpu.region"() ({
          %run_scoped3A = tpu.sem_alloc : memref<!tpu.dma_semaphore, #tpu.memory_space<semaphore_mem>>
          %dma_start3A_132 = arith.constant 0 : i32
          %dma_start3A_133 = tpu.memref_slice %arg9[%add3A_103, %dma_start3A_132] : memref<16x128xi32, #tpu.memory_space<vmem>> -> memref<1x128xi32, #tpu.memory_space<vmem>>
          %dma_start3A_134 = tpu.memref_squeeze %dma_start3A_133 : memref<1x128xi32, #tpu.memory_space<vmem>> -> memref<128xi32, #tpu.memory_space<vmem>>
          %dma_start3A_135 = arith.constant 0 : i32
          %dma_start3A_136 = arith.constant 0 : i32
          %dma_start3A_137 = tpu.memref_slice %arg12[%dma_start3A_135, %dma_start3A_136] : memref<10240x128xf32, #tpu.memory_space<vmem_shared>> -> memref<10240x128xf32, #tpu.memory_space<vmem_shared>>
          tpu.enqueue_indirect_dma source(%arg10 : memref<128x128xf32, #tpu.memory_space<vmem>>) target(%dma_start3A_137 : memref<10240x128xf32, #tpu.memory_space<vmem_shared>>) offsets(%dma_start3A_134 : memref<128xi32, #tpu.memory_space<vmem>>) semaphore(%run_scoped3A : memref<!tpu.dma_semaphore, #tpu.memory_space<semaphore_mem>>) {add = true}
          %dma_wait3A_138 = arith.constant 0 : i32
          %dma_wait3A_139 = tpu.memref_slice %arg9[%add3A_103, %dma_wait3A_138] : memref<16x128xi32, #tpu.memory_space<vmem>> -> memref<1x128xi32, #tpu.memory_space<vmem>>
          %dma_wait3A_140 = tpu.memref_squeeze %dma_wait3A_139 : memref<1x128xi32, #tpu.memory_space<vmem>> -> memref<128xi32, #tpu.memory_space<vmem>>
          %dma_wait3A_141 = arith.constant 0 : i32
          %dma_wait3A_142 = arith.constant 0 : i32
          %dma_wait3A_143 = tpu.memref_slice %arg12[%dma_wait3A_141, %dma_wait3A_142] : memref<10240x128xf32, #tpu.memory_space<vmem_shared>> -> memref<10240x128xf32, #tpu.memory_space<vmem_shared>>
          tpu.wait_indirect_dma semaphore(%run_scoped3A : memref<!tpu.dma_semaphore, #tpu.memory_space<semaphore_mem>>) src(%arg10 : memref<128x128xf32, #tpu.memory_space<vmem>>) dst(%dma_wait3A_143 : memref<10240x128xf32, #tpu.memory_space<vmem_shared>>)
          tpu.yield
        }) : () -> ()
        %dma_wait3A_124 = arith.constant 0 : i32
        %dma_wait3A_125 = tpu.memref_slice %arg8[%add3A_111, %dma_wait3A_124] : memref<16x128xi32, #tpu.memory_space<vmem>> -> memref<1x128xi32, #tpu.memory_space<vmem>>
        %dma_wait3A_126 = tpu.memref_squeeze %dma_wait3A_125 : memref<1x128xi32, #tpu.memory_space<vmem>> -> memref<128xi32, #tpu.memory_space<vmem>>
        %dma_wait3A_127 = arith.constant 0 : i32
        %dma_wait3A_128 = arith.constant 0 : i32
        %dma_wait3A_129 = tpu.memref_slice %arg2[%dma_wait3A_127, %dma_wait3A_128] : memref<20480x128xf32, #tpu.memory_space<hbm>> -> memref<20480x128xf32, #tpu.memory_space<hbm>>
        tpu.wait_indirect_dma semaphore(%arg14 : memref<!tpu.dma_semaphore, #tpu.memory_space<semaphore_mem>>) src(%dma_wait3A_129 : memref<20480x128xf32, #tpu.memory_space<hbm>>) dst(%arg11 : memref<128x128xf32, #tpu.memory_space<vmem>>)
        %add3A_130 = arith.constant 1 : i32
        %add3A_131 = arith.addi %add3A_103, %add3A_130 : i32
        "tpu.region"() ({
          %run_scoped3A = tpu.sem_alloc : memref<!tpu.dma_semaphore, #tpu.memory_space<semaphore_mem>>
          %dma_start3A_132 = arith.constant 0 : i32
          %dma_start3A_133 = tpu.memref_slice %arg9[%add3A_131, %dma_start3A_132] : memref<16x128xi32, #tpu.memory_space<vmem>> -> memref<1x128xi32, #tpu.memory_space<vmem>>
          %dma_start3A_134 = tpu.memref_squeeze %dma_start3A_133 : memref<1x128xi32, #tpu.memory_space<vmem>> -> memref<128xi32, #tpu.memory_space<vmem>>
          %dma_start3A_135 = arith.constant 0 : i32
          %dma_start3A_136 = arith.constant 0 : i32
          %dma_start3A_137 = tpu.memref_slice %arg12[%dma_start3A_135, %dma_start3A_136] : memref<10240x128xf32, #tpu.memory_space<vmem_shared>> -> memref<10240x128xf32, #tpu.memory_space<vmem_shared>>
          tpu.enqueue_indirect_dma source(%arg11 : memref<128x128xf32, #tpu.memory_space<vmem>>) target(%dma_start3A_137 : memref<10240x128xf32, #tpu.memory_space<vmem_shared>>) offsets(%dma_start3A_134 : memref<128xi32, #tpu.memory_space<vmem>>) semaphore(%run_scoped3A : memref<!tpu.dma_semaphore, #tpu.memory_space<semaphore_mem>>) {add = true}
          %dma_wait3A_138 = arith.constant 0 : i32
          %dma_wait3A_139 = tpu.memref_slice %arg9[%add3A_131, %dma_wait3A_138] : memref<16x128xi32, #tpu.memory_space<vmem>> -> memref<1x128xi32, #tpu.memory_space<vmem>>
          %dma_wait3A_140 = tpu.memref_squeeze %dma_wait3A_139 : memref<1x128xi32, #tpu.memory_space<vmem>> -> memref<128xi32, #tpu.memory_space<vmem>>
          %dma_wait3A_141 = arith.constant 0 : i32
          %dma_wait3A_142 = arith.constant 0 : i32
          %dma_wait3A_143 = tpu.memref_slice %arg12[%dma_wait3A_141, %dma_wait3A_142] : memref<10240x128xf32, #tpu.memory_space<vmem_shared>> -> memref<10240x128xf32, #tpu.memory_space<vmem_shared>>
          tpu.wait_indirect_dma semaphore(%run_scoped3A : memref<!tpu.dma_semaphore, #tpu.memory_space<semaphore_mem>>) src(%arg11 : memref<128x128xf32, #tpu.memory_space<vmem>>) dst(%dma_wait3A_143 : memref<10240x128xf32, #tpu.memory_space<vmem_shared>>)
          tpu.yield
        }) : () -> ()
      }
      %scan3A_98 = arith.constant 8 : i32
    }
    %scan3A_38 = arith.constant 5 : i32
    %barrier3A_39 = arith.constant 0 : index
    tpu.barrier barrier_id(%barrier3A_39)
    %mul3A_40 = arith.constant 640 : i32
    %mul3A_41 = arith.muli %arg1, %mul3A_40 : i32
    %mul3A_42 = arith.constant 10240 : i32
    %mul3A_43 = arith.muli %arg0, %mul3A_42 : i32
    %mul3A_44 = arith.constant 640 : i32
    %mul3A_45 = arith.muli %arg1, %mul3A_44 : i32
    %add3A_46 = arith.addi %mul3A_43, %mul3A_45 : i32
    "tpu.region"() ({
      %run_scoped3A = tpu.sem_alloc : memref<!tpu.dma_semaphore, #tpu.memory_space<semaphore_mem>>
      %dma_start3A_47 = arith.constant 0 : i32
      %dma_start3A_48 = tpu.memref_slice %arg5[%add3A_46, %dma_start3A_47] : memref<20480x128xf32, #tpu.memory_space<hbm>> -> memref<640x128xf32, #tpu.memory_space<hbm>>
      %dma_start3A_49 = arith.constant 0 : i32
      %dma_start3A_50 = tpu.memref_slice %arg12[%mul3A_41, %dma_start3A_49] : memref<10240x128xf32, #tpu.memory_space<vmem_shared>> -> memref<640x128xf32, #tpu.memory_space<vmem_shared>>
      tpu.enqueue_dma source(%dma_start3A_50 : memref<640x128xf32, #tpu.memory_space<vmem_shared>>) target(%dma_start3A_48 : memref<640x128xf32, #tpu.memory_space<hbm>>) target_semaphore(%run_scoped3A : memref<!tpu.dma_semaphore, #tpu.memory_space<semaphore_mem>>)
      %dma_wait3A = arith.constant 0 : i32
      %dma_wait3A_51 = tpu.memref_slice %arg5[%add3A_46, %dma_wait3A] : memref<20480x128xf32, #tpu.memory_space<hbm>> -> memref<640x128xf32, #tpu.memory_space<hbm>>
      %dma_wait3A_52 = arith.constant 0 : i32
      %dma_wait3A_53 = tpu.memref_slice %arg12[%mul3A_41, %dma_wait3A_52] : memref<10240x128xf32, #tpu.memory_space<vmem_shared>> -> memref<640x128xf32, #tpu.memory_space<vmem_shared>>
      tpu.wait_dma2 semaphore(%run_scoped3A : memref<!tpu.dma_semaphore, #tpu.memory_space<semaphore_mem>>) src(%dma_wait3A_53 : memref<640x128xf32, #tpu.memory_space<vmem_shared>>) dst(%dma_wait3A_51 : memref<640x128xf32, #tpu.memory_space<hbm>>)
      tpu.yield
    }) : () -> ()
    return
  }
}

#map = affine_map<(d0, d1) -> (0, 0)>
module attributes {stable_mosaic.version = 14 : i64} {
  func.func @_agg_kernel(%arg0: i32, %arg1: i32, %arg2: memref<20480x128xf32, #tpu.memory_space<hbm>>, %arg3: memref<5120x128xi32, #tpu.memory_space<hbm>>, %arg4: memref<2560x128xi32, #tpu.memory_space<hbm>>, %arg5: memref<20480x128xf32, #tpu.memory_space<hbm>>, %arg6: memref<16x128xi32, #tpu.memory_space<vmem>>, %arg7: memref<16x128xi32, #tpu.memory_space<vmem>>, %arg8: memref<16x128xi32, #tpu.memory_space<vmem>>, %arg9: memref<16x128xi32, #tpu.memory_space<vmem>>, %arg10: memref<128x128xf32, #tpu.memory_space<vmem>>, %arg11: memref<128x128xf32, #tpu.memory_space<vmem>>, %arg12: memref<10240x128xf32, #tpu.memory_space<vmem_shared>>, %arg13: memref<!tpu.dma_semaphore, #tpu.memory_space<semaphore_mem>>, %arg14: memref<!tpu.dma_semaphore, #tpu.memory_space<semaphore_mem>>, %arg15: memref<!tpu.dma_semaphore, #tpu.memory_space<semaphore_mem>>, %arg16: memref<!tpu.dma_semaphore, #tpu.memory_space<semaphore_mem>>) attributes {dimension_semantics = [#tpu.dimension_semantics<core_parallel>, #tpu.dimension_semantics<subcore_parallel>], iteration_bounds = array<i64: 2, 16>, scalar_prefetch = 0 : i64, scratch_operands = 11 : i64, tpu.core_type = #tpu.core_type<sc_vector_subcore>, window_params = [{transform_indices = #map}, {transform_indices = #map}, {transform_indices = #map}, {transform_indices = #map}]} {
    %scan3A = arith.constant 0 : i32
    %scan3A_0 = arith.constant 128 : i32
    %scan3A_1 = arith.addi %scan3A, %scan3A_0 : i32
    %scan3A_2 = arith.constant 1 : i32
    scf.for %scan3A_47 = %scan3A to %scan3A_1 step %scan3A_2  : i32 {
      %mul3A_48 = arith.constant 1 : i32
      %mul3A_49 = arith.muli %scan3A_47, %mul3A_48 : i32
      %add3A_50 = arith.constant 0 : i32
      %add3A_51 = arith.addi %add3A_50, %mul3A_49 : i32
      %broadcast_in_dim3A = arith.constant 0.000000e+00 : f32
      %broadcast_in_dim3A_52 = vector.broadcast %broadcast_in_dim3A : f32 to vector<16xf32>
      %swap3A = arith.index_cast %add3A_51 : i32 to index
      %swap3A_53 = arith.constant 0 : index
      %swap3A_54 = tpu.vector_load %arg10[%swap3A, %swap3A_53] {strides = array<i32>} : memref<128x128xf32, #tpu.memory_space<vmem>>, vector<1x16xf32>,
      %swap3A_55 = vector.shape_cast %swap3A_54 : vector<1x16xf32> to vector<16xf32>
      %swap3A_56 = vector.shape_cast %broadcast_in_dim3A_52 : vector<16xf32> to vector<1x16xf32>
      tpu.vector_store %arg10[%swap3A, %swap3A_53], %swap3A_56 {strides = array<i32>} : memref<128x128xf32, #tpu.memory_space<vmem>>, vector<1x16xf32>,
      %broadcast_in_dim3A_57 = arith.constant 0.000000e+00 : f32
      %broadcast_in_dim3A_58 = vector.broadcast %broadcast_in_dim3A_57 : f32 to vector<16xf32>
      %swap3A_59 = arith.index_cast %add3A_51 : i32 to index
      %swap3A_60 = arith.constant 16 : index
      %swap3A_61 = tpu.vector_load %arg10[%swap3A_59, %swap3A_60] {strides = array<i32>} : memref<128x128xf32, #tpu.memory_space<vmem>>, vector<1x16xf32>,
      %swap3A_62 = vector.shape_cast %swap3A_61 : vector<1x16xf32> to vector<16xf32>
      %swap3A_63 = vector.shape_cast %broadcast_in_dim3A_58 : vector<16xf32> to vector<1x16xf32>
      tpu.vector_store %arg10[%swap3A_59, %swap3A_60], %swap3A_63 {strides = array<i32>} : memref<128x128xf32, #tpu.memory_space<vmem>>, vector<1x16xf32>,
      %broadcast_in_dim3A_64 = arith.constant 0.000000e+00 : f32
      %broadcast_in_dim3A_65 = vector.broadcast %broadcast_in_dim3A_64 : f32 to vector<16xf32>
      %swap3A_66 = arith.index_cast %add3A_51 : i32 to index
      %swap3A_67 = arith.constant 32 : index
      %swap3A_68 = tpu.vector_load %arg10[%swap3A_66, %swap3A_67] {strides = array<i32>} : memref<128x128xf32, #tpu.memory_space<vmem>>, vector<1x16xf32>,
      %swap3A_69 = vector.shape_cast %swap3A_68 : vector<1x16xf32> to vector<16xf32>
      %swap3A_70 = vector.shape_cast %broadcast_in_dim3A_65 : vector<16xf32> to vector<1x16xf32>
      tpu.vector_store %arg10[%swap3A_66, %swap3A_67], %swap3A_70 {strides = array<i32>} : memref<128x128xf32, #tpu.memory_space<vmem>>, vector<1x16xf32>,
      %broadcast_in_dim3A_71 = arith.constant 0.000000e+00 : f32
      %broadcast_in_dim3A_72 = vector.broadcast %broadcast_in_dim3A_71 : f32 to vector<16xf32>
      %swap3A_73 = arith.index_cast %add3A_51 : i32 to index
      %swap3A_74 = arith.constant 48 : index
      %swap3A_75 = tpu.vector_load %arg10[%swap3A_73, %swap3A_74] {strides = array<i32>} : memref<128x128xf32, #tpu.memory_space<vmem>>, vector<1x16xf32>,
      %swap3A_76 = vector.shape_cast %swap3A_75 : vector<1x16xf32> to vector<16xf32>
      %swap3A_77 = vector.shape_cast %broadcast_in_dim3A_72 : vector<16xf32> to vector<1x16xf32>
      tpu.vector_store %arg10[%swap3A_73, %swap3A_74], %swap3A_77 {strides = array<i32>} : memref<128x128xf32, #tpu.memory_space<vmem>>, vector<1x16xf32>,
      %broadcast_in_dim3A_78 = arith.constant 0.000000e+00 : f32
      %broadcast_in_dim3A_79 = vector.broadcast %broadcast_in_dim3A_78 : f32 to vector<16xf32>
      %swap3A_80 = arith.index_cast %add3A_51 : i32 to index
      %swap3A_81 = arith.constant 64 : index
      %swap3A_82 = tpu.vector_load %arg10[%swap3A_80, %swap3A_81] {strides = array<i32>} : memref<128x128xf32, #tpu.memory_space<vmem>>, vector<1x16xf32>,
      %swap3A_83 = vector.shape_cast %swap3A_82 : vector<1x16xf32> to vector<16xf32>
      %swap3A_84 = vector.shape_cast %broadcast_in_dim3A_79 : vector<16xf32> to vector<1x16xf32>
      tpu.vector_store %arg10[%swap3A_80, %swap3A_81], %swap3A_84 {strides = array<i32>} : memref<128x128xf32, #tpu.memory_space<vmem>>, vector<1x16xf32>,
      %broadcast_in_dim3A_85 = arith.constant 0.000000e+00 : f32
      %broadcast_in_dim3A_86 = vector.broadcast %broadcast_in_dim3A_85 : f32 to vector<16xf32>
      %swap3A_87 = arith.index_cast %add3A_51 : i32 to index
      %swap3A_88 = arith.constant 80 : index
      %swap3A_89 = tpu.vector_load %arg10[%swap3A_87, %swap3A_88] {strides = array<i32>} : memref<128x128xf32, #tpu.memory_space<vmem>>, vector<1x16xf32>,
      %swap3A_90 = vector.shape_cast %swap3A_89 : vector<1x16xf32> to vector<16xf32>
      %swap3A_91 = vector.shape_cast %broadcast_in_dim3A_86 : vector<16xf32> to vector<1x16xf32>
      tpu.vector_store %arg10[%swap3A_87, %swap3A_88], %swap3A_91 {strides = array<i32>} : memref<128x128xf32, #tpu.memory_space<vmem>>, vector<1x16xf32>,
      %broadcast_in_dim3A_92 = arith.constant 0.000000e+00 : f32
      %broadcast_in_dim3A_93 = vector.broadcast %broadcast_in_dim3A_92 : f32 to vector<16xf32>
      %swap3A_94 = arith.index_cast %add3A_51 : i32 to index
      %swap3A_95 = arith.constant 96 : index
      %swap3A_96 = tpu.vector_load %arg10[%swap3A_94, %swap3A_95] {strides = array<i32>} : memref<128x128xf32, #tpu.memory_space<vmem>>, vector<1x16xf32>,
      %swap3A_97 = vector.shape_cast %swap3A_96 : vector<1x16xf32> to vector<16xf32>
      %swap3A_98 = vector.shape_cast %broadcast_in_dim3A_93 : vector<16xf32> to vector<1x16xf32>
      tpu.vector_store %arg10[%swap3A_94, %swap3A_95], %swap3A_98 {strides = array<i32>} : memref<128x128xf32, #tpu.memory_space<vmem>>, vector<1x16xf32>,
      %broadcast_in_dim3A_99 = arith.constant 0.000000e+00 : f32
      %broadcast_in_dim3A_100 = vector.broadcast %broadcast_in_dim3A_99 : f32 to vector<16xf32>
      %swap3A_101 = arith.index_cast %add3A_51 : i32 to index
      %swap3A_102 = arith.constant 112 : index
      %swap3A_103 = tpu.vector_load %arg10[%swap3A_101, %swap3A_102] {strides = array<i32>} : memref<128x128xf32, #tpu.memory_space<vmem>>, vector<1x16xf32>,
      %swap3A_104 = vector.shape_cast %swap3A_103 : vector<1x16xf32> to vector<16xf32>
      %swap3A_105 = vector.shape_cast %broadcast_in_dim3A_100 : vector<16xf32> to vector<1x16xf32>
      tpu.vector_store %arg10[%swap3A_101, %swap3A_102], %swap3A_105 {strides = array<i32>} : memref<128x128xf32, #tpu.memory_space<vmem>>, vector<1x16xf32>,
    }
    %scan3A_3 = arith.constant 128 : i32
    %mul3A = arith.constant 640 : i32
    %mul3A_4 = arith.muli %arg1, %mul3A : i32
    %add3A = arith.constant 0 : i32
    %add3A_5 = arith.addi %mul3A_4, %add3A : i32
    "tpu.region"() ({
      %run_scoped3A = tpu.sem_alloc : memref<!tpu.dma_semaphore, #tpu.memory_space<semaphore_mem>>
      %dma_start3A_47 = arith.constant 0 : i32
      %dma_start3A_48 = tpu.memref_slice %arg12[%add3A_5, %dma_start3A_47] : memref<10240x128xf32, #tpu.memory_space<vmem_shared>> -> memref<128x128xf32, #tpu.memory_space<vmem_shared>>
      %dma_start3A_49 = arith.constant 0 : i32
      %dma_start3A_50 = tpu.memref_slice %arg12[%add3A_5, %dma_start3A_49] : memref<10240x128xf32, #tpu.memory_space<vmem_shared>> -> memref<128x128xf32, #tpu.memory_space<vmem_shared>>
      tpu.enqueue_dma source(%arg10 : memref<128x128xf32, #tpu.memory_space<vmem>>) target(%dma_start3A_50 : memref<128x128xf32, #tpu.memory_space<vmem_shared>>) target_semaphore(%run_scoped3A : memref<!tpu.dma_semaphore, #tpu.memory_space<semaphore_mem>>)
      %dma_wait3A = arith.constant 0 : i32
      %dma_wait3A_51 = tpu.memref_slice %arg12[%add3A_5, %dma_wait3A] : memref<10240x128xf32, #tpu.memory_space<vmem_shared>> -> memref<128x128xf32, #tpu.memory_space<vmem_shared>>
      %dma_wait3A_52 = arith.constant 0 : i32
      %dma_wait3A_53 = tpu.memref_slice %arg12[%add3A_5, %dma_wait3A_52] : memref<10240x128xf32, #tpu.memory_space<vmem_shared>> -> memref<128x128xf32, #tpu.memory_space<vmem_shared>>
      tpu.wait_dma2 semaphore(%run_scoped3A : memref<!tpu.dma_semaphore, #tpu.memory_space<semaphore_mem>>) src(%arg10 : memref<128x128xf32, #tpu.memory_space<vmem>>) dst(%dma_wait3A_53 : memref<128x128xf32, #tpu.memory_space<vmem_shared>>)
      tpu.yield
    }) : () -> ()
    %mul3A_6 = arith.constant 640 : i32
    %mul3A_7 = arith.muli %arg1, %mul3A_6 : i32
    %add3A_8 = arith.constant 128 : i32
    %add3A_9 = arith.addi %mul3A_7, %add3A_8 : i32
    "tpu.region"() ({
      %run_scoped3A = tpu.sem_alloc : memref<!tpu.dma_semaphore, #tpu.memory_space<semaphore_mem>>
      %dma_start3A_47 = arith.constant 0 : i32
      %dma_start3A_48 = tpu.memref_slice %arg12[%add3A_9, %dma_start3A_47] : memref<10240x128xf32, #tpu.memory_space<vmem_shared>> -> memref<128x128xf32, #tpu.memory_space<vmem_shared>>
      %dma_start3A_49 = arith.constant 0 : i32
      %dma_start3A_50 = tpu.memref_slice %arg12[%add3A_9, %dma_start3A_49] : memref<10240x128xf32, #tpu.memory_space<vmem_shared>> -> memref<128x128xf32, #tpu.memory_space<vmem_shared>>
      tpu.enqueue_dma source(%arg10 : memref<128x128xf32, #tpu.memory_space<vmem>>) target(%dma_start3A_50 : memref<128x128xf32, #tpu.memory_space<vmem_shared>>) target_semaphore(%run_scoped3A : memref<!tpu.dma_semaphore, #tpu.memory_space<semaphore_mem>>)
      %dma_wait3A = arith.constant 0 : i32
      %dma_wait3A_51 = tpu.memref_slice %arg12[%add3A_9, %dma_wait3A] : memref<10240x128xf32, #tpu.memory_space<vmem_shared>> -> memref<128x128xf32, #tpu.memory_space<vmem_shared>>
      %dma_wait3A_52 = arith.constant 0 : i32
      %dma_wait3A_53 = tpu.memref_slice %arg12[%add3A_9, %dma_wait3A_52] : memref<10240x128xf32, #tpu.memory_space<vmem_shared>> -> memref<128x128xf32, #tpu.memory_space<vmem_shared>>
      tpu.wait_dma2 semaphore(%run_scoped3A : memref<!tpu.dma_semaphore, #tpu.memory_space<semaphore_mem>>) src(%arg10 : memref<128x128xf32, #tpu.memory_space<vmem>>) dst(%dma_wait3A_53 : memref<128x128xf32, #tpu.memory_space<vmem_shared>>)
      tpu.yield
    }) : () -> ()
    %mul3A_10 = arith.constant 640 : i32
    %mul3A_11 = arith.muli %arg1, %mul3A_10 : i32
    %add3A_12 = arith.constant 256 : i32
    %add3A_13 = arith.addi %mul3A_11, %add3A_12 : i32
    "tpu.region"() ({
      %run_scoped3A = tpu.sem_alloc : memref<!tpu.dma_semaphore, #tpu.memory_space<semaphore_mem>>
      %dma_start3A_47 = arith.constant 0 : i32
      %dma_start3A_48 = tpu.memref_slice %arg12[%add3A_13, %dma_start3A_47] : memref<10240x128xf32, #tpu.memory_space<vmem_shared>> -> memref<128x128xf32, #tpu.memory_space<vmem_shared>>
      %dma_start3A_49 = arith.constant 0 : i32
      %dma_start3A_50 = tpu.memref_slice %arg12[%add3A_13, %dma_start3A_49] : memref<10240x128xf32, #tpu.memory_space<vmem_shared>> -> memref<128x128xf32, #tpu.memory_space<vmem_shared>>
      tpu.enqueue_dma source(%arg10 : memref<128x128xf32, #tpu.memory_space<vmem>>) target(%dma_start3A_50 : memref<128x128xf32, #tpu.memory_space<vmem_shared>>) target_semaphore(%run_scoped3A : memref<!tpu.dma_semaphore, #tpu.memory_space<semaphore_mem>>)
      %dma_wait3A = arith.constant 0 : i32
      %dma_wait3A_51 = tpu.memref_slice %arg12[%add3A_13, %dma_wait3A] : memref<10240x128xf32, #tpu.memory_space<vmem_shared>> -> memref<128x128xf32, #tpu.memory_space<vmem_shared>>
      %dma_wait3A_52 = arith.constant 0 : i32
      %dma_wait3A_53 = tpu.memref_slice %arg12[%add3A_13, %dma_wait3A_52] : memref<10240x128xf32, #tpu.memory_space<vmem_shared>> -> memref<128x128xf32, #tpu.memory_space<vmem_shared>>
      tpu.wait_dma2 semaphore(%run_scoped3A : memref<!tpu.dma_semaphore, #tpu.memory_space<semaphore_mem>>) src(%arg10 : memref<128x128xf32, #tpu.memory_space<vmem>>) dst(%dma_wait3A_53 : memref<128x128xf32, #tpu.memory_space<vmem_shared>>)
      tpu.yield
    }) : () -> ()
    %mul3A_14 = arith.constant 640 : i32
    %mul3A_15 = arith.muli %arg1, %mul3A_14 : i32
    %add3A_16 = arith.constant 384 : i32
    %add3A_17 = arith.addi %mul3A_15, %add3A_16 : i32
    "tpu.region"() ({
      %run_scoped3A = tpu.sem_alloc : memref<!tpu.dma_semaphore, #tpu.memory_space<semaphore_mem>>
      %dma_start3A_47 = arith.constant 0 : i32
      %dma_start3A_48 = tpu.memref_slice %arg12[%add3A_17, %dma_start3A_47] : memref<10240x128xf32, #tpu.memory_space<vmem_shared>> -> memref<128x128xf32, #tpu.memory_space<vmem_shared>>
      %dma_start3A_49 = arith.constant 0 : i32
      %dma_start3A_50 = tpu.memref_slice %arg12[%add3A_17, %dma_start3A_49] : memref<10240x128xf32, #tpu.memory_space<vmem_shared>> -> memref<128x128xf32, #tpu.memory_space<vmem_shared>>
      tpu.enqueue_dma source(%arg10 : memref<128x128xf32, #tpu.memory_space<vmem>>) target(%dma_start3A_50 : memref<128x128xf32, #tpu.memory_space<vmem_shared>>) target_semaphore(%run_scoped3A : memref<!tpu.dma_semaphore, #tpu.memory_space<semaphore_mem>>)
      %dma_wait3A = arith.constant 0 : i32
      %dma_wait3A_51 = tpu.memref_slice %arg12[%add3A_17, %dma_wait3A] : memref<10240x128xf32, #tpu.memory_space<vmem_shared>> -> memref<128x128xf32, #tpu.memory_space<vmem_shared>>
      %dma_wait3A_52 = arith.constant 0 : i32
      %dma_wait3A_53 = tpu.memref_slice %arg12[%add3A_17, %dma_wait3A_52] : memref<10240x128xf32, #tpu.memory_space<vmem_shared>> -> memref<128x128xf32, #tpu.memory_space<vmem_shared>>
      tpu.wait_dma2 semaphore(%run_scoped3A : memref<!tpu.dma_semaphore, #tpu.memory_space<semaphore_mem>>) src(%arg10 : memref<128x128xf32, #tpu.memory_space<vmem>>) dst(%dma_wait3A_53 : memref<128x128xf32, #tpu.memory_space<vmem_shared>>)
      tpu.yield
    }) : () -> ()
    %mul3A_18 = arith.constant 640 : i32
    %mul3A_19 = arith.muli %arg1, %mul3A_18 : i32
    %add3A_20 = arith.constant 512 : i32
    %add3A_21 = arith.addi %mul3A_19, %add3A_20 : i32
    "tpu.region"() ({
      %run_scoped3A = tpu.sem_alloc : memref<!tpu.dma_semaphore, #tpu.memory_space<semaphore_mem>>
      %dma_start3A_47 = arith.constant 0 : i32
      %dma_start3A_48 = tpu.memref_slice %arg12[%add3A_21, %dma_start3A_47] : memref<10240x128xf32, #tpu.memory_space<vmem_shared>> -> memref<128x128xf32, #tpu.memory_space<vmem_shared>>
      %dma_start3A_49 = arith.constant 0 : i32
      %dma_start3A_50 = tpu.memref_slice %arg12[%add3A_21, %dma_start3A_49] : memref<10240x128xf32, #tpu.memory_space<vmem_shared>> -> memref<128x128xf32, #tpu.memory_space<vmem_shared>>
      tpu.enqueue_dma source(%arg10 : memref<128x128xf32, #tpu.memory_space<vmem>>) target(%dma_start3A_50 : memref<128x128xf32, #tpu.memory_space<vmem_shared>>) target_semaphore(%run_scoped3A : memref<!tpu.dma_semaphore, #tpu.memory_space<semaphore_mem>>)
      %dma_wait3A = arith.constant 0 : i32
      %dma_wait3A_51 = tpu.memref_slice %arg12[%add3A_21, %dma_wait3A] : memref<10240x128xf32, #tpu.memory_space<vmem_shared>> -> memref<128x128xf32, #tpu.memory_space<vmem_shared>>
      %dma_wait3A_52 = arith.constant 0 : i32
      %dma_wait3A_53 = tpu.memref_slice %arg12[%add3A_21, %dma_wait3A_52] : memref<10240x128xf32, #tpu.memory_space<vmem_shared>> -> memref<128x128xf32, #tpu.memory_space<vmem_shared>>
      tpu.wait_dma2 semaphore(%run_scoped3A : memref<!tpu.dma_semaphore, #tpu.memory_space<semaphore_mem>>) src(%arg10 : memref<128x128xf32, #tpu.memory_space<vmem>>) dst(%dma_wait3A_53 : memref<128x128xf32, #tpu.memory_space<vmem_shared>>)
      tpu.yield
    }) : () -> ()
    %barrier3A = arith.constant 0 : index
    tpu.barrier barrier_id(%barrier3A)
    %mul3A_22 = arith.constant 160 : i32
    %mul3A_23 = arith.muli %arg1, %mul3A_22 : i32
    %mul3A_24 = arith.constant 2560 : i32
    %mul3A_25 = arith.muli %arg0, %mul3A_24 : i32
    %add3A_26 = arith.addi %mul3A_25, %mul3A_23 : i32
    %dma_start3A = arith.constant 0 : i32
    %dma_start3A_27 = tpu.memref_slice %arg3[%add3A_26, %dma_start3A] : memref<5120x128xi32, #tpu.memory_space<hbm>> -> memref<16x128xi32, #tpu.memory_space<hbm>>
    %dma_start3A_28 = arith.constant 0 : i32
    %dma_start3A_29 = tpu.memref_slice %arg3[%add3A_26, %dma_start3A_28] : memref<5120x128xi32, #tpu.memory_space<hbm>> -> memref<16x128xi32, #tpu.memory_space<hbm>>
    tpu.enqueue_dma source(%dma_start3A_29 : memref<16x128xi32, #tpu.memory_space<hbm>>) target(%arg6 : memref<16x128xi32, #tpu.memory_space<vmem>>) target_semaphore(%arg15 : memref<!tpu.dma_semaphore, #tpu.memory_space<semaphore_mem>>)
    %dma_start3A_30 = arith.constant 0 : i32
    %dma_start3A_31 = tpu.memref_slice %arg4[%mul3A_23, %dma_start3A_30] : memref<2560x128xi32, #tpu.memory_space<hbm>> -> memref<16x128xi32, #tpu.memory_space<hbm>>
    %dma_start3A_32 = arith.constant 0 : i32
    %dma_start3A_33 = tpu.memref_slice %arg4[%mul3A_23, %dma_start3A_32] : memref<2560x128xi32, #tpu.memory_space<hbm>> -> memref<16x128xi32, #tpu.memory_space<hbm>>
    tpu.enqueue_dma source(%dma_start3A_33 : memref<16x128xi32, #tpu.memory_space<hbm>>) target(%arg7 : memref<16x128xi32, #tpu.memory_space<vmem>>) target_semaphore(%arg15 : memref<!tpu.dma_semaphore, #tpu.memory_space<semaphore_mem>>)
    %scan3A_34 = arith.constant 0 : i32
    %scan3A_35 = arith.constant 5 : i32
    %scan3A_36 = arith.addi %scan3A_34, %scan3A_35 : i32
    %scan3A_37 = arith.constant 1 : i32
    scf.for %scan3A_47 = %scan3A_34 to %scan3A_36 step %scan3A_37  : i32 {
      %mul3A_48 = arith.constant 2 : i32
      %mul3A_49 = arith.muli %scan3A_47, %mul3A_48 : i32
      %add3A_50 = arith.constant 0 : i32
      %add3A_51 = arith.addi %add3A_50, %mul3A_49 : i32
      %mul3A_52 = arith.constant 160 : i32
      %mul3A_53 = arith.muli %arg1, %mul3A_52 : i32
      %add3A_54 = arith.constant 1 : i32
      %add3A_55 = arith.addi %add3A_51, %add3A_54 : i32
      %mul3A_56 = arith.constant 16 : i32
      %mul3A_57 = arith.muli %add3A_55, %mul3A_56 : i32
      %add3A_58 = arith.addi %mul3A_53, %mul3A_57 : i32
      %mul3A_59 = arith.constant 2560 : i32
      %mul3A_60 = arith.muli %arg0, %mul3A_59 : i32
      %add3A_61 = arith.addi %mul3A_60, %add3A_58 : i32
      %dma_start3A_62 = arith.constant 0 : i32
      %dma_start3A_63 = tpu.memref_slice %arg3[%add3A_61, %dma_start3A_62] : memref<5120x128xi32, #tpu.memory_space<hbm>> -> memref<16x128xi32, #tpu.memory_space<hbm>>
      %dma_start3A_64 = arith.constant 0 : i32
      %dma_start3A_65 = tpu.memref_slice %arg3[%add3A_61, %dma_start3A_64] : memref<5120x128xi32, #tpu.memory_space<hbm>> -> memref<16x128xi32, #tpu.memory_space<hbm>>
      tpu.enqueue_dma source(%dma_start3A_65 : memref<16x128xi32, #tpu.memory_space<hbm>>) target(%arg8 : memref<16x128xi32, #tpu.memory_space<vmem>>) target_semaphore(%arg16 : memref<!tpu.dma_semaphore, #tpu.memory_space<semaphore_mem>>)
      %dma_start3A_66 = arith.constant 0 : i32
      %dma_start3A_67 = tpu.memref_slice %arg4[%add3A_58, %dma_start3A_66] : memref<2560x128xi32, #tpu.memory_space<hbm>> -> memref<16x128xi32, #tpu.memory_space<hbm>>
      %dma_start3A_68 = arith.constant 0 : i32
      %dma_start3A_69 = tpu.memref_slice %arg4[%add3A_58, %dma_start3A_68] : memref<2560x128xi32, #tpu.memory_space<hbm>> -> memref<16x128xi32, #tpu.memory_space<hbm>>
      tpu.enqueue_dma source(%dma_start3A_69 : memref<16x128xi32, #tpu.memory_space<hbm>>) target(%arg9 : memref<16x128xi32, #tpu.memory_space<vmem>>) target_semaphore(%arg16 : memref<!tpu.dma_semaphore, #tpu.memory_space<semaphore_mem>>)
      %dma_wait3A = arith.constant 0 : i32
      %dma_wait3A_70 = tpu.memref_slice %arg4[%add3A_58, %dma_wait3A] : memref<2560x128xi32, #tpu.memory_space<hbm>> -> memref<16x128xi32, #tpu.memory_space<hbm>>
      %dma_wait3A_71 = arith.constant 0 : i32
      %dma_wait3A_72 = tpu.memref_slice %arg4[%add3A_58, %dma_wait3A_71] : memref<2560x128xi32, #tpu.memory_space<hbm>> -> memref<16x128xi32, #tpu.memory_space<hbm>>
      tpu.wait_dma2 semaphore(%arg15 : memref<!tpu.dma_semaphore, #tpu.memory_space<semaphore_mem>>) src(%dma_wait3A_72 : memref<16x128xi32, #tpu.memory_space<hbm>>) dst(%arg6 : memref<16x128xi32, #tpu.memory_space<vmem>>)
      %dma_wait3A_73 = arith.constant 0 : i32
      %dma_wait3A_74 = tpu.memref_slice %arg4[%add3A_58, %dma_wait3A_73] : memref<2560x128xi32, #tpu.memory_space<hbm>> -> memref<16x128xi32, #tpu.memory_space<hbm>>
      %dma_wait3A_75 = arith.constant 0 : i32
      %dma_wait3A_76 = tpu.memref_slice %arg4[%add3A_58, %dma_wait3A_75] : memref<2560x128xi32, #tpu.memory_space<hbm>> -> memref<16x128xi32, #tpu.memory_space<hbm>>
      tpu.wait_dma2 semaphore(%arg15 : memref<!tpu.dma_semaphore, #tpu.memory_space<semaphore_mem>>) src(%dma_wait3A_76 : memref<16x128xi32, #tpu.memory_space<hbm>>) dst(%arg7 : memref<16x128xi32, #tpu.memory_space<vmem>>)
      %scan3A_77 = arith.constant 0 : i32
      %scan3A_78 = arith.constant 8 : i32
      %scan3A_79 = arith.addi %scan3A_77, %scan3A_78 : i32
      %scan3A_80 = arith.constant 1 : i32
      scf.for %scan3A_99 = %scan3A_77 to %scan3A_79 step %scan3A_80  : i32 {
        %mul3A_100 = arith.constant 2 : i32
        %mul3A_101 = arith.muli %scan3A_99, %mul3A_100 : i32
        %add3A_102 = arith.constant 0 : i32
        %add3A_103 = arith.addi %add3A_102, %mul3A_101 : i32
        %dma_start3A_104 = arith.constant 0 : i32
        %dma_start3A_105 = tpu.memref_slice %arg6[%add3A_103, %dma_start3A_104] : memref<16x128xi32, #tpu.memory_space<vmem>> -> memref<1x128xi32, #tpu.memory_space<vmem>>
        %dma_start3A_106 = tpu.memref_squeeze %dma_start3A_105 : memref<1x128xi32, #tpu.memory_space<vmem>> -> memref<128xi32, #tpu.memory_space<vmem>>
        %dma_start3A_107 = arith.constant 0 : i32
        %dma_start3A_108 = arith.constant 0 : i32
        %dma_start3A_109 = tpu.memref_slice %arg2[%dma_start3A_107, %dma_start3A_108] : memref<20480x128xf32, #tpu.memory_space<hbm>> -> memref<20480x128xf32, #tpu.memory_space<hbm>>
        tpu.enqueue_indirect_dma source(%dma_start3A_109 : memref<20480x128xf32, #tpu.memory_space<hbm>>) target(%arg10 : memref<128x128xf32, #tpu.memory_space<vmem>>) offsets(%dma_start3A_106 : memref<128xi32, #tpu.memory_space<vmem>>) semaphore(%arg13 : memref<!tpu.dma_semaphore, #tpu.memory_space<semaphore_mem>>)
        %add3A_110 = arith.constant 1 : i32
        %add3A_111 = arith.addi %add3A_103, %add3A_110 : i32
        %dma_start3A_112 = arith.constant 0 : i32
        %dma_start3A_113 = tpu.memref_slice %arg6[%add3A_111, %dma_start3A_112] : memref<16x128xi32, #tpu.memory_space<vmem>> -> memref<1x128xi32, #tpu.memory_space<vmem>>
        %dma_start3A_114 = tpu.memref_squeeze %dma_start3A_113 : memref<1x128xi32, #tpu.memory_space<vmem>> -> memref<128xi32, #tpu.memory_space<vmem>>
        %dma_start3A_115 = arith.constant 0 : i32
        %dma_start3A_116 = arith.constant 0 : i32
        %dma_start3A_117 = tpu.memref_slice %arg2[%dma_start3A_115, %dma_start3A_116] : memref<20480x128xf32, #tpu.memory_space<hbm>> -> memref<20480x128xf32, #tpu.memory_space<hbm>>
        tpu.enqueue_indirect_dma source(%dma_start3A_117 : memref<20480x128xf32, #tpu.memory_space<hbm>>) target(%arg11 : memref<128x128xf32, #tpu.memory_space<vmem>>) offsets(%dma_start3A_114 : memref<128xi32, #tpu.memory_space<vmem>>) semaphore(%arg14 : memref<!tpu.dma_semaphore, #tpu.memory_space<semaphore_mem>>)
        %dma_wait3A_118 = arith.constant 0 : i32
        %dma_wait3A_119 = tpu.memref_slice %arg6[%add3A_103, %dma_wait3A_118] : memref<16x128xi32, #tpu.memory_space<vmem>> -> memref<1x128xi32, #tpu.memory_space<vmem>>
        %dma_wait3A_120 = tpu.memref_squeeze %dma_wait3A_119 : memref<1x128xi32, #tpu.memory_space<vmem>> -> memref<128xi32, #tpu.memory_space<vmem>>
        %dma_wait3A_121 = arith.constant 0 : i32
        %dma_wait3A_122 = arith.constant 0 : i32
        %dma_wait3A_123 = tpu.memref_slice %arg2[%dma_wait3A_121, %dma_wait3A_122] : memref<20480x128xf32, #tpu.memory_space<hbm>> -> memref<20480x128xf32, #tpu.memory_space<hbm>>
        tpu.wait_indirect_dma semaphore(%arg13 : memref<!tpu.dma_semaphore, #tpu.memory_space<semaphore_mem>>) src(%dma_wait3A_123 : memref<20480x128xf32, #tpu.memory_space<hbm>>) dst(%arg10 : memref<128x128xf32, #tpu.memory_space<vmem>>)
        "tpu.region"() ({
          %run_scoped3A = tpu.sem_alloc : memref<!tpu.dma_semaphore, #tpu.memory_space<semaphore_mem>>
          %dma_start3A_132 = arith.constant 0 : i32
          %dma_start3A_133 = tpu.memref_slice %arg7[%add3A_103, %dma_start3A_132] : memref<16x128xi32, #tpu.memory_space<vmem>> -> memref<1x128xi32, #tpu.memory_space<vmem>>
          %dma_start3A_134 = tpu.memref_squeeze %dma_start3A_133 : memref<1x128xi32, #tpu.memory_space<vmem>> -> memref<128xi32, #tpu.memory_space<vmem>>
          %dma_start3A_135 = arith.constant 0 : i32
          %dma_start3A_136 = arith.constant 0 : i32
          %dma_start3A_137 = tpu.memref_slice %arg12[%dma_start3A_135, %dma_start3A_136] : memref<10240x128xf32, #tpu.memory_space<vmem_shared>> -> memref<10240x128xf32, #tpu.memory_space<vmem_shared>>
          tpu.enqueue_indirect_dma source(%arg10 : memref<128x128xf32, #tpu.memory_space<vmem>>) target(%dma_start3A_137 : memref<10240x128xf32, #tpu.memory_space<vmem_shared>>) offsets(%dma_start3A_134 : memref<128xi32, #tpu.memory_space<vmem>>) semaphore(%run_scoped3A : memref<!tpu.dma_semaphore, #tpu.memory_space<semaphore_mem>>) {add = true}
          %dma_wait3A_138 = arith.constant 0 : i32
          %dma_wait3A_139 = tpu.memref_slice %arg7[%add3A_103, %dma_wait3A_138] : memref<16x128xi32, #tpu.memory_space<vmem>> -> memref<1x128xi32, #tpu.memory_space<vmem>>
          %dma_wait3A_140 = tpu.memref_squeeze %dma_wait3A_139 : memref<1x128xi32, #tpu.memory_space<vmem>> -> memref<128xi32, #tpu.memory_space<vmem>>
          %dma_wait3A_141 = arith.constant 0 : i32
          %dma_wait3A_142 = arith.constant 0 : i32
          %dma_wait3A_143 = tpu.memref_slice %arg12[%dma_wait3A_141, %dma_wait3A_142] : memref<10240x128xf32, #tpu.memory_space<vmem_shared>> -> memref<10240x128xf32, #tpu.memory_space<vmem_shared>>
          tpu.wait_indirect_dma semaphore(%run_scoped3A : memref<!tpu.dma_semaphore, #tpu.memory_space<semaphore_mem>>) src(%arg10 : memref<128x128xf32, #tpu.memory_space<vmem>>) dst(%dma_wait3A_143 : memref<10240x128xf32, #tpu.memory_space<vmem_shared>>)
          tpu.yield
        }) : () -> ()
        %dma_wait3A_124 = arith.constant 0 : i32
        %dma_wait3A_125 = tpu.memref_slice %arg6[%add3A_111, %dma_wait3A_124] : memref<16x128xi32, #tpu.memory_space<vmem>> -> memref<1x128xi32, #tpu.memory_space<vmem>>
        %dma_wait3A_126 = tpu.memref_squeeze %dma_wait3A_125 : memref<1x128xi32, #tpu.memory_space<vmem>> -> memref<128xi32, #tpu.memory_space<vmem>>
        %dma_wait3A_127 = arith.constant 0 : i32
        %dma_wait3A_128 = arith.constant 0 : i32
        %dma_wait3A_129 = tpu.memref_slice %arg2[%dma_wait3A_127, %dma_wait3A_128] : memref<20480x128xf32, #tpu.memory_space<hbm>> -> memref<20480x128xf32, #tpu.memory_space<hbm>>
        tpu.wait_indirect_dma semaphore(%arg14 : memref<!tpu.dma_semaphore, #tpu.memory_space<semaphore_mem>>) src(%dma_wait3A_129 : memref<20480x128xf32, #tpu.memory_space<hbm>>) dst(%arg11 : memref<128x128xf32, #tpu.memory_space<vmem>>)
        %add3A_130 = arith.constant 1 : i32
        %add3A_131 = arith.addi %add3A_103, %add3A_130 : i32
        "tpu.region"() ({
          %run_scoped3A = tpu.sem_alloc : memref<!tpu.dma_semaphore, #tpu.memory_space<semaphore_mem>>
          %dma_start3A_132 = arith.constant 0 : i32
          %dma_start3A_133 = tpu.memref_slice %arg7[%add3A_131, %dma_start3A_132] : memref<16x128xi32, #tpu.memory_space<vmem>> -> memref<1x128xi32, #tpu.memory_space<vmem>>
          %dma_start3A_134 = tpu.memref_squeeze %dma_start3A_133 : memref<1x128xi32, #tpu.memory_space<vmem>> -> memref<128xi32, #tpu.memory_space<vmem>>
          %dma_start3A_135 = arith.constant 0 : i32
          %dma_start3A_136 = arith.constant 0 : i32
          %dma_start3A_137 = tpu.memref_slice %arg12[%dma_start3A_135, %dma_start3A_136] : memref<10240x128xf32, #tpu.memory_space<vmem_shared>> -> memref<10240x128xf32, #tpu.memory_space<vmem_shared>>
          tpu.enqueue_indirect_dma source(%arg11 : memref<128x128xf32, #tpu.memory_space<vmem>>) target(%dma_start3A_137 : memref<10240x128xf32, #tpu.memory_space<vmem_shared>>) offsets(%dma_start3A_134 : memref<128xi32, #tpu.memory_space<vmem>>) semaphore(%run_scoped3A : memref<!tpu.dma_semaphore, #tpu.memory_space<semaphore_mem>>) {add = true}
          %dma_wait3A_138 = arith.constant 0 : i32
          %dma_wait3A_139 = tpu.memref_slice %arg7[%add3A_131, %dma_wait3A_138] : memref<16x128xi32, #tpu.memory_space<vmem>> -> memref<1x128xi32, #tpu.memory_space<vmem>>
          %dma_wait3A_140 = tpu.memref_squeeze %dma_wait3A_139 : memref<1x128xi32, #tpu.memory_space<vmem>> -> memref<128xi32, #tpu.memory_space<vmem>>
          %dma_wait3A_141 = arith.constant 0 : i32
          %dma_wait3A_142 = arith.constant 0 : i32
          %dma_wait3A_143 = tpu.memref_slice %arg12[%dma_wait3A_141, %dma_wait3A_142] : memref<10240x128xf32, #tpu.memory_space<vmem_shared>> -> memref<10240x128xf32, #tpu.memory_space<vmem_shared>>
          tpu.wait_indirect_dma semaphore(%run_scoped3A : memref<!tpu.dma_semaphore, #tpu.memory_space<semaphore_mem>>) src(%arg11 : memref<128x128xf32, #tpu.memory_space<vmem>>) dst(%dma_wait3A_143 : memref<10240x128xf32, #tpu.memory_space<vmem_shared>>)
          tpu.yield
        }) : () -> ()
      }
      %scan3A_81 = arith.constant 8 : i32
      %add3A_82 = arith.constant 2 : i32
      %add3A_83 = arith.addi %add3A_51, %add3A_82 : i32
      %lt3A = arith.constant 10 : i32
      %lt3A_84 = arith.cmpi slt, %add3A_83, %lt3A : i32
      %convert_element_type3A = arith.extui %lt3A_84 : i1 to i32
      %cond3A = arith.constant 0 : i32
      %cond3A_85 = arith.cmpi ne, %convert_element_type3A, %cond3A : i32
      scf.if %cond3A_85 {
        %mul3A_99 = arith.constant 160 : i32
        %mul3A_100 = arith.muli %arg1, %mul3A_99 : i32
        %add3A_101 = arith.constant 2 : i32
        %add3A_102 = arith.addi %add3A_51, %add3A_101 : i32
        %mul3A_103 = arith.constant 16 : i32
        %mul3A_104 = arith.muli %add3A_102, %mul3A_103 : i32
        %add3A_105 = arith.addi %mul3A_100, %mul3A_104 : i32
        %mul3A_106 = arith.constant 2560 : i32
        %mul3A_107 = arith.muli %arg0, %mul3A_106 : i32
        %add3A_108 = arith.addi %mul3A_107, %add3A_105 : i32
        %dma_start3A_109 = arith.constant 0 : i32
        %dma_start3A_110 = tpu.memref_slice %arg3[%add3A_108, %dma_start3A_109] : memref<5120x128xi32, #tpu.memory_space<hbm>> -> memref<16x128xi32, #tpu.memory_space<hbm>>
        %dma_start3A_111 = arith.constant 0 : i32
        %dma_start3A_112 = tpu.memref_slice %arg3[%add3A_108, %dma_start3A_111] : memref<5120x128xi32, #tpu.memory_space<hbm>> -> memref<16x128xi32, #tpu.memory_space<hbm>>
        tpu.enqueue_dma source(%dma_start3A_112 : memref<16x128xi32, #tpu.memory_space<hbm>>) target(%arg6 : memref<16x128xi32, #tpu.memory_space<vmem>>) target_semaphore(%arg15 : memref<!tpu.dma_semaphore, #tpu.memory_space<semaphore_mem>>)
        %dma_start3A_113 = arith.constant 0 : i32
        %dma_start3A_114 = tpu.memref_slice %arg4[%add3A_105, %dma_start3A_113] : memref<2560x128xi32, #tpu.memory_space<hbm>> -> memref<16x128xi32, #tpu.memory_space<hbm>>
        %dma_start3A_115 = arith.constant 0 : i32
        %dma_start3A_116 = tpu.memref_slice %arg4[%add3A_105, %dma_start3A_115] : memref<2560x128xi32, #tpu.memory_space<hbm>> -> memref<16x128xi32, #tpu.memory_space<hbm>>
        tpu.enqueue_dma source(%dma_start3A_116 : memref<16x128xi32, #tpu.memory_space<hbm>>) target(%arg7 : memref<16x128xi32, #tpu.memory_space<vmem>>) target_semaphore(%arg15 : memref<!tpu.dma_semaphore, #tpu.memory_space<semaphore_mem>>)
      } else {
      }
      %dma_wait3A_86 = arith.constant 0 : i32
      %dma_wait3A_87 = tpu.memref_slice %arg4[%add3A_58, %dma_wait3A_86] : memref<2560x128xi32, #tpu.memory_space<hbm>> -> memref<16x128xi32, #tpu.memory_space<hbm>>
      %dma_wait3A_88 = arith.constant 0 : i32
      %dma_wait3A_89 = tpu.memref_slice %arg4[%add3A_58, %dma_wait3A_88] : memref<2560x128xi32, #tpu.memory_space<hbm>> -> memref<16x128xi32, #tpu.memory_space<hbm>>
      tpu.wait_dma2 semaphore(%arg16 : memref<!tpu.dma_semaphore, #tpu.memory_space<semaphore_mem>>) src(%dma_wait3A_89 : memref<16x128xi32, #tpu.memory_space<hbm>>) dst(%arg8 : memref<16x128xi32, #tpu.memory_space<vmem>>)
      %dma_wait3A_90 = arith.constant 0 : i32
      %dma_wait3A_91 = tpu.memref_slice %arg4[%add3A_58, %dma_wait3A_90] : memref<2560x128xi32, #tpu.memory_space<hbm>> -> memref<16x128xi32, #tpu.memory_space<hbm>>
      %dma_wait3A_92 = arith.constant 0 : i32
      %dma_wait3A_93 = tpu.memref_slice %arg4[%add3A_58, %dma_wait3A_92] : memref<2560x128xi32, #tpu.memory_space<hbm>> -> memref<16x128xi32, #tpu.memory_space<hbm>>
      tpu.wait_dma2 semaphore(%arg16 : memref<!tpu.dma_semaphore, #tpu.memory_space<semaphore_mem>>) src(%dma_wait3A_93 : memref<16x128xi32, #tpu.memory_space<hbm>>) dst(%arg9 : memref<16x128xi32, #tpu.memory_space<vmem>>)
      %scan3A_94 = arith.constant 0 : i32
      %scan3A_95 = arith.constant 8 : i32
      %scan3A_96 = arith.addi %scan3A_94, %scan3A_95 : i32
      %scan3A_97 = arith.constant 1 : i32
      scf.for %scan3A_99 = %scan3A_94 to %scan3A_96 step %scan3A_97  : i32 {
        %mul3A_100 = arith.constant 2 : i32
        %mul3A_101 = arith.muli %scan3A_99, %mul3A_100 : i32
        %add3A_102 = arith.constant 0 : i32
        %add3A_103 = arith.addi %add3A_102, %mul3A_101 : i32
        %dma_start3A_104 = arith.constant 0 : i32
        %dma_start3A_105 = tpu.memref_slice %arg8[%add3A_103, %dma_start3A_104] : memref<16x128xi32, #tpu.memory_space<vmem>> -> memref<1x128xi32, #tpu.memory_space<vmem>>
        %dma_start3A_106 = tpu.memref_squeeze %dma_start3A_105 : memref<1x128xi32, #tpu.memory_space<vmem>> -> memref<128xi32, #tpu.memory_space<vmem>>
        %dma_start3A_107 = arith.constant 0 : i32
        %dma_start3A_108 = arith.constant 0 : i32
        %dma_start3A_109 = tpu.memref_slice %arg2[%dma_start3A_107, %dma_start3A_108] : memref<20480x128xf32, #tpu.memory_space<hbm>> -> memref<20480x128xf32, #tpu.memory_space<hbm>>
        tpu.enqueue_indirect_dma source(%dma_start3A_109 : memref<20480x128xf32, #tpu.memory_space<hbm>>) target(%arg10 : memref<128x128xf32, #tpu.memory_space<vmem>>) offsets(%dma_start3A_106 : memref<128xi32, #tpu.memory_space<vmem>>) semaphore(%arg13 : memref<!tpu.dma_semaphore, #tpu.memory_space<semaphore_mem>>)
        %add3A_110 = arith.constant 1 : i32
        %add3A_111 = arith.addi %add3A_103, %add3A_110 : i32
        %dma_start3A_112 = arith.constant 0 : i32
        %dma_start3A_113 = tpu.memref_slice %arg8[%add3A_111, %dma_start3A_112] : memref<16x128xi32, #tpu.memory_space<vmem>> -> memref<1x128xi32, #tpu.memory_space<vmem>>
        %dma_start3A_114 = tpu.memref_squeeze %dma_start3A_113 : memref<1x128xi32, #tpu.memory_space<vmem>> -> memref<128xi32, #tpu.memory_space<vmem>>
        %dma_start3A_115 = arith.constant 0 : i32
        %dma_start3A_116 = arith.constant 0 : i32
        %dma_start3A_117 = tpu.memref_slice %arg2[%dma_start3A_115, %dma_start3A_116] : memref<20480x128xf32, #tpu.memory_space<hbm>> -> memref<20480x128xf32, #tpu.memory_space<hbm>>
        tpu.enqueue_indirect_dma source(%dma_start3A_117 : memref<20480x128xf32, #tpu.memory_space<hbm>>) target(%arg11 : memref<128x128xf32, #tpu.memory_space<vmem>>) offsets(%dma_start3A_114 : memref<128xi32, #tpu.memory_space<vmem>>) semaphore(%arg14 : memref<!tpu.dma_semaphore, #tpu.memory_space<semaphore_mem>>)
        %dma_wait3A_118 = arith.constant 0 : i32
        %dma_wait3A_119 = tpu.memref_slice %arg8[%add3A_103, %dma_wait3A_118] : memref<16x128xi32, #tpu.memory_space<vmem>> -> memref<1x128xi32, #tpu.memory_space<vmem>>
        %dma_wait3A_120 = tpu.memref_squeeze %dma_wait3A_119 : memref<1x128xi32, #tpu.memory_space<vmem>> -> memref<128xi32, #tpu.memory_space<vmem>>
        %dma_wait3A_121 = arith.constant 0 : i32
        %dma_wait3A_122 = arith.constant 0 : i32
        %dma_wait3A_123 = tpu.memref_slice %arg2[%dma_wait3A_121, %dma_wait3A_122] : memref<20480x128xf32, #tpu.memory_space<hbm>> -> memref<20480x128xf32, #tpu.memory_space<hbm>>
        tpu.wait_indirect_dma semaphore(%arg13 : memref<!tpu.dma_semaphore, #tpu.memory_space<semaphore_mem>>) src(%dma_wait3A_123 : memref<20480x128xf32, #tpu.memory_space<hbm>>) dst(%arg10 : memref<128x128xf32, #tpu.memory_space<vmem>>)
        "tpu.region"() ({
          %run_scoped3A = tpu.sem_alloc : memref<!tpu.dma_semaphore, #tpu.memory_space<semaphore_mem>>
          %dma_start3A_132 = arith.constant 0 : i32
          %dma_start3A_133 = tpu.memref_slice %arg9[%add3A_103, %dma_start3A_132] : memref<16x128xi32, #tpu.memory_space<vmem>> -> memref<1x128xi32, #tpu.memory_space<vmem>>
          %dma_start3A_134 = tpu.memref_squeeze %dma_start3A_133 : memref<1x128xi32, #tpu.memory_space<vmem>> -> memref<128xi32, #tpu.memory_space<vmem>>
          %dma_start3A_135 = arith.constant 0 : i32
          %dma_start3A_136 = arith.constant 0 : i32
          %dma_start3A_137 = tpu.memref_slice %arg12[%dma_start3A_135, %dma_start3A_136] : memref<10240x128xf32, #tpu.memory_space<vmem_shared>> -> memref<10240x128xf32, #tpu.memory_space<vmem_shared>>
          tpu.enqueue_indirect_dma source(%arg10 : memref<128x128xf32, #tpu.memory_space<vmem>>) target(%dma_start3A_137 : memref<10240x128xf32, #tpu.memory_space<vmem_shared>>) offsets(%dma_start3A_134 : memref<128xi32, #tpu.memory_space<vmem>>) semaphore(%run_scoped3A : memref<!tpu.dma_semaphore, #tpu.memory_space<semaphore_mem>>) {add = true}
          %dma_wait3A_138 = arith.constant 0 : i32
          %dma_wait3A_139 = tpu.memref_slice %arg9[%add3A_103, %dma_wait3A_138] : memref<16x128xi32, #tpu.memory_space<vmem>> -> memref<1x128xi32, #tpu.memory_space<vmem>>
          %dma_wait3A_140 = tpu.memref_squeeze %dma_wait3A_139 : memref<1x128xi32, #tpu.memory_space<vmem>> -> memref<128xi32, #tpu.memory_space<vmem>>
          %dma_wait3A_141 = arith.constant 0 : i32
          %dma_wait3A_142 = arith.constant 0 : i32
          %dma_wait3A_143 = tpu.memref_slice %arg12[%dma_wait3A_141, %dma_wait3A_142] : memref<10240x128xf32, #tpu.memory_space<vmem_shared>> -> memref<10240x128xf32, #tpu.memory_space<vmem_shared>>
          tpu.wait_indirect_dma semaphore(%run_scoped3A : memref<!tpu.dma_semaphore, #tpu.memory_space<semaphore_mem>>) src(%arg10 : memref<128x128xf32, #tpu.memory_space<vmem>>) dst(%dma_wait3A_143 : memref<10240x128xf32, #tpu.memory_space<vmem_shared>>)
          tpu.yield
        }) : () -> ()
        %dma_wait3A_124 = arith.constant 0 : i32
        %dma_wait3A_125 = tpu.memref_slice %arg8[%add3A_111, %dma_wait3A_124] : memref<16x128xi32, #tpu.memory_space<vmem>> -> memref<1x128xi32, #tpu.memory_space<vmem>>
        %dma_wait3A_126 = tpu.memref_squeeze %dma_wait3A_125 : memref<1x128xi32, #tpu.memory_space<vmem>> -> memref<128xi32, #tpu.memory_space<vmem>>
        %dma_wait3A_127 = arith.constant 0 : i32
        %dma_wait3A_128 = arith.constant 0 : i32
        %dma_wait3A_129 = tpu.memref_slice %arg2[%dma_wait3A_127, %dma_wait3A_128] : memref<20480x128xf32, #tpu.memory_space<hbm>> -> memref<20480x128xf32, #tpu.memory_space<hbm>>
        tpu.wait_indirect_dma semaphore(%arg14 : memref<!tpu.dma_semaphore, #tpu.memory_space<semaphore_mem>>) src(%dma_wait3A_129 : memref<20480x128xf32, #tpu.memory_space<hbm>>) dst(%arg11 : memref<128x128xf32, #tpu.memory_space<vmem>>)
        %add3A_130 = arith.constant 1 : i32
        %add3A_131 = arith.addi %add3A_103, %add3A_130 : i32
        "tpu.region"() ({
          %run_scoped3A = tpu.sem_alloc : memref<!tpu.dma_semaphore, #tpu.memory_space<semaphore_mem>>
          %dma_start3A_132 = arith.constant 0 : i32
          %dma_start3A_133 = tpu.memref_slice %arg9[%add3A_131, %dma_start3A_132] : memref<16x128xi32, #tpu.memory_space<vmem>> -> memref<1x128xi32, #tpu.memory_space<vmem>>
          %dma_start3A_134 = tpu.memref_squeeze %dma_start3A_133 : memref<1x128xi32, #tpu.memory_space<vmem>> -> memref<128xi32, #tpu.memory_space<vmem>>
          %dma_start3A_135 = arith.constant 0 : i32
          %dma_start3A_136 = arith.constant 0 : i32
          %dma_start3A_137 = tpu.memref_slice %arg12[%dma_start3A_135, %dma_start3A_136] : memref<10240x128xf32, #tpu.memory_space<vmem_shared>> -> memref<10240x128xf32, #tpu.memory_space<vmem_shared>>
          tpu.enqueue_indirect_dma source(%arg11 : memref<128x128xf32, #tpu.memory_space<vmem>>) target(%dma_start3A_137 : memref<10240x128xf32, #tpu.memory_space<vmem_shared>>) offsets(%dma_start3A_134 : memref<128xi32, #tpu.memory_space<vmem>>) semaphore(%run_scoped3A : memref<!tpu.dma_semaphore, #tpu.memory_space<semaphore_mem>>) {add = true}
          %dma_wait3A_138 = arith.constant 0 : i32
          %dma_wait3A_139 = tpu.memref_slice %arg9[%add3A_131, %dma_wait3A_138] : memref<16x128xi32, #tpu.memory_space<vmem>> -> memref<1x128xi32, #tpu.memory_space<vmem>>
          %dma_wait3A_140 = tpu.memref_squeeze %dma_wait3A_139 : memref<1x128xi32, #tpu.memory_space<vmem>> -> memref<128xi32, #tpu.memory_space<vmem>>
          %dma_wait3A_141 = arith.constant 0 : i32
          %dma_wait3A_142 = arith.constant 0 : i32
          %dma_wait3A_143 = tpu.memref_slice %arg12[%dma_wait3A_141, %dma_wait3A_142] : memref<10240x128xf32, #tpu.memory_space<vmem_shared>> -> memref<10240x128xf32, #tpu.memory_space<vmem_shared>>
          tpu.wait_indirect_dma semaphore(%run_scoped3A : memref<!tpu.dma_semaphore, #tpu.memory_space<semaphore_mem>>) src(%arg11 : memref<128x128xf32, #tpu.memory_space<vmem>>) dst(%dma_wait3A_143 : memref<10240x128xf32, #tpu.memory_space<vmem_shared>>)
          tpu.yield
        }) : () -> ()
      }
      %scan3A_98 = arith.constant 8 : i32
    }
    %scan3A_38 = arith.constant 5 : i32
    %barrier3A_39 = arith.constant 0 : index
    tpu.barrier barrier_id(%barrier3A_39)
    %mul3A_40 = arith.constant 640 : i32
    %mul3A_41 = arith.muli %arg1, %mul3A_40 : i32
    %mul3A_42 = arith.constant 10240 : i32
    %mul3A_43 = arith.muli %arg0, %mul3A_42 : i32
    %mul3A_44 = arith.constant 640 : i32
    %mul3A_45 = arith.muli %arg1, %mul3A_44 : i32
    %add3A_46 = arith.addi %mul3A_43, %mul3A_45 : i32
    "tpu.region"() ({
      %run_scoped3A = tpu.sem_alloc : memref<!tpu.dma_semaphore, #tpu.memory_space<semaphore_mem>>
      %dma_start3A_47 = arith.constant 0 : i32
      %dma_start3A_48 = tpu.memref_slice %arg5[%add3A_46, %dma_start3A_47] : memref<20480x128xf32, #tpu.memory_space<hbm>> -> memref<640x128xf32, #tpu.memory_space<hbm>>
      %dma_start3A_49 = arith.constant 0 : i32
      %dma_start3A_50 = tpu.memref_slice %arg12[%mul3A_41, %dma_start3A_49] : memref<10240x128xf32, #tpu.memory_space<vmem_shared>> -> memref<640x128xf32, #tpu.memory_space<vmem_shared>>
      tpu.enqueue_dma source(%dma_start3A_50 : memref<640x128xf32, #tpu.memory_space<vmem_shared>>) target(%dma_start3A_48 : memref<640x128xf32, #tpu.memory_space<hbm>>) target_semaphore(%run_scoped3A : memref<!tpu.dma_semaphore, #tpu.memory_space<semaphore_mem>>)
      %dma_wait3A = arith.constant 0 : i32
      %dma_wait3A_51 = tpu.memref_slice %arg5[%add3A_46, %dma_wait3A] : memref<20480x128xf32, #tpu.memory_space<hbm>> -> memref<640x128xf32, #tpu.memory_space<hbm>>
      %dma_wait3A_52 = arith.constant 0 : i32
      %dma_wait3A_53 = tpu.memref_slice %arg12[%mul3A_41, %dma_wait3A_52] : memref<10240x128xf32, #tpu.memory_space<vmem_shared>> -> memref<640x128xf32, #tpu.memory_space<vmem_shared>>
      tpu.wait_dma2 semaphore(%run_scoped3A : memref<!tpu.dma_semaphore, #tpu.memory_space<semaphore_mem>>) src(%dma_wait3A_53 : memref<640x128xf32, #tpu.memory_space<vmem_shared>>) dst(%dma_wait3A_51 : memref<640x128xf32, #tpu.memory_space<hbm>>)
      tpu.yield
    }) : () -> ()
    return
  }
}

module attributes {stable_mosaic.version = 14 : i64} {
  func.func @_mm_body(%arg0: memref<10000x128xf32, #tpu.memory_space<vmem>>, %arg1: memref<128x256xf32, #tpu.memory_space<vmem>>, %arg2: memref<10000x256xf32, #tpu.memory_space<vmem>>) attributes {dimension_semantics = [], scalar_prefetch = 0 : i64, scratch_operands = 0 : i64, tpu.core_type = #tpu.core_type<tc>} {
    %get3A = arith.constant 0 : index
    %get3A_0 = arith.constant 0 : index
    %get3A_1 = vector.load %arg0[%get3A, %get3A_0] : memref<10000x128xf32, #tpu.memory_space<vmem>>, vector<10000x128xf32>
    %get3A_2 = arith.constant 0 : index
    %get3A_3 = arith.constant 0 : index
    %get3A_4 = vector.load %arg1[%get3A_2, %get3A_3] : memref<128x256xf32, #tpu.memory_space<vmem>>, vector<128x256xf32>
    %dot_general3A = arith.constant dense<0.000000e+00> : vector<10000x256xf32>
    %dot_general3A_5 = tpu.matmul %get3A_1, %get3A_4, %dot_general3A {dimension_numbers = #tpu.dot_dimension_numbers<[1], [0], [0], [1], [0, 0, 1, 1], [], []>, transpose_lhs_hint = false} : vector<10000x128xf32>, vector<128x256xf32>, vector<10000x256xf32> -> vector<10000x256xf32>
    %swap3A = arith.constant 0 : index
    %swap3A_6 = arith.constant 0 : index
    %swap3A_7 = vector.load %arg2[%swap3A, %swap3A_6] : memref<10000x256xf32, #tpu.memory_space<vmem>>, vector<10000x256xf32>
    tpu.vector_store %arg2[%swap3A, %swap3A_6], %dot_general3A_5 {strides = array<i32>} : memref<10000x256xf32, #tpu.memory_space<vmem>>, vector<10000x256xf32>,
    return
  }
}

module attributes {stable_mosaic.version = 14 : i64} {
  func.func @_prep_body(%arg0: memref<10000x256xf32, #tpu.memory_space<vmem>>, %arg1: memref<20480x128xf32, #tpu.memory_space<vmem>>, %arg2: memref<20480x128xf32, #tpu.memory_space<vmem>>) attributes {dimension_semantics = [], scalar_prefetch = 0 : i64, scratch_operands = 0 : i64, tpu.core_type = #tpu.core_type<tc>} {
    %get3A = arith.constant 0 : index
    %get3A_0 = arith.constant 0 : index
    %get3A_1 = vector.load %arg1[%get3A, %get3A_0] : memref<20480x128xf32, #tpu.memory_space<vmem>>, vector<20480x128xf32>
    %slice3A = vector.extract_strided_slice %get3A_1 {offsets = [0, 0], sizes = [10240, 128], strides = [1, 1]} : vector<20480x128xf32> to vector<10240x128xf32>
    %slice3A_2 = vector.extract_strided_slice %get3A_1 {offsets = [10240, 0], sizes = [10240, 128], strides = [1, 1]} : vector<20480x128xf32> to vector<10240x128xf32>
    %add3A = arith.addf %slice3A, %slice3A_2 : vector<10240x128xf32>
    %reduce_max3A = arith.constant dense<0xFF800000> : vector<10240xf32>
    %reduce_max3A_3 = vector.multi_reduction <maximumf>, %add3A, %reduce_max3A [1] : vector<10240x128xf32> to vector<10240xf32>
    %add3A_4 = arith.constant 1.000000e+00 : f32
    %add3A_5 = vector.broadcast %add3A_4 : f32 to vector<10240xf32>
    %add3A_6 = arith.addf %reduce_max3A_3, %add3A_5 : vector<10240xf32>
    %rsqrt3A = math.rsqrt %add3A_6 : vector<10240xf32>
    %slice3A_7 = vector.extract_strided_slice %rsqrt3A {offsets = [0], sizes = [10000], strides = [1]} : vector<10240xf32> to vector<10000xf32>
    %get3A_8 = arith.constant 0 : index
    %get3A_9 = arith.constant 0 : index
    %get3A_10 = vector.load %arg0[%get3A_8, %get3A_9] : memref<10000x256xf32, #tpu.memory_space<vmem>>, vector<10000x256xf32>
    %broadcast_in_dim3A = vector.shape_cast %slice3A_7 : vector<10000xf32> to vector<10000x1xf32>
    %mul3A = vector.broadcast %broadcast_in_dim3A : vector<10000x1xf32> to vector<10000x256xf32>
    %mul3A_11 = arith.mulf %get3A_10, %mul3A : vector<10000x256xf32>
    %slice3A_12 = vector.extract_strided_slice %mul3A_11 {offsets = [0, 0], sizes = [10000, 128], strides = [1, 1]} : vector<10000x256xf32> to vector<10000x128xf32>
    %swap3A = arith.constant 0 : index
    %swap3A_13 = arith.constant 0 : index
    %swap3A_14 = vector.load %arg2[%swap3A, %swap3A_13] : memref<20480x128xf32, #tpu.memory_space<vmem>>, vector<10000x128xf32>
    tpu.vector_store %arg2[%swap3A, %swap3A_13], %slice3A_12 {strides = array<i32>} : memref<20480x128xf32, #tpu.memory_space<vmem>>, vector<10000x128xf32>,
    %broadcast_in_dim3A_15 = arith.constant 0.000000e+00 : f32
    %broadcast_in_dim3A_16 = vector.broadcast %broadcast_in_dim3A_15 : f32 to vector<240x128xf32>
    %swap3A_17 = arith.constant 10000 : index
    %swap3A_18 = arith.constant 0 : index
    %swap3A_19 = vector.load %arg2[%swap3A_17, %swap3A_18] : memref<20480x128xf32, #tpu.memory_space<vmem>>, vector<240x128xf32>
    tpu.vector_store %arg2[%swap3A_17, %swap3A_18], %broadcast_in_dim3A_16 {strides = array<i32>} : memref<20480x128xf32, #tpu.memory_space<vmem>>, vector<240x128xf32>,
    %slice3A_20 = vector.extract_strided_slice %mul3A_11 {offsets = [0, 128], sizes = [10000, 128], strides = [1, 1]} : vector<10000x256xf32> to vector<10000x128xf32>
    %swap3A_21 = arith.constant 10240 : index
    %swap3A_22 = arith.constant 0 : index
    %swap3A_23 = vector.load %arg2[%swap3A_21, %swap3A_22] : memref<20480x128xf32, #tpu.memory_space<vmem>>, vector<10000x128xf32>
    tpu.vector_store %arg2[%swap3A_21, %swap3A_22], %slice3A_20 {strides = array<i32>} : memref<20480x128xf32, #tpu.memory_space<vmem>>, vector<10000x128xf32>,
    %broadcast_in_dim3A_24 = arith.constant 0.000000e+00 : f32
    %broadcast_in_dim3A_25 = vector.broadcast %broadcast_in_dim3A_24 : f32 to vector<240x128xf32>
    %swap3A_26 = arith.constant 20240 : index
    %swap3A_27 = arith.constant 0 : index
    %swap3A_28 = vector.load %arg2[%swap3A_26, %swap3A_27] : memref<20480x128xf32, #tpu.memory_space<vmem>>, vector<240x128xf32>
    tpu.vector_store %arg2[%swap3A_26, %swap3A_27], %broadcast_in_dim3A_25 {strides = array<i32>} : memref<20480x128xf32, #tpu.memory_space<vmem>>, vector<240x128xf32>,
    return
  }
}

module attributes {stable_mosaic.version = 14 : i64} {
  func.func @_conv_body(%arg0: memref<20480x128xf32, #tpu.memory_space<vmem>>, %arg1: memref<20480x128xf32, #tpu.memory_space<vmem>>, %arg2: memref<20480x128xf32, #tpu.memory_space<vmem>>, %arg3: memref<1x256xf32, #tpu.memory_space<vmem>>, %arg4: memref<10000x256xf32, #tpu.memory_space<vmem>>) attributes {dimension_semantics = [], scalar_prefetch = 0 : i64, scratch_operands = 0 : i64, tpu.core_type = #tpu.core_type<tc>} {
    %get3A = arith.constant 0 : index
    %get3A_0 = arith.constant 0 : index
    %get3A_1 = vector.load %arg2[%get3A, %get3A_0] : memref<20480x128xf32, #tpu.memory_space<vmem>>, vector<20480x128xf32>
    %slice3A = vector.extract_strided_slice %get3A_1 {offsets = [0, 0], sizes = [10240, 128], strides = [1, 1]} : vector<20480x128xf32> to vector<10240x128xf32>
    %slice3A_2 = vector.extract_strided_slice %get3A_1 {offsets = [10240, 0], sizes = [10240, 128], strides = [1, 1]} : vector<20480x128xf32> to vector<10240x128xf32>
    %add3A = arith.addf %slice3A, %slice3A_2 : vector<10240x128xf32>
    %reduce_max3A = arith.constant dense<0xFF800000> : vector<10240xf32>
    %reduce_max3A_3 = vector.multi_reduction <maximumf>, %add3A, %reduce_max3A [1] : vector<10240x128xf32> to vector<10240xf32>
    %add3A_4 = arith.constant 1.000000e+00 : f32
    %add3A_5 = vector.broadcast %add3A_4 : f32 to vector<10240xf32>
    %add3A_6 = arith.addf %reduce_max3A_3, %add3A_5 : vector<10240xf32>
    %rsqrt3A = math.rsqrt %add3A_6 : vector<10240xf32>
    %slice3A_7 = vector.extract_strided_slice %rsqrt3A {offsets = [0], sizes = [10000], strides = [1]} : vector<10240xf32> to vector<10000xf32>
    %get3A_8 = arith.constant 0 : index
    %get3A_9 = arith.constant 0 : index
    %get3A_10 = vector.load %arg0[%get3A_8, %get3A_9] : memref<20480x128xf32, #tpu.memory_space<vmem>>, vector<10000x128xf32>
    %get3A_11 = arith.constant 10240 : index
    %get3A_12 = arith.constant 0 : index
    %get3A_13 = vector.load %arg0[%get3A_11, %get3A_12] : memref<20480x128xf32, #tpu.memory_space<vmem>>, vector<10000x128xf32>
    %concatenate3A = tpu.concatenate %get3A_10, %get3A_13 in 1 : vector<10000x128xf32>, vector<10000x128xf32> -> vector<10000x256xf32>
    %get3A_14 = arith.constant 0 : index
    %get3A_15 = arith.constant 0 : index
    %get3A_16 = vector.load %arg1[%get3A_14, %get3A_15] : memref<20480x128xf32, #tpu.memory_space<vmem>>, vector<10000x128xf32>
    %get3A_17 = arith.constant 10240 : index
    %get3A_18 = arith.constant 0 : index
    %get3A_19 = vector.load %arg1[%get3A_17, %get3A_18] : memref<20480x128xf32, #tpu.memory_space<vmem>>, vector<10000x128xf32>
    %concatenate3A_20 = tpu.concatenate %get3A_16, %get3A_19 in 1 : vector<10000x128xf32>, vector<10000x128xf32> -> vector<10000x256xf32>
    %broadcast_in_dim3A = vector.shape_cast %slice3A_7 : vector<10000xf32> to vector<10000x1xf32>
    %add3A_21 = arith.addf %concatenate3A, %concatenate3A_20 : vector<10000x256xf32>
    %mul3A = vector.broadcast %broadcast_in_dim3A : vector<10000x1xf32> to vector<10000x256xf32>
    %mul3A_22 = arith.mulf %mul3A, %add3A_21 : vector<10000x256xf32>
    %get3A_23 = arith.constant 0 : index
    %get3A_24 = arith.constant 0 : index
    %get3A_25 = vector.load %arg3[%get3A_23, %get3A_24] : memref<1x256xf32, #tpu.memory_space<vmem>>, vector<1x256xf32>
    %add3A_26 = vector.broadcast %get3A_25 : vector<1x256xf32> to vector<10000x256xf32>
    %add3A_27 = arith.addf %mul3A_22, %add3A_26 : vector<10000x256xf32>
    %swap3A = arith.constant 0 : index
    %swap3A_28 = arith.constant 0 : index
    %swap3A_29 = vector.load %arg4[%swap3A, %swap3A_28] : memref<10000x256xf32, #tpu.memory_space<vmem>>, vector<10000x256xf32>
    tpu.vector_store %arg4[%swap3A, %swap3A_28], %add3A_27 {strides = array<i32>} : memref<10000x256xf32, #tpu.memory_space<vmem>>, vector<10000x256xf32>,
    return
  }
}

module attributes {stable_mosaic.version = 14 : i64} {
  func.func @_bn_mm_body(%arg0: memref<10000x256xf32, #tpu.memory_space<vmem>>, %arg1: memref<1x256xf32, #tpu.memory_space<vmem>>, %arg2: memref<1x256xf32, #tpu.memory_space<vmem>>, %arg3: memref<256x256xf32, #tpu.memory_space<vmem>>, %arg4: memref<20480x128xf32, #tpu.memory_space<vmem>>, %arg5: memref<20480x128xf32, #tpu.memory_space<vmem>>) attributes {dimension_semantics = [], scalar_prefetch = 0 : i64, scratch_operands = 0 : i64, tpu.core_type = #tpu.core_type<tc>} {
    %get3A = arith.constant 0 : index
    %get3A_0 = arith.constant 0 : index
    %get3A_1 = vector.load %arg0[%get3A, %get3A_0] : memref<10000x256xf32, #tpu.memory_space<vmem>>, vector<10000x256xf32>
    %reduce_sum3A = arith.constant dense<0.000000e+00> : vector<256xf32>
    %reduce_sum3A_2 = vector.multi_reduction <add>, %get3A_1, %reduce_sum3A [0] : vector<10000x256xf32> to vector<256xf32>
    %div3A = arith.constant 1.000000e+04 : f32
    %div3A_3 = vector.broadcast %div3A : f32 to vector<256xf32>
    %div3A_4 = arith.divf %reduce_sum3A_2, %div3A_3 : vector<256xf32>
    %broadcast_in_dim3A = vector.shape_cast %div3A_4 : vector<256xf32> to vector<1x256xf32>
    %sub3A = vector.broadcast %broadcast_in_dim3A : vector<1x256xf32> to vector<10000x256xf32>
    %sub3A_5 = arith.subf %get3A_1, %sub3A : vector<10000x256xf32>
    %integer_pow3A = arith.mulf %sub3A_5, %sub3A_5 : vector<10000x256xf32>
    %reduce_sum3A_6 = arith.constant dense<0.000000e+00> : vector<256xf32>
    %reduce_sum3A_7 = vector.multi_reduction <add>, %integer_pow3A, %reduce_sum3A_6 [0] : vector<10000x256xf32> to vector<256xf32>
    %div3A_8 = arith.constant 1.000000e+04 : f32
    %div3A_9 = vector.broadcast %div3A_8 : f32 to vector<256xf32>
    %div3A_10 = arith.divf %reduce_sum3A_7, %div3A_9 : vector<256xf32>
    %broadcast_in_dim3A_11 = vector.shape_cast %div3A_4 : vector<256xf32> to vector<1x256xf32>
    %sub3A_12 = vector.broadcast %broadcast_in_dim3A_11 : vector<1x256xf32> to vector<10000x256xf32>
    %sub3A_13 = arith.subf %get3A_1, %sub3A_12 : vector<10000x256xf32>
    %add3A = arith.constant 9.99999974E-6 : f32
    %add3A_14 = vector.broadcast %add3A : f32 to vector<256xf32>
    %add3A_15 = arith.addf %div3A_10, %add3A_14 : vector<256xf32>
    %rsqrt3A = math.rsqrt %add3A_15 : vector<256xf32>
    %broadcast_in_dim3A_16 = vector.shape_cast %rsqrt3A : vector<256xf32> to vector<1x256xf32>
    %mul3A = vector.broadcast %broadcast_in_dim3A_16 : vector<1x256xf32> to vector<10000x256xf32>
    %mul3A_17 = arith.mulf %sub3A_13, %mul3A : vector<10000x256xf32>
    %get3A_18 = arith.constant 0 : index
    %get3A_19 = arith.constant 0 : index
    %get3A_20 = vector.load %arg1[%get3A_18, %get3A_19] : memref<1x256xf32, #tpu.memory_space<vmem>>, vector<1x256xf32>
    %mul3A_21 = vector.broadcast %get3A_20 : vector<1x256xf32> to vector<10000x256xf32>
    %mul3A_22 = arith.mulf %mul3A_17, %mul3A_21 : vector<10000x256xf32>
    %get3A_23 = arith.constant 0 : index
    %get3A_24 = arith.constant 0 : index
    %get3A_25 = vector.load %arg2[%get3A_23, %get3A_24] : memref<1x256xf32, #tpu.memory_space<vmem>>, vector<1x256xf32>
    %add3A_26 = vector.broadcast %get3A_25 : vector<1x256xf32> to vector<10000x256xf32>
    %add3A_27 = arith.addf %mul3A_22, %add3A_26 : vector<10000x256xf32>
    %max3A = arith.constant 0.000000e+00 : f32
    %max3A_28 = vector.broadcast %max3A : f32 to vector<10000x256xf32>
    %max3A_29 = arith.maximumf %add3A_27, %max3A_28 : vector<10000x256xf32>
    %get3A_30 = arith.constant 0 : index
    %get3A_31 = arith.constant 0 : index
    %get3A_32 = vector.load %arg3[%get3A_30, %get3A_31] : memref<256x256xf32, #tpu.memory_space<vmem>>, vector<256x256xf32>
    %dot_general3A = arith.constant dense<0.000000e+00> : vector<10000x256xf32>
    %dot_general3A_33 = tpu.matmul %max3A_29, %get3A_32, %dot_general3A {dimension_numbers = #tpu.dot_dimension_numbers<[1], [0], [0], [1], [0, 0, 1, 1], [], []>, transpose_lhs_hint = false} : vector<10000x256xf32>, vector<256x256xf32>, vector<10000x256xf32> -> vector<10000x256xf32>
    %get3A_34 = arith.constant 0 : index
    %get3A_35 = arith.constant 0 : index
    %get3A_36 = vector.load %arg4[%get3A_34, %get3A_35] : memref<20480x128xf32, #tpu.memory_space<vmem>>, vector<20480x128xf32>
    %slice3A = vector.extract_strided_slice %get3A_36 {offsets = [0, 0], sizes = [10240, 128], strides = [1, 1]} : vector<20480x128xf32> to vector<10240x128xf32>
    %slice3A_37 = vector.extract_strided_slice %get3A_36 {offsets = [10240, 0], sizes = [10240, 128], strides = [1, 1]} : vector<20480x128xf32> to vector<10240x128xf32>
    %add3A_38 = arith.addf %slice3A, %slice3A_37 : vector<10240x128xf32>
    %reduce_max3A = arith.constant dense<0xFF800000> : vector<10240xf32>
    %reduce_max3A_39 = vector.multi_reduction <maximumf>, %add3A_38, %reduce_max3A [1] : vector<10240x128xf32> to vector<10240xf32>
    %add3A_40 = arith.constant 1.000000e+00 : f32
    %add3A_41 = vector.broadcast %add3A_40 : f32 to vector<10240xf32>
    %add3A_42 = arith.addf %reduce_max3A_39, %add3A_41 : vector<10240xf32>
    %rsqrt3A_43 = math.rsqrt %add3A_42 : vector<10240xf32>
    %slice3A_44 = vector.extract_strided_slice %rsqrt3A_43 {offsets = [0], sizes = [10000], strides = [1]} : vector<10240xf32> to vector<10000xf32>
    %broadcast_in_dim3A_45 = vector.shape_cast %slice3A_44 : vector<10000xf32> to vector<10000x1xf32>
    %mul3A_46 = vector.broadcast %broadcast_in_dim3A_45 : vector<10000x1xf32> to vector<10000x256xf32>
    %mul3A_47 = arith.mulf %dot_general3A_33, %mul3A_46 : vector<10000x256xf32>
    %slice3A_48 = vector.extract_strided_slice %mul3A_47 {offsets = [0, 0], sizes = [10000, 128], strides = [1, 1]} : vector<10000x256xf32> to vector<10000x128xf32>
    %swap3A = arith.constant 0 : index
    %swap3A_49 = arith.constant 0 : index
    %swap3A_50 = vector.load %arg5[%swap3A, %swap3A_49] : memref<20480x128xf32, #tpu.memory_space<vmem>>, vector<10000x128xf32>
    tpu.vector_store %arg5[%swap3A, %swap3A_49], %slice3A_48 {strides = array<i32>} : memref<20480x128xf32, #tpu.memory_space<vmem>>, vector<10000x128xf32>,
    %broadcast_in_dim3A_51 = arith.constant 0.000000e+00 : f32
    %broadcast_in_dim3A_52 = vector.broadcast %broadcast_in_dim3A_51 : f32 to vector<240x128xf32>
    %swap3A_53 = arith.constant 10000 : index
    %swap3A_54 = arith.constant 0 : index
    %swap3A_55 = vector.load %arg5[%swap3A_53, %swap3A_54] : memref<20480x128xf32, #tpu.memory_space<vmem>>, vector<240x128xf32>
    tpu.vector_store %arg5[%swap3A_53, %swap3A_54], %broadcast_in_dim3A_52 {strides = array<i32>} : memref<20480x128xf32, #tpu.memory_space<vmem>>, vector<240x128xf32>,
    %slice3A_56 = vector.extract_strided_slice %mul3A_47 {offsets = [0, 128], sizes = [10000, 128], strides = [1, 1]} : vector<10000x256xf32> to vector<10000x128xf32>
    %swap3A_57 = arith.constant 10240 : index
    %swap3A_58 = arith.constant 0 : index
    %swap3A_59 = vector.load %arg5[%swap3A_57, %swap3A_58] : memref<20480x128xf32, #tpu.memory_space<vmem>>, vector<10000x128xf32>
    tpu.vector_store %arg5[%swap3A_57, %swap3A_58], %slice3A_56 {strides = array<i32>} : memref<20480x128xf32, #tpu.memory_space<vmem>>, vector<10000x128xf32>,
    %broadcast_in_dim3A_60 = arith.constant 0.000000e+00 : f32
    %broadcast_in_dim3A_61 = vector.broadcast %broadcast_in_dim3A_60 : f32 to vector<240x128xf32>
    %swap3A_62 = arith.constant 20240 : index
    %swap3A_63 = arith.constant 0 : index
    %swap3A_64 = vector.load %arg5[%swap3A_62, %swap3A_63] : memref<20480x128xf32, #tpu.memory_space<vmem>>, vector<240x128xf32>
    tpu.vector_store %arg5[%swap3A_62, %swap3A_63], %broadcast_in_dim3A_61 {strides = array<i32>} : memref<20480x128xf32, #tpu.memory_space<vmem>>, vector<240x128xf32>,
    return
  }
}

module attributes {stable_mosaic.version = 14 : i64} {
  func.func @_bn_final_body(%arg0: memref<10000x256xf32, #tpu.memory_space<vmem>>, %arg1: memref<1x256xf32, #tpu.memory_space<vmem>>, %arg2: memref<1x256xf32, #tpu.memory_space<vmem>>, %arg3: memref<10000x256xf32, #tpu.memory_space<vmem>>) attributes {dimension_semantics = [], scalar_prefetch = 0 : i64, scratch_operands = 0 : i64, tpu.core_type = #tpu.core_type<tc>} {
    %get3A = arith.constant 0 : index
    %get3A_0 = arith.constant 0 : index
    %get3A_1 = vector.load %arg0[%get3A, %get3A_0] : memref<10000x256xf32, #tpu.memory_space<vmem>>, vector<10000x256xf32>
    %reduce_sum3A = arith.constant dense<0.000000e+00> : vector<256xf32>
    %reduce_sum3A_2 = vector.multi_reduction <add>, %get3A_1, %reduce_sum3A [0] : vector<10000x256xf32> to vector<256xf32>
    %div3A = arith.constant 1.000000e+04 : f32
    %div3A_3 = vector.broadcast %div3A : f32 to vector<256xf32>
    %div3A_4 = arith.divf %reduce_sum3A_2, %div3A_3 : vector<256xf32>
    %broadcast_in_dim3A = vector.shape_cast %div3A_4 : vector<256xf32> to vector<1x256xf32>
    %sub3A = vector.broadcast %broadcast_in_dim3A : vector<1x256xf32> to vector<10000x256xf32>
    %sub3A_5 = arith.subf %get3A_1, %sub3A : vector<10000x256xf32>
    %integer_pow3A = arith.mulf %sub3A_5, %sub3A_5 : vector<10000x256xf32>
    %reduce_sum3A_6 = arith.constant dense<0.000000e+00> : vector<256xf32>
    %reduce_sum3A_7 = vector.multi_reduction <add>, %integer_pow3A, %reduce_sum3A_6 [0] : vector<10000x256xf32> to vector<256xf32>
    %div3A_8 = arith.constant 1.000000e+04 : f32
    %div3A_9 = vector.broadcast %div3A_8 : f32 to vector<256xf32>
    %div3A_10 = arith.divf %reduce_sum3A_7, %div3A_9 : vector<256xf32>
    %broadcast_in_dim3A_11 = vector.shape_cast %div3A_4 : vector<256xf32> to vector<1x256xf32>
    %sub3A_12 = vector.broadcast %broadcast_in_dim3A_11 : vector<1x256xf32> to vector<10000x256xf32>
    %sub3A_13 = arith.subf %get3A_1, %sub3A_12 : vector<10000x256xf32>
    %add3A = arith.constant 9.99999974E-6 : f32
    %add3A_14 = vector.broadcast %add3A : f32 to vector<256xf32>
    %add3A_15 = arith.addf %div3A_10, %add3A_14 : vector<256xf32>
    %rsqrt3A = math.rsqrt %add3A_15 : vector<256xf32>
    %broadcast_in_dim3A_16 = vector.shape_cast %rsqrt3A : vector<256xf32> to vector<1x256xf32>
    %mul3A = vector.broadcast %broadcast_in_dim3A_16 : vector<1x256xf32> to vector<10000x256xf32>
    %mul3A_17 = arith.mulf %sub3A_13, %mul3A : vector<10000x256xf32>
    %get3A_18 = arith.constant 0 : index
    %get3A_19 = arith.constant 0 : index
    %get3A_20 = vector.load %arg1[%get3A_18, %get3A_19] : memref<1x256xf32, #tpu.memory_space<vmem>>, vector<1x256xf32>
    %mul3A_21 = vector.broadcast %get3A_20 : vector<1x256xf32> to vector<10000x256xf32>
    %mul3A_22 = arith.mulf %mul3A_17, %mul3A_21 : vector<10000x256xf32>
    %get3A_23 = arith.constant 0 : index
    %get3A_24 = arith.constant 0 : index
    %get3A_25 = vector.load %arg2[%get3A_23, %get3A_24] : memref<1x256xf32, #tpu.memory_space<vmem>>, vector<1x256xf32>
    %add3A_26 = vector.broadcast %get3A_25 : vector<1x256xf32> to vector<10000x256xf32>
    %add3A_27 = arith.addf %mul3A_22, %add3A_26 : vector<10000x256xf32>
    %max3A = arith.constant 0.000000e+00 : f32
    %max3A_28 = vector.broadcast %max3A : f32 to vector<10000x256xf32>
    %max3A_29 = arith.maximumf %add3A_27, %max3A_28 : vector<10000x256xf32>
    %swap3A = arith.constant 0 : index
    %swap3A_30 = arith.constant 0 : index
    %swap3A_31 = vector.load %arg3[%swap3A, %swap3A_30] : memref<10000x256xf32, #tpu.memory_space<vmem>>, vector<10000x256xf32>
    tpu.vector_store %arg3[%swap3A, %swap3A_30], %max3A_29 {strides = array<i32>} : memref<10000x256xf32, #tpu.memory_space<vmem>>, vector<10000x256xf32>,
    return
  }
}

</mosaic_0001>

<sc_bundles>
// kernel: kernel.11.cloned.1.call-start
scs
__scs_entry_jumppad:
0x0: {  	(pc) =	sbr.rel $0x88, $3  }
0x1: {  	(tag) =	ssettag $0x0;
	lr =	simm.s32 $0x1  }
0x2: {  	[smem:$0x3F97] =	sst lr;
	_ =	strace $0xD0000000  }
0x3: {  	_ = 	snop  }
0x4: {  	_ = 	snop  }
0x5: {  	_ = 	snop  }
0x6: {  	_ = 	snop  }
0x7: {  	_ = 	snop  }
__scs_overlays_trampoline_lowered:
0x8: {  	[smem:$0x3FA6] =	sst s0  }
0x9: {  	[smem:$0x3FA7] =	sst s1  }
0xa: {  	[smem:$0x3FA8] =	sst s2  }
0xb: {  	[smem:$0x3FA9] =	sst s3  }
0xc: {  	[smem:$0x3FAA] =	sst s4  }
0xd: {  	[smem:$0x3FAB] =	sst s5  }
0xe: {  	[smem:$0x3FAC] =	sst s6  }
0xf: {  	[smem:$0x3FAD] =	sst s7  }
0x10: {  	[smem:$0x3FAE] =	sst s8  }
0x11: {  	[smem:$0x3FAF] =	sst s9;
	s0 =	simm.s32 @!p0 $0x0  }
0x12: {  	s1 =	sld [smem:$0x3F95];
	s0 =	simm.s32 @p0 $0x1  }
0x13: {  	[smem:$0x3FB0] =	sst s0;
	s0 =	simm.s32 @!p1 $0x0  }
0x14: {  	s2 =	sld [smem:$0x3F94];
	s0 =	simm.s32 @p1 $0x1  }
0x15: {  	[smem:$0x3FB1] =	sst s0;
	s0 =	simm.s32 @!p2 $0x0  }
0x16: {  	s3 =	sld [smem:$0x3FDB];
	s0 =	simm.s32 @p2 $0x1  }
0x17: {  	s4 =	simm.s32 $0x1BF5;
	[smem:$0x3FB3] =	sst s0  }
0x18: {  	s0 =	sld [smem:$0x3F96];
	_ =	swait.ge [sflag:s4], $0x0  }
0x19: {  	s7 =	sld [smem:$0x3F97]  }
0x1a: {  	s8 =	sadd.s32 $0xFFFFE003, lr  }
0x1b: {  	s9 =	sadd.s32 $0xFFFFFEF7, lr;
	s5 =	simm.s32 $0xFFFFFFFF;
	p2 =	slt.u32 s8, $0xFFFFF086  }
0x1c: {  	p1 =	slt.u32 s9, $0xF7A;
	s5 =	simm.s32 @!p2 $0x0  }
0x1d: {  	s5 =	simm.s32 @p1 $0x1;
	p0 =	seq.s32 s7, s2  }
0x1e: {  	s7 =	smul.u32 @!p0 $0xF7A, s2;
	p2 =	seq.s32 @!p0 s5, $0x0  }
0x1f: {  	s9 =	smul.u32 $0xF7A, s1;
	s8 =	simm.s32 @!p0 $0x1BF5;
	p2 =	por !p2, p0  }
0x20: {  	[sflag:s8] =	ssyncset.s32 @!p0 $0xFFFFF086;
	s6 =	sadd.s32 @!p0 s3, s7;
	s7 =	simm.s32 @!p0 $0x108  }
0x21: {  	s3 =	sadd.s32 s3, s9;
	s6 =	sadd.s32 @!p0 $0x88, s6;
	s7 =	simm.s32 @p2 $0x1082  }
0x22: {  	[simem:s7], [sflag:s8] =	dma.local @!p0 [hbm:s6], $0xF7A  }
0x23: {  	s9 =	sor.u32 $0xD0000000, s2;
	s6 =	simm.s32 $0x108;
	_ =	swait.ge @!p0 [sflag:s8], $0x0  }
0x24: {  	s3 =	sadd.s32 $0x88, s3;
	s6 =	simm.s32 @!p1 $0x1082;
	[sflag:s4] =	ssyncset.s32 $0xFFFFF086  }
0x25: {  	[simem:s6], [sflag:s4] =	dma.local [hbm:s3], $0xF7A  }
0x26: {  	[smem:$0x3F97] =	sst s1;
	(tag) =	ssettag s2;
	_ =	strace s9  }
0x27: {  	s1 =	sld [smem:$0x3FA7]  }
0x28: {  	s2 =	sld [smem:$0x3FA8]  }
0x29: {  	s4 =	sld [smem:$0x3FAA]  }
0x2a: {  	p0 =	seq.s32 s5, $0x0;
	s5 =	sld [smem:$0x3FAB]  }
0x2b: {  	s6 =	sld [smem:$0x3FAC]  }
0x2c: {  	s7 =	sld [smem:$0x3FAD]  }
0x2d: {  	s3 =	simm.s32 $0x108;
	s8 =	sld [smem:$0x3FAE]  }
0x2e: {  	s3 =	simm.s32 @!p0 $0x1082;
	s9 =	sld [smem:$0x3FAF]  }
0x2f: {  	lr =	sadd.s32 s0, s3;
	s0 =	sld [smem:$0x3FA6]  }
0x30: {  	s3 =	sld [smem:$0x3FA9]  }
0x31: {  	[smem:$0x3FB2] =	sst s10  }
0x32: {  	s10 =	sld [smem:$0x3FB0];
	_ =	sdelay $0x3  }
0x33: {  	p0 =	seq.s32 s10, $0x1;
	s10 =	sld [smem:$0x3FB2];
	_ =	sdelay $0x3  }
0x34: {  	[smem:$0x3FB2] =	sst s10  }
0x35: {  	s10 =	sld [smem:$0x3FB1];
	_ =	sdelay $0x3  }
0x36: {  	p1 =	seq.s32 s10, $0x1;
	s10 =	sld [smem:$0x3FB2];
	_ =	sdelay $0x3  }
0x37: {  	[smem:$0x3FB2] =	sst s10  }
0x38: {  	s10 =	sld [smem:$0x3FB3]  }
0x39: {  	_ = 	snop;
	(pc) =	sbr.ind lr, $3  }
0x3a: {  	_ = 	snop  }
0x3b: {  	_ = 	snop  }
0x3c: {  	p2 =	seq.s32 s10, $0x1;
	s10 =	sld [smem:$0x3FB2]  }
0x3d: {  	_ =	shalt  }
0x3e: {  	_ =	shalt  }
0x3f: {  	_ =	shalt  }
0x40: {  	_ =	shalt  }
0x41: {  	_ =	shalt  }
0x42: {  	_ =	shalt  }
0x43: {  	_ =	shalt  }
0x44: {  	_ =	shalt  }
0x45: {  	_ =	shalt  }
0x46: {  	_ =	shalt  }
0x47: {  	_ =	shalt  }
0x48: {  	_ =	shalt  }
0x49: {  	_ =	shalt  }
0x4a: {  	_ =	shalt  }
0x4b: {  	_ =	shalt  }
0x4c: {  	_ =	shalt  }
0x4d: {  	_ =	shalt  }
0x4e: {  	_ =	shalt  }
0x4f: {  	_ =	shalt  }
0x50: {  	_ =	shalt  }
0x51: {  	_ =	shalt  }
0x52: {  	_ =	shalt  }
0x53: {  	_ =	shalt  }
0x54: {  	_ =	shalt  }
0x55: {  	_ =	shalt  }
0x56: {  	_ =	shalt  }
0x57: {  	_ =	shalt  }
0x58: {  	_ =	shalt  }
0x59: {  	_ =	shalt  }
0x5a: {  	_ =	shalt  }
0x5b: {  	_ =	shalt  }
0x5c: {  	_ =	shalt  }
0x5d: {  	_ =	shalt  }
0x5e: {  	_ =	shalt  }
0x5f: {  	_ =	shalt  }
0x60: {  	_ =	shalt  }
0x61: {  	_ =	shalt  }
0x62: {  	_ =	shalt  }
0x63: {  	_ =	shalt  }
0x64: {  	_ =	shalt  }
0x65: {  	_ =	shalt  }
0x66: {  	_ =	shalt  }
0x67: {  	_ =	shalt  }
0x68: {  	_ =	shalt  }
0x69: {  	_ =	shalt  }
0x6a: {  	_ =	shalt  }
0x6b: {  	_ =	shalt  }
0x6c: {  	_ =	shalt  }
0x6d: {  	_ =	shalt  }
0x6e: {  	_ =	shalt  }
0x6f: {  	_ =	shalt  }
0x70: {  	_ =	shalt  }
0x71: {  	_ =	shalt  }
0x72: {  	_ =	shalt  }
0x73: {  	_ =	shalt  }
0x74: {  	_ =	shalt  }
0x75: {  	_ =	shalt  }
0x76: {  	_ =	shalt  }
0x77: {  	_ =	shalt  }
0x78: {  	_ =	shalt  }
0x79: {  	_ =	shalt  }
0x7a: {  	_ =	shalt  }
0x7b: {  	_ =	shalt  }
0x7c: {  	_ =	shalt  }
0x7d: {  	_ =	shalt  }
0x7e: {  	_ =	shalt  }
0x7f: {  	_ =	shalt  }
0x80: {  	_ =	shalt  }
0x81: {  	_ =	shalt  }
0x82: {  	_ =	shalt  }
0x83: {  	_ =	shalt  }
0x84: {  	_ =	shalt  }
0x85: {  	_ =	shalt  }
0x86: {  	_ =	shalt  }
0x87: {  	_ =	shalt  }
.Lfunc_end0:
.L_simem_size_0:
called_computation_lowered:
.L_overlay_start_0:
0x88: {  	s2 =	sld [smem:$0x3FD9]  }
0x89: {  	s3 =	sld [smem:$0x3FFE];
	_ =	sdelay $0x1  }
0x8a: {  	s1 =	srdreg.scid  }
0x8b: {  	s0 =	sand.u32 $0x1, s1  }
0x8c: {  	s16 =	sshll.u32 s0, $0xA;
	s2 =	sadd.s32 s3, s2  }
0x8d: {  	s2 =	sadd.s32 s2, s16  }
0x8e: {  	[smem:$0x3FBE] =	sst s2  }
0x8f: {  	_ = 	snop  }
0x90: {  	(tm) =	ssettm $0x1  }
0x91: {  	s17 =	sld [smem:$0x3FFB];
	_ =	sdelay $0x3  }
0x92: {  	_ =	strace s17  }
0x93: {  	s2 =	sld [smem:$0x3FFC];
	_ =	sdelay $0x3  }
0x94: {  	_ =	strace s2  }
0x95: {  	s2 =	sld [smem:$0x3FFD];
	_ =	sdelay $0x3  }
0x96: {  	_ =	strace s2  }
0x97: {  	_ =	strace $0x8FFFFFFF  }
0x98: {  	s18 =	sld [smem:$0x3FDB];
	_ =	sdelay $0x1  }
0x99: {  	s19 =	simm.s32 $_scs_section_size  }
0x9a: {  	s4 =	simm.s32 $_size__tile_overlayer_lowered;
	s5 =	simm.s32 $_tile_overlayer_lowered  }
0x9b: {  	s22 =	simm.s32 $0x1BFF;
	s21 =	sshll.u32 s5, $0x1;
	s2 =	sadd.s32 s19, s18  }
0x9c: {  	s6 =	simm.s32 $0x0;
	s20 =	sshll.u32 s4, $0x1;
	s4 =	sadd.s32 s21, s2  }
0x9d: {  	[timem:s6], [sflag:s22] =	dma.local [hbm:s4], s20  }
0x9e: {  	_ =	swait.ge [sflag:s22], s20  }
0x9f: {  	s3 =	ssub.s32 $0x0, s20;
	[sflag:s22] =	ssyncset.done $0x0  }
0xa0: {  	[sflag:s22] =	ssyncadd.s32 s3;
	_ =	sdelay $0x1  }
0xa1: {  	s23 =	simm.s32 $0x1B8B  }
0xa2: {  	_ =	swait.ge [sflag:s23], $0x1  }
0xa3: {  	[sflag:s23] =	ssyncset.done $0x0  }
0xa4: {  	s25 =	simm.s32 $0x1B8E;
	s24 =	sld [smem:$0x3FFE];
	[sflag:s23] =	ssyncadd.s32 $0xFFFFFFFF  }
0xa5: {  	s26 =	simm.s32 $execute0_lowered;
	[smem:$0x3FD2] =	sst s25  }
0xa6: {  	s4 =	sshll.u32 s26, $0x1;
	_ =	strace $0x80000046;
	[dreg:$0x1] =	wrdreg $0xFFFFFFFF  }
0xa7: {  	s28 =	simm.s32 $_size_execute0_lowered;
	s2 =	sadd.s32 s2, s4;
	[dreg:$0x0] =	wrdreg $0x0  }
0xa8: {  	s4 =	sshll.u32 s28, $0x1;
	[dreg:$0x2] =	wrdreg s2  }
0xa9: {  	[dreg:$0x3] =	wrdreg s4  }
0xaa: {  	[dreg:$0x4] =	wrdreg $0xC0  }
0xab: {  	_ =	task [dreg:s6], $0x5FFFF  }
0xac: {  	[dreg:$0x1] =	wrdreg $0xFFFFFFFF  }
0xad: {  	[dreg:$0x0] =	wrdreg $0x60  }
0xae: {  	[dreg:$0x2] =	wrdreg s24  }
0xaf: {  	[dreg:$0x3] =	wrdreg $0x68000  }
0xb0: {  	[dreg:$0x4] =	wrdreg $0x9  }
0xb1: {  	_ =	task.clear_ibuf [dreg:s6], $0x5FFFF;
	_ =	strace $0x90000046  }
0xb2: {  	s29 =	simm.s32 $0x9;
	_ =	strace $0x80000048  }
0xb3: {  	_ =	swait.ge [sflag:s29], $0x1  }
0xb4: {  	[sflag:s29] =	ssyncadd.s32 $0xFFFFFFFF  }
0xb5: {  	_ =	strace $0x90000048  }
0xb6: {  	_ =	sfence  }
0xb7: {  	s30 =	sld [smem:$0x0];
	_ =	sdelay $0x2  }
0xb8: {  	s31 =	sshll.u32 s1, $0xD;
	s1 =	sshrl.u32 s1, $0x2  }
0xb9: {  	s3 =	sand.u32 $0x4000, s31;
	s1 =	sadd.s32 s1, s30  }
0xba: {  	s0 =	sor.u32 s3, s0;
	s1 =	sshll.u32 s1, $0x11  }
0xbb: {  	s0 =	sor.u32 s1, s0  }
0xbc: {  	s0 =	sadd.s32 $0x8F2B, s0  }
0xbd: {  	[sflag:s0] =	ssyncadd.remote.s32 $0x1  }
0xbe: {  	_ =	sfence.sel $0xFFFF  }
0xbf: {  	[dreg:$0x0] =	wrdreg $0xFFFFFFFF;
	(pc) =	sbr.abs _section_cstart, $3  }
0xc0: {  	[dreg:$0x1] =	wrdreg $0xFFFFFFFF  }
0xc1: {  	_ =	task.clear_ibuf [dreg:s6], $0x2FFFF;
	_ =	strace $0x9FFFFFFF  }
0xc2: {  	(tm) =	ssettm $0x7FFFFFFF  }
0xc3: {  	_ =	shalt  }
tec
execute0_lowered:
.L_overlay_start_1:
0x0: {  	(tag) =	ssettag $0x1  }
0x1: {  	s1 =	srdreg.scid  }
0x2: {  	s0 =	stileid.u32;
	s5 =	rddreg [dreg:$0x0]  }
0x3: {  	s2 =	rddreg [dreg:$0x1];
	s3 =	simm.s32 $0x0;
	s13 =	simm.s32 $0x1  }
0x4: {  	s14 =	simm.s32 $0x80;
	s4 =	sand.u32 $0x1, s1;
	s7 =	smul.u32 $0x2800, s0  }
0x5: {  	s28 =	sshll.u32 s0, $0x1;
	[smem:$0x7FF] =	sst s3;
	s8 =	smul.u32 $0x50000, s0  }
0x6: {  	s15 =	sshll.u32 s0, $0x6;
	s1 =	sor.u32 s4, s28;
	s9 =	smul.u32 $0x28000, s4  }
0x7: {  	s29 =	ssub.s32 $0x2, s4;
	s15 =	sor.u32 $0x1C01, s15;
	s6 =	smul.u32 $0x500, s1  }
0x8: {  	s1 =	rddreg [dreg:$0x2];
	_ =	strace $0x80000047;
	s30 =	sshrl.u32 s8, $0x2  }
0x9: {  	s31 =	sshrl.u32 s29, $0x1;
	s7 =	sadd.s32 s7, s9;
	s4 =	sadd.s32 s30, s2  }
0xa: {  	s12 =	ssub.s32 s29, s31;
	s10 =	sadd.s32 s6, s5;
	s11 =	sadd.s32 s7, s5  }
0xb: {  	s5 =	sadd.s32 $0x4000, s4;
	s6 =	sadd.s32 $0x8000, s4;
	s7 =	sadd.s32 $0xC000, s4  }
0xc: {  	s8 =	sadd.s32 $0x10000, s4;
	s16 =	sshrl.u32 s4, $0x3;
	s9 =	sadd.s32 $0x2400, s10  }
0xd: {  	v0 =	vimm.f32 $0.0e+00;
	v1 =	vimm.f32 $1.000000000e+00;
	s10 =	sadd.s32 $0xC400, s11;
	s11 =	smax.u32 s12, $0x1;
	s12 =	simm.s32 $0x2800  }
.LBB2_1:
0xe: {  	s17 =	simm.s32 $0x0;
	s18 =	simm.s32 $0x200  }
.LBB2_2:
0xf: {  	p0 =	sne.s32 s18, $0xFE00;
	[tilespmem:s17+$0x2870] =	vst v0  }
0x10: {  	[tilespmem:s17+$0x2800] =	vst v0  }
0x11: {  	[tilespmem:s17+$0x2810] =	vst v0  }
.Ltmp0:
0x12: {  	[tilespmem:s17+$0x2820] =	vst v0;
	(pc) =	sbr.rel @p0 .LBB2_2-.Ltmp0, $4  }
0x13: {  	[tilespmem:s17+$0x2830] =	vst v0  }
0x14: {  	[tilespmem:s17+$0x2840] =	vst v0  }
0x15: {  	[tilespmem:s17+$0x2850] =	vst v0  }
0x16: {  	[tilespmem:s17+$0x2860] =	vst v0;
	s17 =	sshra.s32 s18, $0x2;
	s18 =	sadd.s32 $0x200, s18  }
0x17: {  	[tilespmem:s17+$0x2870] =	vst v0  }
0x18: {  	[tilespmem:s17+$0x2800] =	vst v0  }
0x19: {  	[tilespmem:s17+$0x2810] =	vst v0  }
0x1a: {  	[tilespmem:s17+$0x2820] =	vst v0  }
0x1b: {  	[tilespmem:s17+$0x2830] =	vst v0  }
0x1c: {  	[tilespmem:s17+$0x2840] =	vst v0  }
0x1d: {  	[tilespmem:s17+$0x2850] =	vst v0  }
0x1e: {  	[tilespmem:s17+$0x2860] =	vst v0  }
0x1f: {  	[spmem:s4] =	stream.linear.scatter [tilespmem:s12], [sflag:$0x1], $0x4000, $0x38;
	[tilespmem:$0x1A800] =	vst v63  }
0x20: {  	_ =	swait.ge [sflag:s13], $0x4000  }
0x21: {  	[sflag:s13] =	ssyncset.done $0x0  }
0x22: {  	[sflag:s13] =	ssyncadd.s32 $0xFFFFC000  }
0x23: {  	[spmem:s5] =	stream.linear.scatter [tilespmem:s12], [sflag:$0x1], $0x4000, $0x38;
	[tilespmem:$0x1A800] =	vst v63  }
0x24: {  	_ =	swait.ge [sflag:s13], $0x4000  }
0x25: {  	[sflag:s13] =	ssyncset.done $0x0  }
0x26: {  	[sflag:s13] =	ssyncadd.s32 $0xFFFFC000  }
0x27: {  	[spmem:s6] =	stream.linear.scatter [tilespmem:s12], [sflag:$0x1], $0x4000, $0x38;
	[tilespmem:$0x1A800] =	vst v63  }
0x28: {  	_ =	swait.ge [sflag:s13], $0x4000  }
0x29: {  	[sflag:s13] =	ssyncset.done $0x0  }
0x2a: {  	[sflag:s13] =	ssyncadd.s32 $0xFFFFC000  }
0x2b: {  	[spmem:s7] =	stream.linear.scatter [tilespmem:s12], [sflag:$0x1], $0x4000, $0x38;
	[tilespmem:$0x1A800] =	vst v63  }
0x2c: {  	_ =	swait.ge [sflag:s13], $0x4000  }
0x2d: {  	[sflag:s13] =	ssyncset.done $0x0  }
0x2e: {  	[sflag:s13] =	ssyncadd.s32 $0xFFFFC000  }
0x2f: {  	[spmem:s8] =	stream.linear.scatter [tilespmem:s12], [sflag:$0x1], $0x4000, $0x38;
	[tilespmem:$0x1A800] =	vst v63  }
0x30: {  	_ =	swait.ge [sflag:s13], $0x4000  }
0x31: {  	[sflag:s13] =	ssyncset.done $0x0  }
0x32: {  	s31 =	simm.s32 $0x0;
	[sflag:s13] =	ssyncadd.s32 $0xFFFFC000  }
0x33: {  	[tilespmem:s31], [sflag:$0x1] =	stream.linear.gather [hbm4b:s9+s31], $0x2800, $0x38;
	[tilespmem:$0x1A800] =	vst v63  }
0x34: {  	_ =	swait.ge [sflag:s13], $0x2800  }
0x35: {  	[sflag:s13] =	ssyncset.done $0x0  }
0x36: {  	[sflag:s13] =	ssyncadd.s32 $0xFFFFD800  }
0x37: {  	s17 =	simm.s32 $0x0;
	s18 =	simm.s32 $0x200;
	[bflag:$0x0] =	sbarrier.arrive $0xFFFF  }
.LBB2_4:
0x38: {  	p0 =	sne.s32 s18, $0xFE00;
	[tilespmem:s17+$0x2870] =	vst v1  }
0x39: {  	[tilespmem:s17+$0x2800] =	vst v1  }
0x3a: {  	[tilespmem:s17+$0x2810] =	vst v1  }
.Ltmp1:
0x3b: {  	[tilespmem:s17+$0x2820] =	vst v1;
	(pc) =	sbr.rel @p0 .LBB2_4-.Ltmp1, $4  }
0x3c: {  	[tilespmem:s17+$0x2830] =	vst v1  }
0x3d: {  	[tilespmem:s17+$0x2840] =	vst v1  }
0x3e: {  	[tilespmem:s17+$0x2850] =	vst v1  }
0x3f: {  	[tilespmem:s17+$0x2860] =	vst v1;
	s17 =	sshra.s32 s18, $0x2;
	s18 =	sadd.s32 $0x200, s18  }
0x40: {  	[tilespmem:s17+$0x2870] =	vst v1  }
0x41: {  	[tilespmem:s17+$0x2800] =	vst v1  }
0x42: {  	[tilespmem:s17+$0x2810] =	vst v1  }
0x43: {  	[tilespmem:s17+$0x2820] =	vst v1  }
0x44: {  	[tilespmem:s17+$0x2830] =	vst v1  }
0x45: {  	[tilespmem:s17+$0x2840] =	vst v1  }
0x46: {  	[tilespmem:s17+$0x2850] =	vst v1  }
0x47: {  	[tilespmem:s17+$0x2860] =	vst v1;
	s31 =	simm.s32 $0x0  }
0x48: {  	[spmem:s2] =	stream.indirect.scatter.add.f32 [tilespmem:s12], [sflag:$0x1], $0x80, s31, s14, $0xb8;
	[tilespmem:$0x1A800] =	vst v63  }
0x49: {  	_ =	swait.ge [sflag:s13], $0x4000  }
0x4a: {  	s17 =	simm.s32 $0x200;
	[sflag:s13] =	ssyncset.done $0x0  }
.LBB2_6:
0x4b: {  	s18 =	sshra.s32 s17, $0x2;
	[sflag:s13] =	ssyncadd.s32 $0xFFFFC000;
	p0 =	sne.s32 s17, $0x9E00  }
0x4c: {  	[spmem:s2] =	stream.indirect.scatter.add.f32 [tilespmem:s12], [sflag:$0x1], $0x80, s18, s14, $0xb8;
	[tilespmem:$0x1A800] =	vst v63  }
.Ltmp2:
0x4d: {  	_ = 	snop;
	(pc) =	sbr.rel @p0 .LBB2_6-.Ltmp2, $4  }
0x4e: {  	_ = 	snop  }
0x4f: {  	s17 =	sadd.s32 $0x200, s17  }
0x50: {  	_ =	swait.ge [sflag:s13], $0x4000  }
0x51: {  	[sflag:s13] =	ssyncset.done $0x0  }
0x52: {  	s3 =	sadd.s32 $0x1, s3  }
0x53: {  	[sflag:s13] =	ssyncadd.s32 $0xFFFFC000;
	p0 =	sne.s32 s3, s11  }
.Ltmp3:
0x54: {  	[bflag:$0x0] =	sbarrier.arrive $0xFFFF;
	(pc) =	sbr.rel @p0 .LBB2_1-.Ltmp3, $4  }
0x55: {  	[hbm:s10], [sflag:s15] =	dma.local [spmem:s16], $0x2800  }
0x56: {  	_ =	swait.ge [sflag:s13], $0x2800  }
0x57: {  	[sflag:s13] =	ssyncset.done $0x0  }
0x58: {  	[sflag:s13] =	ssyncadd.s32 $0xFFFFD800  }
0x59: {  	_ =	sfence.sel $0x180000  }
0x5a: {  	[bflag:$0x0] =	sbarrier.arrive $0xFFFF  }
0x5b: {  	p0 =	sne.s32 s0, $0x0;
	_ =	strace $0x90000047  }
0x5c: {  	s0 =	sadd.s32 @!p0 $0x100000, s1;
	[bflag:$0x2] =	sbarrier.arrive $0xFFFF  }
0x5d: {  	[sflag:s0] =	ssyncadd.tile.s32 @!p0 $0x1;
	_ =	shalt  }
.Lfunc_end2:
_tile_overlayer_lowered:
.L_overlay_start_2:
0x5e: {  	(tag) =	ssettag $0x2  }
0x5f: {  	s0 =	rddreg [dreg:$0x0];
	s2 =	stileid.u32  }
0x60: {  	s1 =	rddreg [dreg:$0x1];
	p0 =	sne.s32 s2, $0x0  }
0x61: {  	s3 =	rddreg [dreg:$0x2];
	[bflag:$0x3] =	sbarrier.arrive $0xFFFF;
	s2 =	simm.s32 @!p0 $0x1C01  }
0x62: {  	[timem:s3], [sflag:s2] =	dma.local @!p0 [hbm:s0], s1  }
0x63: {  	s0 =	simm.s32 @!p0 $0x1  }
0x64: {  	_ =	swait.ge @!p0 [sflag:s0], s1  }
0x65: {  	s1 =	ssub.s32 @!p0 $0x0, s1;
	[sflag:s0] =	ssyncset.done @!p0 $0x0  }
0x66: {  	[sflag:s0] =	ssyncadd.s32 @!p0 s1  }
0x67: {  	[bflag:$0x3] =	sbarrier.arrive $0xFFFF  }
0x68: {  	_ =	shalt  }

// kernel: kernel.14.cloned.1.call-start
scs
__scs_entry_jumppad:
0x0: {  	(pc) =	sbr.rel $0x88, $3  }
0x1: {  	(tag) =	ssettag $0x0;
	lr =	simm.s32 $0x1  }
0x2: {  	[smem:$0x3F97] =	sst lr;
	_ =	strace $0xD0000000  }
0x3: {  	_ = 	snop  }
0x4: {  	_ = 	snop  }
0x5: {  	_ = 	snop  }
0x6: {  	_ = 	snop  }
0x7: {  	_ = 	snop  }
__scs_overlays_trampoline_lowered:
0x8: {  	[smem:$0x3FA6] =	sst s0  }
0x9: {  	[smem:$0x3FA7] =	sst s1  }
0xa: {  	[smem:$0x3FA8] =	sst s2  }
0xb: {  	[smem:$0x3FA9] =	sst s3  }
0xc: {  	[smem:$0x3FAA] =	sst s4  }
0xd: {  	[smem:$0x3FAB] =	sst s5  }
0xe: {  	[smem:$0x3FAC] =	sst s6  }
0xf: {  	[smem:$0x3FAD] =	sst s7  }
0x10: {  	[smem:$0x3FAE] =	sst s8  }
0x11: {  	[smem:$0x3FAF] =	sst s9;
	s0 =	simm.s32 @!p0 $0x0  }
0x12: {  	s1 =	sld [smem:$0x3F95];
	s0 =	simm.s32 @p0 $0x1  }
0x13: {  	[smem:$0x3FB0] =	sst s0;
	s0 =	simm.s32 @!p1 $0x0  }
0x14: {  	s2 =	sld [smem:$0x3F94];
	s0 =	simm.s32 @p1 $0x1  }
0x15: {  	[smem:$0x3FB1] =	sst s0;
	s0 =	simm.s32 @!p2 $0x0  }
0x16: {  	s3 =	sld [smem:$0x3FDB];
	s0 =	simm.s32 @p2 $0x1  }
0x17: {  	s4 =	simm.s32 $0x1BF5;
	[smem:$0x3FB3] =	sst s0  }
0x18: {  	s0 =	sld [smem:$0x3F96];
	_ =	swait.ge [sflag:s4], $0x0  }
0x19: {  	s7 =	sld [smem:$0x3F97]  }
0x1a: {  	s8 =	sadd.s32 $0xFFFFE003, lr  }
0x1b: {  	s9 =	sadd.s32 $0xFFFFFEF7, lr;
	s5 =	simm.s32 $0xFFFFFFFF;
	p2 =	slt.u32 s8, $0xFFFFF086  }
0x1c: {  	p1 =	slt.u32 s9, $0xF7A;
	s5 =	simm.s32 @!p2 $0x0  }
0x1d: {  	s5 =	simm.s32 @p1 $0x1;
	p0 =	seq.s32 s7, s2  }
0x1e: {  	s7 =	smul.u32 @!p0 $0xF7A, s2;
	p2 =	seq.s32 @!p0 s5, $0x0  }
0x1f: {  	s9 =	smul.u32 $0xF7A, s1;
	s8 =	simm.s32 @!p0 $0x1BF5;
	p2 =	por !p2, p0  }
0x20: {  	[sflag:s8] =	ssyncset.s32 @!p0 $0xFFFFF086;
	s6 =	sadd.s32 @!p0 s3, s7;
	s7 =	simm.s32 @!p0 $0x108  }
0x21: {  	s3 =	sadd.s32 s3, s9;
	s6 =	sadd.s32 @!p0 $0x88, s6;
	s7 =	simm.s32 @p2 $0x1082  }
0x22: {  	[simem:s7], [sflag:s8] =	dma.local @!p0 [hbm:s6], $0xF7A  }
0x23: {  	s9 =	sor.u32 $0xD0000000, s2;
	s6 =	simm.s32 $0x108;
	_ =	swait.ge @!p0 [sflag:s8], $0x0  }
0x24: {  	s3 =	sadd.s32 $0x88, s3;
	s6 =	simm.s32 @!p1 $0x1082;
	[sflag:s4] =	ssyncset.s32 $0xFFFFF086  }
0x25: {  	[simem:s6], [sflag:s4] =	dma.local [hbm:s3], $0xF7A  }
0x26: {  	[smem:$0x3F97] =	sst s1;
	(tag) =	ssettag s2;
	_ =	strace s9  }
0x27: {  	s1 =	sld [smem:$0x3FA7]  }
0x28: {  	s2 =	sld [smem:$0x3FA8]  }
0x29: {  	s4 =	sld [smem:$0x3FAA]  }
0x2a: {  	p0 =	seq.s32 s5, $0x0;
	s5 =	sld [smem:$0x3FAB]  }
0x2b: {  	s6 =	sld [smem:$0x3FAC]  }
0x2c: {  	s7 =	sld [smem:$0x3FAD]  }
0x2d: {  	s3 =	simm.s32 $0x108;
	s8 =	sld [smem:$0x3FAE]  }
0x2e: {  	s3 =	simm.s32 @!p0 $0x1082;
	s9 =	sld [smem:$0x3FAF]  }
0x2f: {  	lr =	sadd.s32 s0, s3;
	s0 =	sld [smem:$0x3FA6]  }
0x30: {  	s3 =	sld [smem:$0x3FA9]  }
0x31: {  	[smem:$0x3FB2] =	sst s10  }
0x32: {  	s10 =	sld [smem:$0x3FB0];
	_ =	sdelay $0x3  }
0x33: {  	p0 =	seq.s32 s10, $0x1;
	s10 =	sld [smem:$0x3FB2];
	_ =	sdelay $0x3  }
0x34: {  	[smem:$0x3FB2] =	sst s10  }
0x35: {  	s10 =	sld [smem:$0x3FB1];
	_ =	sdelay $0x3  }
0x36: {  	p1 =	seq.s32 s10, $0x1;
	s10 =	sld [smem:$0x3FB2];
	_ =	sdelay $0x3  }
0x37: {  	[smem:$0x3FB2] =	sst s10  }
0x38: {  	s10 =	sld [smem:$0x3FB3]  }
0x39: {  	_ = 	snop;
	(pc) =	sbr.ind lr, $3  }
0x3a: {  	_ = 	snop  }
0x3b: {  	_ = 	snop  }
0x3c: {  	p2 =	seq.s32 s10, $0x1;
	s10 =	sld [smem:$0x3FB2]  }
0x3d: {  	_ =	shalt  }
0x3e: {  	_ =	shalt  }
0x3f: {  	_ =	shalt  }
0x40: {  	_ =	shalt  }
0x41: {  	_ =	shalt  }
0x42: {  	_ =	shalt  }
0x43: {  	_ =	shalt  }
0x44: {  	_ =	shalt  }
0x45: {  	_ =	shalt  }
0x46: {  	_ =	shalt  }
0x47: {  	_ =	shalt  }
0x48: {  	_ =	shalt  }
0x49: {  	_ =	shalt  }
0x4a: {  	_ =	shalt  }
0x4b: {  	_ =	shalt  }
0x4c: {  	_ =	shalt  }
0x4d: {  	_ =	shalt  }
0x4e: {  	_ =	shalt  }
0x4f: {  	_ =	shalt  }
0x50: {  	_ =	shalt  }
0x51: {  	_ =	shalt  }
0x52: {  	_ =	shalt  }
0x53: {  	_ =	shalt  }
0x54: {  	_ =	shalt  }
0x55: {  	_ =	shalt  }
0x56: {  	_ =	shalt  }
0x57: {  	_ =	shalt  }
0x58: {  	_ =	shalt  }
0x59: {  	_ =	shalt  }
0x5a: {  	_ =	shalt  }
0x5b: {  	_ =	shalt  }
0x5c: {  	_ =	shalt  }
0x5d: {  	_ =	shalt  }
0x5e: {  	_ =	shalt  }
0x5f: {  	_ =	shalt  }
0x60: {  	_ =	shalt  }
0x61: {  	_ =	shalt  }
0x62: {  	_ =	shalt  }
0x63: {  	_ =	shalt  }
0x64: {  	_ =	shalt  }
0x65: {  	_ =	shalt  }
0x66: {  	_ =	shalt  }
0x67: {  	_ =	shalt  }
0x68: {  	_ =	shalt  }
0x69: {  	_ =	shalt  }
0x6a: {  	_ =	shalt  }
0x6b: {  	_ =	shalt  }
0x6c: {  	_ =	shalt  }
0x6d: {  	_ =	shalt  }
0x6e: {  	_ =	shalt  }
0x6f: {  	_ =	shalt  }
0x70: {  	_ =	shalt  }
0x71: {  	_ =	shalt  }
0x72: {  	_ =	shalt  }
0x73: {  	_ =	shalt  }
0x74: {  	_ =	shalt  }
0x75: {  	_ =	shalt  }
0x76: {  	_ =	shalt  }
0x77: {  	_ =	shalt  }
0x78: {  	_ =	shalt  }
0x79: {  	_ =	shalt  }
0x7a: {  	_ =	shalt  }
0x7b: {  	_ =	shalt  }
0x7c: {  	_ =	shalt  }
0x7d: {  	_ =	shalt  }
0x7e: {  	_ =	shalt  }
0x7f: {  	_ =	shalt  }
0x80: {  	_ =	shalt  }
0x81: {  	_ =	shalt  }
0x82: {  	_ =	shalt  }
0x83: {  	_ =	shalt  }
0x84: {  	_ =	shalt  }
0x85: {  	_ =	shalt  }
0x86: {  	_ =	shalt  }
0x87: {  	_ =	shalt  }
.Lfunc_end0:
.L_simem_size_0:
called_computation.1_lowered:
.L_overlay_start_0:
0x88: {  	s2 =	sld [smem:$0x3FD9]  }
0x89: {  	s3 =	sld [smem:$0x3FFE];
	_ =	sdelay $0x1  }
0x8a: {  	s1 =	srdreg.scid  }
0x8b: {  	s0 =	sand.u32 $0x1, s1  }
0x8c: {  	s17 =	sshll.u32 s0, $0xA;
	s2 =	sadd.s32 s3, s2  }
0x8d: {  	s2 =	sadd.s32 s2, s17  }
0x8e: {  	[smem:$0x3FBE] =	sst s2  }
0x8f: {  	_ = 	snop  }
0x90: {  	s2 =	sld [smem:$0x3FD0];
	(tm) =	ssettm $0x1  }
0x91: {  	s18 =	sld [smem:$0x3FFB];
	_ =	sdelay $0x3  }
0x92: {  	_ =	strace s18  }
0x93: {  	s3 =	sld [smem:$0x3FFC];
	_ =	sdelay $0x3  }
0x94: {  	_ =	strace s3  }
0x95: {  	s3 =	sld [smem:$0x3FFD];
	_ =	sdelay $0x3  }
0x96: {  	_ =	strace s3  }
0x97: {  	_ =	strace $0x8FFFFFFF  }
0x98: {  	s19 =	sld [smem:$0x3FDB];
	_ =	sdelay $0x1  }
0x99: {  	s4 =	simm.s32 $_scs_section_size  }
0x9a: {  	s5 =	simm.s32 $_size__tile_overlayer_lowered;
	s6 =	simm.s32 $_tile_overlayer_lowered  }
0x9b: {  	s22 =	simm.s32 $0x1BFF;
	s21 =	sshll.u32 s6, $0x1;
	s3 =	sadd.s32 s4, s19  }
0x9c: {  	s7 =	simm.s32 $0x0;
	s20 =	sshll.u32 s5, $0x1;
	s5 =	sadd.s32 s21, s3  }
0x9d: {  	[timem:s7], [sflag:s22] =	dma.local [hbm:s5], s20  }
0x9e: {  	_ =	swait.ge [sflag:s22], s20  }
0x9f: {  	s4 =	ssub.s32 $0x0, s20;
	[sflag:s22] =	ssyncset.done $0x0  }
0xa0: {  	[sflag:s22] =	ssyncadd.s32 s4;
	_ =	sdelay $0x1  }
0xa1: {  	s23 =	simm.s32 $0x1B8B  }
0xa2: {  	_ =	swait.ge [sflag:s23], $0x1  }
0xa3: {  	[sflag:s23] =	ssyncset.done $0x0  }
0xa4: {  	s25 =	simm.s32 $0x1B8E;
	s24 =	sld [smem:$0x3FFE];
	[sflag:s23] =	ssyncadd.s32 $0xFFFFFFFF  }
0xa5: {  	s26 =	simm.s32 $execute0_lowered;
	[smem:$0x3FD2] =	sst s25  }
0xa6: {  	s5 =	sshll.u32 s26, $0x1;
	_ =	strace $0x80000049;
	[dreg:$0x1] =	wrdreg $0xFFFFFFFF  }
0xa7: {  	s28 =	simm.s32 $_size_execute0_lowered;
	s3 =	sadd.s32 s3, s5;
	[dreg:$0x0] =	wrdreg $0x0  }
0xa8: {  	s5 =	sshll.u32 s28, $0x1;
	[dreg:$0x2] =	wrdreg s3  }
0xa9: {  	[dreg:$0x3] =	wrdreg s5  }
0xaa: {  	[dreg:$0x4] =	wrdreg $0xC0  }
0xab: {  	_ =	task [dreg:s7], $0x5FFFF  }
0xac: {  	[dreg:$0x1] =	wrdreg $0xFFFFFFFF  }
0xad: {  	[dreg:$0x0] =	wrdreg $0x60  }
0xae: {  	[dreg:$0x2] =	wrdreg s24  }
0xaf: {  	[dreg:$0x3] =	wrdreg s2  }
0xb0: {  	[dreg:$0x4] =	wrdreg $0xA0000  }
0xb1: {  	[dreg:$0x5] =	wrdreg $0x9  }
0xb2: {  	_ =	task.clear_ibuf [dreg:s7], $0x6FFFF;
	_ =	strace $0x90000049  }
0xb3: {  	s29 =	simm.s32 $0x9;
	_ =	strace $0x8000004B  }
0xb4: {  	_ =	swait.ge [sflag:s29], $0x1  }
0xb5: {  	[sflag:s29] =	ssyncadd.s32 $0xFFFFFFFF  }
0xb6: {  	_ =	strace $0x9000004B  }
0xb7: {  	_ =	sfence  }
0xb8: {  	s30 =	sld [smem:$0x0];
	_ =	sdelay $0x2  }
0xb9: {  	s31 =	sshll.u32 s1, $0xD;
	s1 =	sshrl.u32 s1, $0x2  }
0xba: {  	s3 =	sand.u32 $0x4000, s31;
	s1 =	sadd.s32 s1, s30  }
0xbb: {  	s0 =	sor.u32 s3, s0;
	s1 =	sshll.u32 s1, $0x11  }
0xbc: {  	s0 =	sor.u32 s1, s0  }
0xbd: {  	s0 =	sadd.s32 $0x8F2B, s0  }
0xbe: {  	[sflag:s0] =	ssyncadd.remote.s32 $0x1  }
0xbf: {  	_ =	sfence.sel $0xFFFF  }
0xc0: {  	[dreg:$0x0] =	wrdreg $0xFFFFFFFF;
	(pc) =	sbr.abs _section_cstart, $3  }
0xc1: {  	[dreg:$0x1] =	wrdreg $0xFFFFFFFF  }
0xc2: {  	_ =	task.clear_ibuf [dreg:s7], $0x2FFFF;
	_ =	strace $0x9FFFFFFF  }
0xc3: {  	(tm) =	ssettm $0x7FFFFFFF  }
tec
execute0_lowered:
.L_overlay_start_1:
0x0: {  	(tag) =	ssettag $0x1  }
0x1: {  	s5 =	rddreg [dreg:$0x0]  }
0x2: {  	s0 =	rddreg [dreg:$0x1]  }
0x3: {  	s1 =	rddreg [dreg:$0x2];
	s2 =	simm.s32 $0x0  }
0x4: {  	s3 =	simm.s32 $0x880;
	[smem:$0x7FF] =	sst s2  }
0x5: {  	s17 =	simm.s32 $0x100;
	_ =	strace $0x8000004A;
	[dreg:$0x4] =	wrdreg s3  }
0x6: {  	s18 =	simm.s32 $0x180;
	[dreg:$0x5] =	wrdreg s17  }
0x7: {  	s19 =	simm.s32 $0x900;
	[dreg:$0x6] =	wrdreg s18  }
0x8: {  	s20 =	simm.s32 $0x980;
	[dreg:$0x7] =	wrdreg s19  }
0x9: {  	s21 =	simm.s32 $0x200;
	[dreg:$0x8] =	wrdreg s20  }
0xa: {  	s22 =	simm.s32 $0x280;
	[dreg:$0x9] =	wrdreg s21  }
0xb: {  	s23 =	simm.s32 $0xA00;
	[dreg:$0xa] =	wrdreg s22  }
0xc: {  	s24 =	simm.s32 $0xA80;
	[dreg:$0xb] =	wrdreg s23  }
0xd: {  	s25 =	simm.s32 $0x300;
	[dreg:$0xc] =	wrdreg s24  }
0xe: {  	s26 =	simm.s32 $0x380;
	[dreg:$0xd] =	wrdreg s25  }
0xf: {  	s4 =	simm.s32 $0xB00;
	[dreg:$0xe] =	wrdreg s26  }
0x10: {  	s6 =	simm.s32 $0xB80;
	[dreg:$0xf] =	wrdreg s4  }
0x11: {  	s7 =	simm.s32 $0x400;
	[dreg:$0x10] =	wrdreg s6  }
0x12: {  	s8 =	simm.s32 $0x480;
	[dreg:$0x11] =	wrdreg s7  }
0x13: {  	s9 =	simm.s32 $0xC80;
	[dreg:$0x12] =	wrdreg s8  }
0x14: {  	s11 =	simm.s32 $0x580;
	[dreg:$0x14] =	wrdreg s9  }
0x15: {  	s13 =	simm.s32 $0xD00;
	[dreg:$0x16] =	wrdreg s11  }
0x16: {  	s14 =	simm.s32 $0xD80;
	[dreg:$0x17] =	wrdreg s13  }
0x17: {  	s15 =	simm.s32 $0x600;
	[dreg:$0x18] =	wrdreg s14  }
0x18: {  	s16 =	simm.s32 $0x680;
	[dreg:$0x19] =	wrdreg s15  }
0x19: {  	s10 =	stileid.u32;
	s6 =	simm.s32 $0xC00;
	[dreg:$0x1a] =	wrdreg s16  }
0x1a: {  	s28 =	simm.s32 $0x1700;
	s8 =	simm.s32 $0x500;
	[dreg:$0x13] =	wrdreg s6  }
0x1b: {  	s29 =	simm.s32 $0x1780;
	s17 =	simm.s32 $0xE00;
	[dreg:$0x15] =	wrdreg s8  }
0x1c: {  	s30 =	simm.s32 $0x1F00;
	s19 =	simm.s32 $0xE80;
	[dreg:$0x1b] =	wrdreg s17  }
0x1d: {  	s31 =	simm.s32 $0x1F80;
	s21 =	simm.s32 $0x700;
	[dreg:$0x1c] =	wrdreg s19  }
0x1e: {  	s12 =	smul.u32 $0x2800, s10;
	s23 =	simm.s32 $0x780;
	[dreg:$0x1d] =	wrdreg s21  }
0x1f: {  	s4 =	sadd.s32 $0x5C400, s5;
	s24 =	simm.s32 $0xF00;
	[dreg:$0x1e] =	wrdreg s23  }
0x20: {  	s3 =	smul.u32 $0xA00, s10;
	s26 =	simm.s32 $0xF80;
	[dreg:$0x1f] =	wrdreg s24  }
0x21: {  	s7 =	srdreg.scid;
	s13 =	simm.s32 $0x1080;
	[smem:$0x7DF] =	sst s26  }
0x22: {  	s22 =	smul.u32 $0x50000, s10;
	s15 =	simm.s32 $0x1880;
	[smem:$0x7E1] =	sst s13  }
0x23: {  	s10 =	smul.u32 $0xA0, s10;
	s6 =	sand.u32 $0x1, s7;
	[smem:$0x7E3] =	sst s15  }
0x24: {  	s17 =	simm.s32 $0x1100;
	s19 =	simm.s32 $0x1180;
	s23 =	simm.s32 $0x1280  }
0x25: {  	s24 =	simm.s32 $0x1A00;
	s26 =	simm.s32 $0x1A80;
	[smem:$0x7E5] =	sst s17  }
0x26: {  	s15 =	simm.s32 $0x1B80;
	s9 =	smul.u32 $0x28000, s6;
	[smem:$0x7E6] =	sst s19  }
0x27: {  	s11 =	sadd.s32 s3, s5;
	s18 =	ssub.s32 $0x2, s6;
	[smem:$0x7EB] =	sst s23  }
0x28: {  	s25 =	sshrl.u32 s22, $0x2;
	s13 =	smul.u32 $0xA00, s6;
	[smem:$0x7ED] =	sst s24  }
0x29: {  	s22 =	simm.s32 $0x1200;
	[smem:$0x7EE] =	sst s26;
	s6 =	smul.u32 $0xA000, s6  }
0x2a: {  	[smem:$0x7F2] =	sst s15;
	s17 =	simm.s32 $0x1480;
	s15 =	simm.s32 $0x2000  }
0x2b: {  	s19 =	simm.s32 $0x1C80;
	s23 =	simm.s32 $0x1D80;
	[smem:$0x7EA] =	sst s22  }
0x2c: {  	s24 =	simm.s32 $0x1600;
	s26 =	simm.s32 $0x1E00;
	[smem:$0x7F4] =	sst s17  }
0x2d: {  	s20 =	sshrl.u32 s18, $0x1;
	s11 =	sadd.s32 $0x2400, s11;
	[smem:$0x7F6] =	sst s19  }
0x2e: {  	s17 =	simm.s32 $0x800;
	s19 =	simm.s32 $0x1800;
	[smem:$0x7FA] =	sst s23  }
0x2f: {  	s22 =	simm.s32 $0x1D00;
	[smem:$0x7FB] =	sst s24;
	s23 =	simm.s32 $0x1  }
0x30: {  	s24 =	simm.s32 $0x2;
	[smem:$0x7FD] =	sst s26;
	s26 =	simm.s32 $0x1E80  }
0x31: {  	s7 =	ssub.s32 s18, s20;
	s20 =	simm.s32 $0x1900;
	[smem:$0x7F9] =	sst s22  }
0x32: {  	s8 =	sadd.s32 s12, s9;
	s9 =	simm.s32 $0x1380;
	[smem:$0x7E7] =	sst s20  }
0x33: {  	s12 =	sadd.s32 s8, s5;
	s8 =	simm.s32 $0x1300;
	[smem:$0x7F0] =	sst s9  }
0x34: {  	s5 =	sadd.s32 s25, s1;
	s20 =	simm.s32 $0x1500;
	[smem:$0x7EF] =	sst s8  }
0x35: {  	s10 =	sadd.s32 s10, s13;
	s14 =	sadd.s32 $0x4000, s5;
	[smem:$0x7F7] =	sst s20  }
0x36: {  	s22 =	simm.s32 $0x6000;
	s16 =	sadd.s32 $0x8000, s5;
	[smem:$0x7E0] =	sst s14  }
0x37: {  	s10 =	sshll.u32 s10, $0x4;
	s18 =	sadd.s32 $0xC000, s5;
	[smem:$0x7E2] =	sst s16  }
0x38: {  	s13 =	smax.u32 s7, $0x1;
	s21 =	sadd.s32 $0x10000, s5;
	[smem:$0x7E4] =	sst s18  }
0x39: {  	s25 =	sadd.s32 s0, s10;
	s12 =	sadd.s32 $0xAC400, s12;
	[smem:$0x7E8] =	sst s21  }
0x3a: {  	s10 =	simm.s32 $0x1B00;
	s0 =	sadd.s32 s6, s0;
	[smem:$0x7EC] =	sst s25  }
0x3b: {  	s20 =	simm.s32 $0x3;
	s14 =	simm.s32 $0x1980;
	[smem:$0x7F1] =	sst s10  }
0x3c: {  	s16 =	simm.s32 $0x1400;
	s18 =	simm.s32 $0x1C00;
	[smem:$0x7E9] =	sst s14  }
0x3d: {  	s21 =	simm.s32 $0x1580;
	s25 =	simm.s32 $0x1680;
	[smem:$0x7F3] =	sst s16  }
0x3e: {  	s14 =	sadd.s32 s3, s0;
	s16 =	simm.s32 $0x5;
	[smem:$0x7F5] =	sst s18  }
0x3f: {  	s18 =	simm.s32 $0x1000;
	[smem:$0x7F8] =	sst s21;
	s21 =	simm.s32 $0x80  }
0x40: {  	v0 =	vimm.f32 $0.0e+00;
	[smem:$0x7FC] =	sst s25;
	s25 =	simm.s32 $0x4;
	s0 =	simm.s32 $0x0  }
.LBB2_1:
0x41: {  	s3 =	simm.s32 $0x0;
	s6 =	simm.s32 $0x200  }
.LBB2_2:
0x42: {  	p0 =	sne.s32 s6, $0xFE00;
	[tilespmem:s3+$0x2070] =	vst v0  }
0x43: {  	[tilespmem:s3+$0x2000] =	vst v0  }
0x44: {  	[tilespmem:s3+$0x2010] =	vst v0  }
.Ltmp0:
0x45: {  	[tilespmem:s3+$0x2020] =	vst v0;
	(pc) =	sbr.rel @p0 .LBB2_2-.Ltmp0, $4  }
0x46: {  	[tilespmem:s3+$0x2030] =	vst v0  }
0x47: {  	[tilespmem:s3+$0x2040] =	vst v0  }
0x48: {  	[tilespmem:s3+$0x2050] =	vst v0  }
0x49: {  	[tilespmem:s3+$0x2060] =	vst v0;
	s3 =	sshra.s32 s6, $0x2;
	s6 =	sadd.s32 $0x200, s6  }
0x4a: {  	[tilespmem:s3+$0x2070] =	vst v0  }
0x4b: {  	[tilespmem:s3+$0x2000] =	vst v0  }
0x4c: {  	[tilespmem:s3+$0x2010] =	vst v0  }
0x4d: {  	[tilespmem:s3+$0x2020] =	vst v0  }
0x4e: {  	[tilespmem:s3+$0x2030] =	vst v0  }
0x4f: {  	[tilespmem:s3+$0x2040] =	vst v0  }
0x50: {  	[tilespmem:s3+$0x2050] =	vst v0  }
0x51: {  	[tilespmem:s3+$0x2060] =	vst v0  }
0x52: {  	[spmem:s5] =	stream.linear.scatter [tilespmem:s15], [sflag:$0x5], $0x4000, $0x38;
	[tilespmem:$0x1E000] =	vst v63  }
0x53: {  	_ =	swait.ge [sflag:s16], $0x4000  }
0x54: {  	s9 =	sld [smem:$0x7E0]  }
0x55: {  	[sflag:s16] =	ssyncset.done $0x0  }
0x56: {  	[sflag:s16] =	ssyncadd.s32 $0xFFFFC000  }
0x57: {  	[spmem:s9] =	stream.linear.scatter [tilespmem:s15], [sflag:$0x5], $0x4000, $0x38;
	[tilespmem:$0x1E000] =	vst v63  }
0x58: {  	_ =	swait.ge [sflag:s16], $0x4000  }
0x59: {  	s10 =	sld [smem:$0x7E2]  }
0x5a: {  	[sflag:s16] =	ssyncset.done $0x0  }
0x5b: {  	[sflag:s16] =	ssyncadd.s32 $0xFFFFC000  }
0x5c: {  	[spmem:s10] =	stream.linear.scatter [tilespmem:s15], [sflag:$0x5], $0x4000, $0x38;
	[tilespmem:$0x1E000] =	vst v63  }
0x5d: {  	_ =	swait.ge [sflag:s16], $0x4000  }
0x5e: {  	s6 =	sld [smem:$0x7E4]  }
0x5f: {  	[sflag:s16] =	ssyncset.done $0x0  }
0x60: {  	[sflag:s16] =	ssyncadd.s32 $0xFFFFC000  }
0x61: {  	[spmem:s6] =	stream.linear.scatter [tilespmem:s15], [sflag:$0x5], $0x4000, $0x38;
	[tilespmem:$0x1E000] =	vst v63  }
0x62: {  	_ =	swait.ge [sflag:s16], $0x4000  }
0x63: {  	s7 =	sld [smem:$0x7E8]  }
0x64: {  	[sflag:s16] =	ssyncset.done $0x0  }
0x65: {  	[sflag:s16] =	ssyncadd.s32 $0xFFFFC000  }
0x66: {  	[spmem:s7] =	stream.linear.scatter [tilespmem:s15], [sflag:$0x5], $0x4000, $0x38;
	[tilespmem:$0x1E000] =	vst v63  }
0x67: {  	_ =	swait.ge [sflag:s16], $0x4000  }
0x68: {  	[sflag:s16] =	ssyncset.done $0x0  }
0x69: {  	[sflag:s16] =	ssyncadd.s32 $0xFFFFC000  }
0x6a: {  	[bflag:$0x0] =	sbarrier.arrive $0xFFFF  }
0x6b: {  	s6 =	sld [smem:$0x7EC];
	_ =	sdelay $0x1  }
0x6c: {  	s8 =	simm.s32 $0x0  }
0x6d: {  	[tilespmem:s8], [sflag:$0x3] =	stream.linear.gather [hbm4b:s6+s8], $0x800, $0x38;
	[tilespmem:$0x1E000] =	vst v63  }
0x6e: {  	s9 =	sadd.s32 $0x0, s14  }
0x6f: {  	[tilespmem:s17], [sflag:$0x3] =	stream.linear.gather [hbm4b:s11+s8], $0x800, $0x38;
	[tilespmem:$0x1E000] =	vst v63  }
0x70: {  	s3 =	sadd.s32 $0x100, s9;
	s10 =	sadd.s32 $0x0, s11  }
0x71: {  	[tilespmem:s18], [sflag:$0x4] =	stream.linear.gather [hbm4b:s3+s2], $0x800, $0x38;
	[tilespmem:$0x1E000] =	vst v63  }
0x72: {  	s7 =	sadd.s32 $0x100, s10  }
0x73: {  	[tilespmem:s19], [sflag:$0x4] =	stream.linear.gather [hbm4b:s7+s2], $0x800, $0x38;
	[tilespmem:$0x1E000] =	vst v63  }
0x74: {  	_ =	swait.ge [sflag:s20], $0x800  }
0x75: {  	[sflag:s20] =	ssyncset.done $0x0  }
0x76: {  	[sflag:s20] =	ssyncadd.s32 $0xFFFFF800  }
0x77: {  	_ =	swait.ge [sflag:s20], $0x800  }
0x78: {  	[sflag:s20] =	ssyncset.done $0x0  }
0x79: {  	[sflag:s20] =	ssyncadd.s32 $0xFFFFF800  }
0x7a: {  	[tilespmem:s15], [sflag:$0x1] =	stream.indirect.gather [hbm4b:s4+s21], $0x80, s2, s21, $0xb8;
	[tilespmem:$0x1E000] =	vst v63  }
0x7b: {  	_ = 	snop  }
0x7c: {  	[tilespmem:s22], [sflag:$0x2] =	stream.indirect.gather [hbm4b:s4+s21], $0x80, s21, s21, $0xb8;
	[tilespmem:$0x1E000] =	vst v63  }
0x7d: {  	_ =	swait.ge [sflag:s23], $0x4000  }
0x7e: {  	[sflag:s23] =	ssyncset.done $0x0  }
0x7f: {  	[sflag:s23] =	ssyncadd.s32 $0xFFFFC000  }
0x80: {  	[spmem:s1] =	stream.indirect.scatter.add.f32 [tilespmem:s15], [sflag:$0x5], $0x80, s17, s21, $0xb8;
	[tilespmem:$0x1E000] =	vst v63  }
0x81: {  	_ =	swait.ge [sflag:s16], $0x4000  }
0x82: {  	[sflag:s16] =	ssyncset.done $0x0  }
0x83: {  	[sflag:s16] =	ssyncadd.s32 $0xFFFFC000  }
0x84: {  	_ =	swait.ge [sflag:s24], $0x4000  }
0x85: {  	[sflag:s24] =	ssyncset.done $0x0  }
0x86: {  	s8 =	rddreg [dreg:$0x4];
	[sflag:s24] =	ssyncadd.s32 $0xFFFFC000  }
0x87: {  	[spmem:s1] =	stream.indirect.scatter.add.f32 [tilespmem:s22], [sflag:$0x5], $0x80, s8, s21, $0xb8;
	[tilespmem:$0x1E000] =	vst v63  }
0x88: {  	_ =	swait.ge [sflag:s16], $0x4000  }
0x89: {  	[sflag:s16] =	ssyncset.done $0x0  }
0x8a: {  	s9 =	rddreg [dreg:$0x5];
	[sflag:s16] =	ssyncadd.s32 $0xFFFFC000  }
0x8b: {  	[tilespmem:s15], [sflag:$0x1] =	stream.indirect.gather [hbm4b:s4+s21], $0x80, s9, s21, $0xb8;
	[tilespmem:$0x1E000] =	vst v63  }
0x8c: {  	s10 =	rddreg [dreg:$0x6]  }
0x8d: {  	[tilespmem:s22], [sflag:$0x2] =	stream.indirect.gather [hbm4b:s4+s21], $0x80, s10, s21, $0xb8;
	[tilespmem:$0x1E000] =	vst v63  }
0x8e: {  	_ =	swait.ge [sflag:s23], $0x4000  }
0x8f: {  	[sflag:s23] =	ssyncset.done $0x0  }
0x90: {  	s7 =	rddreg [dreg:$0x7];
	[sflag:s23] =	ssyncadd.s32 $0xFFFFC000  }
0x91: {  	[spmem:s1] =	stream.indirect.scatter.add.f32 [tilespmem:s15], [sflag:$0x5], $0x80, s7, s21, $0xb8;
	[tilespmem:$0x1E000] =	vst v63  }
0x92: {  	_ =	swait.ge [sflag:s16], $0x4000  }
0x93: {  	[sflag:s16] =	ssyncset.done $0x0  }
0x94: {  	[sflag:s16] =	ssyncadd.s32 $0xFFFFC000  }
0x95: {  	_ =	swait.ge [sflag:s24], $0x4000  }
0x96: {  	[sflag:s24] =	ssyncset.done $0x0  }
0x97: {  	s8 =	rddreg [dreg:$0x8];
	[sflag:s24] =	ssyncadd.s32 $0xFFFFC000  }
0x98: {  	[spmem:s1] =	stream.indirect.scatter.add.f32 [tilespmem:s22], [sflag:$0x5], $0x80, s8, s21, $0xb8;
	[tilespmem:$0x1E000] =	vst v63  }
0x99: {  	_ =	swait.ge [sflag:s16], $0x4000  }
0x9a: {  	[sflag:s16] =	ssyncset.done $0x0  }
0x9b: {  	s9 =	rddreg [dreg:$0x9];
	[sflag:s16] =	ssyncadd.s32 $0xFFFFC000  }
0x9c: {  	[tilespmem:s15], [sflag:$0x1] =	stream.indirect.gather [hbm4b:s4+s21], $0x80, s9, s21, $0xb8;
	[tilespmem:$0x1E000] =	vst v63  }
0x9d: {  	s10 =	rddreg [dreg:$0xa]  }
0x9e: {  	[tilespmem:s22], [sflag:$0x2] =	stream.indirect.gather [hbm4b:s4+s21], $0x80, s10, s21, $0xb8;
	[tilespmem:$0x1E000] =	vst v63  }
0x9f: {  	_ =	swait.ge [sflag:s23], $0x4000  }
0xa0: {  	[sflag:s23] =	ssyncset.done $0x0  }
0xa1: {  	s7 =	rddreg [dreg:$0xb];
	[sflag:s23] =	ssyncadd.s32 $0xFFFFC000  }
0xa2: {  	[spmem:s1] =	stream.indirect.scatter.add.f32 [tilespmem:s15], [sflag:$0x5], $0x80, s7, s21, $0xb8;
	[tilespmem:$0x1E000] =	vst v63  }
0xa3: {  	_ =	swait.ge [sflag:s16], $0x4000  }
0xa4: {  	[sflag:s16] =	ssyncset.done $0x0  }
0xa5: {  	[sflag:s16] =	ssyncadd.s32 $0xFFFFC000  }
0xa6: {  	_ =	swait.ge [sflag:s24], $0x4000  }
0xa7: {  	[sflag:s24] =	ssyncset.done $0x0  }
0xa8: {  	s8 =	rddreg [dreg:$0xc];
	[sflag:s24] =	ssyncadd.s32 $0xFFFFC000  }
0xa9: {  	[spmem:s1] =	stream.indirect.scatter.add.f32 [tilespmem:s22], [sflag:$0x5], $0x80, s8, s21, $0xb8;
	[tilespmem:$0x1E000] =	vst v63  }
0xaa: {  	_ =	swait.ge [sflag:s16], $0x4000  }
0xab: {  	[sflag:s16] =	ssyncset.done $0x0  }
0xac: {  	s9 =	rddreg [dreg:$0xd];
	[sflag:s16] =	ssyncadd.s32 $0xFFFFC000  }
0xad: {  	[tilespmem:s15], [sflag:$0x1] =	stream.indirect.gather [hbm4b:s4+s21], $0x80, s9, s21, $0xb8;
	[tilespmem:$0x1E000] =	vst v63  }
0xae: {  	s10 =	rddreg [dreg:$0xe]  }
0xaf: {  	[tilespmem:s22], [sflag:$0x2] =	stream.indirect.gather [hbm4b:s4+s21], $0x80, s10, s21, $0xb8;
	[tilespmem:$0x1E000] =	vst v63  }
0xb0: {  	_ =	swait.ge [sflag:s23], $0x4000  }
0xb1: {  	[sflag:s23] =	ssyncset.done $0x0  }
0xb2: {  	s7 =	rddreg [dreg:$0xf];
	[sflag:s23] =	ssyncadd.s32 $0xFFFFC000  }
0xb3: {  	[spmem:s1] =	stream.indirect.scatter.add.f32 [tilespmem:s15], [sflag:$0x5], $0x80, s7, s21, $0xb8;
	[tilespmem:$0x1E000] =	vst v63  }
0xb4: {  	_ =	swait.ge [sflag:s16], $0x4000  }
0xb5: {  	[sflag:s16] =	ssyncset.done $0x0  }
0xb6: {  	[sflag:s16] =	ssyncadd.s32 $0xFFFFC000  }
0xb7: {  	_ =	swait.ge [sflag:s24], $0x4000  }
0xb8: {  	[sflag:s24] =	ssyncset.done $0x0  }
0xb9: {  	s8 =	rddreg [dreg:$0x10];
	[sflag:s24] =	ssyncadd.s32 $0xFFFFC000  }
0xba: {  	[spmem:s1] =	stream.indirect.scatter.add.f32 [tilespmem:s22], [sflag:$0x5], $0x80, s8, s21, $0xb8;
	[tilespmem:$0x1E000] =	vst v63  }
0xbb: {  	_ =	swait.ge [sflag:s16], $0x4000  }
0xbc: {  	[sflag:s16] =	ssyncset.done $0x0  }
0xbd: {  	s9 =	rddreg [dreg:$0x11];
	[sflag:s16] =	ssyncadd.s32 $0xFFFFC000  }
0xbe: {  	[tilespmem:s15], [sflag:$0x1] =	stream.indirect.gather [hbm4b:s4+s21], $0x80, s9, s21, $0xb8;
	[tilespmem:$0x1E000] =	vst v63  }
0xbf: {  	s10 =	rddreg [dreg:$0x12]  }
0xc0: {  	[tilespmem:s22], [sflag:$0x2] =	stream.indirect.gather [hbm4b:s4+s21], $0x80, s10, s21, $0xb8;
	[tilespmem:$0x1E000] =	vst v63  }
0xc1: {  	_ =	swait.ge [sflag:s23], $0x4000  }
0xc2: {  	[sflag:s23] =	ssyncset.done $0x0  }
0xc3: {  	s7 =	rddreg [dreg:$0x13];
	[sflag:s23] =	ssyncadd.s32 $0xFFFFC000  }
0xc4: {  	[spmem:s1] =	stream.indirect.scatter.add.f32 [tilespmem:s15], [sflag:$0x5], $0x80, s7, s21, $0xb8;
	[tilespmem:$0x1E000] =	vst v63  }
0xc5: {  	_ =	swait.ge [sflag:s16], $0x4000  }
0xc6: {  	[sflag:s16] =	ssyncset.done $0x0  }
0xc7: {  	[sflag:s16] =	ssyncadd.s32 $0xFFFFC000  }
0xc8: {  	_ =	swait.ge [sflag:s24], $0x4000  }
0xc9: {  	[sflag:s24] =	ssyncset.done $0x0  }
0xca: {  	s8 =	rddreg [dreg:$0x14];
	[sflag:s24] =	ssyncadd.s32 $0xFFFFC000  }
0xcb: {  	[spmem:s1] =	stream.indirect.scatter.add.f32 [tilespmem:s22], [sflag:$0x5], $0x80, s8, s21, $0xb8;
	[tilespmem:$0x1E000] =	vst v63  }
0xcc: {  	_ =	swait.ge [sflag:s16], $0x4000  }
0xcd: {  	[sflag:s16] =	ssyncset.done $0x0  }
0xce: {  	s9 =	rddreg [dreg:$0x15];
	[sflag:s16] =	ssyncadd.s32 $0xFFFFC000  }
0xcf: {  	[tilespmem:s15], [sflag:$0x1] =	stream.indirect.gather [hbm4b:s4+s21], $0x80, s9, s21, $0xb8;
	[tilespmem:$0x1E000] =	vst v63  }
0xd0: {  	s10 =	rddreg [dreg:$0x16]  }
0xd1: {  	[tilespmem:s22], [sflag:$0x2] =	stream.indirect.gather [hbm4b:s4+s21], $0x80, s10, s21, $0xb8;
	[tilespmem:$0x1E000] =	vst v63  }
0xd2: {  	_ =	swait.ge [sflag:s23], $0x4000  }
0xd3: {  	[sflag:s23] =	ssyncset.done $0x0  }
0xd4: {  	s7 =	rddreg [dreg:$0x17];
	[sflag:s23] =	ssyncadd.s32 $0xFFFFC000  }
0xd5: {  	[spmem:s1] =	stream.indirect.scatter.add.f32 [tilespmem:s15], [sflag:$0x5], $0x80, s7, s21, $0xb8;
	[tilespmem:$0x1E000] =	vst v63  }
0xd6: {  	_ =	swait.ge [sflag:s16], $0x4000  }
0xd7: {  	[sflag:s16] =	ssyncset.done $0x0  }
0xd8: {  	[sflag:s16] =	ssyncadd.s32 $0xFFFFC000  }
0xd9: {  	_ =	swait.ge [sflag:s24], $0x4000  }
0xda: {  	[sflag:s24] =	ssyncset.done $0x0  }
0xdb: {  	s8 =	rddreg [dreg:$0x18];
	[sflag:s24] =	ssyncadd.s32 $0xFFFFC000  }
0xdc: {  	[spmem:s1] =	stream.indirect.scatter.add.f32 [tilespmem:s22], [sflag:$0x5], $0x80, s8, s21, $0xb8;
	[tilespmem:$0x1E000] =	vst v63  }
0xdd: {  	_ =	swait.ge [sflag:s16], $0x4000  }
0xde: {  	[sflag:s16] =	ssyncset.done $0x0  }
0xdf: {  	s9 =	rddreg [dreg:$0x19];
	[sflag:s16] =	ssyncadd.s32 $0xFFFFC000  }
0xe0: {  	[tilespmem:s15], [sflag:$0x1] =	stream.indirect.gather [hbm4b:s4+s21], $0x80, s9, s21, $0xb8;
	[tilespmem:$0x1E000] =	vst v63  }
0xe1: {  	s10 =	rddreg [dreg:$0x1a]  }
0xe2: {  	[tilespmem:s22], [sflag:$0x2] =	stream.indirect.gather [hbm4b:s4+s21], $0x80, s10, s21, $0xb8;
	[tilespmem:$0x1E000] =	vst v63  }
0xe3: {  	_ =	swait.ge [sflag:s23], $0x4000  }
0xe4: {  	[sflag:s23] =	ssyncset.done $0x0  }
0xe5: {  	s6 =	rddreg [dreg:$0x1b];
	[sflag:s23] =	ssyncadd.s32 $0xFFFFC000  }
0xe6: {  	[spmem:s1] =	stream.indirect.scatter.add.f32 [tilespmem:s15], [sflag:$0x5], $0x80, s6, s21, $0xb8;
	[tilespmem:$0x1E000] =	vst v63  }
0xe7: {  	_ =	swait.ge [sflag:s16], $0x4000  }
0xe8: {  	[sflag:s16] =	ssyncset.done $0x0  }
0xe9: {  	[sflag:s16] =	ssyncadd.s32 $0xFFFFC000  }
0xea: {  	_ =	swait.ge [sflag:s24], $0x4000  }
0xeb: {  	[sflag:s24] =	ssyncset.done $0x0  }
0xec: {  	s7 =	rddreg [dreg:$0x1c];
	[sflag:s24] =	ssyncadd.s32 $0xFFFFC000  }
0xed: {  	[spmem:s1] =	stream.indirect.scatter.add.f32 [tilespmem:s22], [sflag:$0x5], $0x80, s7, s21, $0xb8;
	[tilespmem:$0x1E000] =	vst v63  }
0xee: {  	_ =	swait.ge [sflag:s16], $0x4000  }
0xef: {  	[sflag:s16] =	ssyncset.done $0x0  }
0xf0: {  	s8 =	rddreg [dreg:$0x1d];
	[sflag:s16] =	ssyncadd.s32 $0xFFFFC000  }
0xf1: {  	[tilespmem:s15], [sflag:$0x1] =	stream.indirect.gather [hbm4b:s4+s21], $0x80, s8, s21, $0xb8;
	[tilespmem:$0x1E000] =	vst v63  }
0xf2: {  	s9 =	rddreg [dreg:$0x1e]  }
0xf3: {  	[tilespmem:s22], [sflag:$0x2] =	stream.indirect.gather [hbm4b:s4+s21], $0x80, s9, s21, $0xb8;
	[tilespmem:$0x1E000] =	vst v63  }
0xf4: {  	_ =	swait.ge [sflag:s23], $0x4000  }
0xf5: {  	[sflag:s23] =	ssyncset.done $0x0  }
0xf6: {  	s10 =	rddreg [dreg:$0x1f];
	[sflag:s23] =	ssyncadd.s32 $0xFFFFC000  }
0xf7: {  	[spmem:s1] =	stream.indirect.scatter.add.f32 [tilespmem:s15], [sflag:$0x5], $0x80, s10, s21, $0xb8;
	[tilespmem:$0x1E000] =	vst v63  }
0xf8: {  	_ =	swait.ge [sflag:s16], $0x4000  }
0xf9: {  	[sflag:s16] =	ssyncset.done $0x0  }
0xfa: {  	[sflag:s16] =	ssyncadd.s32 $0xFFFFC000  }
0xfb: {  	_ =	swait.ge [sflag:s24], $0x4000  }
0xfc: {  	s6 =	sld [smem:$0x7DF]  }
0xfd: {  	[sflag:s24] =	ssyncset.done $0x0  }
0xfe: {  	p0 =	por $0x0, $0x0;
	[sflag:s24] =	ssyncadd.s32 $0xFFFFC000  }
0xff: {  	[spmem:s1] =	stream.indirect.scatter.add.f32 [tilespmem:s22], [sflag:$0x5], $0x80, s6, s21, $0xb8;
	[tilespmem:$0x1E000] =	vst v63  }
0x100: {  	s3 =	sadd.s32 @!p0 $0x0, s14;
	_ =	swait.ge [sflag:s16], $0x4000  }
0x101: {  	s3 =	sadd.s32 @!p0 $0x200, s3;
	[sflag:s16] =	ssyncset.done $0x0  }
0x102: {  	s7 =	simm.s32 @!p0 $0x0;
	s6 =	sadd.s32 @!p0 $0x0, s11;
	[sflag:s16] =	ssyncadd.s32 $0xFFFFC000  }
0x103: {  	[tilespmem:s7], [sflag:$0x3] =	stream.linear.gather @!p0 [hbm4b:s3+s7], $0x800, $0x38;
	[tilespmem:$0x1E000] =	vst v63  }
0x104: {  	s3 =	sadd.s32 @!p0 $0x200, s6;
	s6 =	simm.s32 @!p0 $0x800  }
0x105: {  	[tilespmem:s6], [sflag:$0x3] =	stream.linear.gather @!p0 [hbm4b:s3+s7], $0x800, $0x38;
	[tilespmem:$0x1E000] =	vst v63  }
0x106: {  	_ =	swait.ge [sflag:s25], $0x800  }
0x107: {  	[sflag:s25] =	ssyncset.done $0x0  }
0x108: {  	[sflag:s25] =	ssyncadd.s32 $0xFFFFF800  }
0x109: {  	_ =	swait.ge [sflag:s25], $0x800  }
0x10a: {  	[sflag:s25] =	ssyncset.done $0x0  }
0x10b: {  	s7 =	sld [smem:$0x7E1];
	[sflag:s25] =	ssyncadd.s32 $0xFFFFF800  }
0x10c: {  	[tilespmem:s15], [sflag:$0x1] =	stream.indirect.gather [hbm4b:s4+s21], $0x80, s18, s21, $0xb8;
	[tilespmem:$0x1E000] =	vst v63  }
0x10d: {  	_ = 	snop  }
0x10e: {  	[tilespmem:s22], [sflag:$0x2] =	stream.indirect.gather [hbm4b:s4+s21], $0x80, s7, s21, $0xb8;
	[tilespmem:$0x1E000] =	vst v63  }
0x10f: {  	_ =	swait.ge [sflag:s23], $0x4000  }
0x110: {  	[sflag:s23] =	ssyncset.done $0x0  }
0x111: {  	[sflag:s23] =	ssyncadd.s32 $0xFFFFC000  }
0x112: {  	[spmem:s1] =	stream.indirect.scatter.add.f32 [tilespmem:s15], [sflag:$0x5], $0x80, s19, s21, $0xb8;
	[tilespmem:$0x1E000] =	vst v63  }
0x113: {  	_ =	swait.ge [sflag:s16], $0x4000  }
0x114: {  	[sflag:s16] =	ssyncset.done $0x0  }
0x115: {  	[sflag:s16] =	ssyncadd.s32 $0xFFFFC000  }
0x116: {  	_ =	swait.ge [sflag:s24], $0x4000  }
0x117: {  	s8 =	sld [smem:$0x7E3]  }
0x118: {  	[sflag:s24] =	ssyncset.done $0x0  }
0x119: {  	[sflag:s24] =	ssyncadd.s32 $0xFFFFC000  }
0x11a: {  	[spmem:s1] =	stream.indirect.scatter.add.f32 [tilespmem:s22], [sflag:$0x5], $0x80, s8, s21, $0xb8;
	[tilespmem:$0x1E000] =	vst v63  }
0x11b: {  	_ =	swait.ge [sflag:s16], $0x4000  }
0x11c: {  	s9 =	sld [smem:$0x7E5]  }
0x11d: {  	[sflag:s16] =	ssyncset.done $0x0  }
0x11e: {  	s10 =	sld [smem:$0x7E6];
	[sflag:s16] =	ssyncadd.s32 $0xFFFFC000  }
0x11f: {  	[tilespmem:s15], [sflag:$0x1] =	stream.indirect.gather [hbm4b:s4+s21], $0x80, s9, s21, $0xb8;
	[tilespmem:$0x1E000] =	vst v63  }
0x120: {  	_ = 	snop  }
0x121: {  	[tilespmem:s22], [sflag:$0x2] =	stream.indirect.gather [hbm4b:s4+s21], $0x80, s10, s21, $0xb8;
	[tilespmem:$0x1E000] =	vst v63  }
0x122: {  	_ =	swait.ge [sflag:s23], $0x4000  }
0x123: {  	s7 =	sld [smem:$0x7E7]  }
0x124: {  	[sflag:s23] =	ssyncset.done $0x0  }
0x125: {  	[sflag:s23] =	ssyncadd.s32 $0xFFFFC000  }
0x126: {  	[spmem:s1] =	stream.indirect.scatter.add.f32 [tilespmem:s15], [sflag:$0x5], $0x80, s7, s21, $0xb8;
	[tilespmem:$0x1E000] =	vst v63  }
0x127: {  	_ =	swait.ge [sflag:s16], $0x4000  }
0x128: {  	[sflag:s16] =	ssyncset.done $0x0  }
0x129: {  	[sflag:s16] =	ssyncadd.s32 $0xFFFFC000  }
0x12a: {  	_ =	swait.ge [sflag:s24], $0x4000  }
0x12b: {  	s8 =	sld [smem:$0x7E9]  }
0x12c: {  	[sflag:s24] =	ssyncset.done $0x0  }
0x12d: {  	[sflag:s24] =	ssyncadd.s32 $0xFFFFC000  }
0x12e: {  	[spmem:s1] =	stream.indirect.scatter.add.f32 [tilespmem:s22], [sflag:$0x5], $0x80, s8, s21, $0xb8;
	[tilespmem:$0x1E000] =	vst v63  }
0x12f: {  	_ =	swait.ge [sflag:s16], $0x4000  }
0x130: {  	s9 =	sld [smem:$0x7EA]  }
0x131: {  	[sflag:s16] =	ssyncset.done $0x0  }
0x132: {  	s10 =	sld [smem:$0x7EB];
	[sflag:s16] =	ssyncadd.s32 $0xFFFFC000  }
0x133: {  	[tilespmem:s15], [sflag:$0x1] =	stream.indirect.gather [hbm4b:s4+s21], $0x80, s9, s21, $0xb8;
	[tilespmem:$0x1E000] =	vst v63  }
0x134: {  	_ = 	snop  }
0x135: {  	[tilespmem:s22], [sflag:$0x2] =	stream.indirect.gather [hbm4b:s4+s21], $0x80, s10, s21, $0xb8;
	[tilespmem:$0x1E000] =	vst v63  }
0x136: {  	_ =	swait.ge [sflag:s23], $0x4000  }
0x137: {  	s7 =	sld [smem:$0x7ED]  }
0x138: {  	[sflag:s23] =	ssyncset.done $0x0  }
0x139: {  	[sflag:s23] =	ssyncadd.s32 $0xFFFFC000  }
0x13a: {  	[spmem:s1] =	stream.indirect.scatter.add.f32 [tilespmem:s15], [sflag:$0x5], $0x80, s7, s21, $0xb8;
	[tilespmem:$0x1E000] =	vst v63  }
0x13b: {  	_ =	swait.ge [sflag:s16], $0x4000  }
0x13c: {  	[sflag:s16] =	ssyncset.done $0x0  }
0x13d: {  	[sflag:s16] =	ssyncadd.s32 $0xFFFFC000  }
0x13e: {  	_ =	swait.ge [sflag:s24], $0x4000  }
0x13f: {  	s8 =	sld [smem:$0x7EE]  }
0x140: {  	[sflag:s24] =	ssyncset.done $0x0  }
0x141: {  	[sflag:s24] =	ssyncadd.s32 $0xFFFFC000  }
0x142: {  	[spmem:s1] =	stream.indirect.scatter.add.f32 [tilespmem:s22], [sflag:$0x5], $0x80, s8, s21, $0xb8;
	[tilespmem:$0x1E000] =	vst v63  }
0x143: {  	_ =	swait.ge [sflag:s16], $0x4000  }
0x144: {  	s9 =	sld [smem:$0x7EF]  }
0x145: {  	[sflag:s16] =	ssyncset.done $0x0  }
0x146: {  	s10 =	sld [smem:$0x7F0];
	[sflag:s16] =	ssyncadd.s32 $0xFFFFC000  }
0x147: {  	[tilespmem:s15], [sflag:$0x1] =	stream.indirect.gather [hbm4b:s4+s21], $0x80, s9, s21, $0xb8;
	[tilespmem:$0x1E000] =	vst v63  }
0x148: {  	_ = 	snop  }
0x149: {  	[tilespmem:s22], [sflag:$0x2] =	stream.indirect.gather [hbm4b:s4+s21], $0x80, s10, s21, $0xb8;
	[tilespmem:$0x1E000] =	vst v63  }
0x14a: {  	_ =	swait.ge [sflag:s23], $0x4000  }
0x14b: {  	s7 =	sld [smem:$0x7F1]  }
0x14c: {  	[sflag:s23] =	ssyncset.done $0x0  }
0x14d: {  	[sflag:s23] =	ssyncadd.s32 $0xFFFFC000  }
0x14e: {  	[spmem:s1] =	stream.indirect.scatter.add.f32 [tilespmem:s15], [sflag:$0x5], $0x80, s7, s21, $0xb8;
	[tilespmem:$0x1E000] =	vst v63  }
0x14f: {  	_ =	swait.ge [sflag:s16], $0x4000  }
0x150: {  	[sflag:s16] =	ssyncset.done $0x0  }
0x151: {  	[sflag:s16] =	ssyncadd.s32 $0xFFFFC000  }
0x152: {  	_ =	swait.ge [sflag:s24], $0x4000  }
0x153: {  	s8 =	sld [smem:$0x7F2]  }
0x154: {  	[sflag:s24] =	ssyncset.done $0x0  }
0x155: {  	[sflag:s24] =	ssyncadd.s32 $0xFFFFC000  }
0x156: {  	[spmem:s1] =	stream.indirect.scatter.add.f32 [tilespmem:s22], [sflag:$0x5], $0x80, s8, s21, $0xb8;
	[tilespmem:$0x1E000] =	vst v63  }
0x157: {  	_ =	swait.ge [sflag:s16], $0x4000  }
0x158: {  	s9 =	sld [smem:$0x7F3]  }
0x159: {  	[sflag:s16] =	ssyncset.done $0x0  }
0x15a: {  	s10 =	sld [smem:$0x7F4];
	[sflag:s16] =	ssyncadd.s32 $0xFFFFC000  }
0x15b: {  	[tilespmem:s15], [sflag:$0x1] =	stream.indirect.gather [hbm4b:s4+s21], $0x80, s9, s21, $0xb8;
	[tilespmem:$0x1E000] =	vst v63  }
0x15c: {  	_ = 	snop  }
0x15d: {  	[tilespmem:s22], [sflag:$0x2] =	stream.indirect.gather [hbm4b:s4+s21], $0x80, s10, s21, $0xb8;
	[tilespmem:$0x1E000] =	vst v63  }
0x15e: {  	_ =	swait.ge [sflag:s23], $0x4000  }
0x15f: {  	s7 =	sld [smem:$0x7F5]  }
0x160: {  	[sflag:s23] =	ssyncset.done $0x0  }
0x161: {  	[sflag:s23] =	ssyncadd.s32 $0xFFFFC000  }
0x162: {  	[spmem:s1] =	stream.indirect.scatter.add.f32 [tilespmem:s15], [sflag:$0x5], $0x80, s7, s21, $0xb8;
	[tilespmem:$0x1E000] =	vst v63  }
0x163: {  	_ =	swait.ge [sflag:s16], $0x4000  }
0x164: {  	[sflag:s16] =	ssyncset.done $0x0  }
0x165: {  	[sflag:s16] =	ssyncadd.s32 $0xFFFFC000  }
0x166: {  	_ =	swait.ge [sflag:s24], $0x4000  }
0x167: {  	s8 =	sld [smem:$0x7F6]  }
0x168: {  	[sflag:s24] =	ssyncset.done $0x0  }
0x169: {  	[sflag:s24] =	ssyncadd.s32 $0xFFFFC000  }
0x16a: {  	[spmem:s1] =	stream.indirect.scatter.add.f32 [tilespmem:s22], [sflag:$0x5], $0x80, s8, s21, $0xb8;
	[tilespmem:$0x1E000] =	vst v63  }
0x16b: {  	_ =	swait.ge [sflag:s16], $0x4000  }
0x16c: {  	s9 =	sld [smem:$0x7F7]  }
0x16d: {  	[sflag:s16] =	ssyncset.done $0x0  }
0x16e: {  	s10 =	sld [smem:$0x7F8];
	[sflag:s16] =	ssyncadd.s32 $0xFFFFC000  }
0x16f: {  	[tilespmem:s15], [sflag:$0x1] =	stream.indirect.gather [hbm4b:s4+s21], $0x80, s9, s21, $0xb8;
	[tilespmem:$0x1E000] =	vst v63  }
0x170: {  	_ = 	snop  }
0x171: {  	[tilespmem:s22], [sflag:$0x2] =	stream.indirect.gather [hbm4b:s4+s21], $0x80, s10, s21, $0xb8;
	[tilespmem:$0x1E000] =	vst v63  }
0x172: {  	_ =	swait.ge [sflag:s23], $0x4000  }
0x173: {  	s6 =	sld [smem:$0x7F9]  }
0x174: {  	[sflag:s23] =	ssyncset.done $0x0  }
0x175: {  	[sflag:s23] =	ssyncadd.s32 $0xFFFFC000  }
0x176: {  	[spmem:s1] =	stream.indirect.scatter.add.f32 [tilespmem:s15], [sflag:$0x5], $0x80, s6, s21, $0xb8;
	[tilespmem:$0x1E000] =	vst v63  }
0x177: {  	_ =	swait.ge [sflag:s16], $0x4000  }
0x178: {  	[sflag:s16] =	ssyncset.done $0x0  }
0x179: {  	[sflag:s16] =	ssyncadd.s32 $0xFFFFC000  }
0x17a: {  	_ =	swait.ge [sflag:s24], $0x4000  }
0x17b: {  	s7 =	sld [smem:$0x7FA]  }
0x17c: {  	[sflag:s24] =	ssyncset.done $0x0  }
0x17d: {  	[sflag:s24] =	ssyncadd.s32 $0xFFFFC000  }
0x17e: {  	[spmem:s1] =	stream.indirect.scatter.add.f32 [tilespmem:s22], [sflag:$0x5], $0x80, s7, s21, $0xb8;
	[tilespmem:$0x1E000] =	vst v63  }
0x17f: {  	_ =	swait.ge [sflag:s16], $0x4000  }
0x180: {  	s8 =	sld [smem:$0x7FB]  }
0x181: {  	[sflag:s16] =	ssyncset.done $0x0  }
0x182: {  	s9 =	sld [smem:$0x7FC];
	[sflag:s16] =	ssyncadd.s32 $0xFFFFC000  }
0x183: {  	[tilespmem:s15], [sflag:$0x1] =	stream.indirect.gather [hbm4b:s4+s21], $0x80, s8, s21, $0xb8;
	[tilespmem:$0x1E000] =	vst v63  }
0x184: {  	_ = 	snop  }
0x185: {  	[tilespmem:s22], [sflag:$0x2] =	stream.indirect.gather [hbm4b:s4+s21], $0x80, s9, s21, $0xb8;
	[tilespmem:$0x1E000] =	vst v63  }
0x186: {  	_ =	swait.ge [sflag:s23], $0x4000  }
0x187: {  	s10 =	sld [smem:$0x7FD]  }
0x188: {  	[sflag:s23] =	ssyncset.done $0x0  }
0x189: {  	[sflag:s23] =	ssyncadd.s32 $0xFFFFC000  }
0x18a: {  	[spmem:s1] =	stream.indirect.scatter.add.f32 [tilespmem:s15], [sflag:$0x5], $0x80, s10, s21, $0xb8;
	[tilespmem:$0x1E000] =	vst v63  }
0x18b: {  	_ =	swait.ge [sflag:s16], $0x4000  }
0x18c: {  	[sflag:s16] =	ssyncset.done $0x0  }
0x18d: {  	[sflag:s16] =	ssyncadd.s32 $0xFFFFC000  }
0x18e: {  	_ =	swait.ge [sflag:s24], $0x4000  }
0x18f: {  	[sflag:s24] =	ssyncset.done $0x0  }
0x190: {  	[sflag:s24] =	ssyncadd.s32 $0xFFFFC000  }
0x191: {  	[spmem:s1] =	stream.indirect.scatter.add.f32 [tilespmem:s22], [sflag:$0x5], $0x80, s26, s21, $0xb8;
	[tilespmem:$0x1E000] =	vst v63  }
0x192: {  	_ =	swait.ge [sflag:s16], $0x4000  }
0x193: {  	[sflag:s16] =	ssyncset.done $0x0  }
0x194: {  	[sflag:s16] =	ssyncadd.s32 $0xFFFFC000  }
0x195: {  	[tilespmem:s15], [sflag:$0x1] =	stream.indirect.gather [hbm4b:s4+s21], $0x80, s28, s21, $0xb8;
	[tilespmem:$0x1E000] =	vst v63  }
0x196: {  	_ = 	snop  }
0x197: {  	[tilespmem:s22], [sflag:$0x2] =	stream.indirect.gather [hbm4b:s4+s21], $0x80, s29, s21, $0xb8;
	[tilespmem:$0x1E000] =	vst v63  }
0x198: {  	_ =	swait.ge [sflag:s23], $0x4000  }
0x199: {  	[sflag:s23] =	ssyncset.done $0x0  }
0x19a: {  	[sflag:s23] =	ssyncadd.s32 $0xFFFFC000  }
0x19b: {  	[spmem:s1] =	stream.indirect.scatter.add.f32 [tilespmem:s15], [sflag:$0x5], $0x80, s30, s21, $0xb8;
	[tilespmem:$0x1E000] =	vst v63  }
0x19c: {  	_ =	swait.ge [sflag:s16], $0x4000  }
0x19d: {  	[sflag:s16] =	ssyncset.done $0x0  }
0x19e: {  	[sflag:s16] =	ssyncadd.s32 $0xFFFFC000  }
0x19f: {  	_ =	swait.ge [sflag:s24], $0x4000  }
0x1a0: {  	[sflag:s24] =	ssyncset.done $0x0  }
0x1a1: {  	[sflag:s24] =	ssyncadd.s32 $0xFFFFC000  }
0x1a2: {  	[spmem:s1] =	stream.indirect.scatter.add.f32 [tilespmem:s22], [sflag:$0x5], $0x80, s31, s21, $0xb8;
	[tilespmem:$0x1E000] =	vst v63  }
0x1a3: {  	s3 =	simm.s32 $0x200;
	_ =	swait.ge [sflag:s16], $0x4000  }
0x1a4: {  	s6 =	simm.s32 $0x400;
	s7 =	sadd.s32 $0x200, s14;
	[sflag:s16] =	ssyncset.done $0x0  }
.LBB2_4:
0x1a5: {  	s7 =	sadd.s32 $0x100, s7;
	s8 =	sadd.s32 s3, s11;
	[sflag:s16] =	ssyncadd.s32 $0xFFFFC000  }
0x1a6: {  	[tilespmem:s18], [sflag:$0x4] =	stream.linear.gather [hbm4b:s7+s2], $0x800, $0x38;
	[tilespmem:$0x1E000] =	vst v63  }
0x1a7: {  	s8 =	sadd.s32 $0x100, s8  }
0x1a8: {  	[tilespmem:s19], [sflag:$0x4] =	stream.linear.gather [hbm4b:s8+s2], $0x800, $0x38;
	[tilespmem:$0x1E000] =	vst v63  }
0x1a9: {  	_ =	swait.ge [sflag:s20], $0x800  }
0x1aa: {  	[sflag:s20] =	ssyncset.done $0x0  }
0x1ab: {  	[sflag:s20] =	ssyncadd.s32 $0xFFFFF800  }
0x1ac: {  	_ =	swait.ge [sflag:s20], $0x800  }
0x1ad: {  	[sflag:s20] =	ssyncset.done $0x0  }
0x1ae: {  	[sflag:s20] =	ssyncadd.s32 $0xFFFFF800  }
0x1af: {  	[tilespmem:s15], [sflag:$0x1] =	stream.indirect.gather [hbm4b:s4+s21], $0x80, s2, s21, $0xb8;
	[tilespmem:$0x1E000] =	vst v63  }
0x1b0: {  	_ = 	snop  }
0x1b1: {  	[tilespmem:s22], [sflag:$0x2] =	stream.indirect.gather [hbm4b:s4+s21], $0x80, s21, s21, $0xb8;
	[tilespmem:$0x1E000] =	vst v63  }
0x1b2: {  	_ =	swait.ge [sflag:s23], $0x4000  }
0x1b3: {  	[sflag:s23] =	ssyncset.done $0x0  }
0x1b4: {  	[sflag:s23] =	ssyncadd.s32 $0xFFFFC000  }
0x1b5: {  	[spmem:s1] =	stream.indirect.scatter.add.f32 [tilespmem:s15], [sflag:$0x5], $0x80, s17, s21, $0xb8;
	[tilespmem:$0x1E000] =	vst v63  }
0x1b6: {  	_ =	swait.ge [sflag:s16], $0x4000  }
0x1b7: {  	[sflag:s16] =	ssyncset.done $0x0  }
0x1b8: {  	[sflag:s16] =	ssyncadd.s32 $0xFFFFC000  }
0x1b9: {  	_ =	swait.ge [sflag:s24], $0x4000  }
0x1ba: {  	[sflag:s24] =	ssyncset.done $0x0  }
0x1bb: {  	s9 =	rddreg [dreg:$0x4];
	[sflag:s24] =	ssyncadd.s32 $0xFFFFC000  }
0x1bc: {  	[spmem:s1] =	stream.indirect.scatter.add.f32 [tilespmem:s22], [sflag:$0x5], $0x80, s9, s21, $0xb8;
	[tilespmem:$0x1E000] =	vst v63  }
0x1bd: {  	_ =	swait.ge [sflag:s16], $0x4000  }
0x1be: {  	[sflag:s16] =	ssyncset.done $0x0  }
0x1bf: {  	s10 =	rddreg [dreg:$0x5];
	[sflag:s16] =	ssyncadd.s32 $0xFFFFC000  }
0x1c0: {  	[tilespmem:s15], [sflag:$0x1] =	stream.indirect.gather [hbm4b:s4+s21], $0x80, s10, s21, $0xb8;
	[tilespmem:$0x1E000] =	vst v63  }
0x1c1: {  	s9 =	rddreg [dreg:$0x6]  }
0x1c2: {  	[tilespmem:s22], [sflag:$0x2] =	stream.indirect.gather [hbm4b:s4+s21], $0x80, s9, s21, $0xb8;
	[tilespmem:$0x1E000] =	vst v63  }
0x1c3: {  	_ =	swait.ge [sflag:s23], $0x4000  }
0x1c4: {  	[sflag:s23] =	ssyncset.done $0x0  }
0x1c5: {  	s9 =	rddreg [dreg:$0x7];
	[sflag:s23] =	ssyncadd.s32 $0xFFFFC000  }
0x1c6: {  	[spmem:s1] =	stream.indirect.scatter.add.f32 [tilespmem:s15], [sflag:$0x5], $0x80, s9, s21, $0xb8;
	[tilespmem:$0x1E000] =	vst v63  }
0x1c7: {  	_ =	swait.ge [sflag:s16], $0x4000  }
0x1c8: {  	[sflag:s16] =	ssyncset.done $0x0  }
0x1c9: {  	[sflag:s16] =	ssyncadd.s32 $0xFFFFC000  }
0x1ca: {  	_ =	swait.ge [sflag:s24], $0x4000  }
0x1cb: {  	[sflag:s24] =	ssyncset.done $0x0  }
0x1cc: {  	s10 =	rddreg [dreg:$0x8];
	[sflag:s24] =	ssyncadd.s32 $0xFFFFC000  }
0x1cd: {  	[spmem:s1] =	stream.indirect.scatter.add.f32 [tilespmem:s22], [sflag:$0x5], $0x80, s10, s21, $0xb8;
	[tilespmem:$0x1E000] =	vst v63  }
0x1ce: {  	_ =	swait.ge [sflag:s16], $0x4000  }
0x1cf: {  	[sflag:s16] =	ssyncset.done $0x0  }
0x1d0: {  	s9 =	rddreg [dreg:$0x9];
	[sflag:s16] =	ssyncadd.s32 $0xFFFFC000  }
0x1d1: {  	[tilespmem:s15], [sflag:$0x1] =	stream.indirect.gather [hbm4b:s4+s21], $0x80, s9, s21, $0xb8;
	[tilespmem:$0x1E000] =	vst v63  }
0x1d2: {  	s10 =	rddreg [dreg:$0xa]  }
0x1d3: {  	[tilespmem:s22], [sflag:$0x2] =	stream.indirect.gather [hbm4b:s4+s21], $0x80, s10, s21, $0xb8;
	[tilespmem:$0x1E000] =	vst v63  }
0x1d4: {  	_ =	swait.ge [sflag:s23], $0x4000  }
0x1d5: {  	[sflag:s23] =	ssyncset.done $0x0  }
0x1d6: {  	s9 =	rddreg [dreg:$0xb];
	[sflag:s23] =	ssyncadd.s32 $0xFFFFC000  }
0x1d7: {  	[spmem:s1] =	stream.indirect.scatter.add.f32 [tilespmem:s15], [sflag:$0x5], $0x80, s9, s21, $0xb8;
	[tilespmem:$0x1E000] =	vst v63  }
0x1d8: {  	_ =	swait.ge [sflag:s16], $0x4000  }
0x1d9: {  	[sflag:s16] =	ssyncset.done $0x0  }
0x1da: {  	[sflag:s16] =	ssyncadd.s32 $0xFFFFC000  }
0x1db: {  	_ =	swait.ge [sflag:s24], $0x4000  }
0x1dc: {  	[sflag:s24] =	ssyncset.done $0x0  }
0x1dd: {  	s10 =	rddreg [dreg:$0xc];
	[sflag:s24] =	ssyncadd.s32 $0xFFFFC000  }
0x1de: {  	[spmem:s1] =	stream.indirect.scatter.add.f32 [tilespmem:s22], [sflag:$0x5], $0x80, s10, s21, $0xb8;
	[tilespmem:$0x1E000] =	vst v63  }
0x1df: {  	_ =	swait.ge [sflag:s16], $0x4000  }
0x1e0: {  	[sflag:s16] =	ssyncset.done $0x0  }
0x1e1: {  	s9 =	rddreg [dreg:$0xd];
	[sflag:s16] =	ssyncadd.s32 $0xFFFFC000  }
0x1e2: {  	[tilespmem:s15], [sflag:$0x1] =	stream.indirect.gather [hbm4b:s4+s21], $0x80, s9, s21, $0xb8;
	[tilespmem:$0x1E000] =	vst v63  }
0x1e3: {  	s10 =	rddreg [dreg:$0xe]  }
0x1e4: {  	[tilespmem:s22], [sflag:$0x2] =	stream.indirect.gather [hbm4b:s4+s21], $0x80, s10, s21, $0xb8;
	[tilespmem:$0x1E000] =	vst v63  }
0x1e5: {  	_ =	swait.ge [sflag:s23], $0x4000  }
0x1e6: {  	[sflag:s23] =	ssyncset.done $0x0  }
0x1e7: {  	s9 =	rddreg [dreg:$0xf];
	[sflag:s23] =	ssyncadd.s32 $0xFFFFC000  }
0x1e8: {  	[spmem:s1] =	stream.indirect.scatter.add.f32 [tilespmem:s15], [sflag:$0x5], $0x80, s9, s21, $0xb8;
	[tilespmem:$0x1E000] =	vst v63  }
0x1e9: {  	_ =	swait.ge [sflag:s16], $0x4000  }
0x1ea: {  	[sflag:s16] =	ssyncset.done $0x0  }
0x1eb: {  	[sflag:s16] =	ssyncadd.s32 $0xFFFFC000  }
0x1ec: {  	_ =	swait.ge [sflag:s24], $0x4000  }
0x1ed: {  	[sflag:s24] =	ssyncset.done $0x0  }
0x1ee: {  	s10 =	rddreg [dreg:$0x10];
	[sflag:s24] =	ssyncadd.s32 $0xFFFFC000  }
0x1ef: {  	[spmem:s1] =	stream.indirect.scatter.add.f32 [tilespmem:s22], [sflag:$0x5], $0x80, s10, s21, $0xb8;
	[tilespmem:$0x1E000] =	vst v63  }
0x1f0: {  	_ =	swait.ge [sflag:s16], $0x4000  }
0x1f1: {  	[sflag:s16] =	ssyncset.done $0x0  }
0x1f2: {  	s9 =	rddreg [dreg:$0x11];
	[sflag:s16] =	ssyncadd.s32 $0xFFFFC000  }
0x1f3: {  	[tilespmem:s15], [sflag:$0x1] =	stream.indirect.gather [hbm4b:s4+s21], $0x80, s9, s21, $0xb8;
	[tilespmem:$0x1E000] =	vst v63  }
0x1f4: {  	s10 =	rddreg [dreg:$0x12]  }
0x1f5: {  	[tilespmem:s22], [sflag:$0x2] =	stream.indirect.gather [hbm4b:s4+s21], $0x80, s10, s21, $0xb8;
	[tilespmem:$0x1E000] =	vst v63  }
0x1f6: {  	_ =	swait.ge [sflag:s23], $0x4000  }
0x1f7: {  	[sflag:s23] =	ssyncset.done $0x0  }
0x1f8: {  	s9 =	rddreg [dreg:$0x13];
	[sflag:s23] =	ssyncadd.s32 $0xFFFFC000  }
0x1f9: {  	[spmem:s1] =	stream.indirect.scatter.add.f32 [tilespmem:s15], [sflag:$0x5], $0x80, s9, s21, $0xb8;
	[tilespmem:$0x1E000] =	vst v63  }
0x1fa: {  	_ =	swait.ge [sflag:s16], $0x4000  }
0x1fb: {  	[sflag:s16] =	ssyncset.done $0x0  }
0x1fc: {  	[sflag:s16] =	ssyncadd.s32 $0xFFFFC000  }
0x1fd: {  	_ =	swait.ge [sflag:s24], $0x4000  }
0x1fe: {  	[sflag:s24] =	ssyncset.done $0x0  }
0x1ff: {  	s10 =	rddreg [dreg:$0x14];
	[sflag:s24] =	ssyncadd.s32 $0xFFFFC000  }
0x200: {  	[spmem:s1] =	stream.indirect.scatter.add.f32 [tilespmem:s22], [sflag:$0x5], $0x80, s10, s21, $0xb8;
	[tilespmem:$0x1E000] =	vst v63  }
0x201: {  	_ =	swait.ge [sflag:s16], $0x4000  }
0x202: {  	[sflag:s16] =	ssyncset.done $0x0  }
0x203: {  	s9 =	rddreg [dreg:$0x15];
	[sflag:s16] =	ssyncadd.s32 $0xFFFFC000  }
0x204: {  	[tilespmem:s15], [sflag:$0x1] =	stream.indirect.gather [hbm4b:s4+s21], $0x80, s9, s21, $0xb8;
	[tilespmem:$0x1E000] =	vst v63  }
0x205: {  	s10 =	rddreg [dreg:$0x16]  }
0x206: {  	[tilespmem:s22], [sflag:$0x2] =	stream.indirect.gather [hbm4b:s4+s21], $0x80, s10, s21, $0xb8;
	[tilespmem:$0x1E000] =	vst v63  }
0x207: {  	_ =	swait.ge [sflag:s23], $0x4000  }
0x208: {  	[sflag:s23] =	ssyncset.done $0x0  }
0x209: {  	s9 =	rddreg [dreg:$0x17];
	[sflag:s23] =	ssyncadd.s32 $0xFFFFC000  }
0x20a: {  	[spmem:s1] =	stream.indirect.scatter.add.f32 [tilespmem:s15], [sflag:$0x5], $0x80, s9, s21, $0xb8;
	[tilespmem:$0x1E000] =	vst v63  }
0x20b: {  	_ =	swait.ge [sflag:s16], $0x4000  }
0x20c: {  	[sflag:s16] =	ssyncset.done $0x0  }
0x20d: {  	[sflag:s16] =	ssyncadd.s32 $0xFFFFC000  }
0x20e: {  	_ =	swait.ge [sflag:s24], $0x4000  }
0x20f: {  	[sflag:s24] =	ssyncset.done $0x0  }
0x210: {  	s10 =	rddreg [dreg:$0x18];
	[sflag:s24] =	ssyncadd.s32 $0xFFFFC000  }
0x211: {  	[spmem:s1] =	stream.indirect.scatter.add.f32 [tilespmem:s22], [sflag:$0x5], $0x80, s10, s21, $0xb8;
	[tilespmem:$0x1E000] =	vst v63  }
0x212: {  	_ =	swait.ge [sflag:s16], $0x4000  }
0x213: {  	[sflag:s16] =	ssyncset.done $0x0  }
0x214: {  	s9 =	rddreg [dreg:$0x19];
	[sflag:s16] =	ssyncadd.s32 $0xFFFFC000  }
0x215: {  	[tilespmem:s15], [sflag:$0x1] =	stream.indirect.gather [hbm4b:s4+s21], $0x80, s9, s21, $0xb8;
	[tilespmem:$0x1E000] =	vst v63  }
0x216: {  	s10 =	rddreg [dreg:$0x1a]  }
0x217: {  	[tilespmem:s22], [sflag:$0x2] =	stream.indirect.gather [hbm4b:s4+s21], $0x80, s10, s21, $0xb8;
	[tilespmem:$0x1E000] =	vst v63  }
0x218: {  	_ =	swait.ge [sflag:s23], $0x4000  }
0x219: {  	[sflag:s23] =	ssyncset.done $0x0  }
0x21a: {  	s9 =	rddreg [dreg:$0x1b];
	[sflag:s23] =	ssyncadd.s32 $0xFFFFC000  }
0x21b: {  	[spmem:s1] =	stream.indirect.scatter.add.f32 [tilespmem:s15], [sflag:$0x5], $0x80, s9, s21, $0xb8;
	[tilespmem:$0x1E000] =	vst v63  }
0x21c: {  	_ =	swait.ge [sflag:s16], $0x4000  }
0x21d: {  	[sflag:s16] =	ssyncset.done $0x0  }
0x21e: {  	[sflag:s16] =	ssyncadd.s32 $0xFFFFC000  }
0x21f: {  	_ =	swait.ge [sflag:s24], $0x4000  }
0x220: {  	[sflag:s24] =	ssyncset.done $0x0  }
0x221: {  	s10 =	rddreg [dreg:$0x1c];
	[sflag:s24] =	ssyncadd.s32 $0xFFFFC000  }
0x222: {  	[spmem:s1] =	stream.indirect.scatter.add.f32 [tilespmem:s22], [sflag:$0x5], $0x80, s10, s21, $0xb8;
	[tilespmem:$0x1E000] =	vst v63  }
0x223: {  	_ =	swait.ge [sflag:s16], $0x4000  }
0x224: {  	[sflag:s16] =	ssyncset.done $0x0  }
0x225: {  	s9 =	rddreg [dreg:$0x1d];
	[sflag:s16] =	ssyncadd.s32 $0xFFFFC000  }
0x226: {  	[tilespmem:s15], [sflag:$0x1] =	stream.indirect.gather [hbm4b:s4+s21], $0x80, s9, s21, $0xb8;
	[tilespmem:$0x1E000] =	vst v63  }
0x227: {  	s10 =	rddreg [dreg:$0x1e]  }
0x228: {  	[tilespmem:s22], [sflag:$0x2] =	stream.indirect.gather [hbm4b:s4+s21], $0x80, s10, s21, $0xb8;
	[tilespmem:$0x1E000] =	vst v63  }
0x229: {  	_ =	swait.ge [sflag:s23], $0x4000  }
0x22a: {  	[sflag:s23] =	ssyncset.done $0x0  }
0x22b: {  	s10 =	rddreg [dreg:$0x1f];
	[sflag:s23] =	ssyncadd.s32 $0xFFFFC000  }
0x22c: {  	[spmem:s1] =	stream.indirect.scatter.add.f32 [tilespmem:s15], [sflag:$0x5], $0x80, s10, s21, $0xb8;
	[tilespmem:$0x1E000] =	vst v63  }
0x22d: {  	_ =	swait.ge [sflag:s16], $0x4000  }
0x22e: {  	[sflag:s16] =	ssyncset.done $0x0  }
0x22f: {  	[sflag:s16] =	ssyncadd.s32 $0xFFFFC000  }
0x230: {  	_ =	swait.ge [sflag:s24], $0x4000  }
0x231: {  	s9 =	sld [smem:$0x7DF]  }
0x232: {  	[sflag:s24] =	ssyncset.done $0x0  }
0x233: {  	[sflag:s24] =	ssyncadd.s32 $0xFFFFC000  }
0x234: {  	[spmem:s1] =	stream.indirect.scatter.add.f32 [tilespmem:s22], [sflag:$0x5], $0x80, s9, s21, $0xb8;
	[tilespmem:$0x1E000] =	vst v63  }
0x235: {  	p1 =	seq.s32 s3, $0x800;
	_ =	swait.ge [sflag:s16], $0x4000  }
0x236: {  	s8 =	sadd.s32 @!p1 s3, s14;
	s3 =	sadd.s32 @!p1 s3, s11;
	[sflag:s16] =	ssyncset.done $0x0  }
0x237: {  	s8 =	sadd.s32 @!p1 $0x200, s8;
	s9 =	simm.s32 @!p1 $0x0;
	[sflag:s16] =	ssyncadd.s32 $0xFFFFC000  }
0x238: {  	[tilespmem:s9], [sflag:$0x3] =	stream.linear.gather @!p1 [hbm4b:s8+s9], $0x800, $0x38;
	[tilespmem:$0x1E000] =	vst v63  }
0x239: {  	s10 =	simm.s32 @!p1 $0x800;
	s8 =	sadd.s32 @!p1 $0x200, s3  }
0x23a: {  	[tilespmem:s10], [sflag:$0x3] =	stream.linear.gather @!p1 [hbm4b:s8+s9], $0x800, $0x38;
	[tilespmem:$0x1E000] =	vst v63  }
0x23b: {  	_ =	swait.ge [sflag:s25], $0x800  }
0x23c: {  	[sflag:s25] =	ssyncset.done $0x0  }
0x23d: {  	[sflag:s25] =	ssyncadd.s32 $0xFFFFF800  }
0x23e: {  	_ =	swait.ge [sflag:s25], $0x800  }
0x23f: {  	[sflag:s25] =	ssyncset.done $0x0  }
0x240: {  	s10 =	sld [smem:$0x7E1];
	[sflag:s25] =	ssyncadd.s32 $0xFFFFF800  }
0x241: {  	[tilespmem:s15], [sflag:$0x1] =	stream.indirect.gather [hbm4b:s4+s21], $0x80, s18, s21, $0xb8;
	[tilespmem:$0x1E000] =	vst v63  }
0x242: {  	_ = 	snop  }
0x243: {  	[tilespmem:s22], [sflag:$0x2] =	stream.indirect.gather [hbm4b:s4+s21], $0x80, s10, s21, $0xb8;
	[tilespmem:$0x1E000] =	vst v63  }
0x244: {  	_ =	swait.ge [sflag:s23], $0x4000  }
0x245: {  	[sflag:s23] =	ssyncset.done $0x0  }
0x246: {  	[sflag:s23] =	ssyncadd.s32 $0xFFFFC000  }
0x247: {  	[spmem:s1] =	stream.indirect.scatter.add.f32 [tilespmem:s15], [sflag:$0x5], $0x80, s19, s21, $0xb8;
	[tilespmem:$0x1E000] =	vst v63  }
0x248: {  	_ =	swait.ge [sflag:s16], $0x4000  }
0x249: {  	[sflag:s16] =	ssyncset.done $0x0  }
0x24a: {  	[sflag:s16] =	ssyncadd.s32 $0xFFFFC000  }
0x24b: {  	_ =	swait.ge [sflag:s24], $0x4000  }
0x24c: {  	s8 =	sld [smem:$0x7E3]  }
0x24d: {  	[sflag:s24] =	ssyncset.done $0x0  }
0x24e: {  	[sflag:s24] =	ssyncadd.s32 $0xFFFFC000  }
0x24f: {  	[spmem:s1] =	stream.indirect.scatter.add.f32 [tilespmem:s22], [sflag:$0x5], $0x80, s8, s21, $0xb8;
	[tilespmem:$0x1E000] =	vst v63  }
0x250: {  	_ =	swait.ge [sflag:s16], $0x4000  }
0x251: {  	s9 =	sld [smem:$0x7E5]  }
0x252: {  	[sflag:s16] =	ssyncset.done $0x0  }
0x253: {  	s10 =	sld [smem:$0x7E6];
	[sflag:s16] =	ssyncadd.s32 $0xFFFFC000  }
0x254: {  	[tilespmem:s15], [sflag:$0x1] =	stream.indirect.gather [hbm4b:s4+s21], $0x80, s9, s21, $0xb8;
	[tilespmem:$0x1E000] =	vst v63  }
0x255: {  	_ = 	snop  }
0x256: {  	[tilespmem:s22], [sflag:$0x2] =	stream.indirect.gather [hbm4b:s4+s21], $0x80, s10, s21, $0xb8;
	[tilespmem:$0x1E000] =	vst v63  }
0x257: {  	_ =	swait.ge [sflag:s23], $0x4000  }
0x258: {  	s9 =	sld [smem:$0x7E7]  }
0x259: {  	[sflag:s23] =	ssyncset.done $0x0  }
0x25a: {  	[sflag:s23] =	ssyncadd.s32 $0xFFFFC000  }
0x25b: {  	[spmem:s1] =	stream.indirect.scatter.add.f32 [tilespmem:s15], [sflag:$0x5], $0x80, s9, s21, $0xb8;
	[tilespmem:$0x1E000] =	vst v63  }
0x25c: {  	_ =	swait.ge [sflag:s16], $0x4000  }
0x25d: {  	[sflag:s16] =	ssyncset.done $0x0  }
0x25e: {  	[sflag:s16] =	ssyncadd.s32 $0xFFFFC000  }
0x25f: {  	_ =	swait.ge [sflag:s24], $0x4000  }
0x260: {  	s10 =	sld [smem:$0x7E9]  }
0x261: {  	[sflag:s24] =	ssyncset.done $0x0  }
0x262: {  	[sflag:s24] =	ssyncadd.s32 $0xFFFFC000  }
0x263: {  	[spmem:s1] =	stream.indirect.scatter.add.f32 [tilespmem:s22], [sflag:$0x5], $0x80, s10, s21, $0xb8;
	[tilespmem:$0x1E000] =	vst v63  }
0x264: {  	_ =	swait.ge [sflag:s16], $0x4000  }
0x265: {  	s8 =	sld [smem:$0x7EA]  }
0x266: {  	[sflag:s16] =	ssyncset.done $0x0  }
0x267: {  	s9 =	sld [smem:$0x7EB];
	[sflag:s16] =	ssyncadd.s32 $0xFFFFC000  }
0x268: {  	[tilespmem:s15], [sflag:$0x1] =	stream.indirect.gather [hbm4b:s4+s21], $0x80, s8, s21, $0xb8;
	[tilespmem:$0x1E000] =	vst v63  }
0x269: {  	_ = 	snop  }
0x26a: {  	[tilespmem:s22], [sflag:$0x2] =	stream.indirect.gather [hbm4b:s4+s21], $0x80, s9, s21, $0xb8;
	[tilespmem:$0x1E000] =	vst v63  }
0x26b: {  	_ =	swait.ge [sflag:s23], $0x4000  }
0x26c: {  	s10 =	sld [smem:$0x7ED]  }
0x26d: {  	[sflag:s23] =	ssyncset.done $0x0  }
0x26e: {  	[sflag:s23] =	ssyncadd.s32 $0xFFFFC000  }
0x26f: {  	[spmem:s1] =	stream.indirect.scatter.add.f32 [tilespmem:s15], [sflag:$0x5], $0x80, s10, s21, $0xb8;
	[tilespmem:$0x1E000] =	vst v63  }
0x270: {  	_ =	swait.ge [sflag:s16], $0x4000  }
0x271: {  	[sflag:s16] =	ssyncset.done $0x0  }
0x272: {  	[sflag:s16] =	ssyncadd.s32 $0xFFFFC000  }
0x273: {  	_ =	swait.ge [sflag:s24], $0x4000  }
0x274: {  	s8 =	sld [smem:$0x7EE]  }
0x275: {  	[sflag:s24] =	ssyncset.done $0x0  }
0x276: {  	[sflag:s24] =	ssyncadd.s32 $0xFFFFC000  }
0x277: {  	[spmem:s1] =	stream.indirect.scatter.add.f32 [tilespmem:s22], [sflag:$0x5], $0x80, s8, s21, $0xb8;
	[tilespmem:$0x1E000] =	vst v63  }
0x278: {  	_ =	swait.ge [sflag:s16], $0x4000  }
0x279: {  	s9 =	sld [smem:$0x7EF]  }
0x27a: {  	[sflag:s16] =	ssyncset.done $0x0  }
0x27b: {  	s10 =	sld [smem:$0x7F0];
	[sflag:s16] =	ssyncadd.s32 $0xFFFFC000  }
0x27c: {  	[tilespmem:s15], [sflag:$0x1] =	stream.indirect.gather [hbm4b:s4+s21], $0x80, s9, s21, $0xb8;
	[tilespmem:$0x1E000] =	vst v63  }
0x27d: {  	_ = 	snop  }
0x27e: {  	[tilespmem:s22], [sflag:$0x2] =	stream.indirect.gather [hbm4b:s4+s21], $0x80, s10, s21, $0xb8;
	[tilespmem:$0x1E000] =	vst v63  }
0x27f: {  	_ =	swait.ge [sflag:s23], $0x4000  }
0x280: {  	s9 =	sld [smem:$0x7F1]  }
0x281: {  	[sflag:s23] =	ssyncset.done $0x0  }
0x282: {  	[sflag:s23] =	ssyncadd.s32 $0xFFFFC000  }
0x283: {  	[spmem:s1] =	stream.indirect.scatter.add.f32 [tilespmem:s15], [sflag:$0x5], $0x80, s9, s21, $0xb8;
	[tilespmem:$0x1E000] =	vst v63  }
0x284: {  	_ =	swait.ge [sflag:s16], $0x4000  }
0x285: {  	[sflag:s16] =	ssyncset.done $0x0  }
0x286: {  	[sflag:s16] =	ssyncadd.s32 $0xFFFFC000  }
0x287: {  	_ =	swait.ge [sflag:s24], $0x4000  }
0x288: {  	s10 =	sld [smem:$0x7F2]  }
0x289: {  	[sflag:s24] =	ssyncset.done $0x0  }
0x28a: {  	[sflag:s24] =	ssyncadd.s32 $0xFFFFC000  }
0x28b: {  	[spmem:s1] =	stream.indirect.scatter.add.f32 [tilespmem:s22], [sflag:$0x5], $0x80, s10, s21, $0xb8;
	[tilespmem:$0x1E000] =	vst v63  }
0x28c: {  	_ =	swait.ge [sflag:s16], $0x4000  }
0x28d: {  	s8 =	sld [smem:$0x7F3]  }
0x28e: {  	[sflag:s16] =	ssyncset.done $0x0  }
0x28f: {  	s9 =	sld [smem:$0x7F4];
	[sflag:s16] =	ssyncadd.s32 $0xFFFFC000  }
0x290: {  	[tilespmem:s15], [sflag:$0x1] =	stream.indirect.gather [hbm4b:s4+s21], $0x80, s8, s21, $0xb8;
	[tilespmem:$0x1E000] =	vst v63  }
0x291: {  	_ = 	snop  }
0x292: {  	[tilespmem:s22], [sflag:$0x2] =	stream.indirect.gather [hbm4b:s4+s21], $0x80, s9, s21, $0xb8;
	[tilespmem:$0x1E000] =	vst v63  }
0x293: {  	_ =	swait.ge [sflag:s23], $0x4000  }
0x294: {  	s10 =	sld [smem:$0x7F5]  }
0x295: {  	[sflag:s23] =	ssyncset.done $0x0  }
0x296: {  	[sflag:s23] =	ssyncadd.s32 $0xFFFFC000  }
0x297: {  	[spmem:s1] =	stream.indirect.scatter.add.f32 [tilespmem:s15], [sflag:$0x5], $0x80, s10, s21, $0xb8;
	[tilespmem:$0x1E000] =	vst v63  }
0x298: {  	_ =	swait.ge [sflag:s16], $0x4000  }
0x299: {  	[sflag:s16] =	ssyncset.done $0x0  }
0x29a: {  	[sflag:s16] =	ssyncadd.s32 $0xFFFFC000  }
0x29b: {  	_ =	swait.ge [sflag:s24], $0x4000  }
0x29c: {  	s8 =	sld [smem:$0x7F6]  }
0x29d: {  	[sflag:s24] =	ssyncset.done $0x0  }
0x29e: {  	[sflag:s24] =	ssyncadd.s32 $0xFFFFC000  }
0x29f: {  	[spmem:s1] =	stream.indirect.scatter.add.f32 [tilespmem:s22], [sflag:$0x5], $0x80, s8, s21, $0xb8;
	[tilespmem:$0x1E000] =	vst v63  }
0x2a0: {  	_ =	swait.ge [sflag:s16], $0x4000  }
0x2a1: {  	s9 =	sld [smem:$0x7F7]  }
0x2a2: {  	[sflag:s16] =	ssyncset.done $0x0  }
0x2a3: {  	s10 =	sld [smem:$0x7F8];
	[sflag:s16] =	ssyncadd.s32 $0xFFFFC000  }
0x2a4: {  	[tilespmem:s15], [sflag:$0x1] =	stream.indirect.gather [hbm4b:s4+s21], $0x80, s9, s21, $0xb8;
	[tilespmem:$0x1E000] =	vst v63  }
0x2a5: {  	_ = 	snop  }
0x2a6: {  	[tilespmem:s22], [sflag:$0x2] =	stream.indirect.gather [hbm4b:s4+s21], $0x80, s10, s21, $0xb8;
	[tilespmem:$0x1E000] =	vst v63  }
0x2a7: {  	_ =	swait.ge [sflag:s23], $0x4000  }
0x2a8: {  	s9 =	sld [smem:$0x7F9]  }
0x2a9: {  	[sflag:s23] =	ssyncset.done $0x0  }
0x2aa: {  	[sflag:s23] =	ssyncadd.s32 $0xFFFFC000  }
0x2ab: {  	[spmem:s1] =	stream.indirect.scatter.add.f32 [tilespmem:s15], [sflag:$0x5], $0x80, s9, s21, $0xb8;
	[tilespmem:$0x1E000] =	vst v63  }
0x2ac: {  	_ =	swait.ge [sflag:s16], $0x4000  }
0x2ad: {  	[sflag:s16] =	ssyncset.done $0x0  }
0x2ae: {  	[sflag:s16] =	ssyncadd.s32 $0xFFFFC000  }
0x2af: {  	_ =	swait.ge [sflag:s24], $0x4000  }
0x2b0: {  	s10 =	sld [smem:$0x7FA]  }
0x2b1: {  	[sflag:s24] =	ssyncset.done $0x0  }
0x2b2: {  	[sflag:s24] =	ssyncadd.s32 $0xFFFFC000  }
0x2b3: {  	[spmem:s1] =	stream.indirect.scatter.add.f32 [tilespmem:s22], [sflag:$0x5], $0x80, s10, s21, $0xb8;
	[tilespmem:$0x1E000] =	vst v63  }
0x2b4: {  	_ =	swait.ge [sflag:s16], $0x4000  }
0x2b5: {  	s8 =	sld [smem:$0x7FB]  }
0x2b6: {  	[sflag:s16] =	ssyncset.done $0x0  }
0x2b7: {  	s9 =	sld [smem:$0x7FC];
	[sflag:s16] =	ssyncadd.s32 $0xFFFFC000  }
0x2b8: {  	[tilespmem:s15], [sflag:$0x1] =	stream.indirect.gather [hbm4b:s4+s21], $0x80, s8, s21, $0xb8;
	[tilespmem:$0x1E000] =	vst v63  }
0x2b9: {  	_ = 	snop  }
0x2ba: {  	[tilespmem:s22], [sflag:$0x2] =	stream.indirect.gather [hbm4b:s4+s21], $0x80, s9, s21, $0xb8;
	[tilespmem:$0x1E000] =	vst v63  }
0x2bb: {  	_ =	swait.ge [sflag:s23], $0x4000  }
0x2bc: {  	s10 =	sld [smem:$0x7FD]  }
0x2bd: {  	[sflag:s23] =	ssyncset.done $0x0  }
0x2be: {  	[sflag:s23] =	ssyncadd.s32 $0xFFFFC000  }
0x2bf: {  	[spmem:s1] =	stream.indirect.scatter.add.f32 [tilespmem:s15], [sflag:$0x5], $0x80, s10, s21, $0xb8;
	[tilespmem:$0x1E000] =	vst v63  }
0x2c0: {  	_ =	swait.ge [sflag:s16], $0x4000  }
0x2c1: {  	[sflag:s16] =	ssyncset.done $0x0  }
0x2c2: {  	[sflag:s16] =	ssyncadd.s32 $0xFFFFC000  }
0x2c3: {  	_ =	swait.ge [sflag:s24], $0x4000  }
0x2c4: {  	[sflag:s24] =	ssyncset.done $0x0  }
0x2c5: {  	[sflag:s24] =	ssyncadd.s32 $0xFFFFC000  }
0x2c6: {  	[spmem:s1] =	stream.indirect.scatter.add.f32 [tilespmem:s22], [sflag:$0x5], $0x80, s26, s21, $0xb8;
	[tilespmem:$0x1E000] =	vst v63  }
0x2c7: {  	_ =	swait.ge [sflag:s16], $0x4000  }
0x2c8: {  	[sflag:s16] =	ssyncset.done $0x0  }
0x2c9: {  	[sflag:s16] =	ssyncadd.s32 $0xFFFFC000  }
0x2ca: {  	[tilespmem:s15], [sflag:$0x1] =	stream.indirect.gather [hbm4b:s4+s21], $0x80, s28, s21, $0xb8;
	[tilespmem:$0x1E000] =	vst v63  }
0x2cb: {  	_ = 	snop  }
0x2cc: {  	[tilespmem:s22], [sflag:$0x2] =	stream.indirect.gather [hbm4b:s4+s21], $0x80, s29, s21, $0xb8;
	[tilespmem:$0x1E000] =	vst v63  }
0x2cd: {  	_ =	swait.ge [sflag:s23], $0x4000  }
0x2ce: {  	[sflag:s23] =	ssyncset.done $0x0  }
0x2cf: {  	[sflag:s23] =	ssyncadd.s32 $0xFFFFC000  }
0x2d0: {  	[spmem:s1] =	stream.indirect.scatter.add.f32 [tilespmem:s15], [sflag:$0x5], $0x80, s30, s21, $0xb8;
	[tilespmem:$0x1E000] =	vst v63  }
0x2d1: {  	_ =	swait.ge [sflag:s16], $0x4000  }
0x2d2: {  	[sflag:s16] =	ssyncset.done $0x0  }
0x2d3: {  	s7 =	smov.u32 s6;
	s6 =	sadd.s32 $0x200, s6;
	[sflag:s16] =	ssyncadd.s32 $0xFFFFC000  }
0x2d4: {  	p0 =	sne.s32 s6, $0xA00;
	_ =	swait.ge [sflag:s24], $0x4000  }
.Ltmp1:
0x2d5: {  	[sflag:s24] =	ssyncset.done $0x0;
	(pc) =	sbr.rel @p0 .LBB2_4-.Ltmp1, $4  }
0x2d6: {  	[sflag:s24] =	ssyncadd.s32 $0xFFFFC000  }
0x2d7: {  	[spmem:s1] =	stream.indirect.scatter.add.f32 [tilespmem:s22], [sflag:$0x5], $0x80, s31, s21, $0xb8;
	[tilespmem:$0x1E000] =	vst v63  }
0x2d8: {  	s3 =	smov.u32 s7;
	_ =	swait.ge [sflag:s16], $0x4000  }
0x2d9: {  	s7 =	sadd.s32 s3, s14;
	[sflag:s16] =	ssyncset.done $0x0  }
0x2da: {  	s6 =	sadd.s32 $0x100, s7;
	s8 =	sadd.s32 s3, s11;
	[sflag:s16] =	ssyncadd.s32 $0xFFFFC000  }
0x2db: {  	[tilespmem:s18], [sflag:$0x4] =	stream.linear.gather [hbm4b:s6+s2], $0x800, $0x38;
	[tilespmem:$0x1E000] =	vst v63  }
0x2dc: {  	s9 =	sadd.s32 $0x100, s8  }
0x2dd: {  	[tilespmem:s19], [sflag:$0x4] =	stream.linear.gather [hbm4b:s9+s2], $0x800, $0x38;
	[tilespmem:$0x1E000] =	vst v63  }
0x2de: {  	_ =	swait.ge [sflag:s20], $0x800  }
0x2df: {  	[sflag:s20] =	ssyncset.done $0x0  }
0x2e0: {  	[sflag:s20] =	ssyncadd.s32 $0xFFFFF800  }
0x2e1: {  	_ =	swait.ge [sflag:s20], $0x800  }
0x2e2: {  	[sflag:s20] =	ssyncset.done $0x0  }
0x2e3: {  	[sflag:s20] =	ssyncadd.s32 $0xFFFFF800  }
0x2e4: {  	[tilespmem:s15], [sflag:$0x1] =	stream.indirect.gather [hbm4b:s4+s21], $0x80, s2, s21, $0xb8;
	[tilespmem:$0x1E000] =	vst v63  }
0x2e5: {  	_ = 	snop  }
0x2e6: {  	[tilespmem:s22], [sflag:$0x2] =	stream.indirect.gather [hbm4b:s4+s21], $0x80, s21, s21, $0xb8;
	[tilespmem:$0x1E000] =	vst v63  }
0x2e7: {  	_ =	swait.ge [sflag:s23], $0x4000  }
0x2e8: {  	[sflag:s23] =	ssyncset.done $0x0  }
0x2e9: {  	[sflag:s23] =	ssyncadd.s32 $0xFFFFC000  }
0x2ea: {  	[spmem:s1] =	stream.indirect.scatter.add.f32 [tilespmem:s15], [sflag:$0x5], $0x80, s17, s21, $0xb8;
	[tilespmem:$0x1E000] =	vst v63  }
0x2eb: {  	_ =	swait.ge [sflag:s16], $0x4000  }
0x2ec: {  	[sflag:s16] =	ssyncset.done $0x0  }
0x2ed: {  	[sflag:s16] =	ssyncadd.s32 $0xFFFFC000  }
0x2ee: {  	_ =	swait.ge [sflag:s24], $0x4000  }
0x2ef: {  	[sflag:s24] =	ssyncset.done $0x0  }
0x2f0: {  	s10 =	rddreg [dreg:$0x4];
	[sflag:s24] =	ssyncadd.s32 $0xFFFFC000  }
0x2f1: {  	[spmem:s1] =	stream.indirect.scatter.add.f32 [tilespmem:s22], [sflag:$0x5], $0x80, s10, s21, $0xb8;
	[tilespmem:$0x1E000] =	vst v63  }
0x2f2: {  	_ =	swait.ge [sflag:s16], $0x4000  }
0x2f3: {  	[sflag:s16] =	ssyncset.done $0x0  }
0x2f4: {  	s7 =	rddreg [dreg:$0x5];
	[sflag:s16] =	ssyncadd.s32 $0xFFFFC000  }
0x2f5: {  	[tilespmem:s15], [sflag:$0x1] =	stream.indirect.gather [hbm4b:s4+s21], $0x80, s7, s21, $0xb8;
	[tilespmem:$0x1E000] =	vst v63  }
0x2f6: {  	s8 =	rddreg [dreg:$0x6]  }
0x2f7: {  	[tilespmem:s22], [sflag:$0x2] =	stream.indirect.gather [hbm4b:s4+s21], $0x80, s8, s21, $0xb8;
	[tilespmem:$0x1E000] =	vst v63  }
0x2f8: {  	_ =	swait.ge [sflag:s23], $0x4000  }
0x2f9: {  	[sflag:s23] =	ssyncset.done $0x0  }
0x2fa: {  	s9 =	rddreg [dreg:$0x7];
	[sflag:s23] =	ssyncadd.s32 $0xFFFFC000  }
0x2fb: {  	[spmem:s1] =	stream.indirect.scatter.add.f32 [tilespmem:s15], [sflag:$0x5], $0x80, s9, s21, $0xb8;
	[tilespmem:$0x1E000] =	vst v63  }
0x2fc: {  	_ =	swait.ge [sflag:s16], $0x4000  }
0x2fd: {  	[sflag:s16] =	ssyncset.done $0x0  }
0x2fe: {  	[sflag:s16] =	ssyncadd.s32 $0xFFFFC000  }
0x2ff: {  	_ =	swait.ge [sflag:s24], $0x4000  }
0x300: {  	[sflag:s24] =	ssyncset.done $0x0  }
0x301: {  	s10 =	rddreg [dreg:$0x8];
	[sflag:s24] =	ssyncadd.s32 $0xFFFFC000  }
0x302: {  	[spmem:s1] =	stream.indirect.scatter.add.f32 [tilespmem:s22], [sflag:$0x5], $0x80, s10, s21, $0xb8;
	[tilespmem:$0x1E000] =	vst v63  }
0x303: {  	_ =	swait.ge [sflag:s16], $0x4000  }
0x304: {  	[sflag:s16] =	ssyncset.done $0x0  }
0x305: {  	s7 =	rddreg [dreg:$0x9];
	[sflag:s16] =	ssyncadd.s32 $0xFFFFC000  }
0x306: {  	[tilespmem:s15], [sflag:$0x1] =	stream.indirect.gather [hbm4b:s4+s21], $0x80, s7, s21, $0xb8;
	[tilespmem:$0x1E000] =	vst v63  }
0x307: {  	s8 =	rddreg [dreg:$0xa]  }
0x308: {  	[tilespmem:s22], [sflag:$0x2] =	stream.indirect.gather [hbm4b:s4+s21], $0x80, s8, s21, $0xb8;
	[tilespmem:$0x1E000] =	vst v63  }
0x309: {  	_ =	swait.ge [sflag:s23], $0x4000  }
0x30a: {  	[sflag:s23] =	ssyncset.done $0x0  }
0x30b: {  	s9 =	rddreg [dreg:$0xb];
	[sflag:s23] =	ssyncadd.s32 $0xFFFFC000  }
0x30c: {  	[spmem:s1] =	stream.indirect.scatter.add.f32 [tilespmem:s15], [sflag:$0x5], $0x80, s9, s21, $0xb8;
	[tilespmem:$0x1E000] =	vst v63  }
0x30d: {  	_ =	swait.ge [sflag:s16], $0x4000  }
0x30e: {  	[sflag:s16] =	ssyncset.done $0x0  }
0x30f: {  	[sflag:s16] =	ssyncadd.s32 $0xFFFFC000  }
0x310: {  	_ =	swait.ge [sflag:s24], $0x4000  }
0x311: {  	[sflag:s24] =	ssyncset.done $0x0  }
0x312: {  	s10 =	rddreg [dreg:$0xc];
	[sflag:s24] =	ssyncadd.s32 $0xFFFFC000  }
0x313: {  	[spmem:s1] =	stream.indirect.scatter.add.f32 [tilespmem:s22], [sflag:$0x5], $0x80, s10, s21, $0xb8;
	[tilespmem:$0x1E000] =	vst v63  }
0x314: {  	_ =	swait.ge [sflag:s16], $0x4000  }
0x315: {  	[sflag:s16] =	ssyncset.done $0x0  }
0x316: {  	s7 =	rddreg [dreg:$0xd];
	[sflag:s16] =	ssyncadd.s32 $0xFFFFC000  }
0x317: {  	[tilespmem:s15], [sflag:$0x1] =	stream.indirect.gather [hbm4b:s4+s21], $0x80, s7, s21, $0xb8;
	[tilespmem:$0x1E000] =	vst v63  }
0x318: {  	s8 =	rddreg [dreg:$0xe]  }
0x319: {  	[tilespmem:s22], [sflag:$0x2] =	stream.indirect.gather [hbm4b:s4+s21], $0x80, s8, s21, $0xb8;
	[tilespmem:$0x1E000] =	vst v63  }
0x31a: {  	_ =	swait.ge [sflag:s23], $0x4000  }
0x31b: {  	[sflag:s23] =	ssyncset.done $0x0  }
0x31c: {  	s9 =	rddreg [dreg:$0xf];
	[sflag:s23] =	ssyncadd.s32 $0xFFFFC000  }
0x31d: {  	[spmem:s1] =	stream.indirect.scatter.add.f32 [tilespmem:s15], [sflag:$0x5], $0x80, s9, s21, $0xb8;
	[tilespmem:$0x1E000] =	vst v63  }
0x31e: {  	_ =	swait.ge [sflag:s16], $0x4000  }
0x31f: {  	[sflag:s16] =	ssyncset.done $0x0  }
0x320: {  	[sflag:s16] =	ssyncadd.s32 $0xFFFFC000  }
0x321: {  	_ =	swait.ge [sflag:s24], $0x4000  }
0x322: {  	[sflag:s24] =	ssyncset.done $0x0  }
0x323: {  	s10 =	rddreg [dreg:$0x10];
	[sflag:s24] =	ssyncadd.s32 $0xFFFFC000  }
0x324: {  	[spmem:s1] =	stream.indirect.scatter.add.f32 [tilespmem:s22], [sflag:$0x5], $0x80, s10, s21, $0xb8;
	[tilespmem:$0x1E000] =	vst v63  }
0x325: {  	_ =	swait.ge [sflag:s16], $0x4000  }
0x326: {  	[sflag:s16] =	ssyncset.done $0x0  }
0x327: {  	s7 =	rddreg [dreg:$0x11];
	[sflag:s16] =	ssyncadd.s32 $0xFFFFC000  }
0x328: {  	[tilespmem:s15], [sflag:$0x1] =	stream.indirect.gather [hbm4b:s4+s21], $0x80, s7, s21, $0xb8;
	[tilespmem:$0x1E000] =	vst v63  }
0x329: {  	s8 =	rddreg [dreg:$0x12]  }
0x32a: {  	[tilespmem:s22], [sflag:$0x2] =	stream.indirect.gather [hbm4b:s4+s21], $0x80, s8, s21, $0xb8;
	[tilespmem:$0x1E000] =	vst v63  }
0x32b: {  	_ =	swait.ge [sflag:s23], $0x4000  }
0x32c: {  	[sflag:s23] =	ssyncset.done $0x0  }
0x32d: {  	s9 =	rddreg [dreg:$0x13];
	[sflag:s23] =	ssyncadd.s32 $0xFFFFC000  }
0x32e: {  	[spmem:s1] =	stream.indirect.scatter.add.f32 [tilespmem:s15], [sflag:$0x5], $0x80, s9, s21, $0xb8;
	[tilespmem:$0x1E000] =	vst v63  }
0x32f: {  	_ =	swait.ge [sflag:s16], $0x4000  }
0x330: {  	[sflag:s16] =	ssyncset.done $0x0  }
0x331: {  	[sflag:s16] =	ssyncadd.s32 $0xFFFFC000  }
0x332: {  	_ =	swait.ge [sflag:s24], $0x4000  }
0x333: {  	[sflag:s24] =	ssyncset.done $0x0  }
0x334: {  	s10 =	rddreg [dreg:$0x14];
	[sflag:s24] =	ssyncadd.s32 $0xFFFFC000  }
0x335: {  	[spmem:s1] =	stream.indirect.scatter.add.f32 [tilespmem:s22], [sflag:$0x5], $0x80, s10, s21, $0xb8;
	[tilespmem:$0x1E000] =	vst v63  }
0x336: {  	_ =	swait.ge [sflag:s16], $0x4000  }
0x337: {  	[sflag:s16] =	ssyncset.done $0x0  }
0x338: {  	s7 =	rddreg [dreg:$0x15];
	[sflag:s16] =	ssyncadd.s32 $0xFFFFC000  }
0x339: {  	[tilespmem:s15], [sflag:$0x1] =	stream.indirect.gather [hbm4b:s4+s21], $0x80, s7, s21, $0xb8;
	[tilespmem:$0x1E000] =	vst v63  }
0x33a: {  	s8 =	rddreg [dreg:$0x16]  }
0x33b: {  	[tilespmem:s22], [sflag:$0x2] =	stream.indirect.gather [hbm4b:s4+s21], $0x80, s8, s21, $0xb8;
	[tilespmem:$0x1E000] =	vst v63  }
0x33c: {  	_ =	swait.ge [sflag:s23], $0x4000  }
0x33d: {  	[sflag:s23] =	ssyncset.done $0x0  }
0x33e: {  	s9 =	rddreg [dreg:$0x17];
	[sflag:s23] =	ssyncadd.s32 $0xFFFFC000  }
0x33f: {  	[spmem:s1] =	stream.indirect.scatter.add.f32 [tilespmem:s15], [sflag:$0x5], $0x80, s9, s21, $0xb8;
	[tilespmem:$0x1E000] =	vst v63  }
0x340: {  	_ =	swait.ge [sflag:s16], $0x4000  }
0x341: {  	[sflag:s16] =	ssyncset.done $0x0  }
0x342: {  	[sflag:s16] =	ssyncadd.s32 $0xFFFFC000  }
0x343: {  	_ =	swait.ge [sflag:s24], $0x4000  }
0x344: {  	[sflag:s24] =	ssyncset.done $0x0  }
0x345: {  	s10 =	rddreg [dreg:$0x18];
	[sflag:s24] =	ssyncadd.s32 $0xFFFFC000  }
0x346: {  	[spmem:s1] =	stream.indirect.scatter.add.f32 [tilespmem:s22], [sflag:$0x5], $0x80, s10, s21, $0xb8;
	[tilespmem:$0x1E000] =	vst v63  }
0x347: {  	_ =	swait.ge [sflag:s16], $0x4000  }
0x348: {  	[sflag:s16] =	ssyncset.done $0x0  }
0x349: {  	s7 =	rddreg [dreg:$0x19];
	[sflag:s16] =	ssyncadd.s32 $0xFFFFC000  }
0x34a: {  	[tilespmem:s15], [sflag:$0x1] =	stream.indirect.gather [hbm4b:s4+s21], $0x80, s7, s21, $0xb8;
	[tilespmem:$0x1E000] =	vst v63  }
0x34b: {  	s8 =	rddreg [dreg:$0x1a]  }
0x34c: {  	[tilespmem:s22], [sflag:$0x2] =	stream.indirect.gather [hbm4b:s4+s21], $0x80, s8, s21, $0xb8;
	[tilespmem:$0x1E000] =	vst v63  }
0x34d: {  	_ =	swait.ge [sflag:s23], $0x4000  }
0x34e: {  	[sflag:s23] =	ssyncset.done $0x0  }
0x34f: {  	s9 =	rddreg [dreg:$0x1b];
	[sflag:s23] =	ssyncadd.s32 $0xFFFFC000  }
0x350: {  	[spmem:s1] =	stream.indirect.scatter.add.f32 [tilespmem:s15], [sflag:$0x5], $0x80, s9, s21, $0xb8;
	[tilespmem:$0x1E000] =	vst v63  }
0x351: {  	_ =	swait.ge [sflag:s16], $0x4000  }
0x352: {  	[sflag:s16] =	ssyncset.done $0x0  }
0x353: {  	[sflag:s16] =	ssyncadd.s32 $0xFFFFC000  }
0x354: {  	_ =	swait.ge [sflag:s24], $0x4000  }
0x355: {  	[sflag:s24] =	ssyncset.done $0x0  }
0x356: {  	s10 =	rddreg [dreg:$0x1c];
	[sflag:s24] =	ssyncadd.s32 $0xFFFFC000  }
0x357: {  	[spmem:s1] =	stream.indirect.scatter.add.f32 [tilespmem:s22], [sflag:$0x5], $0x80, s10, s21, $0xb8;
	[tilespmem:$0x1E000] =	vst v63  }
0x358: {  	_ =	swait.ge [sflag:s16], $0x4000  }
0x359: {  	[sflag:s16] =	ssyncset.done $0x0  }
0x35a: {  	s7 =	rddreg [dreg:$0x1d];
	[sflag:s16] =	ssyncadd.s32 $0xFFFFC000  }
0x35b: {  	[tilespmem:s15], [sflag:$0x1] =	stream.indirect.gather [hbm4b:s4+s21], $0x80, s7, s21, $0xb8;
	[tilespmem:$0x1E000] =	vst v63  }
0x35c: {  	s8 =	rddreg [dreg:$0x1e]  }
0x35d: {  	[tilespmem:s22], [sflag:$0x2] =	stream.indirect.gather [hbm4b:s4+s21], $0x80, s8, s21, $0xb8;
	[tilespmem:$0x1E000] =	vst v63  }
0x35e: {  	_ =	swait.ge [sflag:s23], $0x4000  }
0x35f: {  	[sflag:s23] =	ssyncset.done $0x0  }
0x360: {  	s9 =	rddreg [dreg:$0x1f];
	[sflag:s23] =	ssyncadd.s32 $0xFFFFC000  }
0x361: {  	[spmem:s1] =	stream.indirect.scatter.add.f32 [tilespmem:s15], [sflag:$0x5], $0x80, s9, s21, $0xb8;
	[tilespmem:$0x1E000] =	vst v63  }
0x362: {  	_ =	swait.ge [sflag:s16], $0x4000  }
0x363: {  	[sflag:s16] =	ssyncset.done $0x0  }
0x364: {  	[sflag:s16] =	ssyncadd.s32 $0xFFFFC000  }
0x365: {  	_ =	swait.ge [sflag:s24], $0x4000  }
0x366: {  	s10 =	sld [smem:$0x7DF]  }
0x367: {  	[sflag:s24] =	ssyncset.done $0x0  }
0x368: {  	[sflag:s24] =	ssyncadd.s32 $0xFFFFC000  }
0x369: {  	[spmem:s1] =	stream.indirect.scatter.add.f32 [tilespmem:s22], [sflag:$0x5], $0x80, s10, s21, $0xb8;
	[tilespmem:$0x1E000] =	vst v63  }
0x36a: {  	p0 =	seq.s32 s3, $0x800;
	_ =	swait.ge [sflag:s16], $0x4000  }
0x36b: {  	s6 =	sadd.s32 @!p0 s3, s14;
	s3 =	sadd.s32 @!p0 s3, s11;
	[sflag:s16] =	ssyncset.done $0x0  }
0x36c: {  	s6 =	sadd.s32 @!p0 $0x200, s6;
	s7 =	simm.s32 @!p0 $0x0;
	[sflag:s16] =	ssyncadd.s32 $0xFFFFC000  }
0x36d: {  	[tilespmem:s7], [sflag:$0x3] =	stream.linear.gather @!p0 [hbm4b:s6+s7], $0x800, $0x38;
	[tilespmem:$0x1E000] =	vst v63  }
0x36e: {  	s3 =	sadd.s32 @!p0 $0x200, s3;
	s6 =	simm.s32 @!p0 $0x800  }
0x36f: {  	[tilespmem:s6], [sflag:$0x3] =	stream.linear.gather @!p0 [hbm4b:s3+s7], $0x800, $0x38;
	[tilespmem:$0x1E000] =	vst v63  }
0x370: {  	_ =	swait.ge [sflag:s25], $0x800  }
0x371: {  	[sflag:s25] =	ssyncset.done $0x0  }
0x372: {  	[sflag:s25] =	ssyncadd.s32 $0xFFFFF800  }
0x373: {  	_ =	swait.ge [sflag:s25], $0x800  }
0x374: {  	[sflag:s25] =	ssyncset.done $0x0  }
0x375: {  	s7 =	sld [smem:$0x7E1];
	[sflag:s25] =	ssyncadd.s32 $0xFFFFF800  }
0x376: {  	[tilespmem:s15], [sflag:$0x1] =	stream.indirect.gather [hbm4b:s4+s21], $0x80, s18, s21, $0xb8;
	[tilespmem:$0x1E000] =	vst v63  }
0x377: {  	_ = 	snop  }
0x378: {  	[tilespmem:s22], [sflag:$0x2] =	stream.indirect.gather [hbm4b:s4+s21], $0x80, s7, s21, $0xb8;
	[tilespmem:$0x1E000] =	vst v63  }
0x379: {  	_ =	swait.ge [sflag:s23], $0x4000  }
0x37a: {  	[sflag:s23] =	ssyncset.done $0x0  }
0x37b: {  	[sflag:s23] =	ssyncadd.s32 $0xFFFFC000  }
0x37c: {  	[spmem:s1] =	stream.indirect.scatter.add.f32 [tilespmem:s15], [sflag:$0x5], $0x80, s19, s21, $0xb8;
	[tilespmem:$0x1E000] =	vst v63  }
0x37d: {  	_ =	swait.ge [sflag:s16], $0x4000  }
0x37e: {  	[sflag:s16] =	ssyncset.done $0x0  }
0x37f: {  	[sflag:s16] =	ssyncadd.s32 $0xFFFFC000  }
0x380: {  	_ =	swait.ge [sflag:s24], $0x4000  }
0x381: {  	s8 =	sld [smem:$0x7E3]  }
0x382: {  	[sflag:s24] =	ssyncset.done $0x0  }
0x383: {  	[sflag:s24] =	ssyncadd.s32 $0xFFFFC000  }
0x384: {  	[spmem:s1] =	stream.indirect.scatter.add.f32 [tilespmem:s22], [sflag:$0x5], $0x80, s8, s21, $0xb8;
	[tilespmem:$0x1E000] =	vst v63  }
0x385: {  	_ =	swait.ge [sflag:s16], $0x4000  }
0x386: {  	s9 =	sld [smem:$0x7E5]  }
0x387: {  	[sflag:s16] =	ssyncset.done $0x0  }
0x388: {  	s10 =	sld [smem:$0x7E6];
	[sflag:s16] =	ssyncadd.s32 $0xFFFFC000  }
0x389: {  	[tilespmem:s15], [sflag:$0x1] =	stream.indirect.gather [hbm4b:s4+s21], $0x80, s9, s21, $0xb8;
	[tilespmem:$0x1E000] =	vst v63  }
0x38a: {  	_ = 	snop  }
0x38b: {  	[tilespmem:s22], [sflag:$0x2] =	stream.indirect.gather [hbm4b:s4+s21], $0x80, s10, s21, $0xb8;
	[tilespmem:$0x1E000] =	vst v63  }
0x38c: {  	_ =	swait.ge [sflag:s23], $0x4000  }
0x38d: {  	s7 =	sld [smem:$0x7E7]  }
0x38e: {  	[sflag:s23] =	ssyncset.done $0x0  }
0x38f: {  	[sflag:s23] =	ssyncadd.s32 $0xFFFFC000  }
0x390: {  	[spmem:s1] =	stream.indirect.scatter.add.f32 [tilespmem:s15], [sflag:$0x5], $0x80, s7, s21, $0xb8;
	[tilespmem:$0x1E000] =	vst v63  }
0x391: {  	_ =	swait.ge [sflag:s16], $0x4000  }
0x392: {  	[sflag:s16] =	ssyncset.done $0x0  }
0x393: {  	[sflag:s16] =	ssyncadd.s32 $0xFFFFC000  }
0x394: {  	_ =	swait.ge [sflag:s24], $0x4000  }
0x395: {  	s8 =	sld [smem:$0x7E9]  }
0x396: {  	[sflag:s24] =	ssyncset.done $0x0  }
0x397: {  	[sflag:s24] =	ssyncadd.s32 $0xFFFFC000  }
0x398: {  	[spmem:s1] =	stream.indirect.scatter.add.f32 [tilespmem:s22], [sflag:$0x5], $0x80, s8, s21, $0xb8;
	[tilespmem:$0x1E000] =	vst v63  }
0x399: {  	_ =	swait.ge [sflag:s16], $0x4000  }
0x39a: {  	s9 =	sld [smem:$0x7EA]  }
0x39b: {  	[sflag:s16] =	ssyncset.done $0x0  }
0x39c: {  	s10 =	sld [smem:$0x7EB];
	[sflag:s16] =	ssyncadd.s32 $0xFFFFC000  }
0x39d: {  	[tilespmem:s15], [sflag:$0x1] =	stream.indirect.gather [hbm4b:s4+s21], $0x80, s9, s21, $0xb8;
	[tilespmem:$0x1E000] =	vst v63  }
0x39e: {  	_ = 	snop  }
0x39f: {  	[tilespmem:s22], [sflag:$0x2] =	stream.indirect.gather [hbm4b:s4+s21], $0x80, s10, s21, $0xb8;
	[tilespmem:$0x1E000] =	vst v63  }
0x3a0: {  	_ =	swait.ge [sflag:s23], $0x4000  }
0x3a1: {  	s7 =	sld [smem:$0x7ED]  }
0x3a2: {  	[sflag:s23] =	ssyncset.done $0x0  }
0x3a3: {  	[sflag:s23] =	ssyncadd.s32 $0xFFFFC000  }
0x3a4: {  	[spmem:s1] =	stream.indirect.scatter.add.f32 [tilespmem:s15], [sflag:$0x5], $0x80, s7, s21, $0xb8;
	[tilespmem:$0x1E000] =	vst v63  }
0x3a5: {  	_ =	swait.ge [sflag:s16], $0x4000  }
0x3a6: {  	[sflag:s16] =	ssyncset.done $0x0  }
0x3a7: {  	[sflag:s16] =	ssyncadd.s32 $0xFFFFC000  }
0x3a8: {  	_ =	swait.ge [sflag:s24], $0x4000  }
0x3a9: {  	s8 =	sld [smem:$0x7EE]  }
0x3aa: {  	[sflag:s24] =	ssyncset.done $0x0  }
0x3ab: {  	[sflag:s24] =	ssyncadd.s32 $0xFFFFC000  }
0x3ac: {  	[spmem:s1] =	stream.indirect.scatter.add.f32 [tilespmem:s22], [sflag:$0x5], $0x80, s8, s21, $0xb8;
	[tilespmem:$0x1E000] =	vst v63  }
0x3ad: {  	_ =	swait.ge [sflag:s16], $0x4000  }
0x3ae: {  	s9 =	sld [smem:$0x7EF]  }
0x3af: {  	[sflag:s16] =	ssyncset.done $0x0  }
0x3b0: {  	s10 =	sld [smem:$0x7F0];
	[sflag:s16] =	ssyncadd.s32 $0xFFFFC000  }
0x3b1: {  	[tilespmem:s15], [sflag:$0x1] =	stream.indirect.gather [hbm4b:s4+s21], $0x80, s9, s21, $0xb8;
	[tilespmem:$0x1E000] =	vst v63  }
0x3b2: {  	_ = 	snop  }
0x3b3: {  	[tilespmem:s22], [sflag:$0x2] =	stream.indirect.gather [hbm4b:s4+s21], $0x80, s10, s21, $0xb8;
	[tilespmem:$0x1E000] =	vst v63  }
0x3b4: {  	_ =	swait.ge [sflag:s23], $0x4000  }
0x3b5: {  	s6 =	sld [smem:$0x7F1]  }
0x3b6: {  	[sflag:s23] =	ssyncset.done $0x0  }
0x3b7: {  	[sflag:s23] =	ssyncadd.s32 $0xFFFFC000  }
0x3b8: {  	[spmem:s1] =	stream.indirect.scatter.add.f32 [tilespmem:s15], [sflag:$0x5], $0x80, s6, s21, $0xb8;
	[tilespmem:$0x1E000] =	vst v63  }
0x3b9: {  	_ =	swait.ge [sflag:s16], $0x4000  }
0x3ba: {  	[sflag:s16] =	ssyncset.done $0x0  }
0x3bb: {  	[sflag:s16] =	ssyncadd.s32 $0xFFFFC000  }
0x3bc: {  	_ =	swait.ge [sflag:s24], $0x4000  }
0x3bd: {  	s7 =	sld [smem:$0x7F2]  }
0x3be: {  	[sflag:s24] =	ssyncset.done $0x0  }
0x3bf: {  	[sflag:s24] =	ssyncadd.s32 $0xFFFFC000  }
0x3c0: {  	[spmem:s1] =	stream.indirect.scatter.add.f32 [tilespmem:s22], [sflag:$0x5], $0x80, s7, s21, $0xb8;
	[tilespmem:$0x1E000] =	vst v63  }
0x3c1: {  	_ =	swait.ge [sflag:s16], $0x4000  }
0x3c2: {  	s8 =	sld [smem:$0x7F3]  }
0x3c3: {  	[sflag:s16] =	ssyncset.done $0x0  }
0x3c4: {  	s9 =	sld [smem:$0x7F4];
	[sflag:s16] =	ssyncadd.s32 $0xFFFFC000  }
0x3c5: {  	[tilespmem:s15], [sflag:$0x1] =	stream.indirect.gather [hbm4b:s4+s21], $0x80, s8, s21, $0xb8;
	[tilespmem:$0x1E000] =	vst v63  }
0x3c6: {  	_ = 	snop  }
0x3c7: {  	[tilespmem:s22], [sflag:$0x2] =	stream.indirect.gather [hbm4b:s4+s21], $0x80, s9, s21, $0xb8;
	[tilespmem:$0x1E000] =	vst v63  }
0x3c8: {  	_ =	swait.ge [sflag:s23], $0x4000  }
0x3c9: {  	s10 =	sld [smem:$0x7F5]  }
0x3ca: {  	[sflag:s23] =	ssyncset.done $0x0  }
0x3cb: {  	[sflag:s23] =	ssyncadd.s32 $0xFFFFC000  }
0x3cc: {  	[spmem:s1] =	stream.indirect.scatter.add.f32 [tilespmem:s15], [sflag:$0x5], $0x80, s10, s21, $0xb8;
	[tilespmem:$0x1E000] =	vst v63  }
0x3cd: {  	_ =	swait.ge [sflag:s16], $0x4000  }
0x3ce: {  	[sflag:s16] =	ssyncset.done $0x0  }
0x3cf: {  	[sflag:s16] =	ssyncadd.s32 $0xFFFFC000  }
0x3d0: {  	_ =	swait.ge [sflag:s24], $0x4000  }
0x3d1: {  	s6 =	sld [smem:$0x7F6]  }
0x3d2: {  	[sflag:s24] =	ssyncset.done $0x0  }
0x3d3: {  	[sflag:s24] =	ssyncadd.s32 $0xFFFFC000  }
0x3d4: {  	[spmem:s1] =	stream.indirect.scatter.add.f32 [tilespmem:s22], [sflag:$0x5], $0x80, s6, s21, $0xb8;
	[tilespmem:$0x1E000] =	vst v63  }
0x3d5: {  	_ =	swait.ge [sflag:s16], $0x4000  }
0x3d6: {  	s7 =	sld [smem:$0x7F7]  }
0x3d7: {  	[sflag:s16] =	ssyncset.done $0x0  }
0x3d8: {  	s8 =	sld [smem:$0x7F8];
	[sflag:s16] =	ssyncadd.s32 $0xFFFFC000  }
0x3d9: {  	[tilespmem:s15], [sflag:$0x1] =	stream.indirect.gather [hbm4b:s4+s21], $0x80, s7, s21, $0xb8;
	[tilespmem:$0x1E000] =	vst v63  }
0x3da: {  	_ = 	snop  }
0x3db: {  	[tilespmem:s22], [sflag:$0x2] =	stream.indirect.gather [hbm4b:s4+s21], $0x80, s8, s21, $0xb8;
	[tilespmem:$0x1E000] =	vst v63  }
0x3dc: {  	_ =	swait.ge [sflag:s23], $0x4000  }
0x3dd: {  	s9 =	sld [smem:$0x7F9]  }
0x3de: {  	[sflag:s23] =	ssyncset.done $0x0  }
0x3df: {  	[sflag:s23] =	ssyncadd.s32 $0xFFFFC000  }
0x3e0: {  	[spmem:s1] =	stream.indirect.scatter.add.f32 [tilespmem:s15], [sflag:$0x5], $0x80, s9, s21, $0xb8;
	[tilespmem:$0x1E000] =	vst v63  }
0x3e1: {  	_ =	swait.ge [sflag:s16], $0x4000  }
0x3e2: {  	[sflag:s16] =	ssyncset.done $0x0  }
0x3e3: {  	[sflag:s16] =	ssyncadd.s32 $0xFFFFC000  }
0x3e4: {  	_ =	swait.ge [sflag:s24], $0x4000  }
0x3e5: {  	s10 =	sld [smem:$0x7FA]  }
0x3e6: {  	[sflag:s24] =	ssyncset.done $0x0  }
0x3e7: {  	[sflag:s24] =	ssyncadd.s32 $0xFFFFC000  }
0x3e8: {  	[spmem:s1] =	stream.indirect.scatter.add.f32 [tilespmem:s22], [sflag:$0x5], $0x80, s10, s21, $0xb8;
	[tilespmem:$0x1E000] =	vst v63  }
0x3e9: {  	_ =	swait.ge [sflag:s16], $0x4000  }
0x3ea: {  	s6 =	sld [smem:$0x7FB]  }
0x3eb: {  	[sflag:s16] =	ssyncset.done $0x0  }
0x3ec: {  	s7 =	sld [smem:$0x7FC];
	[sflag:s16] =	ssyncadd.s32 $0xFFFFC000  }
0x3ed: {  	[tilespmem:s15], [sflag:$0x1] =	stream.indirect.gather [hbm4b:s4+s21], $0x80, s6, s21, $0xb8;
	[tilespmem:$0x1E000] =	vst v63  }
0x3ee: {  	_ = 	snop  }
0x3ef: {  	[tilespmem:s22], [sflag:$0x2] =	stream.indirect.gather [hbm4b:s4+s21], $0x80, s7, s21, $0xb8;
	[tilespmem:$0x1E000] =	vst v63  }
0x3f0: {  	_ =	swait.ge [sflag:s23], $0x4000  }
0x3f1: {  	s8 =	sld [smem:$0x7FD]  }
0x3f2: {  	[sflag:s23] =	ssyncset.done $0x0  }
0x3f3: {  	[sflag:s23] =	ssyncadd.s32 $0xFFFFC000  }
0x3f4: {  	[spmem:s1] =	stream.indirect.scatter.add.f32 [tilespmem:s15], [sflag:$0x5], $0x80, s8, s21, $0xb8;
	[tilespmem:$0x1E000] =	vst v63  }
0x3f5: {  	_ =	swait.ge [sflag:s16], $0x4000  }
0x3f6: {  	[sflag:s16] =	ssyncset.done $0x0  }
0x3f7: {  	[sflag:s16] =	ssyncadd.s32 $0xFFFFC000  }
0x3f8: {  	_ =	swait.ge [sflag:s24], $0x4000  }
0x3f9: {  	[sflag:s24] =	ssyncset.done $0x0  }
0x3fa: {  	[sflag:s24] =	ssyncadd.s32 $0xFFFFC000  }
0x3fb: {  	[spmem:s1] =	stream.indirect.scatter.add.f32 [tilespmem:s22], [sflag:$0x5], $0x80, s26, s21, $0xb8;
	[tilespmem:$0x1E000] =	vst v63  }
0x3fc: {  	_ =	swait.ge [sflag:s16], $0x4000  }
0x3fd: {  	[sflag:s16] =	ssyncset.done $0x0  }
0x3fe: {  	[sflag:s16] =	ssyncadd.s32 $0xFFFFC000  }
0x3ff: {  	[tilespmem:s15], [sflag:$0x1] =	stream.indirect.gather [hbm4b:s4+s21], $0x80, s28, s21, $0xb8;
	[tilespmem:$0x1E000] =	vst v63  }
0x400: {  	_ = 	snop  }
0x401: {  	[tilespmem:s22], [sflag:$0x2] =	stream.indirect.gather [hbm4b:s4+s21], $0x80, s29, s21, $0xb8;
	[tilespmem:$0x1E000] =	vst v63  }
0x402: {  	_ =	swait.ge [sflag:s23], $0x4000  }
0x403: {  	[sflag:s23] =	ssyncset.done $0x0  }
0x404: {  	[sflag:s23] =	ssyncadd.s32 $0xFFFFC000  }
0x405: {  	[spmem:s1] =	stream.indirect.scatter.add.f32 [tilespmem:s15], [sflag:$0x5], $0x80, s30, s21, $0xb8;
	[tilespmem:$0x1E000] =	vst v63  }
0x406: {  	_ =	swait.ge [sflag:s16], $0x4000  }
0x407: {  	[sflag:s16] =	ssyncset.done $0x0  }
0x408: {  	[sflag:s16] =	ssyncadd.s32 $0xFFFFC000  }
0x409: {  	_ =	swait.ge [sflag:s24], $0x4000  }
0x40a: {  	[sflag:s24] =	ssyncset.done $0x0  }
0x40b: {  	[sflag:s24] =	ssyncadd.s32 $0xFFFFC000  }
0x40c: {  	[spmem:s1] =	stream.indirect.scatter.add.f32 [tilespmem:s22], [sflag:$0x5], $0x80, s31, s21, $0xb8;
	[tilespmem:$0x1E000] =	vst v63  }
0x40d: {  	s9 =	stileid.u32;
	_ =	swait.ge [sflag:s16], $0x4000  }
0x40e: {  	s0 =	sadd.s32 $0x1, s0;
	s3 =	sshll.u32 s9, $0x6;
	[sflag:s16] =	ssyncset.done $0x0  }
0x40f: {  	p0 =	sne.s32 s0, s13;
	s3 =	sor.u32 $0x1C05, s3;
	[sflag:s16] =	ssyncadd.s32 $0xFFFFC000  }
.Ltmp2:
0x410: {  	s10 =	sshrl.u32 s5, $0x3;
	[bflag:$0x0] =	sbarrier.arrive $0xFFFF;
	(pc) =	sbr.rel @p0 .LBB2_1-.Ltmp2, $4  }
0x411: {  	[hbm:s12], [sflag:s3] =	dma.local [spmem:s10], $0x2800  }
0x412: {  	_ =	swait.ge [sflag:s16], $0x2800  }
0x413: {  	[sflag:s16] =	ssyncset.done $0x0  }
0x414: {  	[sflag:s16] =	ssyncadd.s32 $0xFFFFD800  }
0x415: {  	_ =	sfence.sel $0x180000  }
0x416: {  	[bflag:$0x0] =	sbarrier.arrive $0xFFFF  }
0x417: {  	_ =	strace $0x9000004A  }
0x418: {  	s0 =	stileid.u32;
	[bflag:$0x2] =	sbarrier.arrive $0xFFFF  }
0x419: {  	p0 =	sne.s32 s0, $0x0;
	s0 =	rddreg [dreg:$0x3]  }
0x41a: {  	s0 =	sadd.s32 @!p0 $0x100000, s0  }
0x41b: {  	[sflag:s0] =	ssyncadd.tile.s32 @!p0 $0x1;
	_ =	shalt  }
.Lfunc_end2:
_tile_overlayer_lowered:
.L_overlay_start_2:
0x41c: {  	(tag) =	ssettag $0x2  }
0x41d: {  	s0 =	rddreg [dreg:$0x0];
	s2 =	stileid.u32  }
0x41e: {  	s1 =	rddreg [dreg:$0x1];
	p0 =	sne.s32 s2, $0x0  }
0x41f: {  	s3 =	rddreg [dreg:$0x2];
	[bflag:$0x3] =	sbarrier.arrive $0xFFFF;
	s2 =	simm.s32 @!p0 $0x1C05  }
0x420: {  	[timem:s3], [sflag:s2] =	dma.local @!p0 [hbm:s0], s1  }
0x421: {  	s0 =	simm.s32 @!p0 $0x5  }
0x422: {  	_ =	swait.ge @!p0 [sflag:s0], s1  }
0x423: {  	s1 =	ssub.s32 @!p0 $0x0, s1;
	[sflag:s0] =	ssyncset.done @!p0 $0x0  }
0x424: {  	[sflag:s0] =	ssyncadd.s32 @!p0 s1  }
0x425: {  	[bflag:$0x3] =	sbarrier.arrive $0xFFFF  }
0x426: {  	_ =	shalt  }

// kernel: kernel.17.cloned.1.call-start
scs
__scs_entry_jumppad:
0x0: {  	(pc) =	sbr.rel $0x88, $3  }
0x1: {  	(tag) =	ssettag $0x0;
	lr =	simm.s32 $0x1  }
0x2: {  	[smem:$0x3F97] =	sst lr;
	_ =	strace $0xD0000000  }
0x3: {  	_ = 	snop  }
0x4: {  	_ = 	snop  }
0x5: {  	_ = 	snop  }
0x6: {  	_ = 	snop  }
0x7: {  	_ = 	snop  }
__scs_overlays_trampoline_lowered:
0x8: {  	[smem:$0x3FA6] =	sst s0  }
0x9: {  	[smem:$0x3FA7] =	sst s1  }
0xa: {  	[smem:$0x3FA8] =	sst s2  }
0xb: {  	[smem:$0x3FA9] =	sst s3  }
0xc: {  	[smem:$0x3FAA] =	sst s4  }
0xd: {  	[smem:$0x3FAB] =	sst s5  }
0xe: {  	[smem:$0x3FAC] =	sst s6  }
0xf: {  	[smem:$0x3FAD] =	sst s7  }
0x10: {  	[smem:$0x3FAE] =	sst s8  }
0x11: {  	[smem:$0x3FAF] =	sst s9;
	s0 =	simm.s32 @!p0 $0x0  }
0x12: {  	s1 =	sld [smem:$0x3F95];
	s0 =	simm.s32 @p0 $0x1  }
0x13: {  	[smem:$0x3FB0] =	sst s0;
	s0 =	simm.s32 @!p1 $0x0  }
0x14: {  	s2 =	sld [smem:$0x3F94];
	s0 =	simm.s32 @p1 $0x1  }
0x15: {  	[smem:$0x3FB1] =	sst s0;
	s0 =	simm.s32 @!p2 $0x0  }
0x16: {  	s3 =	sld [smem:$0x3FDB];
	s0 =	simm.s32 @p2 $0x1  }
0x17: {  	s4 =	simm.s32 $0x1BF5;
	[smem:$0x3FB3] =	sst s0  }
0x18: {  	s0 =	sld [smem:$0x3F96];
	_ =	swait.ge [sflag:s4], $0x0  }
0x19: {  	s7 =	sld [smem:$0x3F97]  }
0x1a: {  	s8 =	sadd.s32 $0xFFFFE003, lr  }
0x1b: {  	s9 =	sadd.s32 $0xFFFFFEF7, lr;
	s5 =	simm.s32 $0xFFFFFFFF;
	p2 =	slt.u32 s8, $0xFFFFF086  }
0x1c: {  	p1 =	slt.u32 s9, $0xF7A;
	s5 =	simm.s32 @!p2 $0x0  }
0x1d: {  	s5 =	simm.s32 @p1 $0x1;
	p0 =	seq.s32 s7, s2  }
0x1e: {  	s7 =	smul.u32 @!p0 $0xF7A, s2;
	p2 =	seq.s32 @!p0 s5, $0x0  }
0x1f: {  	s9 =	smul.u32 $0xF7A, s1;
	s8 =	simm.s32 @!p0 $0x1BF5;
	p2 =	por !p2, p0  }
0x20: {  	[sflag:s8] =	ssyncset.s32 @!p0 $0xFFFFF086;
	s6 =	sadd.s32 @!p0 s3, s7;
	s7 =	simm.s32 @!p0 $0x108  }
0x21: {  	s3 =	sadd.s32 s3, s9;
	s6 =	sadd.s32 @!p0 $0x88, s6;
	s7 =	simm.s32 @p2 $0x1082  }
0x22: {  	[simem:s7], [sflag:s8] =	dma.local @!p0 [hbm:s6], $0xF7A  }
0x23: {  	s9 =	sor.u32 $0xD0000000, s2;
	s6 =	simm.s32 $0x108;
	_ =	swait.ge @!p0 [sflag:s8], $0x0  }
0x24: {  	s3 =	sadd.s32 $0x88, s3;
	s6 =	simm.s32 @!p1 $0x1082;
	[sflag:s4] =	ssyncset.s32 $0xFFFFF086  }
0x25: {  	[simem:s6], [sflag:s4] =	dma.local [hbm:s3], $0xF7A  }
0x26: {  	[smem:$0x3F97] =	sst s1;
	(tag) =	ssettag s2;
	_ =	strace s9  }
0x27: {  	s1 =	sld [smem:$0x3FA7]  }
0x28: {  	s2 =	sld [smem:$0x3FA8]  }
0x29: {  	s4 =	sld [smem:$0x3FAA]  }
0x2a: {  	p0 =	seq.s32 s5, $0x0;
	s5 =	sld [smem:$0x3FAB]  }
0x2b: {  	s6 =	sld [smem:$0x3FAC]  }
0x2c: {  	s7 =	sld [smem:$0x3FAD]  }
0x2d: {  	s3 =	simm.s32 $0x108;
	s8 =	sld [smem:$0x3FAE]  }
0x2e: {  	s3 =	simm.s32 @!p0 $0x1082;
	s9 =	sld [smem:$0x3FAF]  }
0x2f: {  	lr =	sadd.s32 s0, s3;
	s0 =	sld [smem:$0x3FA6]  }
0x30: {  	s3 =	sld [smem:$0x3FA9]  }
0x31: {  	[smem:$0x3FB2] =	sst s10  }
0x32: {  	s10 =	sld [smem:$0x3FB0];
	_ =	sdelay $0x3  }
0x33: {  	p0 =	seq.s32 s10, $0x1;
	s10 =	sld [smem:$0x3FB2];
	_ =	sdelay $0x3  }
0x34: {  	[smem:$0x3FB2] =	sst s10  }
0x35: {  	s10 =	sld [smem:$0x3FB1];
	_ =	sdelay $0x3  }
0x36: {  	p1 =	seq.s32 s10, $0x1;
	s10 =	sld [smem:$0x3FB2];
	_ =	sdelay $0x3  }
0x37: {  	[smem:$0x3FB2] =	sst s10  }
0x38: {  	s10 =	sld [smem:$0x3FB3]  }
0x39: {  	_ = 	snop;
	(pc) =	sbr.ind lr, $3  }
0x3a: {  	_ = 	snop  }
0x3b: {  	_ = 	snop  }
0x3c: {  	p2 =	seq.s32 s10, $0x1;
	s10 =	sld [smem:$0x3FB2]  }
0x3d: {  	_ =	shalt  }
0x3e: {  	_ =	shalt  }
0x3f: {  	_ =	shalt  }
0x40: {  	_ =	shalt  }
0x41: {  	_ =	shalt  }
0x42: {  	_ =	shalt  }
0x43: {  	_ =	shalt  }
0x44: {  	_ =	shalt  }
0x45: {  	_ =	shalt  }
0x46: {  	_ =	shalt  }
0x47: {  	_ =	shalt  }
0x48: {  	_ =	shalt  }
0x49: {  	_ =	shalt  }
0x4a: {  	_ =	shalt  }
0x4b: {  	_ =	shalt  }
0x4c: {  	_ =	shalt  }
0x4d: {  	_ =	shalt  }
0x4e: {  	_ =	shalt  }
0x4f: {  	_ =	shalt  }
0x50: {  	_ =	shalt  }
0x51: {  	_ =	shalt  }
0x52: {  	_ =	shalt  }
0x53: {  	_ =	shalt  }
0x54: {  	_ =	shalt  }
0x55: {  	_ =	shalt  }
0x56: {  	_ =	shalt  }
0x57: {  	_ =	shalt  }
0x58: {  	_ =	shalt  }
0x59: {  	_ =	shalt  }
0x5a: {  	_ =	shalt  }
0x5b: {  	_ =	shalt  }
0x5c: {  	_ =	shalt  }
0x5d: {  	_ =	shalt  }
0x5e: {  	_ =	shalt  }
0x5f: {  	_ =	shalt  }
0x60: {  	_ =	shalt  }
0x61: {  	_ =	shalt  }
0x62: {  	_ =	shalt  }
0x63: {  	_ =	shalt  }
0x64: {  	_ =	shalt  }
0x65: {  	_ =	shalt  }
0x66: {  	_ =	shalt  }
0x67: {  	_ =	shalt  }
0x68: {  	_ =	shalt  }
0x69: {  	_ =	shalt  }
0x6a: {  	_ =	shalt  }
0x6b: {  	_ =	shalt  }
0x6c: {  	_ =	shalt  }
0x6d: {  	_ =	shalt  }
0x6e: {  	_ =	shalt  }
0x6f: {  	_ =	shalt  }
0x70: {  	_ =	shalt  }
0x71: {  	_ =	shalt  }
0x72: {  	_ =	shalt  }
0x73: {  	_ =	shalt  }
0x74: {  	_ =	shalt  }
0x75: {  	_ =	shalt  }
0x76: {  	_ =	shalt  }
0x77: {  	_ =	shalt  }
0x78: {  	_ =	shalt  }
0x79: {  	_ =	shalt  }
0x7a: {  	_ =	shalt  }
0x7b: {  	_ =	shalt  }
0x7c: {  	_ =	shalt  }
0x7d: {  	_ =	shalt  }
0x7e: {  	_ =	shalt  }
0x7f: {  	_ =	shalt  }
0x80: {  	_ =	shalt  }
0x81: {  	_ =	shalt  }
0x82: {  	_ =	shalt  }
0x83: {  	_ =	shalt  }
0x84: {  	_ =	shalt  }
0x85: {  	_ =	shalt  }
0x86: {  	_ =	shalt  }
0x87: {  	_ =	shalt  }
.Lfunc_end0:
.L_simem_size_0:
called_computation.2_lowered:
.L_overlay_start_0:
0x88: {  	s2 =	sld [smem:$0x3FD9]  }
0x89: {  	s3 =	sld [smem:$0x3FFE];
	_ =	sdelay $0x1  }
0x8a: {  	s1 =	srdreg.scid  }
0x8b: {  	s0 =	sand.u32 $0x1, s1  }
0x8c: {  	s17 =	sshll.u32 s0, $0xA;
	s2 =	sadd.s32 s3, s2  }
0x8d: {  	s2 =	sadd.s32 s2, s17  }
0x8e: {  	[smem:$0x3FBE] =	sst s2  }
0x8f: {  	_ = 	snop  }
0x90: {  	s2 =	sld [smem:$0x3FD0];
	(tm) =	ssettm $0x1  }
0x91: {  	s18 =	sld [smem:$0x3FFB];
	_ =	sdelay $0x3  }
0x92: {  	_ =	strace s18  }
0x93: {  	s3 =	sld [smem:$0x3FFC];
	_ =	sdelay $0x3  }
0x94: {  	_ =	strace s3  }
0x95: {  	s3 =	sld [smem:$0x3FFD];
	_ =	sdelay $0x3  }
0x96: {  	_ =	strace s3  }
0x97: {  	_ =	strace $0x8FFFFFFF  }
0x98: {  	s19 =	sld [smem:$0x3FDB];
	_ =	sdelay $0x1  }
0x99: {  	s4 =	simm.s32 $_scs_section_size  }
0x9a: {  	s5 =	simm.s32 $_size__tile_overlayer_lowered;
	s6 =	simm.s32 $_tile_overlayer_lowered  }
0x9b: {  	s22 =	simm.s32 $0x1BFF;
	s21 =	sshll.u32 s6, $0x1;
	s3 =	sadd.s32 s4, s19  }
0x9c: {  	s7 =	simm.s32 $0x0;
	s20 =	sshll.u32 s5, $0x1;
	s5 =	sadd.s32 s21, s3  }
0x9d: {  	[timem:s7], [sflag:s22] =	dma.local [hbm:s5], s20  }
0x9e: {  	_ =	swait.ge [sflag:s22], s20  }
0x9f: {  	s4 =	ssub.s32 $0x0, s20;
	[sflag:s22] =	ssyncset.done $0x0  }
0xa0: {  	[sflag:s22] =	ssyncadd.s32 s4;
	_ =	sdelay $0x1  }
0xa1: {  	s23 =	simm.s32 $0x1B8B  }
0xa2: {  	_ =	swait.ge [sflag:s23], $0x1  }
0xa3: {  	[sflag:s23] =	ssyncset.done $0x0  }
0xa4: {  	s25 =	simm.s32 $0x1B8E;
	s24 =	sld [smem:$0x3FFE];
	[sflag:s23] =	ssyncadd.s32 $0xFFFFFFFF  }
0xa5: {  	s26 =	simm.s32 $execute0_lowered;
	[smem:$0x3FD2] =	sst s25  }
0xa6: {  	s5 =	sshll.u32 s26, $0x1;
	_ =	strace $0x8000004C;
	[dreg:$0x1] =	wrdreg $0xFFFFFFFF  }
0xa7: {  	s28 =	simm.s32 $_size_execute0_lowered;
	s3 =	sadd.s32 s3, s5;
	[dreg:$0x0] =	wrdreg $0x0  }
0xa8: {  	s5 =	sshll.u32 s28, $0x1;
	[dreg:$0x2] =	wrdreg s3  }
0xa9: {  	[dreg:$0x3] =	wrdreg s5  }
0xaa: {  	[dreg:$0x4] =	wrdreg $0xC0  }
0xab: {  	_ =	task [dreg:s7], $0x5FFFF  }
0xac: {  	[dreg:$0x1] =	wrdreg $0xFFFFFFFF  }
0xad: {  	[dreg:$0x0] =	wrdreg $0x60  }
0xae: {  	[dreg:$0x2] =	wrdreg s24  }
0xaf: {  	[dreg:$0x3] =	wrdreg s2  }
0xb0: {  	[dreg:$0x4] =	wrdreg $0xA0000  }
0xb1: {  	[dreg:$0x5] =	wrdreg $0x9  }
0xb2: {  	_ =	task.clear_ibuf [dreg:s7], $0x6FFFF;
	_ =	strace $0x9000004C  }
0xb3: {  	s29 =	simm.s32 $0x9;
	_ =	strace $0x8000004E  }
0xb4: {  	_ =	swait.ge [sflag:s29], $0x1  }
0xb5: {  	[sflag:s29] =	ssyncadd.s32 $0xFFFFFFFF  }
0xb6: {  	_ =	strace $0x9000004E  }
0xb7: {  	_ =	sfence  }
0xb8: {  	s30 =	sld [smem:$0x0];
	_ =	sdelay $0x2  }
0xb9: {  	s31 =	sshll.u32 s1, $0xD;
	s1 =	sshrl.u32 s1, $0x2  }
0xba: {  	s3 =	sand.u32 $0x4000, s31;
	s1 =	sadd.s32 s1, s30  }
0xbb: {  	s0 =	sor.u32 s3, s0;
	s1 =	sshll.u32 s1, $0x11  }
0xbc: {  	s0 =	sor.u32 s1, s0  }
0xbd: {  	s0 =	sadd.s32 $0x8F2B, s0  }
0xbe: {  	[sflag:s0] =	ssyncadd.remote.s32 $0x1  }
0xbf: {  	_ =	sfence.sel $0xFFFF  }
0xc0: {  	[dreg:$0x0] =	wrdreg $0xFFFFFFFF;
	(pc) =	sbr.abs _section_cstart, $3  }
0xc1: {  	[dreg:$0x1] =	wrdreg $0xFFFFFFFF  }
0xc2: {  	_ =	task.clear_ibuf [dreg:s7], $0x2FFFF;
	_ =	strace $0x9FFFFFFF  }
0xc3: {  	(tm) =	ssettm $0x7FFFFFFF  }
tec
execute0_lowered:
.L_overlay_start_1:
0x0: {  	(tag) =	ssettag $0x1  }
0x1: {  	s5 =	rddreg [dreg:$0x0]  }
0x2: {  	s0 =	rddreg [dreg:$0x1]  }
0x3: {  	s1 =	rddreg [dreg:$0x2];
	s2 =	simm.s32 $0x0  }
0x4: {  	s3 =	simm.s32 $0x880;
	[smem:$0x7FF] =	sst s2  }
0x5: {  	s17 =	simm.s32 $0x100;
	_ =	strace $0x8000004D;
	[dreg:$0x4] =	wrdreg s3  }
0x6: {  	s18 =	simm.s32 $0x180;
	[dreg:$0x5] =	wrdreg s17  }
0x7: {  	s19 =	simm.s32 $0x900;
	[dreg:$0x6] =	wrdreg s18  }
0x8: {  	s20 =	simm.s32 $0x980;
	[dreg:$0x7] =	wrdreg s19  }
0x9: {  	s21 =	simm.s32 $0x200;
	[dreg:$0x8] =	wrdreg s20  }
0xa: {  	s22 =	simm.s32 $0x280;
	[dreg:$0x9] =	wrdreg s21  }
0xb: {  	s23 =	simm.s32 $0xA00;
	[dreg:$0xa] =	wrdreg s22  }
0xc: {  	s24 =	simm.s32 $0xA80;
	[dreg:$0xb] =	wrdreg s23  }
0xd: {  	s25 =	simm.s32 $0x300;
	[dreg:$0xc] =	wrdreg s24  }
0xe: {  	s26 =	simm.s32 $0x380;
	[dreg:$0xd] =	wrdreg s25  }
0xf: {  	s4 =	simm.s32 $0xB00;
	[dreg:$0xe] =	wrdreg s26  }
0x10: {  	s6 =	simm.s32 $0xB80;
	[dreg:$0xf] =	wrdreg s4  }
0x11: {  	s7 =	simm.s32 $0x400;
	[dreg:$0x10] =	wrdreg s6  }
0x12: {  	s8 =	simm.s32 $0x480;
	[dreg:$0x11] =	wrdreg s7  }
0x13: {  	s9 =	simm.s32 $0xC80;
	[dreg:$0x12] =	wrdreg s8  }
0x14: {  	s11 =	simm.s32 $0x580;
	[dreg:$0x14] =	wrdreg s9  }
0x15: {  	s13 =	simm.s32 $0xD00;
	[dreg:$0x16] =	wrdreg s11  }
0x16: {  	s14 =	simm.s32 $0xD80;
	[dreg:$0x17] =	wrdreg s13  }
0x17: {  	s15 =	simm.s32 $0x600;
	[dreg:$0x18] =	wrdreg s14  }
0x18: {  	s16 =	simm.s32 $0x680;
	[dreg:$0x19] =	wrdreg s15  }
0x19: {  	s10 =	stileid.u32;
	s6 =	simm.s32 $0xC00;
	[dreg:$0x1a] =	wrdreg s16  }
0x1a: {  	s28 =	simm.s32 $0x1700;
	s8 =	simm.s32 $0x500;
	[dreg:$0x13] =	wrdreg s6  }
0x1b: {  	s29 =	simm.s32 $0x1780;
	s17 =	simm.s32 $0xE00;
	[dreg:$0x15] =	wrdreg s8  }
0x1c: {  	s30 =	simm.s32 $0x1F00;
	s19 =	simm.s32 $0xE80;
	[dreg:$0x1b] =	wrdreg s17  }
0x1d: {  	s31 =	simm.s32 $0x1F80;
	s21 =	simm.s32 $0x700;
	[dreg:$0x1c] =	wrdreg s19  }
0x1e: {  	s12 =	smul.u32 $0x2800, s10;
	s23 =	simm.s32 $0x780;
	[dreg:$0x1d] =	wrdreg s21  }
0x1f: {  	s4 =	sadd.s32 $0x5C400, s5;
	s24 =	simm.s32 $0xF00;
	[dreg:$0x1e] =	wrdreg s23  }
0x20: {  	s3 =	smul.u32 $0xA00, s10;
	s26 =	simm.s32 $0xF80;
	[dreg:$0x1f] =	wrdreg s24  }
0x21: {  	s7 =	srdreg.scid;
	s13 =	simm.s32 $0x1080;
	[smem:$0x7DF] =	sst s26  }
0x22: {  	s22 =	smul.u32 $0x50000, s10;
	s15 =	simm.s32 $0x1880;
	[smem:$0x7E1] =	sst s13  }
0x23: {  	s10 =	smul.u32 $0xA0, s10;
	s6 =	sand.u32 $0x1, s7;
	[smem:$0x7E3] =	sst s15  }
0x24: {  	s17 =	simm.s32 $0x1100;
	s19 =	simm.s32 $0x1180;
	s23 =	simm.s32 $0x1280  }
0x25: {  	s24 =	simm.s32 $0x1A00;
	s26 =	simm.s32 $0x1A80;
	[smem:$0x7E5] =	sst s17  }
0x26: {  	s15 =	simm.s32 $0x1B80;
	s9 =	smul.u32 $0x28000, s6;
	[smem:$0x7E6] =	sst s19  }
0x27: {  	s11 =	sadd.s32 s3, s5;
	s18 =	ssub.s32 $0x2, s6;
	[smem:$0x7EB] =	sst s23  }
0x28: {  	s25 =	sshrl.u32 s22, $0x2;
	s13 =	smul.u32 $0xA00, s6;
	[smem:$0x7ED] =	sst s24  }
0x29: {  	s22 =	simm.s32 $0x1200;
	[smem:$0x7EE] =	sst s26;
	s6 =	smul.u32 $0xA000, s6  }
0x2a: {  	[smem:$0x7F2] =	sst s15;
	s17 =	simm.s32 $0x1480;
	s15 =	simm.s32 $0x2000  }
0x2b: {  	s19 =	simm.s32 $0x1C80;
	s23 =	simm.s32 $0x1D80;
	[smem:$0x7EA] =	sst s22  }
0x2c: {  	s24 =	simm.s32 $0x1600;
	s26 =	simm.s32 $0x1E00;
	[smem:$0x7F4] =	sst s17  }
0x2d: {  	s20 =	sshrl.u32 s18, $0x1;
	s11 =	sadd.s32 $0x2400, s11;
	[smem:$0x7F6] =	sst s19  }
0x2e: {  	s17 =	simm.s32 $0x800;
	s19 =	simm.s32 $0x1800;
	[smem:$0x7FA] =	sst s23  }
0x2f: {  	s22 =	simm.s32 $0x1D00;
	[smem:$0x7FB] =	sst s24;
	s23 =	simm.s32 $0x1  }
0x30: {  	s24 =	simm.s32 $0x2;
	[smem:$0x7FD] =	sst s26;
	s26 =	simm.s32 $0x1E80  }
0x31: {  	s7 =	ssub.s32 s18, s20;
	s20 =	simm.s32 $0x1900;
	[smem:$0x7F9] =	sst s22  }
0x32: {  	s8 =	sadd.s32 s12, s9;
	s9 =	simm.s32 $0x1380;
	[smem:$0x7E7] =	sst s20  }
0x33: {  	s12 =	sadd.s32 s8, s5;
	s8 =	simm.s32 $0x1300;
	[smem:$0x7F0] =	sst s9  }
0x34: {  	s5 =	sadd.s32 s25, s1;
	s20 =	simm.s32 $0x1500;
	[smem:$0x7EF] =	sst s8  }
0x35: {  	s10 =	sadd.s32 s10, s13;
	s14 =	sadd.s32 $0x4000, s5;
	[smem:$0x7F7] =	sst s20  }
0x36: {  	s22 =	simm.s32 $0x6000;
	s16 =	sadd.s32 $0x8000, s5;
	[smem:$0x7E0] =	sst s14  }
0x37: {  	s10 =	sshll.u32 s10, $0x4;
	s18 =	sadd.s32 $0xC000, s5;
	[smem:$0x7E2] =	sst s16  }
0x38: {  	s13 =	smax.u32 s7, $0x1;
	s21 =	sadd.s32 $0x10000, s5;
	[smem:$0x7E4] =	sst s18  }
0x39: {  	s25 =	sadd.s32 s0, s10;
	s12 =	sadd.s32 $0xAC400, s12;
	[smem:$0x7E8] =	sst s21  }
0x3a: {  	s10 =	simm.s32 $0x1B00;
	s0 =	sadd.s32 s6, s0;
	[smem:$0x7EC] =	sst s25  }
0x3b: {  	s20 =	simm.s32 $0x3;
	s14 =	simm.s32 $0x1980;
	[smem:$0x7F1] =	sst s10  }
0x3c: {  	s16 =	simm.s32 $0x1400;
	s18 =	simm.s32 $0x1C00;
	[smem:$0x7E9] =	sst s14  }
0x3d: {  	s21 =	simm.s32 $0x1580;
	s25 =	simm.s32 $0x1680;
	[smem:$0x7F3] =	sst s16  }
0x3e: {  	s14 =	sadd.s32 s3, s0;
	s16 =	simm.s32 $0x5;
	[smem:$0x7F5] =	sst s18  }
0x3f: {  	s18 =	simm.s32 $0x1000;
	[smem:$0x7F8] =	sst s21;
	s21 =	simm.s32 $0x80  }
0x40: {  	v0 =	vimm.f32 $0.0e+00;
	[smem:$0x7FC] =	sst s25;
	s25 =	simm.s32 $0x4;
	s0 =	simm.s32 $0x0  }
.LBB2_1:
0x41: {  	s3 =	simm.s32 $0x0;
	s6 =	simm.s32 $0x200  }
.LBB2_2:
0x42: {  	p0 =	sne.s32 s6, $0xFE00;
	[tilespmem:s3+$0x2070] =	vst v0  }
0x43: {  	[tilespmem:s3+$0x2000] =	vst v0  }
0x44: {  	[tilespmem:s3+$0x2010] =	vst v0  }
.Ltmp0:
0x45: {  	[tilespmem:s3+$0x2020] =	vst v0;
	(pc) =	sbr.rel @p0 .LBB2_2-.Ltmp0, $4  }
0x46: {  	[tilespmem:s3+$0x2030] =	vst v0  }
0x47: {  	[tilespmem:s3+$0x2040] =	vst v0  }
0x48: {  	[tilespmem:s3+$0x2050] =	vst v0  }
0x49: {  	[tilespmem:s3+$0x2060] =	vst v0;
	s3 =	sshra.s32 s6, $0x2;
	s6 =	sadd.s32 $0x200, s6  }
0x4a: {  	[tilespmem:s3+$0x2070] =	vst v0  }
0x4b: {  	[tilespmem:s3+$0x2000] =	vst v0  }
0x4c: {  	[tilespmem:s3+$0x2010] =	vst v0  }
0x4d: {  	[tilespmem:s3+$0x2020] =	vst v0  }
0x4e: {  	[tilespmem:s3+$0x2030] =	vst v0  }
0x4f: {  	[tilespmem:s3+$0x2040] =	vst v0  }
0x50: {  	[tilespmem:s3+$0x2050] =	vst v0  }
0x51: {  	[tilespmem:s3+$0x2060] =	vst v0  }
0x52: {  	[spmem:s5] =	stream.linear.scatter [tilespmem:s15], [sflag:$0x5], $0x4000, $0x38;
	[tilespmem:$0x1E000] =	vst v63  }
0x53: {  	_ =	swait.ge [sflag:s16], $0x4000  }
0x54: {  	s9 =	sld [smem:$0x7E0]  }
0x55: {  	[sflag:s16] =	ssyncset.done $0x0  }
0x56: {  	[sflag:s16] =	ssyncadd.s32 $0xFFFFC000  }
0x57: {  	[spmem:s9] =	stream.linear.scatter [tilespmem:s15], [sflag:$0x5], $0x4000, $0x38;
	[tilespmem:$0x1E000] =	vst v63  }
0x58: {  	_ =	swait.ge [sflag:s16], $0x4000  }
0x59: {  	s10 =	sld [smem:$0x7E2]  }
0x5a: {  	[sflag:s16] =	ssyncset.done $0x0  }
0x5b: {  	[sflag:s16] =	ssyncadd.s32 $0xFFFFC000  }
0x5c: {  	[spmem:s10] =	stream.linear.scatter [tilespmem:s15], [sflag:$0x5], $0x4000, $0x38;
	[tilespmem:$0x1E000] =	vst v63  }
0x5d: {  	_ =	swait.ge [sflag:s16], $0x4000  }
0x5e: {  	s6 =	sld [smem:$0x7E4]  }
0x5f: {  	[sflag:s16] =	ssyncset.done $0x0  }
0x60: {  	[sflag:s16] =	ssyncadd.s32 $0xFFFFC000  }
0x61: {  	[spmem:s6] =	stream.linear.scatter [tilespmem:s15], [sflag:$0x5], $0x4000, $0x38;
	[tilespmem:$0x1E000] =	vst v63  }
0x62: {  	_ =	swait.ge [sflag:s16], $0x4000  }
0x63: {  	s7 =	sld [smem:$0x7E8]  }
0x64: {  	[sflag:s16] =	ssyncset.done $0x0  }
0x65: {  	[sflag:s16] =	ssyncadd.s32 $0xFFFFC000  }
0x66: {  	[spmem:s7] =	stream.linear.scatter [tilespmem:s15], [sflag:$0x5], $0x4000, $0x38;
	[tilespmem:$0x1E000] =	vst v63  }
0x67: {  	_ =	swait.ge [sflag:s16], $0x4000  }
0x68: {  	[sflag:s16] =	ssyncset.done $0x0  }
0x69: {  	[sflag:s16] =	ssyncadd.s32 $0xFFFFC000  }
0x6a: {  	[bflag:$0x0] =	sbarrier.arrive $0xFFFF  }
0x6b: {  	s6 =	sld [smem:$0x7EC];
	_ =	sdelay $0x1  }
0x6c: {  	s8 =	simm.s32 $0x0  }
0x6d: {  	[tilespmem:s8], [sflag:$0x3] =	stream.linear.gather [hbm4b:s6+s8], $0x800, $0x38;
	[tilespmem:$0x1E000] =	vst v63  }
0x6e: {  	s9 =	sadd.s32 $0x0, s14  }
0x6f: {  	[tilespmem:s17], [sflag:$0x3] =	stream.linear.gather [hbm4b:s11+s8], $0x800, $0x38;
	[tilespmem:$0x1E000] =	vst v63  }
0x70: {  	s3 =	sadd.s32 $0x100, s9;
	s10 =	sadd.s32 $0x0, s11  }
0x71: {  	[tilespmem:s18], [sflag:$0x4] =	stream.linear.gather [hbm4b:s3+s2], $0x800, $0x38;
	[tilespmem:$0x1E000] =	vst v63  }
0x72: {  	s7 =	sadd.s32 $0x100, s10  }
0x73: {  	[tilespmem:s19], [sflag:$0x4] =	stream.linear.gather [hbm4b:s7+s2], $0x800, $0x38;
	[tilespmem:$0x1E000] =	vst v63  }
0x74: {  	_ =	swait.ge [sflag:s20], $0x800  }
0x75: {  	[sflag:s20] =	ssyncset.done $0x0  }
0x76: {  	[sflag:s20] =	ssyncadd.s32 $0xFFFFF800  }
0x77: {  	_ =	swait.ge [sflag:s20], $0x800  }
0x78: {  	[sflag:s20] =	ssyncset.done $0x0  }
0x79: {  	[sflag:s20] =	ssyncadd.s32 $0xFFFFF800  }
0x7a: {  	[tilespmem:s15], [sflag:$0x1] =	stream.indirect.gather [hbm4b:s4+s21], $0x80, s2, s21, $0xb8;
	[tilespmem:$0x1E000] =	vst v63  }
0x7b: {  	_ = 	snop  }
0x7c: {  	[tilespmem:s22], [sflag:$0x2] =	stream.indirect.gather [hbm4b:s4+s21], $0x80, s21, s21, $0xb8;
	[tilespmem:$0x1E000] =	vst v63  }
0x7d: {  	_ =	swait.ge [sflag:s23], $0x4000  }
0x7e: {  	[sflag:s23] =	ssyncset.done $0x0  }
0x7f: {  	[sflag:s23] =	ssyncadd.s32 $0xFFFFC000  }
0x80: {  	[spmem:s1] =	stream.indirect.scatter.add.f32 [tilespmem:s15], [sflag:$0x5], $0x80, s17, s21, $0xb8;
	[tilespmem:$0x1E000] =	vst v63  }
0x81: {  	_ =	swait.ge [sflag:s16], $0x4000  }
0x82: {  	[sflag:s16] =	ssyncset.done $0x0  }
0x83: {  	[sflag:s16] =	ssyncadd.s32 $0xFFFFC000  }
0x84: {  	_ =	swait.ge [sflag:s24], $0x4000  }
0x85: {  	[sflag:s24] =	ssyncset.done $0x0  }
0x86: {  	s8 =	rddreg [dreg:$0x4];
	[sflag:s24] =	ssyncadd.s32 $0xFFFFC000  }
0x87: {  	[spmem:s1] =	stream.indirect.scatter.add.f32 [tilespmem:s22], [sflag:$0x5], $0x80, s8, s21, $0xb8;
	[tilespmem:$0x1E000] =	vst v63  }
0x88: {  	_ =	swait.ge [sflag:s16], $0x4000  }
0x89: {  	[sflag:s16] =	ssyncset.done $0x0  }
0x8a: {  	s9 =	rddreg [dreg:$0x5];
	[sflag:s16] =	ssyncadd.s32 $0xFFFFC000  }
0x8b: {  	[tilespmem:s15], [sflag:$0x1] =	stream.indirect.gather [hbm4b:s4+s21], $0x80, s9, s21, $0xb8;
	[tilespmem:$0x1E000] =	vst v63  }
0x8c: {  	s10 =	rddreg [dreg:$0x6]  }
0x8d: {  	[tilespmem:s22], [sflag:$0x2] =	stream.indirect.gather [hbm4b:s4+s21], $0x80, s10, s21, $0xb8;
	[tilespmem:$0x1E000] =	vst v63  }
0x8e: {  	_ =	swait.ge [sflag:s23], $0x4000  }
0x8f: {  	[sflag:s23] =	ssyncset.done $0x0  }
0x90: {  	s7 =	rddreg [dreg:$0x7];
	[sflag:s23] =	ssyncadd.s32 $0xFFFFC000  }
0x91: {  	[spmem:s1] =	stream.indirect.scatter.add.f32 [tilespmem:s15], [sflag:$0x5], $0x80, s7, s21, $0xb8;
	[tilespmem:$0x1E000] =	vst v63  }
0x92: {  	_ =	swait.ge [sflag:s16], $0x4000  }
0x93: {  	[sflag:s16] =	ssyncset.done $0x0  }
0x94: {  	[sflag:s16] =	ssyncadd.s32 $0xFFFFC000  }
0x95: {  	_ =	swait.ge [sflag:s24], $0x4000  }
0x96: {  	[sflag:s24] =	ssyncset.done $0x0  }
0x97: {  	s8 =	rddreg [dreg:$0x8];
	[sflag:s24] =	ssyncadd.s32 $0xFFFFC000  }
0x98: {  	[spmem:s1] =	stream.indirect.scatter.add.f32 [tilespmem:s22], [sflag:$0x5], $0x80, s8, s21, $0xb8;
	[tilespmem:$0x1E000] =	vst v63  }
0x99: {  	_ =	swait.ge [sflag:s16], $0x4000  }
0x9a: {  	[sflag:s16] =	ssyncset.done $0x0  }
0x9b: {  	s9 =	rddreg [dreg:$0x9];
	[sflag:s16] =	ssyncadd.s32 $0xFFFFC000  }
0x9c: {  	[tilespmem:s15], [sflag:$0x1] =	stream.indirect.gather [hbm4b:s4+s21], $0x80, s9, s21, $0xb8;
	[tilespmem:$0x1E000] =	vst v63  }
0x9d: {  	s10 =	rddreg [dreg:$0xa]  }
0x9e: {  	[tilespmem:s22], [sflag:$0x2] =	stream.indirect.gather [hbm4b:s4+s21], $0x80, s10, s21, $0xb8;
	[tilespmem:$0x1E000] =	vst v63  }
0x9f: {  	_ =	swait.ge [sflag:s23], $0x4000  }
0xa0: {  	[sflag:s23] =	ssyncset.done $0x0  }
0xa1: {  	s7 =	rddreg [dreg:$0xb];
	[sflag:s23] =	ssyncadd.s32 $0xFFFFC000  }
0xa2: {  	[spmem:s1] =	stream.indirect.scatter.add.f32 [tilespmem:s15], [sflag:$0x5], $0x80, s7, s21, $0xb8;
	[tilespmem:$0x1E000] =	vst v63  }
0xa3: {  	_ =	swait.ge [sflag:s16], $0x4000  }
0xa4: {  	[sflag:s16] =	ssyncset.done $0x0  }
0xa5: {  	[sflag:s16] =	ssyncadd.s32 $0xFFFFC000  }
0xa6: {  	_ =	swait.ge [sflag:s24], $0x4000  }
0xa7: {  	[sflag:s24] =	ssyncset.done $0x0  }
0xa8: {  	s8 =	rddreg [dreg:$0xc];
	[sflag:s24] =	ssyncadd.s32 $0xFFFFC000  }
0xa9: {  	[spmem:s1] =	stream.indirect.scatter.add.f32 [tilespmem:s22], [sflag:$0x5], $0x80, s8, s21, $0xb8;
	[tilespmem:$0x1E000] =	vst v63  }
0xaa: {  	_ =	swait.ge [sflag:s16], $0x4000  }
0xab: {  	[sflag:s16] =	ssyncset.done $0x0  }
0xac: {  	s9 =	rddreg [dreg:$0xd];
	[sflag:s16] =	ssyncadd.s32 $0xFFFFC000  }
0xad: {  	[tilespmem:s15], [sflag:$0x1] =	stream.indirect.gather [hbm4b:s4+s21], $0x80, s9, s21, $0xb8;
	[tilespmem:$0x1E000] =	vst v63  }
0xae: {  	s10 =	rddreg [dreg:$0xe]  }
0xaf: {  	[tilespmem:s22], [sflag:$0x2] =	stream.indirect.gather [hbm4b:s4+s21], $0x80, s10, s21, $0xb8;
	[tilespmem:$0x1E000] =	vst v63  }
0xb0: {  	_ =	swait.ge [sflag:s23], $0x4000  }
0xb1: {  	[sflag:s23] =	ssyncset.done $0x0  }
0xb2: {  	s7 =	rddreg [dreg:$0xf];
	[sflag:s23] =	ssyncadd.s32 $0xFFFFC000  }
0xb3: {  	[spmem:s1] =	stream.indirect.scatter.add.f32 [tilespmem:s15], [sflag:$0x5], $0x80, s7, s21, $0xb8;
	[tilespmem:$0x1E000] =	vst v63  }
0xb4: {  	_ =	swait.ge [sflag:s16], $0x4000  }
0xb5: {  	[sflag:s16] =	ssyncset.done $0x0  }
0xb6: {  	[sflag:s16] =	ssyncadd.s32 $0xFFFFC000  }
0xb7: {  	_ =	swait.ge [sflag:s24], $0x4000  }
0xb8: {  	[sflag:s24] =	ssyncset.done $0x0  }
0xb9: {  	s8 =	rddreg [dreg:$0x10];
	[sflag:s24] =	ssyncadd.s32 $0xFFFFC000  }
0xba: {  	[spmem:s1] =	stream.indirect.scatter.add.f32 [tilespmem:s22], [sflag:$0x5], $0x80, s8, s21, $0xb8;
	[tilespmem:$0x1E000] =	vst v63  }
0xbb: {  	_ =	swait.ge [sflag:s16], $0x4000  }
0xbc: {  	[sflag:s16] =	ssyncset.done $0x0  }
0xbd: {  	s9 =	rddreg [dreg:$0x11];
	[sflag:s16] =	ssyncadd.s32 $0xFFFFC000  }
0xbe: {  	[tilespmem:s15], [sflag:$0x1] =	stream.indirect.gather [hbm4b:s4+s21], $0x80, s9, s21, $0xb8;
	[tilespmem:$0x1E000] =	vst v63  }
0xbf: {  	s10 =	rddreg [dreg:$0x12]  }
0xc0: {  	[tilespmem:s22], [sflag:$0x2] =	stream.indirect.gather [hbm4b:s4+s21], $0x80, s10, s21, $0xb8;
	[tilespmem:$0x1E000] =	vst v63  }
0xc1: {  	_ =	swait.ge [sflag:s23], $0x4000  }
0xc2: {  	[sflag:s23] =	ssyncset.done $0x0  }
0xc3: {  	s7 =	rddreg [dreg:$0x13];
	[sflag:s23] =	ssyncadd.s32 $0xFFFFC000  }
0xc4: {  	[spmem:s1] =	stream.indirect.scatter.add.f32 [tilespmem:s15], [sflag:$0x5], $0x80, s7, s21, $0xb8;
	[tilespmem:$0x1E000] =	vst v63  }
0xc5: {  	_ =	swait.ge [sflag:s16], $0x4000  }
0xc6: {  	[sflag:s16] =	ssyncset.done $0x0  }
0xc7: {  	[sflag:s16] =	ssyncadd.s32 $0xFFFFC000  }
0xc8: {  	_ =	swait.ge [sflag:s24], $0x4000  }
0xc9: {  	[sflag:s24] =	ssyncset.done $0x0  }
0xca: {  	s8 =	rddreg [dreg:$0x14];
	[sflag:s24] =	ssyncadd.s32 $0xFFFFC000  }
0xcb: {  	[spmem:s1] =	stream.indirect.scatter.add.f32 [tilespmem:s22], [sflag:$0x5], $0x80, s8, s21, $0xb8;
	[tilespmem:$0x1E000] =	vst v63  }
0xcc: {  	_ =	swait.ge [sflag:s16], $0x4000  }
0xcd: {  	[sflag:s16] =	ssyncset.done $0x0  }
0xce: {  	s9 =	rddreg [dreg:$0x15];
	[sflag:s16] =	ssyncadd.s32 $0xFFFFC000  }
0xcf: {  	[tilespmem:s15], [sflag:$0x1] =	stream.indirect.gather [hbm4b:s4+s21], $0x80, s9, s21, $0xb8;
	[tilespmem:$0x1E000] =	vst v63  }
0xd0: {  	s10 =	rddreg [dreg:$0x16]  }
0xd1: {  	[tilespmem:s22], [sflag:$0x2] =	stream.indirect.gather [hbm4b:s4+s21], $0x80, s10, s21, $0xb8;
	[tilespmem:$0x1E000] =	vst v63  }
0xd2: {  	_ =	swait.ge [sflag:s23], $0x4000  }
0xd3: {  	[sflag:s23] =	ssyncset.done $0x0  }
0xd4: {  	s7 =	rddreg [dreg:$0x17];
	[sflag:s23] =	ssyncadd.s32 $0xFFFFC000  }
0xd5: {  	[spmem:s1] =	stream.indirect.scatter.add.f32 [tilespmem:s15], [sflag:$0x5], $0x80, s7, s21, $0xb8;
	[tilespmem:$0x1E000] =	vst v63  }
0xd6: {  	_ =	swait.ge [sflag:s16], $0x4000  }
0xd7: {  	[sflag:s16] =	ssyncset.done $0x0  }
0xd8: {  	[sflag:s16] =	ssyncadd.s32 $0xFFFFC000  }
0xd9: {  	_ =	swait.ge [sflag:s24], $0x4000  }
0xda: {  	[sflag:s24] =	ssyncset.done $0x0  }
0xdb: {  	s8 =	rddreg [dreg:$0x18];
	[sflag:s24] =	ssyncadd.s32 $0xFFFFC000  }
0xdc: {  	[spmem:s1] =	stream.indirect.scatter.add.f32 [tilespmem:s22], [sflag:$0x5], $0x80, s8, s21, $0xb8;
	[tilespmem:$0x1E000] =	vst v63  }
0xdd: {  	_ =	swait.ge [sflag:s16], $0x4000  }
0xde: {  	[sflag:s16] =	ssyncset.done $0x0  }
0xdf: {  	s9 =	rddreg [dreg:$0x19];
	[sflag:s16] =	ssyncadd.s32 $0xFFFFC000  }
0xe0: {  	[tilespmem:s15], [sflag:$0x1] =	stream.indirect.gather [hbm4b:s4+s21], $0x80, s9, s21, $0xb8;
	[tilespmem:$0x1E000] =	vst v63  }
0xe1: {  	s10 =	rddreg [dreg:$0x1a]  }
0xe2: {  	[tilespmem:s22], [sflag:$0x2] =	stream.indirect.gather [hbm4b:s4+s21], $0x80, s10, s21, $0xb8;
	[tilespmem:$0x1E000] =	vst v63  }
0xe3: {  	_ =	swait.ge [sflag:s23], $0x4000  }
0xe4: {  	[sflag:s23] =	ssyncset.done $0x0  }
0xe5: {  	s6 =	rddreg [dreg:$0x1b];
	[sflag:s23] =	ssyncadd.s32 $0xFFFFC000  }
0xe6: {  	[spmem:s1] =	stream.indirect.scatter.add.f32 [tilespmem:s15], [sflag:$0x5], $0x80, s6, s21, $0xb8;
	[tilespmem:$0x1E000] =	vst v63  }
0xe7: {  	_ =	swait.ge [sflag:s16], $0x4000  }
0xe8: {  	[sflag:s16] =	ssyncset.done $0x0  }
0xe9: {  	[sflag:s16] =	ssyncadd.s32 $0xFFFFC000  }
0xea: {  	_ =	swait.ge [sflag:s24], $0x4000  }
0xeb: {  	[sflag:s24] =	ssyncset.done $0x0  }
0xec: {  	s7 =	rddreg [dreg:$0x1c];
	[sflag:s24] =	ssyncadd.s32 $0xFFFFC000  }
0xed: {  	[spmem:s1] =	stream.indirect.scatter.add.f32 [tilespmem:s22], [sflag:$0x5], $0x80, s7, s21, $0xb8;
	[tilespmem:$0x1E000] =	vst v63  }
0xee: {  	_ =	swait.ge [sflag:s16], $0x4000  }
0xef: {  	[sflag:s16] =	ssyncset.done $0x0  }
0xf0: {  	s8 =	rddreg [dreg:$0x1d];
	[sflag:s16] =	ssyncadd.s32 $0xFFFFC000  }
0xf1: {  	[tilespmem:s15], [sflag:$0x1] =	stream.indirect.gather [hbm4b:s4+s21], $0x80, s8, s21, $0xb8;
	[tilespmem:$0x1E000] =	vst v63  }
0xf2: {  	s9 =	rddreg [dreg:$0x1e]  }
0xf3: {  	[tilespmem:s22], [sflag:$0x2] =	stream.indirect.gather [hbm4b:s4+s21], $0x80, s9, s21, $0xb8;
	[tilespmem:$0x1E000] =	vst v63  }
0xf4: {  	_ =	swait.ge [sflag:s23], $0x4000  }
0xf5: {  	[sflag:s23] =	ssyncset.done $0x0  }
0xf6: {  	s10 =	rddreg [dreg:$0x1f];
	[sflag:s23] =	ssyncadd.s32 $0xFFFFC000  }
0xf7: {  	[spmem:s1] =	stream.indirect.scatter.add.f32 [tilespmem:s15], [sflag:$0x5], $0x80, s10, s21, $0xb8;
	[tilespmem:$0x1E000] =	vst v63  }
0xf8: {  	_ =	swait.ge [sflag:s16], $0x4000  }
0xf9: {  	[sflag:s16] =	ssyncset.done $0x0  }
0xfa: {  	[sflag:s16] =	ssyncadd.s32 $0xFFFFC000  }
0xfb: {  	_ =	swait.ge [sflag:s24], $0x4000  }
0xfc: {  	s6 =	sld [smem:$0x7DF]  }
0xfd: {  	[sflag:s24] =	ssyncset.done $0x0  }
0xfe: {  	p0 =	por $0x0, $0x0;
	[sflag:s24] =	ssyncadd.s32 $0xFFFFC000  }
0xff: {  	[spmem:s1] =	stream.indirect.scatter.add.f32 [tilespmem:s22], [sflag:$0x5], $0x80, s6, s21, $0xb8;
	[tilespmem:$0x1E000] =	vst v63  }
0x100: {  	s3 =	sadd.s32 @!p0 $0x0, s14;
	_ =	swait.ge [sflag:s16], $0x4000  }
0x101: {  	s3 =	sadd.s32 @!p0 $0x200, s3;
	[sflag:s16] =	ssyncset.done $0x0  }
0x102: {  	s7 =	simm.s32 @!p0 $0x0;
	s6 =	sadd.s32 @!p0 $0x0, s11;
	[sflag:s16] =	ssyncadd.s32 $0xFFFFC000  }
0x103: {  	[tilespmem:s7], [sflag:$0x3] =	stream.linear.gather @!p0 [hbm4b:s3+s7], $0x800, $0x38;
	[tilespmem:$0x1E000] =	vst v63  }
0x104: {  	s3 =	sadd.s32 @!p0 $0x200, s6;
	s6 =	simm.s32 @!p0 $0x800  }
0x105: {  	[tilespmem:s6], [sflag:$0x3] =	stream.linear.gather @!p0 [hbm4b:s3+s7], $0x800, $0x38;
	[tilespmem:$0x1E000] =	vst v63  }
0x106: {  	_ =	swait.ge [sflag:s25], $0x800  }
0x107: {  	[sflag:s25] =	ssyncset.done $0x0  }
0x108: {  	[sflag:s25] =	ssyncadd.s32 $0xFFFFF800  }
0x109: {  	_ =	swait.ge [sflag:s25], $0x800  }
0x10a: {  	[sflag:s25] =	ssyncset.done $0x0  }
0x10b: {  	s7 =	sld [smem:$0x7E1];
	[sflag:s25] =	ssyncadd.s32 $0xFFFFF800  }
0x10c: {  	[tilespmem:s15], [sflag:$0x1] =	stream.indirect.gather [hbm4b:s4+s21], $0x80, s18, s21, $0xb8;
	[tilespmem:$0x1E000] =	vst v63  }
0x10d: {  	_ = 	snop  }
0x10e: {  	[tilespmem:s22], [sflag:$0x2] =	stream.indirect.gather [hbm4b:s4+s21], $0x80, s7, s21, $0xb8;
	[tilespmem:$0x1E000] =	vst v63  }
0x10f: {  	_ =	swait.ge [sflag:s23], $0x4000  }
0x110: {  	[sflag:s23] =	ssyncset.done $0x0  }
0x111: {  	[sflag:s23] =	ssyncadd.s32 $0xFFFFC000  }
0x112: {  	[spmem:s1] =	stream.indirect.scatter.add.f32 [tilespmem:s15], [sflag:$0x5], $0x80, s19, s21, $0xb8;
	[tilespmem:$0x1E000] =	vst v63  }
0x113: {  	_ =	swait.ge [sflag:s16], $0x4000  }
0x114: {  	[sflag:s16] =	ssyncset.done $0x0  }
0x115: {  	[sflag:s16] =	ssyncadd.s32 $0xFFFFC000  }
0x116: {  	_ =	swait.ge [sflag:s24], $0x4000  }
0x117: {  	s8 =	sld [smem:$0x7E3]  }
0x118: {  	[sflag:s24] =	ssyncset.done $0x0  }
0x119: {  	[sflag:s24] =	ssyncadd.s32 $0xFFFFC000  }
0x11a: {  	[spmem:s1] =	stream.indirect.scatter.add.f32 [tilespmem:s22], [sflag:$0x5], $0x80, s8, s21, $0xb8;
	[tilespmem:$0x1E000] =	vst v63  }
0x11b: {  	_ =	swait.ge [sflag:s16], $0x4000  }
0x11c: {  	s9 =	sld [smem:$0x7E5]  }
0x11d: {  	[sflag:s16] =	ssyncset.done $0x0  }
0x11e: {  	s10 =	sld [smem:$0x7E6];
	[sflag:s16] =	ssyncadd.s32 $0xFFFFC000  }
0x11f: {  	[tilespmem:s15], [sflag:$0x1] =	stream.indirect.gather [hbm4b:s4+s21], $0x80, s9, s21, $0xb8;
	[tilespmem:$0x1E000] =	vst v63  }
0x120: {  	_ = 	snop  }
0x121: {  	[tilespmem:s22], [sflag:$0x2] =	stream.indirect.gather [hbm4b:s4+s21], $0x80, s10, s21, $0xb8;
	[tilespmem:$0x1E000] =	vst v63  }
0x122: {  	_ =	swait.ge [sflag:s23], $0x4000  }
0x123: {  	s7 =	sld [smem:$0x7E7]  }
0x124: {  	[sflag:s23] =	ssyncset.done $0x0  }
0x125: {  	[sflag:s23] =	ssyncadd.s32 $0xFFFFC000  }
0x126: {  	[spmem:s1] =	stream.indirect.scatter.add.f32 [tilespmem:s15], [sflag:$0x5], $0x80, s7, s21, $0xb8;
	[tilespmem:$0x1E000] =	vst v63  }
0x127: {  	_ =	swait.ge [sflag:s16], $0x4000  }
0x128: {  	[sflag:s16] =	ssyncset.done $0x0  }
0x129: {  	[sflag:s16] =	ssyncadd.s32 $0xFFFFC000  }
0x12a: {  	_ =	swait.ge [sflag:s24], $0x4000  }
0x12b: {  	s8 =	sld [smem:$0x7E9]  }
0x12c: {  	[sflag:s24] =	ssyncset.done $0x0  }
0x12d: {  	[sflag:s24] =	ssyncadd.s32 $0xFFFFC000  }
0x12e: {  	[spmem:s1] =	stream.indirect.scatter.add.f32 [tilespmem:s22], [sflag:$0x5], $0x80, s8, s21, $0xb8;
	[tilespmem:$0x1E000] =	vst v63  }
0x12f: {  	_ =	swait.ge [sflag:s16], $0x4000  }
0x130: {  	s9 =	sld [smem:$0x7EA]  }
0x131: {  	[sflag:s16] =	ssyncset.done $0x0  }
0x132: {  	s10 =	sld [smem:$0x7EB];
	[sflag:s16] =	ssyncadd.s32 $0xFFFFC000  }
0x133: {  	[tilespmem:s15], [sflag:$0x1] =	stream.indirect.gather [hbm4b:s4+s21], $0x80, s9, s21, $0xb8;
	[tilespmem:$0x1E000] =	vst v63  }
0x134: {  	_ = 	snop  }
0x135: {  	[tilespmem:s22], [sflag:$0x2] =	stream.indirect.gather [hbm4b:s4+s21], $0x80, s10, s21, $0xb8;
	[tilespmem:$0x1E000] =	vst v63  }
0x136: {  	_ =	swait.ge [sflag:s23], $0x4000  }
0x137: {  	s7 =	sld [smem:$0x7ED]  }
0x138: {  	[sflag:s23] =	ssyncset.done $0x0  }
0x139: {  	[sflag:s23] =	ssyncadd.s32 $0xFFFFC000  }
0x13a: {  	[spmem:s1] =	stream.indirect.scatter.add.f32 [tilespmem:s15], [sflag:$0x5], $0x80, s7, s21, $0xb8;
	[tilespmem:$0x1E000] =	vst v63  }
0x13b: {  	_ =	swait.ge [sflag:s16], $0x4000  }
0x13c: {  	[sflag:s16] =	ssyncset.done $0x0  }
0x13d: {  	[sflag:s16] =	ssyncadd.s32 $0xFFFFC000  }
0x13e: {  	_ =	swait.ge [sflag:s24], $0x4000  }
0x13f: {  	s8 =	sld [smem:$0x7EE]  }
0x140: {  	[sflag:s24] =	ssyncset.done $0x0  }
0x141: {  	[sflag:s24] =	ssyncadd.s32 $0xFFFFC000  }
0x142: {  	[spmem:s1] =	stream.indirect.scatter.add.f32 [tilespmem:s22], [sflag:$0x5], $0x80, s8, s21, $0xb8;
	[tilespmem:$0x1E000] =	vst v63  }
0x143: {  	_ =	swait.ge [sflag:s16], $0x4000  }
0x144: {  	s9 =	sld [smem:$0x7EF]  }
0x145: {  	[sflag:s16] =	ssyncset.done $0x0  }
0x146: {  	s10 =	sld [smem:$0x7F0];
	[sflag:s16] =	ssyncadd.s32 $0xFFFFC000  }
0x147: {  	[tilespmem:s15], [sflag:$0x1] =	stream.indirect.gather [hbm4b:s4+s21], $0x80, s9, s21, $0xb8;
	[tilespmem:$0x1E000] =	vst v63  }
0x148: {  	_ = 	snop  }
0x149: {  	[tilespmem:s22], [sflag:$0x2] =	stream.indirect.gather [hbm4b:s4+s21], $0x80, s10, s21, $0xb8;
	[tilespmem:$0x1E000] =	vst v63  }
0x14a: {  	_ =	swait.ge [sflag:s23], $0x4000  }
0x14b: {  	s7 =	sld [smem:$0x7F1]  }
0x14c: {  	[sflag:s23] =	ssyncset.done $0x0  }
0x14d: {  	[sflag:s23] =	ssyncadd.s32 $0xFFFFC000  }
0x14e: {  	[spmem:s1] =	stream.indirect.scatter.add.f32 [tilespmem:s15], [sflag:$0x5], $0x80, s7, s21, $0xb8;
	[tilespmem:$0x1E000] =	vst v63  }
0x14f: {  	_ =	swait.ge [sflag:s16], $0x4000  }
0x150: {  	[sflag:s16] =	ssyncset.done $0x0  }
0x151: {  	[sflag:s16] =	ssyncadd.s32 $0xFFFFC000  }
0x152: {  	_ =	swait.ge [sflag:s24], $0x4000  }
0x153: {  	s8 =	sld [smem:$0x7F2]  }
0x154: {  	[sflag:s24] =	ssyncset.done $0x0  }
0x155: {  	[sflag:s24] =	ssyncadd.s32 $0xFFFFC000  }
0x156: {  	[spmem:s1] =	stream.indirect.scatter.add.f32 [tilespmem:s22], [sflag:$0x5], $0x80, s8, s21, $0xb8;
	[tilespmem:$0x1E000] =	vst v63  }
0x157: {  	_ =	swait.ge [sflag:s16], $0x4000  }
0x158: {  	s9 =	sld [smem:$0x7F3]  }
0x159: {  	[sflag:s16] =	ssyncset.done $0x0  }
0x15a: {  	s10 =	sld [smem:$0x7F4];
	[sflag:s16] =	ssyncadd.s32 $0xFFFFC000  }
0x15b: {  	[tilespmem:s15], [sflag:$0x1] =	stream.indirect.gather [hbm4b:s4+s21], $0x80, s9, s21, $0xb8;
	[tilespmem:$0x1E000] =	vst v63  }
0x15c: {  	_ = 	snop  }
0x15d: {  	[tilespmem:s22], [sflag:$0x2] =	stream.indirect.gather [hbm4b:s4+s21], $0x80, s10, s21, $0xb8;
	[tilespmem:$0x1E000] =	vst v63  }
0x15e: {  	_ =	swait.ge [sflag:s23], $0x4000  }
0x15f: {  	s7 =	sld [smem:$0x7F5]  }
0x160: {  	[sflag:s23] =	ssyncset.done $0x0  }
0x161: {  	[sflag:s23] =	ssyncadd.s32 $0xFFFFC000  }
0x162: {  	[spmem:s1] =	stream.indirect.scatter.add.f32 [tilespmem:s15], [sflag:$0x5], $0x80, s7, s21, $0xb8;
	[tilespmem:$0x1E000] =	vst v63  }
0x163: {  	_ =	swait.ge [sflag:s16], $0x4000  }
0x164: {  	[sflag:s16] =	ssyncset.done $0x0  }
0x165: {  	[sflag:s16] =	ssyncadd.s32 $0xFFFFC000  }
0x166: {  	_ =	swait.ge [sflag:s24], $0x4000  }
0x167: {  	s8 =	sld [smem:$0x7F6]  }
0x168: {  	[sflag:s24] =	ssyncset.done $0x0  }
0x169: {  	[sflag:s24] =	ssyncadd.s32 $0xFFFFC000  }
0x16a: {  	[spmem:s1] =	stream.indirect.scatter.add.f32 [tilespmem:s22], [sflag:$0x5], $0x80, s8, s21, $0xb8;
	[tilespmem:$0x1E000] =	vst v63  }
0x16b: {  	_ =	swait.ge [sflag:s16], $0x4000  }
0x16c: {  	s9 =	sld [smem:$0x7F7]  }
0x16d: {  	[sflag:s16] =	ssyncset.done $0x0  }
0x16e: {  	s10 =	sld [smem:$0x7F8];
	[sflag:s16] =	ssyncadd.s32 $0xFFFFC000  }
0x16f: {  	[tilespmem:s15], [sflag:$0x1] =	stream.indirect.gather [hbm4b:s4+s21], $0x80, s9, s21, $0xb8;
	[tilespmem:$0x1E000] =	vst v63  }
0x170: {  	_ = 	snop  }
0x171: {  	[tilespmem:s22], [sflag:$0x2] =	stream.indirect.gather [hbm4b:s4+s21], $0x80, s10, s21, $0xb8;
	[tilespmem:$0x1E000] =	vst v63  }
0x172: {  	_ =	swait.ge [sflag:s23], $0x4000  }
0x173: {  	s6 =	sld [smem:$0x7F9]  }
0x174: {  	[sflag:s23] =	ssyncset.done $0x0  }
0x175: {  	[sflag:s23] =	ssyncadd.s32 $0xFFFFC000  }
0x176: {  	[spmem:s1] =	stream.indirect.scatter.add.f32 [tilespmem:s15], [sflag:$0x5], $0x80, s6, s21, $0xb8;
	[tilespmem:$0x1E000] =	vst v63  }
0x177: {  	_ =	swait.ge [sflag:s16], $0x4000  }
0x178: {  	[sflag:s16] =	ssyncset.done $0x0  }
0x179: {  	[sflag:s16] =	ssyncadd.s32 $0xFFFFC000  }
0x17a: {  	_ =	swait.ge [sflag:s24], $0x4000  }
0x17b: {  	s7 =	sld [smem:$0x7FA]  }
0x17c: {  	[sflag:s24] =	ssyncset.done $0x0  }
0x17d: {  	[sflag:s24] =	ssyncadd.s32 $0xFFFFC000  }
0x17e: {  	[spmem:s1] =	stream.indirect.scatter.add.f32 [tilespmem:s22], [sflag:$0x5], $0x80, s7, s21, $0xb8;
	[tilespmem:$0x1E000] =	vst v63  }
0x17f: {  	_ =	swait.ge [sflag:s16], $0x4000  }
0x180: {  	s8 =	sld [smem:$0x7FB]  }
0x181: {  	[sflag:s16] =	ssyncset.done $0x0  }
0x182: {  	s9 =	sld [smem:$0x7FC];
	[sflag:s16] =	ssyncadd.s32 $0xFFFFC000  }
0x183: {  	[tilespmem:s15], [sflag:$0x1] =	stream.indirect.gather [hbm4b:s4+s21], $0x80, s8, s21, $0xb8;
	[tilespmem:$0x1E000] =	vst v63  }
0x184: {  	_ = 	snop  }
0x185: {  	[tilespmem:s22], [sflag:$0x2] =	stream.indirect.gather [hbm4b:s4+s21], $0x80, s9, s21, $0xb8;
	[tilespmem:$0x1E000] =	vst v63  }
0x186: {  	_ =	swait.ge [sflag:s23], $0x4000  }
0x187: {  	s10 =	sld [smem:$0x7FD]  }
0x188: {  	[sflag:s23] =	ssyncset.done $0x0  }
0x189: {  	[sflag:s23] =	ssyncadd.s32 $0xFFFFC000  }
0x18a: {  	[spmem:s1] =	stream.indirect.scatter.add.f32 [tilespmem:s15], [sflag:$0x5], $0x80, s10, s21, $0xb8;
	[tilespmem:$0x1E000] =	vst v63  }
0x18b: {  	_ =	swait.ge [sflag:s16], $0x4000  }
0x18c: {  	[sflag:s16] =	ssyncset.done $0x0  }
0x18d: {  	[sflag:s16] =	ssyncadd.s32 $0xFFFFC000  }
0x18e: {  	_ =	swait.ge [sflag:s24], $0x4000  }
0x18f: {  	[sflag:s24] =	ssyncset.done $0x0  }
0x190: {  	[sflag:s24] =	ssyncadd.s32 $0xFFFFC000  }
0x191: {  	[spmem:s1] =	stream.indirect.scatter.add.f32 [tilespmem:s22], [sflag:$0x5], $0x80, s26, s21, $0xb8;
	[tilespmem:$0x1E000] =	vst v63  }
0x192: {  	_ =	swait.ge [sflag:s16], $0x4000  }
0x193: {  	[sflag:s16] =	ssyncset.done $0x0  }
0x194: {  	[sflag:s16] =	ssyncadd.s32 $0xFFFFC000  }
0x195: {  	[tilespmem:s15], [sflag:$0x1] =	stream.indirect.gather [hbm4b:s4+s21], $0x80, s28, s21, $0xb8;
	[tilespmem:$0x1E000] =	vst v63  }
0x196: {  	_ = 	snop  }
0x197: {  	[tilespmem:s22], [sflag:$0x2] =	stream.indirect.gather [hbm4b:s4+s21], $0x80, s29, s21, $0xb8;
	[tilespmem:$0x1E000] =	vst v63  }
0x198: {  	_ =	swait.ge [sflag:s23], $0x4000  }
0x199: {  	[sflag:s23] =	ssyncset.done $0x0  }
0x19a: {  	[sflag:s23] =	ssyncadd.s32 $0xFFFFC000  }
0x19b: {  	[spmem:s1] =	stream.indirect.scatter.add.f32 [tilespmem:s15], [sflag:$0x5], $0x80, s30, s21, $0xb8;
	[tilespmem:$0x1E000] =	vst v63  }
0x19c: {  	_ =	swait.ge [sflag:s16], $0x4000  }
0x19d: {  	[sflag:s16] =	ssyncset.done $0x0  }
0x19e: {  	[sflag:s16] =	ssyncadd.s32 $0xFFFFC000  }
0x19f: {  	_ =	swait.ge [sflag:s24], $0x4000  }
0x1a0: {  	[sflag:s24] =	ssyncset.done $0x0  }
0x1a1: {  	[sflag:s24] =	ssyncadd.s32 $0xFFFFC000  }
0x1a2: {  	[spmem:s1] =	stream.indirect.scatter.add.f32 [tilespmem:s22], [sflag:$0x5], $0x80, s31, s21, $0xb8;
	[tilespmem:$0x1E000] =	vst v63  }
0x1a3: {  	s3 =	simm.s32 $0x200;
	_ =	swait.ge [sflag:s16], $0x4000  }
0x1a4: {  	s6 =	simm.s32 $0x400;
	s7 =	sadd.s32 $0x200, s14;
	[sflag:s16] =	ssyncset.done $0x0  }
.LBB2_4:
0x1a5: {  	s7 =	sadd.s32 $0x100, s7;
	s8 =	sadd.s32 s3, s11;
	[sflag:s16] =	ssyncadd.s32 $0xFFFFC000  }
0x1a6: {  	[tilespmem:s18], [sflag:$0x4] =	stream.linear.gather [hbm4b:s7+s2], $0x800, $0x38;
	[tilespmem:$0x1E000] =	vst v63  }
0x1a7: {  	s8 =	sadd.s32 $0x100, s8  }
0x1a8: {  	[tilespmem:s19], [sflag:$0x4] =	stream.linear.gather [hbm4b:s8+s2], $0x800, $0x38;
	[tilespmem:$0x1E000] =	vst v63  }
0x1a9: {  	_ =	swait.ge [sflag:s20], $0x800  }
0x1aa: {  	[sflag:s20] =	ssyncset.done $0x0  }
0x1ab: {  	[sflag:s20] =	ssyncadd.s32 $0xFFFFF800  }
0x1ac: {  	_ =	swait.ge [sflag:s20], $0x800  }
0x1ad: {  	[sflag:s20] =	ssyncset.done $0x0  }
0x1ae: {  	[sflag:s20] =	ssyncadd.s32 $0xFFFFF800  }
0x1af: {  	[tilespmem:s15], [sflag:$0x1] =	stream.indirect.gather [hbm4b:s4+s21], $0x80, s2, s21, $0xb8;
	[tilespmem:$0x1E000] =	vst v63  }
0x1b0: {  	_ = 	snop  }
0x1b1: {  	[tilespmem:s22], [sflag:$0x2] =	stream.indirect.gather [hbm4b:s4+s21], $0x80, s21, s21, $0xb8;
	[tilespmem:$0x1E000] =	vst v63  }
0x1b2: {  	_ =	swait.ge [sflag:s23], $0x4000  }
0x1b3: {  	[sflag:s23] =	ssyncset.done $0x0  }
0x1b4: {  	[sflag:s23] =	ssyncadd.s32 $0xFFFFC000  }
0x1b5: {  	[spmem:s1] =	stream.indirect.scatter.add.f32 [tilespmem:s15], [sflag:$0x5], $0x80, s17, s21, $0xb8;
	[tilespmem:$0x1E000] =	vst v63  }
0x1b6: {  	_ =	swait.ge [sflag:s16], $0x4000  }
0x1b7: {  	[sflag:s16] =	ssyncset.done $0x0  }
0x1b8: {  	[sflag:s16] =	ssyncadd.s32 $0xFFFFC000  }
0x1b9: {  	_ =	swait.ge [sflag:s24], $0x4000  }
0x1ba: {  	[sflag:s24] =	ssyncset.done $0x0  }
0x1bb: {  	s9 =	rddreg [dreg:$0x4];
	[sflag:s24] =	ssyncadd.s32 $0xFFFFC000  }
0x1bc: {  	[spmem:s1] =	stream.indirect.scatter.add.f32 [tilespmem:s22], [sflag:$0x5], $0x80, s9, s21, $0xb8;
	[tilespmem:$0x1E000] =	vst v63  }
0x1bd: {  	_ =	swait.ge [sflag:s16], $0x4000  }
0x1be: {  	[sflag:s16] =	ssyncset.done $0x0  }
0x1bf: {  	s10 =	rddreg [dreg:$0x5];
	[sflag:s16] =	ssyncadd.s32 $0xFFFFC000  }
0x1c0: {  	[tilespmem:s15], [sflag:$0x1] =	stream.indirect.gather [hbm4b:s4+s21], $0x80, s10, s21, $0xb8;
	[tilespmem:$0x1E000] =	vst v63  }
0x1c1: {  	s9 =	rddreg [dreg:$0x6]  }
0x1c2: {  	[tilespmem:s22], [sflag:$0x2] =	stream.indirect.gather [hbm4b:s4+s21], $0x80, s9, s21, $0xb8;
	[tilespmem:$0x1E000] =	vst v63  }
0x1c3: {  	_ =	swait.ge [sflag:s23], $0x4000  }
0x1c4: {  	[sflag:s23] =	ssyncset.done $0x0  }
0x1c5: {  	s9 =	rddreg [dreg:$0x7];
	[sflag:s23] =	ssyncadd.s32 $0xFFFFC000  }
0x1c6: {  	[spmem:s1] =	stream.indirect.scatter.add.f32 [tilespmem:s15], [sflag:$0x5], $0x80, s9, s21, $0xb8;
	[tilespmem:$0x1E000] =	vst v63  }
0x1c7: {  	_ =	swait.ge [sflag:s16], $0x4000  }
0x1c8: {  	[sflag:s16] =	ssyncset.done $0x0  }
0x1c9: {  	[sflag:s16] =	ssyncadd.s32 $0xFFFFC000  }
0x1ca: {  	_ =	swait.ge [sflag:s24], $0x4000  }
0x1cb: {  	[sflag:s24] =	ssyncset.done $0x0  }
0x1cc: {  	s10 =	rddreg [dreg:$0x8];
	[sflag:s24] =	ssyncadd.s32 $0xFFFFC000  }
0x1cd: {  	[spmem:s1] =	stream.indirect.scatter.add.f32 [tilespmem:s22], [sflag:$0x5], $0x80, s10, s21, $0xb8;
	[tilespmem:$0x1E000] =	vst v63  }
0x1ce: {  	_ =	swait.ge [sflag:s16], $0x4000  }
0x1cf: {  	[sflag:s16] =	ssyncset.done $0x0  }
0x1d0: {  	s9 =	rddreg [dreg:$0x9];
	[sflag:s16] =	ssyncadd.s32 $0xFFFFC000  }
0x1d1: {  	[tilespmem:s15], [sflag:$0x1] =	stream.indirect.gather [hbm4b:s4+s21], $0x80, s9, s21, $0xb8;
	[tilespmem:$0x1E000] =	vst v63  }
0x1d2: {  	s10 =	rddreg [dreg:$0xa]  }
0x1d3: {  	[tilespmem:s22], [sflag:$0x2] =	stream.indirect.gather [hbm4b:s4+s21], $0x80, s10, s21, $0xb8;
	[tilespmem:$0x1E000] =	vst v63  }
0x1d4: {  	_ =	swait.ge [sflag:s23], $0x4000  }
0x1d5: {  	[sflag:s23] =	ssyncset.done $0x0  }
0x1d6: {  	s9 =	rddreg [dreg:$0xb];
	[sflag:s23] =	ssyncadd.s32 $0xFFFFC000  }
0x1d7: {  	[spmem:s1] =	stream.indirect.scatter.add.f32 [tilespmem:s15], [sflag:$0x5], $0x80, s9, s21, $0xb8;
	[tilespmem:$0x1E000] =	vst v63  }
0x1d8: {  	_ =	swait.ge [sflag:s16], $0x4000  }
0x1d9: {  	[sflag:s16] =	ssyncset.done $0x0  }
0x1da: {  	[sflag:s16] =	ssyncadd.s32 $0xFFFFC000  }
0x1db: {  	_ =	swait.ge [sflag:s24], $0x4000  }
0x1dc: {  	[sflag:s24] =	ssyncset.done $0x0  }
0x1dd: {  	s10 =	rddreg [dreg:$0xc];
	[sflag:s24] =	ssyncadd.s32 $0xFFFFC000  }
0x1de: {  	[spmem:s1] =	stream.indirect.scatter.add.f32 [tilespmem:s22], [sflag:$0x5], $0x80, s10, s21, $0xb8;
	[tilespmem:$0x1E000] =	vst v63  }
0x1df: {  	_ =	swait.ge [sflag:s16], $0x4000  }
0x1e0: {  	[sflag:s16] =	ssyncset.done $0x0  }
0x1e1: {  	s9 =	rddreg [dreg:$0xd];
	[sflag:s16] =	ssyncadd.s32 $0xFFFFC000  }
0x1e2: {  	[tilespmem:s15], [sflag:$0x1] =	stream.indirect.gather [hbm4b:s4+s21], $0x80, s9, s21, $0xb8;
	[tilespmem:$0x1E000] =	vst v63  }
0x1e3: {  	s10 =	rddreg [dreg:$0xe]  }
0x1e4: {  	[tilespmem:s22], [sflag:$0x2] =	stream.indirect.gather [hbm4b:s4+s21], $0x80, s10, s21, $0xb8;
	[tilespmem:$0x1E000] =	vst v63  }
0x1e5: {  	_ =	swait.ge [sflag:s23], $0x4000  }
0x1e6: {  	[sflag:s23] =	ssyncset.done $0x0  }
0x1e7: {  	s9 =	rddreg [dreg:$0xf];
	[sflag:s23] =	ssyncadd.s32 $0xFFFFC000  }
0x1e8: {  	[spmem:s1] =	stream.indirect.scatter.add.f32 [tilespmem:s15], [sflag:$0x5], $0x80, s9, s21, $0xb8;
	[tilespmem:$0x1E000] =	vst v63  }
0x1e9: {  	_ =	swait.ge [sflag:s16], $0x4000  }
0x1ea: {  	[sflag:s16] =	ssyncset.done $0x0  }
0x1eb: {  	[sflag:s16] =	ssyncadd.s32 $0xFFFFC000  }
0x1ec: {  	_ =	swait.ge [sflag:s24], $0x4000  }
0x1ed: {  	[sflag:s24] =	ssyncset.done $0x0  }
0x1ee: {  	s10 =	rddreg [dreg:$0x10];
	[sflag:s24] =	ssyncadd.s32 $0xFFFFC000  }
0x1ef: {  	[spmem:s1] =	stream.indirect.scatter.add.f32 [tilespmem:s22], [sflag:$0x5], $0x80, s10, s21, $0xb8;
	[tilespmem:$0x1E000] =	vst v63  }
0x1f0: {  	_ =	swait.ge [sflag:s16], $0x4000  }
0x1f1: {  	[sflag:s16] =	ssyncset.done $0x0  }
0x1f2: {  	s9 =	rddreg [dreg:$0x11];
	[sflag:s16] =	ssyncadd.s32 $0xFFFFC000  }
0x1f3: {  	[tilespmem:s15], [sflag:$0x1] =	stream.indirect.gather [hbm4b:s4+s21], $0x80, s9, s21, $0xb8;
	[tilespmem:$0x1E000] =	vst v63  }
0x1f4: {  	s10 =	rddreg [dreg:$0x12]  }
0x1f5: {  	[tilespmem:s22], [sflag:$0x2] =	stream.indirect.gather [hbm4b:s4+s21], $0x80, s10, s21, $0xb8;
	[tilespmem:$0x1E000] =	vst v63  }
0x1f6: {  	_ =	swait.ge [sflag:s23], $0x4000  }
0x1f7: {  	[sflag:s23] =	ssyncset.done $0x0  }
0x1f8: {  	s9 =	rddreg [dreg:$0x13];
	[sflag:s23] =	ssyncadd.s32 $0xFFFFC000  }
0x1f9: {  	[spmem:s1] =	stream.indirect.scatter.add.f32 [tilespmem:s15], [sflag:$0x5], $0x80, s9, s21, $0xb8;
	[tilespmem:$0x1E000] =	vst v63  }
0x1fa: {  	_ =	swait.ge [sflag:s16], $0x4000  }
0x1fb: {  	[sflag:s16] =	ssyncset.done $0x0  }
0x1fc: {  	[sflag:s16] =	ssyncadd.s32 $0xFFFFC000  }
0x1fd: {  	_ =	swait.ge [sflag:s24], $0x4000  }
0x1fe: {  	[sflag:s24] =	ssyncset.done $0x0  }
0x1ff: {  	s10 =	rddreg [dreg:$0x14];
	[sflag:s24] =	ssyncadd.s32 $0xFFFFC000  }
0x200: {  	[spmem:s1] =	stream.indirect.scatter.add.f32 [tilespmem:s22], [sflag:$0x5], $0x80, s10, s21, $0xb8;
	[tilespmem:$0x1E000] =	vst v63  }
0x201: {  	_ =	swait.ge [sflag:s16], $0x4000  }
0x202: {  	[sflag:s16] =	ssyncset.done $0x0  }
0x203: {  	s9 =	rddreg [dreg:$0x15];
	[sflag:s16] =	ssyncadd.s32 $0xFFFFC000  }
0x204: {  	[tilespmem:s15], [sflag:$0x1] =	stream.indirect.gather [hbm4b:s4+s21], $0x80, s9, s21, $0xb8;
	[tilespmem:$0x1E000] =	vst v63  }
0x205: {  	s10 =	rddreg [dreg:$0x16]  }
0x206: {  	[tilespmem:s22], [sflag:$0x2] =	stream.indirect.gather [hbm4b:s4+s21], $0x80, s10, s21, $0xb8;
	[tilespmem:$0x1E000] =	vst v63  }
0x207: {  	_ =	swait.ge [sflag:s23], $0x4000  }
0x208: {  	[sflag:s23] =	ssyncset.done $0x0  }
0x209: {  	s9 =	rddreg [dreg:$0x17];
	[sflag:s23] =	ssyncadd.s32 $0xFFFFC000  }
0x20a: {  	[spmem:s1] =	stream.indirect.scatter.add.f32 [tilespmem:s15], [sflag:$0x5], $0x80, s9, s21, $0xb8;
	[tilespmem:$0x1E000] =	vst v63  }
0x20b: {  	_ =	swait.ge [sflag:s16], $0x4000  }
0x20c: {  	[sflag:s16] =	ssyncset.done $0x0  }
0x20d: {  	[sflag:s16] =	ssyncadd.s32 $0xFFFFC000  }
0x20e: {  	_ =	swait.ge [sflag:s24], $0x4000  }
0x20f: {  	[sflag:s24] =	ssyncset.done $0x0  }
0x210: {  	s10 =	rddreg [dreg:$0x18];
	[sflag:s24] =	ssyncadd.s32 $0xFFFFC000  }
0x211: {  	[spmem:s1] =	stream.indirect.scatter.add.f32 [tilespmem:s22], [sflag:$0x5], $0x80, s10, s21, $0xb8;
	[tilespmem:$0x1E000] =	vst v63  }
0x212: {  	_ =	swait.ge [sflag:s16], $0x4000  }
0x213: {  	[sflag:s16] =	ssyncset.done $0x0  }
0x214: {  	s9 =	rddreg [dreg:$0x19];
	[sflag:s16] =	ssyncadd.s32 $0xFFFFC000  }
0x215: {  	[tilespmem:s15], [sflag:$0x1] =	stream.indirect.gather [hbm4b:s4+s21], $0x80, s9, s21, $0xb8;
	[tilespmem:$0x1E000] =	vst v63  }
0x216: {  	s10 =	rddreg [dreg:$0x1a]  }
0x217: {  	[tilespmem:s22], [sflag:$0x2] =	stream.indirect.gather [hbm4b:s4+s21], $0x80, s10, s21, $0xb8;
	[tilespmem:$0x1E000] =	vst v63  }
0x218: {  	_ =	swait.ge [sflag:s23], $0x4000  }
0x219: {  	[sflag:s23] =	ssyncset.done $0x0  }
0x21a: {  	s9 =	rddreg [dreg:$0x1b];
	[sflag:s23] =	ssyncadd.s32 $0xFFFFC000  }
0x21b: {  	[spmem:s1] =	stream.indirect.scatter.add.f32 [tilespmem:s15], [sflag:$0x5], $0x80, s9, s21, $0xb8;
	[tilespmem:$0x1E000] =	vst v63  }
0x21c: {  	_ =	swait.ge [sflag:s16], $0x4000  }
0x21d: {  	[sflag:s16] =	ssyncset.done $0x0  }
0x21e: {  	[sflag:s16] =	ssyncadd.s32 $0xFFFFC000  }
0x21f: {  	_ =	swait.ge [sflag:s24], $0x4000  }
0x220: {  	[sflag:s24] =	ssyncset.done $0x0  }
0x221: {  	s10 =	rddreg [dreg:$0x1c];
	[sflag:s24] =	ssyncadd.s32 $0xFFFFC000  }
0x222: {  	[spmem:s1] =	stream.indirect.scatter.add.f32 [tilespmem:s22], [sflag:$0x5], $0x80, s10, s21, $0xb8;
	[tilespmem:$0x1E000] =	vst v63  }
0x223: {  	_ =	swait.ge [sflag:s16], $0x4000  }
0x224: {  	[sflag:s16] =	ssyncset.done $0x0  }
0x225: {  	s9 =	rddreg [dreg:$0x1d];
	[sflag:s16] =	ssyncadd.s32 $0xFFFFC000  }
0x226: {  	[tilespmem:s15], [sflag:$0x1] =	stream.indirect.gather [hbm4b:s4+s21], $0x80, s9, s21, $0xb8;
	[tilespmem:$0x1E000] =	vst v63  }
0x227: {  	s10 =	rddreg [dreg:$0x1e]  }
0x228: {  	[tilespmem:s22], [sflag:$0x2] =	stream.indirect.gather [hbm4b:s4+s21], $0x80, s10, s21, $0xb8;
	[tilespmem:$0x1E000] =	vst v63  }
0x229: {  	_ =	swait.ge [sflag:s23], $0x4000  }
0x22a: {  	[sflag:s23] =	ssyncset.done $0x0  }
0x22b: {  	s10 =	rddreg [dreg:$0x1f];
	[sflag:s23] =	ssyncadd.s32 $0xFFFFC000  }
0x22c: {  	[spmem:s1] =	stream.indirect.scatter.add.f32 [tilespmem:s15], [sflag:$0x5], $0x80, s10, s21, $0xb8;
	[tilespmem:$0x1E000] =	vst v63  }
0x22d: {  	_ =	swait.ge [sflag:s16], $0x4000  }
0x22e: {  	[sflag:s16] =	ssyncset.done $0x0  }
0x22f: {  	[sflag:s16] =	ssyncadd.s32 $0xFFFFC000  }
0x230: {  	_ =	swait.ge [sflag:s24], $0x4000  }
0x231: {  	s9 =	sld [smem:$0x7DF]  }
0x232: {  	[sflag:s24] =	ssyncset.done $0x0  }
0x233: {  	[sflag:s24] =	ssyncadd.s32 $0xFFFFC000  }
0x234: {  	[spmem:s1] =	stream.indirect.scatter.add.f32 [tilespmem:s22], [sflag:$0x5], $0x80, s9, s21, $0xb8;
	[tilespmem:$0x1E000] =	vst v63  }
0x235: {  	p1 =	seq.s32 s3, $0x800;
	_ =	swait.ge [sflag:s16], $0x4000  }
0x236: {  	s8 =	sadd.s32 @!p1 s3, s14;
	s3 =	sadd.s32 @!p1 s3, s11;
	[sflag:s16] =	ssyncset.done $0x0  }
0x237: {  	s8 =	sadd.s32 @!p1 $0x200, s8;
	s9 =	simm.s32 @!p1 $0x0;
	[sflag:s16] =	ssyncadd.s32 $0xFFFFC000  }
0x238: {  	[tilespmem:s9], [sflag:$0x3] =	stream.linear.gather @!p1 [hbm4b:s8+s9], $0x800, $0x38;
	[tilespmem:$0x1E000] =	vst v63  }
0x239: {  	s10 =	simm.s32 @!p1 $0x800;
	s8 =	sadd.s32 @!p1 $0x200, s3  }
0x23a: {  	[tilespmem:s10], [sflag:$0x3] =	stream.linear.gather @!p1 [hbm4b:s8+s9], $0x800, $0x38;
	[tilespmem:$0x1E000] =	vst v63  }
0x23b: {  	_ =	swait.ge [sflag:s25], $0x800  }
0x23c: {  	[sflag:s25] =	ssyncset.done $0x0  }
0x23d: {  	[sflag:s25] =	ssyncadd.s32 $0xFFFFF800  }
0x23e: {  	_ =	swait.ge [sflag:s25], $0x800  }
0x23f: {  	[sflag:s25] =	ssyncset.done $0x0  }
0x240: {  	s10 =	sld [smem:$0x7E1];
	[sflag:s25] =	ssyncadd.s32 $0xFFFFF800  }
0x241: {  	[tilespmem:s15], [sflag:$0x1] =	stream.indirect.gather [hbm4b:s4+s21], $0x80, s18, s21, $0xb8;
	[tilespmem:$0x1E000] =	vst v63  }
0x242: {  	_ = 	snop  }
0x243: {  	[tilespmem:s22], [sflag:$0x2] =	stream.indirect.gather [hbm4b:s4+s21], $0x80, s10, s21, $0xb8;
	[tilespmem:$0x1E000] =	vst v63  }
0x244: {  	_ =	swait.ge [sflag:s23], $0x4000  }
0x245: {  	[sflag:s23] =	ssyncset.done $0x0  }
0x246: {  	[sflag:s23] =	ssyncadd.s32 $0xFFFFC000  }
0x247: {  	[spmem:s1] =	stream.indirect.scatter.add.f32 [tilespmem:s15], [sflag:$0x5], $0x80, s19, s21, $0xb8;
	[tilespmem:$0x1E000] =	vst v63  }
0x248: {  	_ =	swait.ge [sflag:s16], $0x4000  }
0x249: {  	[sflag:s16] =	ssyncset.done $0x0  }
0x24a: {  	[sflag:s16] =	ssyncadd.s32 $0xFFFFC000  }
0x24b: {  	_ =	swait.ge [sflag:s24], $0x4000  }
0x24c: {  	s8 =	sld [smem:$0x7E3]  }
0x24d: {  	[sflag:s24] =	ssyncset.done $0x0  }
0x24e: {  	[sflag:s24] =	ssyncadd.s32 $0xFFFFC000  }
0x24f: {  	[spmem:s1] =	stream.indirect.scatter.add.f32 [tilespmem:s22], [sflag:$0x5], $0x80, s8, s21, $0xb8;
	[tilespmem:$0x1E000] =	vst v63  }
0x250: {  	_ =	swait.ge [sflag:s16], $0x4000  }
0x251: {  	s9 =	sld [smem:$0x7E5]  }
0x252: {  	[sflag:s16] =	ssyncset.done $0x0  }
0x253: {  	s10 =	sld [smem:$0x7E6];
	[sflag:s16] =	ssyncadd.s32 $0xFFFFC000  }
0x254: {  	[tilespmem:s15], [sflag:$0x1] =	stream.indirect.gather [hbm4b:s4+s21], $0x80, s9, s21, $0xb8;
	[tilespmem:$0x1E000] =	vst v63  }
0x255: {  	_ = 	snop  }
0x256: {  	[tilespmem:s22], [sflag:$0x2] =	stream.indirect.gather [hbm4b:s4+s21], $0x80, s10, s21, $0xb8;
	[tilespmem:$0x1E000] =	vst v63  }
0x257: {  	_ =	swait.ge [sflag:s23], $0x4000  }
0x258: {  	s9 =	sld [smem:$0x7E7]  }
0x259: {  	[sflag:s23] =	ssyncset.done $0x0  }
0x25a: {  	[sflag:s23] =	ssyncadd.s32 $0xFFFFC000  }
0x25b: {  	[spmem:s1] =	stream.indirect.scatter.add.f32 [tilespmem:s15], [sflag:$0x5], $0x80, s9, s21, $0xb8;
	[tilespmem:$0x1E000] =	vst v63  }
0x25c: {  	_ =	swait.ge [sflag:s16], $0x4000  }
0x25d: {  	[sflag:s16] =	ssyncset.done $0x0  }
0x25e: {  	[sflag:s16] =	ssyncadd.s32 $0xFFFFC000  }
0x25f: {  	_ =	swait.ge [sflag:s24], $0x4000  }
0x260: {  	s10 =	sld [smem:$0x7E9]  }
0x261: {  	[sflag:s24] =	ssyncset.done $0x0  }
0x262: {  	[sflag:s24] =	ssyncadd.s32 $0xFFFFC000  }
0x263: {  	[spmem:s1] =	stream.indirect.scatter.add.f32 [tilespmem:s22], [sflag:$0x5], $0x80, s10, s21, $0xb8;
	[tilespmem:$0x1E000] =	vst v63  }
0x264: {  	_ =	swait.ge [sflag:s16], $0x4000  }
0x265: {  	s8 =	sld [smem:$0x7EA]  }
0x266: {  	[sflag:s16] =	ssyncset.done $0x0  }
0x267: {  	s9 =	sld [smem:$0x7EB];
	[sflag:s16] =	ssyncadd.s32 $0xFFFFC000  }
0x268: {  	[tilespmem:s15], [sflag:$0x1] =	stream.indirect.gather [hbm4b:s4+s21], $0x80, s8, s21, $0xb8;
	[tilespmem:$0x1E000] =	vst v63  }
0x269: {  	_ = 	snop  }
0x26a: {  	[tilespmem:s22], [sflag:$0x2] =	stream.indirect.gather [hbm4b:s4+s21], $0x80, s9, s21, $0xb8;
	[tilespmem:$0x1E000] =	vst v63  }
0x26b: {  	_ =	swait.ge [sflag:s23], $0x4000  }
0x26c: {  	s10 =	sld [smem:$0x7ED]  }
0x26d: {  	[sflag:s23] =	ssyncset.done $0x0  }
0x26e: {  	[sflag:s23] =	ssyncadd.s32 $0xFFFFC000  }
0x26f: {  	[spmem:s1] =	stream.indirect.scatter.add.f32 [tilespmem:s15], [sflag:$0x5], $0x80, s10, s21, $0xb8;
	[tilespmem:$0x1E000] =	vst v63  }
0x270: {  	_ =	swait.ge [sflag:s16], $0x4000  }
0x271: {  	[sflag:s16] =	ssyncset.done $0x0  }
0x272: {  	[sflag:s16] =	ssyncadd.s32 $0xFFFFC000  }
0x273: {  	_ =	swait.ge [sflag:s24], $0x4000  }
0x274: {  	s8 =	sld [smem:$0x7EE]  }
0x275: {  	[sflag:s24] =	ssyncset.done $0x0  }
0x276: {  	[sflag:s24] =	ssyncadd.s32 $0xFFFFC000  }
0x277: {  	[spmem:s1] =	stream.indirect.scatter.add.f32 [tilespmem:s22], [sflag:$0x5], $0x80, s8, s21, $0xb8;
	[tilespmem:$0x1E000] =	vst v63  }
0x278: {  	_ =	swait.ge [sflag:s16], $0x4000  }
0x279: {  	s9 =	sld [smem:$0x7EF]  }
0x27a: {  	[sflag:s16] =	ssyncset.done $0x0  }
0x27b: {  	s10 =	sld [smem:$0x7F0];
	[sflag:s16] =	ssyncadd.s32 $0xFFFFC000  }
0x27c: {  	[tilespmem:s15], [sflag:$0x1] =	stream.indirect.gather [hbm4b:s4+s21], $0x80, s9, s21, $0xb8;
	[tilespmem:$0x1E000] =	vst v63  }
0x27d: {  	_ = 	snop  }
0x27e: {  	[tilespmem:s22], [sflag:$0x2] =	stream.indirect.gather [hbm4b:s4+s21], $0x80, s10, s21, $0xb8;
	[tilespmem:$0x1E000] =	vst v63  }
0x27f: {  	_ =	swait.ge [sflag:s23], $0x4000  }
0x280: {  	s9 =	sld [smem:$0x7F1]  }
0x281: {  	[sflag:s23] =	ssyncset.done $0x0  }
0x282: {  	[sflag:s23] =	ssyncadd.s32 $0xFFFFC000  }
0x283: {  	[spmem:s1] =	stream.indirect.scatter.add.f32 [tilespmem:s15], [sflag:$0x5], $0x80, s9, s21, $0xb8;
	[tilespmem:$0x1E000] =	vst v63  }
0x284: {  	_ =	swait.ge [sflag:s16], $0x4000  }
0x285: {  	[sflag:s16] =	ssyncset.done $0x0  }
0x286: {  	[sflag:s16] =	ssyncadd.s32 $0xFFFFC000  }
0x287: {  	_ =	swait.ge [sflag:s24], $0x4000  }
0x288: {  	s10 =	sld [smem:$0x7F2]  }
0x289: {  	[sflag:s24] =	ssyncset.done $0x0  }
0x28a: {  	[sflag:s24] =	ssyncadd.s32 $0xFFFFC000  }
0x28b: {  	[spmem:s1] =	stream.indirect.scatter.add.f32 [tilespmem:s22], [sflag:$0x5], $0x80, s10, s21, $0xb8;
	[tilespmem:$0x1E000] =	vst v63  }
0x28c: {  	_ =	swait.ge [sflag:s16], $0x4000  }
0x28d: {  	s8 =	sld [smem:$0x7F3]  }
0x28e: {  	[sflag:s16] =	ssyncset.done $0x0  }
0x28f: {  	s9 =	sld [smem:$0x7F4];
	[sflag:s16] =	ssyncadd.s32 $0xFFFFC000  }
0x290: {  	[tilespmem:s15], [sflag:$0x1] =	stream.indirect.gather [hbm4b:s4+s21], $0x80, s8, s21, $0xb8;
	[tilespmem:$0x1E000] =	vst v63  }
0x291: {  	_ = 	snop  }
0x292: {  	[tilespmem:s22], [sflag:$0x2] =	stream.indirect.gather [hbm4b:s4+s21], $0x80, s9, s21, $0xb8;
	[tilespmem:$0x1E000] =	vst v63  }
0x293: {  	_ =	swait.ge [sflag:s23], $0x4000  }
0x294: {  	s10 =	sld [smem:$0x7F5]  }
0x295: {  	[sflag:s23] =	ssyncset.done $0x0  }
0x296: {  	[sflag:s23] =	ssyncadd.s32 $0xFFFFC000  }
0x297: {  	[spmem:s1] =	stream.indirect.scatter.add.f32 [tilespmem:s15], [sflag:$0x5], $0x80, s10, s21, $0xb8;
	[tilespmem:$0x1E000] =	vst v63  }
0x298: {  	_ =	swait.ge [sflag:s16], $0x4000  }
0x299: {  	[sflag:s16] =	ssyncset.done $0x0  }
0x29a: {  	[sflag:s16] =	ssyncadd.s32 $0xFFFFC000  }
0x29b: {  	_ =	swait.ge [sflag:s24], $0x4000  }
0x29c: {  	s8 =	sld [smem:$0x7F6]  }
0x29d: {  	[sflag:s24] =	ssyncset.done $0x0  }
0x29e: {  	[sflag:s24] =	ssyncadd.s32 $0xFFFFC000  }
0x29f: {  	[spmem:s1] =	stream.indirect.scatter.add.f32 [tilespmem:s22], [sflag:$0x5], $0x80, s8, s21, $0xb8;
	[tilespmem:$0x1E000] =	vst v63  }
0x2a0: {  	_ =	swait.ge [sflag:s16], $0x4000  }
0x2a1: {  	s9 =	sld [smem:$0x7F7]  }
0x2a2: {  	[sflag:s16] =	ssyncset.done $0x0  }
0x2a3: {  	s10 =	sld [smem:$0x7F8];
	[sflag:s16] =	ssyncadd.s32 $0xFFFFC000  }
0x2a4: {  	[tilespmem:s15], [sflag:$0x1] =	stream.indirect.gather [hbm4b:s4+s21], $0x80, s9, s21, $0xb8;
	[tilespmem:$0x1E000] =	vst v63  }
0x2a5: {  	_ = 	snop  }
0x2a6: {  	[tilespmem:s22], [sflag:$0x2] =	stream.indirect.gather [hbm4b:s4+s21], $0x80, s10, s21, $0xb8;
	[tilespmem:$0x1E000] =	vst v63  }
0x2a7: {  	_ =	swait.ge [sflag:s23], $0x4000  }
0x2a8: {  	s9 =	sld [smem:$0x7F9]  }
0x2a9: {  	[sflag:s23] =	ssyncset.done $0x0  }
0x2aa: {  	[sflag:s23] =	ssyncadd.s32 $0xFFFFC000  }
0x2ab: {  	[spmem:s1] =	stream.indirect.scatter.add.f32 [tilespmem:s15], [sflag:$0x5], $0x80, s9, s21, $0xb8;
	[tilespmem:$0x1E000] =	vst v63  }
0x2ac: {  	_ =	swait.ge [sflag:s16], $0x4000  }
0x2ad: {  	[sflag:s16] =	ssyncset.done $0x0  }
0x2ae: {  	[sflag:s16] =	ssyncadd.s32 $0xFFFFC000  }
0x2af: {  	_ =	swait.ge [sflag:s24], $0x4000  }
0x2b0: {  	s10 =	sld [smem:$0x7FA]  }
0x2b1: {  	[sflag:s24] =	ssyncset.done $0x0  }
0x2b2: {  	[sflag:s24] =	ssyncadd.s32 $0xFFFFC000  }
0x2b3: {  	[spmem:s1] =	stream.indirect.scatter.add.f32 [tilespmem:s22], [sflag:$0x5], $0x80, s10, s21, $0xb8;
	[tilespmem:$0x1E000] =	vst v63  }
0x2b4: {  	_ =	swait.ge [sflag:s16], $0x4000  }
0x2b5: {  	s8 =	sld [smem:$0x7FB]  }
0x2b6: {  	[sflag:s16] =	ssyncset.done $0x0  }
0x2b7: {  	s9 =	sld [smem:$0x7FC];
	[sflag:s16] =	ssyncadd.s32 $0xFFFFC000  }
0x2b8: {  	[tilespmem:s15], [sflag:$0x1] =	stream.indirect.gather [hbm4b:s4+s21], $0x80, s8, s21, $0xb8;
	[tilespmem:$0x1E000] =	vst v63  }
0x2b9: {  	_ = 	snop  }
0x2ba: {  	[tilespmem:s22], [sflag:$0x2] =	stream.indirect.gather [hbm4b:s4+s21], $0x80, s9, s21, $0xb8;
	[tilespmem:$0x1E000] =	vst v63  }
0x2bb: {  	_ =	swait.ge [sflag:s23], $0x4000  }
0x2bc: {  	s10 =	sld [smem:$0x7FD]  }
0x2bd: {  	[sflag:s23] =	ssyncset.done $0x0  }
0x2be: {  	[sflag:s23] =	ssyncadd.s32 $0xFFFFC000  }
0x2bf: {  	[spmem:s1] =	stream.indirect.scatter.add.f32 [tilespmem:s15], [sflag:$0x5], $0x80, s10, s21, $0xb8;
	[tilespmem:$0x1E000] =	vst v63  }
0x2c0: {  	_ =	swait.ge [sflag:s16], $0x4000  }
0x2c1: {  	[sflag:s16] =	ssyncset.done $0x0  }
0x2c2: {  	[sflag:s16] =	ssyncadd.s32 $0xFFFFC000  }
0x2c3: {  	_ =	swait.ge [sflag:s24], $0x4000  }
0x2c4: {  	[sflag:s24] =	ssyncset.done $0x0  }
0x2c5: {  	[sflag:s24] =	ssyncadd.s32 $0xFFFFC000  }
0x2c6: {  	[spmem:s1] =	stream.indirect.scatter.add.f32 [tilespmem:s22], [sflag:$0x5], $0x80, s26, s21, $0xb8;
	[tilespmem:$0x1E000] =	vst v63  }
0x2c7: {  	_ =	swait.ge [sflag:s16], $0x4000  }
0x2c8: {  	[sflag:s16] =	ssyncset.done $0x0  }
0x2c9: {  	[sflag:s16] =	ssyncadd.s32 $0xFFFFC000  }
0x2ca: {  	[tilespmem:s15], [sflag:$0x1] =	stream.indirect.gather [hbm4b:s4+s21], $0x80, s28, s21, $0xb8;
	[tilespmem:$0x1E000] =	vst v63  }
0x2cb: {  	_ = 	snop  }
0x2cc: {  	[tilespmem:s22], [sflag:$0x2] =	stream.indirect.gather [hbm4b:s4+s21], $0x80, s29, s21, $0xb8;
	[tilespmem:$0x1E000] =	vst v63  }
0x2cd: {  	_ =	swait.ge [sflag:s23], $0x4000  }
0x2ce: {  	[sflag:s23] =	ssyncset.done $0x0  }
0x2cf: {  	[sflag:s23] =	ssyncadd.s32 $0xFFFFC000  }
0x2d0: {  	[spmem:s1] =	stream.indirect.scatter.add.f32 [tilespmem:s15], [sflag:$0x5], $0x80, s30, s21, $0xb8;
	[tilespmem:$0x1E000] =	vst v63  }
0x2d1: {  	_ =	swait.ge [sflag:s16], $0x4000  }
0x2d2: {  	[sflag:s16] =	ssyncset.done $0x0  }
0x2d3: {  	s7 =	smov.u32 s6;
	s6 =	sadd.s32 $0x200, s6;
	[sflag:s16] =	ssyncadd.s32 $0xFFFFC000  }
0x2d4: {  	p0 =	sne.s32 s6, $0xA00;
	_ =	swait.ge [sflag:s24], $0x4000  }
.Ltmp1:
0x2d5: {  	[sflag:s24] =	ssyncset.done $0x0;
	(pc) =	sbr.rel @p0 .LBB2_4-.Ltmp1, $4  }
0x2d6: {  	[sflag:s24] =	ssyncadd.s32 $0xFFFFC000  }
0x2d7: {  	[spmem:s1] =	stream.indirect.scatter.add.f32 [tilespmem:s22], [sflag:$0x5], $0x80, s31, s21, $0xb8;
	[tilespmem:$0x1E000] =	vst v63  }
0x2d8: {  	s3 =	smov.u32 s7;
	_ =	swait.ge [sflag:s16], $0x4000  }
0x2d9: {  	s7 =	sadd.s32 s3, s14;
	[sflag:s16] =	ssyncset.done $0x0  }
0x2da: {  	s6 =	sadd.s32 $0x100, s7;
	s8 =	sadd.s32 s3, s11;
	[sflag:s16] =	ssyncadd.s32 $0xFFFFC000  }
0x2db: {  	[tilespmem:s18], [sflag:$0x4] =	stream.linear.gather [hbm4b:s6+s2], $0x800, $0x38;
	[tilespmem:$0x1E000] =	vst v63  }
0x2dc: {  	s9 =	sadd.s32 $0x100, s8  }
0x2dd: {  	[tilespmem:s19], [sflag:$0x4] =	stream.linear.gather [hbm4b:s9+s2], $0x800, $0x38;
	[tilespmem:$0x1E000] =	vst v63  }
0x2de: {  	_ =	swait.ge [sflag:s20], $0x800  }
0x2df: {  	[sflag:s20] =	ssyncset.done $0x0  }
0x2e0: {  	[sflag:s20] =	ssyncadd.s32 $0xFFFFF800  }
0x2e1: {  	_ =	swait.ge [sflag:s20], $0x800  }
0x2e2: {  	[sflag:s20] =	ssyncset.done $0x0  }
0x2e3: {  	[sflag:s20] =	ssyncadd.s32 $0xFFFFF800  }
0x2e4: {  	[tilespmem:s15], [sflag:$0x1] =	stream.indirect.gather [hbm4b:s4+s21], $0x80, s2, s21, $0xb8;
	[tilespmem:$0x1E000] =	vst v63  }
0x2e5: {  	_ = 	snop  }
0x2e6: {  	[tilespmem:s22], [sflag:$0x2] =	stream.indirect.gather [hbm4b:s4+s21], $0x80, s21, s21, $0xb8;
	[tilespmem:$0x1E000] =	vst v63  }
0x2e7: {  	_ =	swait.ge [sflag:s23], $0x4000  }
0x2e8: {  	[sflag:s23] =	ssyncset.done $0x0  }
0x2e9: {  	[sflag:s23] =	ssyncadd.s32 $0xFFFFC000  }
0x2ea: {  	[spmem:s1] =	stream.indirect.scatter.add.f32 [tilespmem:s15], [sflag:$0x5], $0x80, s17, s21, $0xb8;
	[tilespmem:$0x1E000] =	vst v63  }
0x2eb: {  	_ =	swait.ge [sflag:s16], $0x4000  }
0x2ec: {  	[sflag:s16] =	ssyncset.done $0x0  }
0x2ed: {  	[sflag:s16] =	ssyncadd.s32 $0xFFFFC000  }
0x2ee: {  	_ =	swait.ge [sflag:s24], $0x4000  }
0x2ef: {  	[sflag:s24] =	ssyncset.done $0x0  }
0x2f0: {  	s10 =	rddreg [dreg:$0x4];
	[sflag:s24] =	ssyncadd.s32 $0xFFFFC000  }
0x2f1: {  	[spmem:s1] =	stream.indirect.scatter.add.f32 [tilespmem:s22], [sflag:$0x5], $0x80, s10, s21, $0xb8;
	[tilespmem:$0x1E000] =	vst v63  }
0x2f2: {  	_ =	swait.ge [sflag:s16], $0x4000  }
0x2f3: {  	[sflag:s16] =	ssyncset.done $0x0  }
0x2f4: {  	s7 =	rddreg [dreg:$0x5];
	[sflag:s16] =	ssyncadd.s32 $0xFFFFC000  }
0x2f5: {  	[tilespmem:s15], [sflag:$0x1] =	stream.indirect.gather [hbm4b:s4+s21], $0x80, s7, s21, $0xb8;
	[tilespmem:$0x1E000] =	vst v63  }
0x2f6: {  	s8 =	rddreg [dreg:$0x6]  }
0x2f7: {  	[tilespmem:s22], [sflag:$0x2] =	stream.indirect.gather [hbm4b:s4+s21], $0x80, s8, s21, $0xb8;
	[tilespmem:$0x1E000] =	vst v63  }
0x2f8: {  	_ =	swait.ge [sflag:s23], $0x4000  }
0x2f9: {  	[sflag:s23] =	ssyncset.done $0x0  }
0x2fa: {  	s9 =	rddreg [dreg:$0x7];
	[sflag:s23] =	ssyncadd.s32 $0xFFFFC000  }
0x2fb: {  	[spmem:s1] =	stream.indirect.scatter.add.f32 [tilespmem:s15], [sflag:$0x5], $0x80, s9, s21, $0xb8;
	[tilespmem:$0x1E000] =	vst v63  }
0x2fc: {  	_ =	swait.ge [sflag:s16], $0x4000  }
0x2fd: {  	[sflag:s16] =	ssyncset.done $0x0  }
0x2fe: {  	[sflag:s16] =	ssyncadd.s32 $0xFFFFC000  }
0x2ff: {  	_ =	swait.ge [sflag:s24], $0x4000  }
0x300: {  	[sflag:s24] =	ssyncset.done $0x0  }
0x301: {  	s10 =	rddreg [dreg:$0x8];
	[sflag:s24] =	ssyncadd.s32 $0xFFFFC000  }
0x302: {  	[spmem:s1] =	stream.indirect.scatter.add.f32 [tilespmem:s22], [sflag:$0x5], $0x80, s10, s21, $0xb8;
	[tilespmem:$0x1E000] =	vst v63  }
0x303: {  	_ =	swait.ge [sflag:s16], $0x4000  }
0x304: {  	[sflag:s16] =	ssyncset.done $0x0  }
0x305: {  	s7 =	rddreg [dreg:$0x9];
	[sflag:s16] =	ssyncadd.s32 $0xFFFFC000  }
0x306: {  	[tilespmem:s15], [sflag:$0x1] =	stream.indirect.gather [hbm4b:s4+s21], $0x80, s7, s21, $0xb8;
	[tilespmem:$0x1E000] =	vst v63  }
0x307: {  	s8 =	rddreg [dreg:$0xa]  }
0x308: {  	[tilespmem:s22], [sflag:$0x2] =	stream.indirect.gather [hbm4b:s4+s21], $0x80, s8, s21, $0xb8;
	[tilespmem:$0x1E000] =	vst v63  }
0x309: {  	_ =	swait.ge [sflag:s23], $0x4000  }
0x30a: {  	[sflag:s23] =	ssyncset.done $0x0  }
0x30b: {  	s9 =	rddreg [dreg:$0xb];
	[sflag:s23] =	ssyncadd.s32 $0xFFFFC000  }
0x30c: {  	[spmem:s1] =	stream.indirect.scatter.add.f32 [tilespmem:s15], [sflag:$0x5], $0x80, s9, s21, $0xb8;
	[tilespmem:$0x1E000] =	vst v63  }
0x30d: {  	_ =	swait.ge [sflag:s16], $0x4000  }
0x30e: {  	[sflag:s16] =	ssyncset.done $0x0  }
0x30f: {  	[sflag:s16] =	ssyncadd.s32 $0xFFFFC000  }
0x310: {  	_ =	swait.ge [sflag:s24], $0x4000  }
0x311: {  	[sflag:s24] =	ssyncset.done $0x0  }
0x312: {  	s10 =	rddreg [dreg:$0xc];
	[sflag:s24] =	ssyncadd.s32 $0xFFFFC000  }
0x313: {  	[spmem:s1] =	stream.indirect.scatter.add.f32 [tilespmem:s22], [sflag:$0x5], $0x80, s10, s21, $0xb8;
	[tilespmem:$0x1E000] =	vst v63  }
0x314: {  	_ =	swait.ge [sflag:s16], $0x4000  }
0x315: {  	[sflag:s16] =	ssyncset.done $0x0  }
0x316: {  	s7 =	rddreg [dreg:$0xd];
	[sflag:s16] =	ssyncadd.s32 $0xFFFFC000  }
0x317: {  	[tilespmem:s15], [sflag:$0x1] =	stream.indirect.gather [hbm4b:s4+s21], $0x80, s7, s21, $0xb8;
	[tilespmem:$0x1E000] =	vst v63  }
0x318: {  	s8 =	rddreg [dreg:$0xe]  }
0x319: {  	[tilespmem:s22], [sflag:$0x2] =	stream.indirect.gather [hbm4b:s4+s21], $0x80, s8, s21, $0xb8;
	[tilespmem:$0x1E000] =	vst v63  }
0x31a: {  	_ =	swait.ge [sflag:s23], $0x4000  }
0x31b: {  	[sflag:s23] =	ssyncset.done $0x0  }
0x31c: {  	s9 =	rddreg [dreg:$0xf];
	[sflag:s23] =	ssyncadd.s32 $0xFFFFC000  }
0x31d: {  	[spmem:s1] =	stream.indirect.scatter.add.f32 [tilespmem:s15], [sflag:$0x5], $0x80, s9, s21, $0xb8;
	[tilespmem:$0x1E000] =	vst v63  }
0x31e: {  	_ =	swait.ge [sflag:s16], $0x4000  }
0x31f: {  	[sflag:s16] =	ssyncset.done $0x0  }
0x320: {  	[sflag:s16] =	ssyncadd.s32 $0xFFFFC000  }
0x321: {  	_ =	swait.ge [sflag:s24], $0x4000  }
0x322: {  	[sflag:s24] =	ssyncset.done $0x0  }
0x323: {  	s10 =	rddreg [dreg:$0x10];
	[sflag:s24] =	ssyncadd.s32 $0xFFFFC000  }
0x324: {  	[spmem:s1] =	stream.indirect.scatter.add.f32 [tilespmem:s22], [sflag:$0x5], $0x80, s10, s21, $0xb8;
	[tilespmem:$0x1E000] =	vst v63  }
0x325: {  	_ =	swait.ge [sflag:s16], $0x4000  }
0x326: {  	[sflag:s16] =	ssyncset.done $0x0  }
0x327: {  	s7 =	rddreg [dreg:$0x11];
	[sflag:s16] =	ssyncadd.s32 $0xFFFFC000  }
0x328: {  	[tilespmem:s15], [sflag:$0x1] =	stream.indirect.gather [hbm4b:s4+s21], $0x80, s7, s21, $0xb8;
	[tilespmem:$0x1E000] =	vst v63  }
0x329: {  	s8 =	rddreg [dreg:$0x12]  }
0x32a: {  	[tilespmem:s22], [sflag:$0x2] =	stream.indirect.gather [hbm4b:s4+s21], $0x80, s8, s21, $0xb8;
	[tilespmem:$0x1E000] =	vst v63  }
0x32b: {  	_ =	swait.ge [sflag:s23], $0x4000  }
0x32c: {  	[sflag:s23] =	ssyncset.done $0x0  }
0x32d: {  	s9 =	rddreg [dreg:$0x13];
	[sflag:s23] =	ssyncadd.s32 $0xFFFFC000  }
0x32e: {  	[spmem:s1] =	stream.indirect.scatter.add.f32 [tilespmem:s15], [sflag:$0x5], $0x80, s9, s21, $0xb8;
	[tilespmem:$0x1E000] =	vst v63  }
0x32f: {  	_ =	swait.ge [sflag:s16], $0x4000  }
0x330: {  	[sflag:s16] =	ssyncset.done $0x0  }
0x331: {  	[sflag:s16] =	ssyncadd.s32 $0xFFFFC000  }
0x332: {  	_ =	swait.ge [sflag:s24], $0x4000  }
0x333: {  	[sflag:s24] =	ssyncset.done $0x0  }
0x334: {  	s10 =	rddreg [dreg:$0x14];
	[sflag:s24] =	ssyncadd.s32 $0xFFFFC000  }
0x335: {  	[spmem:s1] =	stream.indirect.scatter.add.f32 [tilespmem:s22], [sflag:$0x5], $0x80, s10, s21, $0xb8;
	[tilespmem:$0x1E000] =	vst v63  }
0x336: {  	_ =	swait.ge [sflag:s16], $0x4000  }
0x337: {  	[sflag:s16] =	ssyncset.done $0x0  }
0x338: {  	s7 =	rddreg [dreg:$0x15];
	[sflag:s16] =	ssyncadd.s32 $0xFFFFC000  }
0x339: {  	[tilespmem:s15], [sflag:$0x1] =	stream.indirect.gather [hbm4b:s4+s21], $0x80, s7, s21, $0xb8;
	[tilespmem:$0x1E000] =	vst v63  }
0x33a: {  	s8 =	rddreg [dreg:$0x16]  }
0x33b: {  	[tilespmem:s22], [sflag:$0x2] =	stream.indirect.gather [hbm4b:s4+s21], $0x80, s8, s21, $0xb8;
	[tilespmem:$0x1E000] =	vst v63  }
0x33c: {  	_ =	swait.ge [sflag:s23], $0x4000  }
0x33d: {  	[sflag:s23] =	ssyncset.done $0x0  }
0x33e: {  	s9 =	rddreg [dreg:$0x17];
	[sflag:s23] =	ssyncadd.s32 $0xFFFFC000  }
0x33f: {  	[spmem:s1] =	stream.indirect.scatter.add.f32 [tilespmem:s15], [sflag:$0x5], $0x80, s9, s21, $0xb8;
	[tilespmem:$0x1E000] =	vst v63  }
0x340: {  	_ =	swait.ge [sflag:s16], $0x4000  }
0x341: {  	[sflag:s16] =	ssyncset.done $0x0  }
0x342: {  	[sflag:s16] =	ssyncadd.s32 $0xFFFFC000  }
0x343: {  	_ =	swait.ge [sflag:s24], $0x4000  }
0x344: {  	[sflag:s24] =	ssyncset.done $0x0  }
0x345: {  	s10 =	rddreg [dreg:$0x18];
	[sflag:s24] =	ssyncadd.s32 $0xFFFFC000  }
0x346: {  	[spmem:s1] =	stream.indirect.scatter.add.f32 [tilespmem:s22], [sflag:$0x5], $0x80, s10, s21, $0xb8;
	[tilespmem:$0x1E000] =	vst v63  }
0x347: {  	_ =	swait.ge [sflag:s16], $0x4000  }
0x348: {  	[sflag:s16] =	ssyncset.done $0x0  }
0x349: {  	s7 =	rddreg [dreg:$0x19];
	[sflag:s16] =	ssyncadd.s32 $0xFFFFC000  }
0x34a: {  	[tilespmem:s15], [sflag:$0x1] =	stream.indirect.gather [hbm4b:s4+s21], $0x80, s7, s21, $0xb8;
	[tilespmem:$0x1E000] =	vst v63  }
0x34b: {  	s8 =	rddreg [dreg:$0x1a]  }
0x34c: {  	[tilespmem:s22], [sflag:$0x2] =	stream.indirect.gather [hbm4b:s4+s21], $0x80, s8, s21, $0xb8;
	[tilespmem:$0x1E000] =	vst v63  }
0x34d: {  	_ =	swait.ge [sflag:s23], $0x4000  }
0x34e: {  	[sflag:s23] =	ssyncset.done $0x0  }
0x34f: {  	s9 =	rddreg [dreg:$0x1b];
	[sflag:s23] =	ssyncadd.s32 $0xFFFFC000  }
0x350: {  	[spmem:s1] =	stream.indirect.scatter.add.f32 [tilespmem:s15], [sflag:$0x5], $0x80, s9, s21, $0xb8;
	[tilespmem:$0x1E000] =	vst v63  }
0x351: {  	_ =	swait.ge [sflag:s16], $0x4000  }
0x352: {  	[sflag:s16] =	ssyncset.done $0x0  }
0x353: {  	[sflag:s16] =	ssyncadd.s32 $0xFFFFC000  }
0x354: {  	_ =	swait.ge [sflag:s24], $0x4000  }
0x355: {  	[sflag:s24] =	ssyncset.done $0x0  }
0x356: {  	s10 =	rddreg [dreg:$0x1c];
	[sflag:s24] =	ssyncadd.s32 $0xFFFFC000  }
0x357: {  	[spmem:s1] =	stream.indirect.scatter.add.f32 [tilespmem:s22], [sflag:$0x5], $0x80, s10, s21, $0xb8;
	[tilespmem:$0x1E000] =	vst v63  }
0x358: {  	_ =	swait.ge [sflag:s16], $0x4000  }
0x359: {  	[sflag:s16] =	ssyncset.done $0x0  }
0x35a: {  	s7 =	rddreg [dreg:$0x1d];
	[sflag:s16] =	ssyncadd.s32 $0xFFFFC000  }
0x35b: {  	[tilespmem:s15], [sflag:$0x1] =	stream.indirect.gather [hbm4b:s4+s21], $0x80, s7, s21, $0xb8;
	[tilespmem:$0x1E000] =	vst v63  }
0x35c: {  	s8 =	rddreg [dreg:$0x1e]  }
0x35d: {  	[tilespmem:s22], [sflag:$0x2] =	stream.indirect.gather [hbm4b:s4+s21], $0x80, s8, s21, $0xb8;
	[tilespmem:$0x1E000] =	vst v63  }
0x35e: {  	_ =	swait.ge [sflag:s23], $0x4000  }
0x35f: {  	[sflag:s23] =	ssyncset.done $0x0  }
0x360: {  	s9 =	rddreg [dreg:$0x1f];
	[sflag:s23] =	ssyncadd.s32 $0xFFFFC000  }
0x361: {  	[spmem:s1] =	stream.indirect.scatter.add.f32 [tilespmem:s15], [sflag:$0x5], $0x80, s9, s21, $0xb8;
	[tilespmem:$0x1E000] =	vst v63  }
0x362: {  	_ =	swait.ge [sflag:s16], $0x4000  }
0x363: {  	[sflag:s16] =	ssyncset.done $0x0  }
0x364: {  	[sflag:s16] =	ssyncadd.s32 $0xFFFFC000  }
0x365: {  	_ =	swait.ge [sflag:s24], $0x4000  }
0x366: {  	s10 =	sld [smem:$0x7DF]  }
0x367: {  	[sflag:s24] =	ssyncset.done $0x0  }
0x368: {  	[sflag:s24] =	ssyncadd.s32 $0xFFFFC000  }
0x369: {  	[spmem:s1] =	stream.indirect.scatter.add.f32 [tilespmem:s22], [sflag:$0x5], $0x80, s10, s21, $0xb8;
	[tilespmem:$0x1E000] =	vst v63  }
0x36a: {  	p0 =	seq.s32 s3, $0x800;
	_ =	swait.ge [sflag:s16], $0x4000  }
0x36b: {  	s6 =	sadd.s32 @!p0 s3, s14;
	s3 =	sadd.s32 @!p0 s3, s11;
	[sflag:s16] =	ssyncset.done $0x0  }
0x36c: {  	s6 =	sadd.s32 @!p0 $0x200, s6;
	s7 =	simm.s32 @!p0 $0x0;
	[sflag:s16] =	ssyncadd.s32 $0xFFFFC000  }
0x36d: {  	[tilespmem:s7], [sflag:$0x3] =	stream.linear.gather @!p0 [hbm4b:s6+s7], $0x800, $0x38;
	[tilespmem:$0x1E000] =	vst v63  }
0x36e: {  	s3 =	sadd.s32 @!p0 $0x200, s3;
	s6 =	simm.s32 @!p0 $0x800  }
0x36f: {  	[tilespmem:s6], [sflag:$0x3] =	stream.linear.gather @!p0 [hbm4b:s3+s7], $0x800, $0x38;
	[tilespmem:$0x1E000] =	vst v63  }
0x370: {  	_ =	swait.ge [sflag:s25], $0x800  }
0x371: {  	[sflag:s25] =	ssyncset.done $0x0  }
0x372: {  	[sflag:s25] =	ssyncadd.s32 $0xFFFFF800  }
0x373: {  	_ =	swait.ge [sflag:s25], $0x800  }
0x374: {  	[sflag:s25] =	ssyncset.done $0x0  }
0x375: {  	s7 =	sld [smem:$0x7E1];
	[sflag:s25] =	ssyncadd.s32 $0xFFFFF800  }
0x376: {  	[tilespmem:s15], [sflag:$0x1] =	stream.indirect.gather [hbm4b:s4+s21], $0x80, s18, s21, $0xb8;
	[tilespmem:$0x1E000] =	vst v63  }
0x377: {  	_ = 	snop  }
0x378: {  	[tilespmem:s22], [sflag:$0x2] =	stream.indirect.gather [hbm4b:s4+s21], $0x80, s7, s21, $0xb8;
	[tilespmem:$0x1E000] =	vst v63  }
0x379: {  	_ =	swait.ge [sflag:s23], $0x4000  }
0x37a: {  	[sflag:s23] =	ssyncset.done $0x0  }
0x37b: {  	[sflag:s23] =	ssyncadd.s32 $0xFFFFC000  }
0x37c: {  	[spmem:s1] =	stream.indirect.scatter.add.f32 [tilespmem:s15], [sflag:$0x5], $0x80, s19, s21, $0xb8;
	[tilespmem:$0x1E000] =	vst v63  }
0x37d: {  	_ =	swait.ge [sflag:s16], $0x4000  }
0x37e: {  	[sflag:s16] =	ssyncset.done $0x0  }
0x37f: {  	[sflag:s16] =	ssyncadd.s32 $0xFFFFC000  }
0x380: {  	_ =	swait.ge [sflag:s24], $0x4000  }
0x381: {  	s8 =	sld [smem:$0x7E3]  }
0x382: {  	[sflag:s24] =	ssyncset.done $0x0  }
0x383: {  	[sflag:s24] =	ssyncadd.s32 $0xFFFFC000  }
0x384: {  	[spmem:s1] =	stream.indirect.scatter.add.f32 [tilespmem:s22], [sflag:$0x5], $0x80, s8, s21, $0xb8;
	[tilespmem:$0x1E000] =	vst v63  }
0x385: {  	_ =	swait.ge [sflag:s16], $0x4000  }
0x386: {  	s9 =	sld [smem:$0x7E5]  }
0x387: {  	[sflag:s16] =	ssyncset.done $0x0  }
0x388: {  	s10 =	sld [smem:$0x7E6];
	[sflag:s16] =	ssyncadd.s32 $0xFFFFC000  }
0x389: {  	[tilespmem:s15], [sflag:$0x1] =	stream.indirect.gather [hbm4b:s4+s21], $0x80, s9, s21, $0xb8;
	[tilespmem:$0x1E000] =	vst v63  }
0x38a: {  	_ = 	snop  }
0x38b: {  	[tilespmem:s22], [sflag:$0x2] =	stream.indirect.gather [hbm4b:s4+s21], $0x80, s10, s21, $0xb8;
	[tilespmem:$0x1E000] =	vst v63  }
0x38c: {  	_ =	swait.ge [sflag:s23], $0x4000  }
0x38d: {  	s7 =	sld [smem:$0x7E7]  }
0x38e: {  	[sflag:s23] =	ssyncset.done $0x0  }
0x38f: {  	[sflag:s23] =	ssyncadd.s32 $0xFFFFC000  }
0x390: {  	[spmem:s1] =	stream.indirect.scatter.add.f32 [tilespmem:s15], [sflag:$0x5], $0x80, s7, s21, $0xb8;
	[tilespmem:$0x1E000] =	vst v63  }
0x391: {  	_ =	swait.ge [sflag:s16], $0x4000  }
0x392: {  	[sflag:s16] =	ssyncset.done $0x0  }
0x393: {  	[sflag:s16] =	ssyncadd.s32 $0xFFFFC000  }
0x394: {  	_ =	swait.ge [sflag:s24], $0x4000  }
0x395: {  	s8 =	sld [smem:$0x7E9]  }
0x396: {  	[sflag:s24] =	ssyncset.done $0x0  }
0x397: {  	[sflag:s24] =	ssyncadd.s32 $0xFFFFC000  }
0x398: {  	[spmem:s1] =	stream.indirect.scatter.add.f32 [tilespmem:s22], [sflag:$0x5], $0x80, s8, s21, $0xb8;
	[tilespmem:$0x1E000] =	vst v63  }
0x399: {  	_ =	swait.ge [sflag:s16], $0x4000  }
0x39a: {  	s9 =	sld [smem:$0x7EA]  }
0x39b: {  	[sflag:s16] =	ssyncset.done $0x0  }
0x39c: {  	s10 =	sld [smem:$0x7EB];
	[sflag:s16] =	ssyncadd.s32 $0xFFFFC000  }
0x39d: {  	[tilespmem:s15], [sflag:$0x1] =	stream.indirect.gather [hbm4b:s4+s21], $0x80, s9, s21, $0xb8;
	[tilespmem:$0x1E000] =	vst v63  }
0x39e: {  	_ = 	snop  }
0x39f: {  	[tilespmem:s22], [sflag:$0x2] =	stream.indirect.gather [hbm4b:s4+s21], $0x80, s10, s21, $0xb8;
	[tilespmem:$0x1E000] =	vst v63  }
0x3a0: {  	_ =	swait.ge [sflag:s23], $0x4000  }
0x3a1: {  	s7 =	sld [smem:$0x7ED]  }
0x3a2: {  	[sflag:s23] =	ssyncset.done $0x0  }
0x3a3: {  	[sflag:s23] =	ssyncadd.s32 $0xFFFFC000  }
0x3a4: {  	[spmem:s1] =	stream.indirect.scatter.add.f32 [tilespmem:s15], [sflag:$0x5], $0x80, s7, s21, $0xb8;
	[tilespmem:$0x1E000] =	vst v63  }
0x3a5: {  	_ =	swait.ge [sflag:s16], $0x4000  }
0x3a6: {  	[sflag:s16] =	ssyncset.done $0x0  }
0x3a7: {  	[sflag:s16] =	ssyncadd.s32 $0xFFFFC000  }
0x3a8: {  	_ =	swait.ge [sflag:s24], $0x4000  }
0x3a9: {  	s8 =	sld [smem:$0x7EE]  }
0x3aa: {  	[sflag:s24] =	ssyncset.done $0x0  }
0x3ab: {  	[sflag:s24] =	ssyncadd.s32 $0xFFFFC000  }
0x3ac: {  	[spmem:s1] =	stream.indirect.scatter.add.f32 [tilespmem:s22], [sflag:$0x5], $0x80, s8, s21, $0xb8;
	[tilespmem:$0x1E000] =	vst v63  }
0x3ad: {  	_ =	swait.ge [sflag:s16], $0x4000  }
0x3ae: {  	s9 =	sld [smem:$0x7EF]  }
0x3af: {  	[sflag:s16] =	ssyncset.done $0x0  }
0x3b0: {  	s10 =	sld [smem:$0x7F0];
	[sflag:s16] =	ssyncadd.s32 $0xFFFFC000  }
0x3b1: {  	[tilespmem:s15], [sflag:$0x1] =	stream.indirect.gather [hbm4b:s4+s21], $0x80, s9, s21, $0xb8;
	[tilespmem:$0x1E000] =	vst v63  }
0x3b2: {  	_ = 	snop  }
0x3b3: {  	[tilespmem:s22], [sflag:$0x2] =	stream.indirect.gather [hbm4b:s4+s21], $0x80, s10, s21, $0xb8;
	[tilespmem:$0x1E000] =	vst v63  }
0x3b4: {  	_ =	swait.ge [sflag:s23], $0x4000  }
0x3b5: {  	s6 =	sld [smem:$0x7F1]  }
0x3b6: {  	[sflag:s23] =	ssyncset.done $0x0  }
0x3b7: {  	[sflag:s23] =	ssyncadd.s32 $0xFFFFC000  }
0x3b8: {  	[spmem:s1] =	stream.indirect.scatter.add.f32 [tilespmem:s15], [sflag:$0x5], $0x80, s6, s21, $0xb8;
	[tilespmem:$0x1E000] =	vst v63  }
0x3b9: {  	_ =	swait.ge [sflag:s16], $0x4000  }
0x3ba: {  	[sflag:s16] =	ssyncset.done $0x0  }
0x3bb: {  	[sflag:s16] =	ssyncadd.s32 $0xFFFFC000  }
0x3bc: {  	_ =	swait.ge [sflag:s24], $0x4000  }
0x3bd: {  	s7 =	sld [smem:$0x7F2]  }
0x3be: {  	[sflag:s24] =	ssyncset.done $0x0  }
0x3bf: {  	[sflag:s24] =	ssyncadd.s32 $0xFFFFC000  }
0x3c0: {  	[spmem:s1] =	stream.indirect.scatter.add.f32 [tilespmem:s22], [sflag:$0x5], $0x80, s7, s21, $0xb8;
	[tilespmem:$0x1E000] =	vst v63  }
0x3c1: {  	_ =	swait.ge [sflag:s16], $0x4000  }
0x3c2: {  	s8 =	sld [smem:$0x7F3]  }
0x3c3: {  	[sflag:s16] =	ssyncset.done $0x0  }
0x3c4: {  	s9 =	sld [smem:$0x7F4];
	[sflag:s16] =	ssyncadd.s32 $0xFFFFC000  }
0x3c5: {  	[tilespmem:s15], [sflag:$0x1] =	stream.indirect.gather [hbm4b:s4+s21], $0x80, s8, s21, $0xb8;
	[tilespmem:$0x1E000] =	vst v63  }
0x3c6: {  	_ = 	snop  }
0x3c7: {  	[tilespmem:s22], [sflag:$0x2] =	stream.indirect.gather [hbm4b:s4+s21], $0x80, s9, s21, $0xb8;
	[tilespmem:$0x1E000] =	vst v63  }
0x3c8: {  	_ =	swait.ge [sflag:s23], $0x4000  }
0x3c9: {  	s10 =	sld [smem:$0x7F5]  }
0x3ca: {  	[sflag:s23] =	ssyncset.done $0x0  }
0x3cb: {  	[sflag:s23] =	ssyncadd.s32 $0xFFFFC000  }
0x3cc: {  	[spmem:s1] =	stream.indirect.scatter.add.f32 [tilespmem:s15], [sflag:$0x5], $0x80, s10, s21, $0xb8;
	[tilespmem:$0x1E000] =	vst v63  }
0x3cd: {  	_ =	swait.ge [sflag:s16], $0x4000  }
0x3ce: {  	[sflag:s16] =	ssyncset.done $0x0  }
0x3cf: {  	[sflag:s16] =	ssyncadd.s32 $0xFFFFC000  }
0x3d0: {  	_ =	swait.ge [sflag:s24], $0x4000  }
0x3d1: {  	s6 =	sld [smem:$0x7F6]  }
0x3d2: {  	[sflag:s24] =	ssyncset.done $0x0  }
0x3d3: {  	[sflag:s24] =	ssyncadd.s32 $0xFFFFC000  }
0x3d4: {  	[spmem:s1] =	stream.indirect.scatter.add.f32 [tilespmem:s22], [sflag:$0x5], $0x80, s6, s21, $0xb8;
	[tilespmem:$0x1E000] =	vst v63  }
0x3d5: {  	_ =	swait.ge [sflag:s16], $0x4000  }
0x3d6: {  	s7 =	sld [smem:$0x7F7]  }
0x3d7: {  	[sflag:s16] =	ssyncset.done $0x0  }
0x3d8: {  	s8 =	sld [smem:$0x7F8];
	[sflag:s16] =	ssyncadd.s32 $0xFFFFC000  }
0x3d9: {  	[tilespmem:s15], [sflag:$0x1] =	stream.indirect.gather [hbm4b:s4+s21], $0x80, s7, s21, $0xb8;
	[tilespmem:$0x1E000] =	vst v63  }
0x3da: {  	_ = 	snop  }
0x3db: {  	[tilespmem:s22], [sflag:$0x2] =	stream.indirect.gather [hbm4b:s4+s21], $0x80, s8, s21, $0xb8;
	[tilespmem:$0x1E000] =	vst v63  }
0x3dc: {  	_ =	swait.ge [sflag:s23], $0x4000  }
0x3dd: {  	s9 =	sld [smem:$0x7F9]  }
0x3de: {  	[sflag:s23] =	ssyncset.done $0x0  }
0x3df: {  	[sflag:s23] =	ssyncadd.s32 $0xFFFFC000  }
0x3e0: {  	[spmem:s1] =	stream.indirect.scatter.add.f32 [tilespmem:s15], [sflag:$0x5], $0x80, s9, s21, $0xb8;
	[tilespmem:$0x1E000] =	vst v63  }
0x3e1: {  	_ =	swait.ge [sflag:s16], $0x4000  }
0x3e2: {  	[sflag:s16] =	ssyncset.done $0x0  }
0x3e3: {  	[sflag:s16] =	ssyncadd.s32 $0xFFFFC000  }
0x3e4: {  	_ =	swait.ge [sflag:s24], $0x4000  }
0x3e5: {  	s10 =	sld [smem:$0x7FA]  }
0x3e6: {  	[sflag:s24] =	ssyncset.done $0x0  }
0x3e7: {  	[sflag:s24] =	ssyncadd.s32 $0xFFFFC000  }
0x3e8: {  	[spmem:s1] =	stream.indirect.scatter.add.f32 [tilespmem:s22], [sflag:$0x5], $0x80, s10, s21, $0xb8;
	[tilespmem:$0x1E000] =	vst v63  }
0x3e9: {  	_ =	swait.ge [sflag:s16], $0x4000  }
0x3ea: {  	s6 =	sld [smem:$0x7FB]  }
0x3eb: {  	[sflag:s16] =	ssyncset.done $0x0  }
0x3ec: {  	s7 =	sld [smem:$0x7FC];
	[sflag:s16] =	ssyncadd.s32 $0xFFFFC000  }
0x3ed: {  	[tilespmem:s15], [sflag:$0x1] =	stream.indirect.gather [hbm4b:s4+s21], $0x80, s6, s21, $0xb8;
	[tilespmem:$0x1E000] =	vst v63  }
0x3ee: {  	_ = 	snop  }
0x3ef: {  	[tilespmem:s22], [sflag:$0x2] =	stream.indirect.gather [hbm4b:s4+s21], $0x80, s7, s21, $0xb8;
	[tilespmem:$0x1E000] =	vst v63  }
0x3f0: {  	_ =	swait.ge [sflag:s23], $0x4000  }
0x3f1: {  	s8 =	sld [smem:$0x7FD]  }
0x3f2: {  	[sflag:s23] =	ssyncset.done $0x0  }
0x3f3: {  	[sflag:s23] =	ssyncadd.s32 $0xFFFFC000  }
0x3f4: {  	[spmem:s1] =	stream.indirect.scatter.add.f32 [tilespmem:s15], [sflag:$0x5], $0x80, s8, s21, $0xb8;
	[tilespmem:$0x1E000] =	vst v63  }
0x3f5: {  	_ =	swait.ge [sflag:s16], $0x4000  }
0x3f6: {  	[sflag:s16] =	ssyncset.done $0x0  }
0x3f7: {  	[sflag:s16] =	ssyncadd.s32 $0xFFFFC000  }
0x3f8: {  	_ =	swait.ge [sflag:s24], $0x4000  }
0x3f9: {  	[sflag:s24] =	ssyncset.done $0x0  }
0x3fa: {  	[sflag:s24] =	ssyncadd.s32 $0xFFFFC000  }
0x3fb: {  	[spmem:s1] =	stream.indirect.scatter.add.f32 [tilespmem:s22], [sflag:$0x5], $0x80, s26, s21, $0xb8;
	[tilespmem:$0x1E000] =	vst v63  }
0x3fc: {  	_ =	swait.ge [sflag:s16], $0x4000  }
0x3fd: {  	[sflag:s16] =	ssyncset.done $0x0  }
0x3fe: {  	[sflag:s16] =	ssyncadd.s32 $0xFFFFC000  }
0x3ff: {  	[tilespmem:s15], [sflag:$0x1] =	stream.indirect.gather [hbm4b:s4+s21], $0x80, s28, s21, $0xb8;
	[tilespmem:$0x1E000] =	vst v63  }
0x400: {  	_ = 	snop  }
0x401: {  	[tilespmem:s22], [sflag:$0x2] =	stream.indirect.gather [hbm4b:s4+s21], $0x80, s29, s21, $0xb8;
	[tilespmem:$0x1E000] =	vst v63  }
0x402: {  	_ =	swait.ge [sflag:s23], $0x4000  }
0x403: {  	[sflag:s23] =	ssyncset.done $0x0  }
0x404: {  	[sflag:s23] =	ssyncadd.s32 $0xFFFFC000  }
0x405: {  	[spmem:s1] =	stream.indirect.scatter.add.f32 [tilespmem:s15], [sflag:$0x5], $0x80, s30, s21, $0xb8;
	[tilespmem:$0x1E000] =	vst v63  }
0x406: {  	_ =	swait.ge [sflag:s16], $0x4000  }
0x407: {  	[sflag:s16] =	ssyncset.done $0x0  }
0x408: {  	[sflag:s16] =	ssyncadd.s32 $0xFFFFC000  }
0x409: {  	_ =	swait.ge [sflag:s24], $0x4000  }
0x40a: {  	[sflag:s24] =	ssyncset.done $0x0  }
0x40b: {  	[sflag:s24] =	ssyncadd.s32 $0xFFFFC000  }
0x40c: {  	[spmem:s1] =	stream.indirect.scatter.add.f32 [tilespmem:s22], [sflag:$0x5], $0x80, s31, s21, $0xb8;
	[tilespmem:$0x1E000] =	vst v63  }
0x40d: {  	s9 =	stileid.u32;
	_ =	swait.ge [sflag:s16], $0x4000  }
0x40e: {  	s0 =	sadd.s32 $0x1, s0;
	s3 =	sshll.u32 s9, $0x6;
	[sflag:s16] =	ssyncset.done $0x0  }
0x40f: {  	p0 =	sne.s32 s0, s13;
	s3 =	sor.u32 $0x1C05, s3;
	[sflag:s16] =	ssyncadd.s32 $0xFFFFC000  }
.Ltmp2:
0x410: {  	s10 =	sshrl.u32 s5, $0x3;
	[bflag:$0x0] =	sbarrier.arrive $0xFFFF;
	(pc) =	sbr.rel @p0 .LBB2_1-.Ltmp2, $4  }
0x411: {  	[hbm:s12], [sflag:s3] =	dma.local [spmem:s10], $0x2800  }
0x412: {  	_ =	swait.ge [sflag:s16], $0x2800  }
0x413: {  	[sflag:s16] =	ssyncset.done $0x0  }
0x414: {  	[sflag:s16] =	ssyncadd.s32 $0xFFFFD800  }
0x415: {  	_ =	sfence.sel $0x180000  }
0x416: {  	[bflag:$0x0] =	sbarrier.arrive $0xFFFF  }
0x417: {  	_ =	strace $0x9000004D  }
0x418: {  	s0 =	stileid.u32;
	[bflag:$0x2] =	sbarrier.arrive $0xFFFF  }
0x419: {  	p0 =	sne.s32 s0, $0x0;
	s0 =	rddreg [dreg:$0x3]  }
0x41a: {  	s0 =	sadd.s32 @!p0 $0x100000, s0  }
0x41b: {  	[sflag:s0] =	ssyncadd.tile.s32 @!p0 $0x1;
	_ =	shalt  }
.Lfunc_end2:
_tile_overlayer_lowered:
.L_overlay_start_2:
0x41c: {  	(tag) =	ssettag $0x2  }
0x41d: {  	s0 =	rddreg [dreg:$0x0];
	s2 =	stileid.u32  }
0x41e: {  	s1 =	rddreg [dreg:$0x1];
	p0 =	sne.s32 s2, $0x0  }
0x41f: {  	s3 =	rddreg [dreg:$0x2];
	[bflag:$0x3] =	sbarrier.arrive $0xFFFF;
	s2 =	simm.s32 @!p0 $0x1C05  }
0x420: {  	[timem:s3], [sflag:s2] =	dma.local @!p0 [hbm:s0], s1  }
0x421: {  	s0 =	simm.s32 @!p0 $0x5  }
0x422: {  	_ =	swait.ge @!p0 [sflag:s0], s1  }
0x423: {  	s1 =	ssub.s32 @!p0 $0x0, s1;
	[sflag:s0] =	ssyncset.done @!p0 $0x0  }
0x424: {  	[sflag:s0] =	ssyncadd.s32 @!p0 s1  }
0x425: {  	[bflag:$0x3] =	sbarrier.arrive $0xFFFF  }
0x426: {  	_ =	shalt  }

</sc_bundles>
